<compile_context>
chip_gen: v7x
topology: tpu7x:2x2x1
jax: 0.10.2.dev20260603
libtpu: 0.0.44.dev20260713+nightly
codegen_flags: <defaults>
</compile_context>

<pallas_src>
import functools

import jax
import jax.numpy as jnp
from jax import lax
from jax.experimental import pallas as pl
from jax.experimental.pallas import tpu as pltpu
from jax.experimental.pallas import tpu_sc as plsc

_TOPK = 8
_NE = 64
_BLK = 2048
_N = 16384
_NSUB = 32
_ROWS = _N // _NSUB
_SLABS_PER_BLK = _BLK // _ROWS


def _logits_block(x_ref, w_ref, out_ref):
    x = x_ref[...]
    w = w_ref[...]
    logits = jax.lax.dot_general(
        w, x, (((1,), (1,)), ((), ())), preferred_element_type=jnp.float32
    )
    for j in range(_SLABS_PER_BLK):
        out_ref[j, :, :] = logits[:, j * _ROWS : (j + 1) * _ROWS]


def _tc_logits(x, w):
    grid = _N // _BLK
    return pl.pallas_call(
        _logits_block,
        grid=(grid,),
        in_specs=[
            pl.BlockSpec((_BLK, x.shape[1]), lambda i: (i, 0)),
            pl.BlockSpec((_NE, x.shape[1]), lambda i: (0, 0)),
        ],
        out_specs=pl.BlockSpec((_SLABS_PER_BLK, _NE, _ROWS), lambda i: (i, 0, 0)),
        out_shape=jax.ShapeDtypeStruct((_NSUB, _NE, _ROWS), jnp.float32),
    )(x, w)


_MESH = plsc.VectorSubcoreMesh(core_axis_name="c", subcore_axis_name="s")


@functools.partial(
    pl.kernel,
    mesh=_MESH,
    out_type=[
        jax.ShapeDtypeStruct((_NSUB, _TOPK, _ROWS), jnp.int32),
        jax.ShapeDtypeStruct((_NSUB, _TOPK, _ROWS), jnp.float32),
    ],
    scratch_types=[
        pltpu.VMEM((_NE, _ROWS), jnp.float32),
        pltpu.VMEM((_TOPK, _ROWS), jnp.int32),
        pltpu.VMEM((_TOPK, _ROWS), jnp.float32),
    ],
)
def _sc_topk(logits_hbm, idx_hbm, val_hbm, slab, oidx, oval):
    wid = lax.axis_index("s") * 2 + lax.axis_index("c")
    pltpu.sync_copy(logits_hbm.at[wid], slab)

    def group_body(g, carry):
        base = pl.multiple_of(g * 16, 16)
        sl = pl.ds(base, 16)
        m = slab[0, sl]
        for e in range(1, _NE):
            m = jnp.maximum(m, slab[e, sl])
        t = [jnp.full((16,), -jnp.inf, dtype=jnp.float32) for _ in range(_TOPK)]
        ti = [jnp.zeros((16,), dtype=jnp.int32) for _ in range(_TOPK)]
        s = jnp.zeros((16,), dtype=jnp.float32)
        for e in range(_NE):
            v = slab[e, sl]
            s = s + jnp.exp(v - m)
            ev = jnp.full((16,), e, dtype=jnp.int32)
            gt = [v > t[j] for j in range(_TOPK)]
            for j in range(_TOPK - 1, 0, -1):
                t[j] = jnp.where(gt[j], jnp.where(gt[j - 1], t[j - 1], v), t[j])
                ti[j] = jnp.where(gt[j], jnp.where(gt[j - 1], ti[j - 1], ev), ti[j])
            t[0] = jnp.where(gt[0], v, t[0])
            ti[0] = jnp.where(gt[0], ev, ti[0])
        for k in range(_TOPK):
            oidx[k, sl] = ti[k]
            oval[k, sl] = jnp.exp(t[k] - m) / s
        return carry

    lax.fori_loop(0, _ROWS // 16, group_body, 0)
    pltpu.sync_copy(oidx, idx_hbm.at[wid])
    pltpu.sync_copy(oval, val_hbm.at[wid])


@jax.jit
def kernel(hidden_states, weight):
    h = hidden_states.shape[-1]
    x = hidden_states.reshape(-1, h).astype(jnp.float32)
    logits_b = _tc_logits(x, weight.astype(jnp.float32))
    idx_b, val_b = _sc_topk(logits_b)
    idx = idx_b.transpose(0, 2, 1).reshape(_N, _TOPK)
    val = val_b.transpose(0, 2, 1).reshape(_N, _TOPK)
    return idx, val

# --- scband reference (transcript-rebuilt; emitter-appended) ---
"""Pipeline reference for scband-deepseek-v2-lite-mo-egate-13675175870988 (READ-ONLY COPY).

The authoritative reference and input builder live on the scoring server;
editing this copy changes nothing except your own understanding.
"""

import jax, jax.numpy as jnp
import numpy as np

TOP_K = 8
N_EXPERTS = 64
HIDDEN = 2048
ROUTED_SCALING_FACTOR = 1.0


def setup_inputs(seed: int = 0) -> dict:
    key = jax.random.key(seed)
    k1, k2 = jax.random.split(key)
    hidden_states = jax.random.normal(k1, (4, 4096, HIDDEN), dtype=jnp.float32)
    # gate weight: (n_routed_experts, hidden_size), kaiming-ish init
    weight = jax.random.normal(k2, (N_EXPERTS, HIDDEN), dtype=jnp.float32) * (1.0 / np.sqrt(HIDDEN))
    return {"hidden_states": hidden_states, "weight": weight}


def reference(hidden_states, weight):
    h = hidden_states.shape[-1]
    hs = hidden_states.reshape(-1, h).astype(jnp.float32)
    # F.linear(x, W) = x @ W.T
    logits = hs @ weight.astype(jnp.float32).T
    scores = jax.nn.softmax(logits, axis=-1)
    topk_weight, topk_idx = jax.lax.top_k(scores, TOP_K)
    topk_weight = topk_weight * ROUTED_SCALING_FACTOR
    return (topk_idx, topk_weight)

if __name__ == "__main__":
    import jax
    _d = setup_inputs()
    print(jax.jit(kernel)(*tuple(_d.values())))

</pallas_src>

<mosaic_0001>
#map = affine_map<(d0, d1) -> (0, 0, 0)>
module attributes {stable_mosaic.version = 14 : i64} {
  func.func @_sc_topk(%arg0: i32, %arg1: i32, %arg2: memref<32x64x512xf32, #tpu.memory_space<hbm>>, %arg3: memref<32x8x512xi32, #tpu.memory_space<hbm>>, %arg4: memref<32x8x512xf32, #tpu.memory_space<hbm>>, %arg5: memref<64x512xf32, #tpu.memory_space<vmem>>, %arg6: memref<8x512xi32, #tpu.memory_space<vmem>>, %arg7: memref<8x512xf32, #tpu.memory_space<vmem>>) attributes {dimension_semantics = [#tpu.dimension_semantics<core_parallel>, #tpu.dimension_semantics<subcore_parallel>], iteration_bounds = array<i64: 2, 16>, scalar_prefetch = 0 : i64, scratch_operands = 3 : i64, tpu.core_type = #tpu.core_type<sc_vector_subcore>, window_params = [{transform_indices = #map}, {transform_indices = #map}, {transform_indices = #map}]} {
    %mul3A = arith.constant 2 : i32
    %mul3A_0 = arith.muli %arg1, %mul3A : i32
    %add3A = arith.addi %mul3A_0, %arg0 : i32
    "tpu.region"() ({
      %run_scoped3A = tpu.sem_alloc : memref<!tpu.dma_semaphore, #tpu.memory_space<semaphore_mem>>
      %dma_start3A = arith.constant 0 : i32
      %dma_start3A_6 = arith.constant 0 : i32
      %dma_start3A_7 = tpu.memref_slice %arg2[%add3A, %dma_start3A, %dma_start3A_6] : memref<32x64x512xf32, #tpu.memory_space<hbm>> -> memref<1x64x512xf32, #tpu.memory_space<hbm>>
      %dma_start3A_8 = tpu.memref_squeeze %dma_start3A_7 : memref<1x64x512xf32, #tpu.memory_space<hbm>> -> memref<64x512xf32, #tpu.memory_space<hbm>>
      %dma_start3A_9 = arith.constant 0 : i32
      %dma_start3A_10 = arith.constant 0 : i32
      %dma_start3A_11 = tpu.memref_slice %arg2[%add3A, %dma_start3A_9, %dma_start3A_10] : memref<32x64x512xf32, #tpu.memory_space<hbm>> -> memref<1x64x512xf32, #tpu.memory_space<hbm>>
      %dma_start3A_12 = tpu.memref_squeeze %dma_start3A_11 : memref<1x64x512xf32, #tpu.memory_space<hbm>> -> memref<64x512xf32, #tpu.memory_space<hbm>>
      tpu.enqueue_dma source(%dma_start3A_12 : memref<64x512xf32, #tpu.memory_space<hbm>>) target(%arg5 : memref<64x512xf32, #tpu.memory_space<vmem>>) target_semaphore(%run_scoped3A : memref<!tpu.dma_semaphore, #tpu.memory_space<semaphore_mem>>)
      %dma_wait3A = arith.constant 0 : i32
      %dma_wait3A_13 = arith.constant 0 : i32
      %dma_wait3A_14 = tpu.memref_slice %arg2[%add3A, %dma_wait3A, %dma_wait3A_13] : memref<32x64x512xf32, #tpu.memory_space<hbm>> -> memref<1x64x512xf32, #tpu.memory_space<hbm>>
      %dma_wait3A_15 = tpu.memref_squeeze %dma_wait3A_14 : memref<1x64x512xf32, #tpu.memory_space<hbm>> -> memref<64x512xf32, #tpu.memory_space<hbm>>
      %dma_wait3A_16 = arith.constant 0 : i32
      %dma_wait3A_17 = arith.constant 0 : i32
      %dma_wait3A_18 = tpu.memref_slice %arg2[%add3A, %dma_wait3A_16, %dma_wait3A_17] : memref<32x64x512xf32, #tpu.memory_space<hbm>> -> memref<1x64x512xf32, #tpu.memory_space<hbm>>
      %dma_wait3A_19 = tpu.memref_squeeze %dma_wait3A_18 : memref<1x64x512xf32, #tpu.memory_space<hbm>> -> memref<64x512xf32, #tpu.memory_space<hbm>>
      tpu.wait_dma2 semaphore(%run_scoped3A : memref<!tpu.dma_semaphore, #tpu.memory_space<semaphore_mem>>) src(%dma_wait3A_19 : memref<64x512xf32, #tpu.memory_space<hbm>>) dst(%arg5 : memref<64x512xf32, #tpu.memory_space<vmem>>)
      tpu.yield
    }) : () -> ()
    %scan3A = arith.constant 0 : i32
    %scan3A_1 = arith.constant 0 : i32
    %scan3A_2 = arith.constant 32 : i32
    %scan3A_3 = arith.addi %scan3A_1, %scan3A_2 : i32
    %scan3A_4 = arith.constant 1 : i32
    scf.for %scan3A_6 = %scan3A_1 to %scan3A_3 step %scan3A_4  : i32 {
      %mul3A_7 = arith.constant 16 : i32
      %mul3A_8 = arith.muli %scan3A_6, %mul3A_7 : i32
      %multiple_of3A = tpu.assume_multiple %mul3A_8, 16 : i32
      %get3A = arith.constant 0 : i32
      %get3A_9 = arith.index_cast %get3A : i32 to index
      %get3A_10 = arith.index_cast %multiple_of3A : i32 to index
      %get3A_11 = tpu.vector_load %arg5[%get3A_9, %get3A_10] {strides = array<i32>} : memref<64x512xf32, #tpu.memory_space<vmem>>, vector<1x16xf32>,
      %get3A_12 = vector.shape_cast %get3A_11 : vector<1x16xf32> to vector<16xf32>
      %get3A_13 = arith.constant 1 : i32
      %get3A_14 = arith.index_cast %get3A_13 : i32 to index
      %get3A_15 = arith.index_cast %multiple_of3A : i32 to index
      %get3A_16 = tpu.vector_load %arg5[%get3A_14, %get3A_15] {strides = array<i32>} : memref<64x512xf32, #tpu.memory_space<vmem>>, vector<1x16xf32>,
      %get3A_17 = vector.shape_cast %get3A_16 : vector<1x16xf32> to vector<16xf32>
      %max3A = arith.maximumf %get3A_12, %get3A_17 : vector<16xf32>
      %get3A_18 = arith.constant 2 : i32
      %get3A_19 = arith.index_cast %get3A_18 : i32 to index
      %get3A_20 = arith.index_cast %multiple_of3A : i32 to index
      %get3A_21 = tpu.vector_load %arg5[%get3A_19, %get3A_20] {strides = array<i32>} : memref<64x512xf32, #tpu.memory_space<vmem>>, vector<1x16xf32>,
      %get3A_22 = vector.shape_cast %get3A_21 : vector<1x16xf32> to vector<16xf32>
      %max3A_23 = arith.maximumf %max3A, %get3A_22 : vector<16xf32>
      %get3A_24 = arith.constant 3 : i32
      %get3A_25 = arith.index_cast %get3A_24 : i32 to index
      %get3A_26 = arith.index_cast %multiple_of3A : i32 to index
      %get3A_27 = tpu.vector_load %arg5[%get3A_25, %get3A_26] {strides = array<i32>} : memref<64x512xf32, #tpu.memory_space<vmem>>, vector<1x16xf32>,
      %get3A_28 = vector.shape_cast %get3A_27 : vector<1x16xf32> to vector<16xf32>
      %max3A_29 = arith.maximumf %max3A_23, %get3A_28 : vector<16xf32>
      %get3A_30 = arith.constant 4 : i32
      %get3A_31 = arith.index_cast %get3A_30 : i32 to index
      %get3A_32 = arith.index_cast %multiple_of3A : i32 to index
      %get3A_33 = tpu.vector_load %arg5[%get3A_31, %get3A_32] {strides = array<i32>} : memref<64x512xf32, #tpu.memory_space<vmem>>, vector<1x16xf32>,
      %get3A_34 = vector.shape_cast %get3A_33 : vector<1x16xf32> to vector<16xf32>
      %max3A_35 = arith.maximumf %max3A_29, %get3A_34 : vector<16xf32>
      %get3A_36 = arith.constant 5 : i32
      %get3A_37 = arith.index_cast %get3A_36 : i32 to index
      %get3A_38 = arith.index_cast %multiple_of3A : i32 to index
      %get3A_39 = tpu.vector_load %arg5[%get3A_37, %get3A_38] {strides = array<i32>} : memref<64x512xf32, #tpu.memory_space<vmem>>, vector<1x16xf32>,
      %get3A_40 = vector.shape_cast %get3A_39 : vector<1x16xf32> to vector<16xf32>
      %max3A_41 = arith.maximumf %max3A_35, %get3A_40 : vector<16xf32>
      %get3A_42 = arith.constant 6 : i32
      %get3A_43 = arith.index_cast %get3A_42 : i32 to index
      %get3A_44 = arith.index_cast %multiple_of3A : i32 to index
      %get3A_45 = tpu.vector_load %arg5[%get3A_43, %get3A_44] {strides = array<i32>} : memref<64x512xf32, #tpu.memory_space<vmem>>, vector<1x16xf32>,
      %get3A_46 = vector.shape_cast %get3A_45 : vector<1x16xf32> to vector<16xf32>
      %max3A_47 = arith.maximumf %max3A_41, %get3A_46 : vector<16xf32>
      %get3A_48 = arith.constant 7 : i32
      %get3A_49 = arith.index_cast %get3A_48 : i32 to index
      %get3A_50 = arith.index_cast %multiple_of3A : i32 to index
      %get3A_51 = tpu.vector_load %arg5[%get3A_49, %get3A_50] {strides = array<i32>} : memref<64x512xf32, #tpu.memory_space<vmem>>, vector<1x16xf32>,
      %get3A_52 = vector.shape_cast %get3A_51 : vector<1x16xf32> to vector<16xf32>
      %max3A_53 = arith.maximumf %max3A_47, %get3A_52 : vector<16xf32>
      %get3A_54 = arith.constant 8 : i32
      %get3A_55 = arith.index_cast %get3A_54 : i32 to index
      %get3A_56 = arith.index_cast %multiple_of3A : i32 to index
      %get3A_57 = tpu.vector_load %arg5[%get3A_55, %get3A_56] {strides = array<i32>} : memref<64x512xf32, #tpu.memory_space<vmem>>, vector<1x16xf32>,
      %get3A_58 = vector.shape_cast %get3A_57 : vector<1x16xf32> to vector<16xf32>
      %max3A_59 = arith.maximumf %max3A_53, %get3A_58 : vector<16xf32>
      %get3A_60 = arith.constant 9 : i32
      %get3A_61 = arith.index_cast %get3A_60 : i32 to index
      %get3A_62 = arith.index_cast %multiple_of3A : i32 to index
      %get3A_63 = tpu.vector_load %arg5[%get3A_61, %get3A_62] {strides = array<i32>} : memref<64x512xf32, #tpu.memory_space<vmem>>, vector<1x16xf32>,
      %get3A_64 = vector.shape_cast %get3A_63 : vector<1x16xf32> to vector<16xf32>
      %max3A_65 = arith.maximumf %max3A_59, %get3A_64 : vector<16xf32>
      %get3A_66 = arith.constant 10 : i32
      %get3A_67 = arith.index_cast %get3A_66 : i32 to index
      %get3A_68 = arith.index_cast %multiple_of3A : i32 to index
      %get3A_69 = tpu.vector_load %arg5[%get3A_67, %get3A_68] {strides = array<i32>} : memref<64x512xf32, #tpu.memory_space<vmem>>, vector<1x16xf32>,
      %get3A_70 = vector.shape_cast %get3A_69 : vector<1x16xf32> to vector<16xf32>
      %max3A_71 = arith.maximumf %max3A_65, %get3A_70 : vector<16xf32>
      %get3A_72 = arith.constant 11 : i32
      %get3A_73 = arith.index_cast %get3A_72 : i32 to index
      %get3A_74 = arith.index_cast %multiple_of3A : i32 to index
      %get3A_75 = tpu.vector_load %arg5[%get3A_73, %get3A_74] {strides = array<i32>} : memref<64x512xf32, #tpu.memory_space<vmem>>, vector<1x16xf32>,
      %get3A_76 = vector.shape_cast %get3A_75 : vector<1x16xf32> to vector<16xf32>
      %max3A_77 = arith.maximumf %max3A_71, %get3A_76 : vector<16xf32>
      %get3A_78 = arith.constant 12 : i32
      %get3A_79 = arith.index_cast %get3A_78 : i32 to index
      %get3A_80 = arith.index_cast %multiple_of3A : i32 to index
      %get3A_81 = tpu.vector_load %arg5[%get3A_79, %get3A_80] {strides = array<i32>} : memref<64x512xf32, #tpu.memory_space<vmem>>, vector<1x16xf32>,
      %get3A_82 = vector.shape_cast %get3A_81 : vector<1x16xf32> to vector<16xf32>
      %max3A_83 = arith.maximumf %max3A_77, %get3A_82 : vector<16xf32>
      %get3A_84 = arith.constant 13 : i32
      %get3A_85 = arith.index_cast %get3A_84 : i32 to index
      %get3A_86 = arith.index_cast %multiple_of3A : i32 to index
      %get3A_87 = tpu.vector_load %arg5[%get3A_85, %get3A_86] {strides = array<i32>} : memref<64x512xf32, #tpu.memory_space<vmem>>, vector<1x16xf32>,
      %get3A_88 = vector.shape_cast %get3A_87 : vector<1x16xf32> to vector<16xf32>
      %max3A_89 = arith.maximumf %max3A_83, %get3A_88 : vector<16xf32>
      %get3A_90 = arith.constant 14 : i32
      %get3A_91 = arith.index_cast %get3A_90 : i32 to index
      %get3A_92 = arith.index_cast %multiple_of3A : i32 to index
      %get3A_93 = tpu.vector_load %arg5[%get3A_91, %get3A_92] {strides = array<i32>} : memref<64x512xf32, #tpu.memory_space<vmem>>, vector<1x16xf32>,
      %get3A_94 = vector.shape_cast %get3A_93 : vector<1x16xf32> to vector<16xf32>
      %max3A_95 = arith.maximumf %max3A_89, %get3A_94 : vector<16xf32>
      %get3A_96 = arith.constant 15 : i32
      %get3A_97 = arith.index_cast %get3A_96 : i32 to index
      %get3A_98 = arith.index_cast %multiple_of3A : i32 to index
      %get3A_99 = tpu.vector_load %arg5[%get3A_97, %get3A_98] {strides = array<i32>} : memref<64x512xf32, #tpu.memory_space<vmem>>, vector<1x16xf32>,
      %get3A_100 = vector.shape_cast %get3A_99 : vector<1x16xf32> to vector<16xf32>
      %max3A_101 = arith.maximumf %max3A_95, %get3A_100 : vector<16xf32>
      %get3A_102 = arith.constant 16 : i32
      %get3A_103 = arith.index_cast %get3A_102 : i32 to index
      %get3A_104 = arith.index_cast %multiple_of3A : i32 to index
      %get3A_105 = tpu.vector_load %arg5[%get3A_103, %get3A_104] {strides = array<i32>} : memref<64x512xf32, #tpu.memory_space<vmem>>, vector<1x16xf32>,
      %get3A_106 = vector.shape_cast %get3A_105 : vector<1x16xf32> to vector<16xf32>
      %max3A_107 = arith.maximumf %max3A_101, %get3A_106 : vector<16xf32>
      %get3A_108 = arith.constant 17 : i32
      %get3A_109 = arith.index_cast %get3A_108 : i32 to index
      %get3A_110 = arith.index_cast %multiple_of3A : i32 to index
      %get3A_111 = tpu.vector_load %arg5[%get3A_109, %get3A_110] {strides = array<i32>} : memref<64x512xf32, #tpu.memory_space<vmem>>, vector<1x16xf32>,
      %get3A_112 = vector.shape_cast %get3A_111 : vector<1x16xf32> to vector<16xf32>
      %max3A_113 = arith.maximumf %max3A_107, %get3A_112 : vector<16xf32>
      %get3A_114 = arith.constant 18 : i32
      %get3A_115 = arith.index_cast %get3A_114 : i32 to index
      %get3A_116 = arith.index_cast %multiple_of3A : i32 to index
      %get3A_117 = tpu.vector_load %arg5[%get3A_115, %get3A_116] {strides = array<i32>} : memref<64x512xf32, #tpu.memory_space<vmem>>, vector<1x16xf32>,
      %get3A_118 = vector.shape_cast %get3A_117 : vector<1x16xf32> to vector<16xf32>
      %max3A_119 = arith.maximumf %max3A_113, %get3A_118 : vector<16xf32>
      %get3A_120 = arith.constant 19 : i32
      %get3A_121 = arith.index_cast %get3A_120 : i32 to index
      %get3A_122 = arith.index_cast %multiple_of3A : i32 to index
      %get3A_123 = tpu.vector_load %arg5[%get3A_121, %get3A_122] {strides = array<i32>} : memref<64x512xf32, #tpu.memory_space<vmem>>, vector<1x16xf32>,
      %get3A_124 = vector.shape_cast %get3A_123 : vector<1x16xf32> to vector<16xf32>
      %max3A_125 = arith.maximumf %max3A_119, %get3A_124 : vector<16xf32>
      %get3A_126 = arith.constant 20 : i32
      %get3A_127 = arith.index_cast %get3A_126 : i32 to index
      %get3A_128 = arith.index_cast %multiple_of3A : i32 to index
      %get3A_129 = tpu.vector_load %arg5[%get3A_127, %get3A_128] {strides = array<i32>} : memref<64x512xf32, #tpu.memory_space<vmem>>, vector<1x16xf32>,
      %get3A_130 = vector.shape_cast %get3A_129 : vector<1x16xf32> to vector<16xf32>
      %max3A_131 = arith.maximumf %max3A_125, %get3A_130 : vector<16xf32>
      %get3A_132 = arith.constant 21 : i32
      %get3A_133 = arith.index_cast %get3A_132 : i32 to index
      %get3A_134 = arith.index_cast %multiple_of3A : i32 to index
      %get3A_135 = tpu.vector_load %arg5[%get3A_133, %get3A_134] {strides = array<i32>} : memref<64x512xf32, #tpu.memory_space<vmem>>, vector<1x16xf32>,
      %get3A_136 = vector.shape_cast %get3A_135 : vector<1x16xf32> to vector<16xf32>
      %max3A_137 = arith.maximumf %max3A_131, %get3A_136 : vector<16xf32>
      %get3A_138 = arith.constant 22 : i32
      %get3A_139 = arith.index_cast %get3A_138 : i32 to index
      %get3A_140 = arith.index_cast %multiple_of3A : i32 to index
      %get3A_141 = tpu.vector_load %arg5[%get3A_139, %get3A_140] {strides = array<i32>} : memref<64x512xf32, #tpu.memory_space<vmem>>, vector<1x16xf32>,
      %get3A_142 = vector.shape_cast %get3A_141 : vector<1x16xf32> to vector<16xf32>
      %max3A_143 = arith.maximumf %max3A_137, %get3A_142 : vector<16xf32>
      %get3A_144 = arith.constant 23 : i32
      %get3A_145 = arith.index_cast %get3A_144 : i32 to index
      %get3A_146 = arith.index_cast %multiple_of3A : i32 to index
      %get3A_147 = tpu.vector_load %arg5[%get3A_145, %get3A_146] {strides = array<i32>} : memref<64x512xf32, #tpu.memory_space<vmem>>, vector<1x16xf32>,
      %get3A_148 = vector.shape_cast %get3A_147 : vector<1x16xf32> to vector<16xf32>
      %max3A_149 = arith.maximumf %max3A_143, %get3A_148 : vector<16xf32>
      %get3A_150 = arith.constant 24 : i32
      %get3A_151 = arith.index_cast %get3A_150 : i32 to index
      %get3A_152 = arith.index_cast %multiple_of3A : i32 to index
      %get3A_153 = tpu.vector_load %arg5[%get3A_151, %get3A_152] {strides = array<i32>} : memref<64x512xf32, #tpu.memory_space<vmem>>, vector<1x16xf32>,
      %get3A_154 = vector.shape_cast %get3A_153 : vector<1x16xf32> to vector<16xf32>
      %max3A_155 = arith.maximumf %max3A_149, %get3A_154 : vector<16xf32>
      %get3A_156 = arith.constant 25 : i32
      %get3A_157 = arith.index_cast %get3A_156 : i32 to index
      %get3A_158 = arith.index_cast %multiple_of3A : i32 to index
      %get3A_159 = tpu.vector_load %arg5[%get3A_157, %get3A_158] {strides = array<i32>} : memref<64x512xf32, #tpu.memory_space<vmem>>, vector<1x16xf32>,
      %get3A_160 = vector.shape_cast %get3A_159 : vector<1x16xf32> to vector<16xf32>
      %max3A_161 = arith.maximumf %max3A_155, %get3A_160 : vector<16xf32>
      %get3A_162 = arith.constant 26 : i32
      %get3A_163 = arith.index_cast %get3A_162 : i32 to index
      %get3A_164 = arith.index_cast %multiple_of3A : i32 to index
      %get3A_165 = tpu.vector_load %arg5[%get3A_163, %get3A_164] {strides = array<i32>} : memref<64x512xf32, #tpu.memory_space<vmem>>, vector<1x16xf32>,
      %get3A_166 = vector.shape_cast %get3A_165 : vector<1x16xf32> to vector<16xf32>
      %max3A_167 = arith.maximumf %max3A_161, %get3A_166 : vector<16xf32>
      %get3A_168 = arith.constant 27 : i32
      %get3A_169 = arith.index_cast %get3A_168 : i32 to index
      %get3A_170 = arith.index_cast %multiple_of3A : i32 to index
      %get3A_171 = tpu.vector_load %arg5[%get3A_169, %get3A_170] {strides = array<i32>} : memref<64x512xf32, #tpu.memory_space<vmem>>, vector<1x16xf32>,
      %get3A_172 = vector.shape_cast %get3A_171 : vector<1x16xf32> to vector<16xf32>
      %max3A_173 = arith.maximumf %max3A_167, %get3A_172 : vector<16xf32>
      %get3A_174 = arith.constant 28 : i32
      %get3A_175 = arith.index_cast %get3A_174 : i32 to index
      %get3A_176 = arith.index_cast %multiple_of3A : i32 to index
      %get3A_177 = tpu.vector_load %arg5[%get3A_175, %get3A_176] {strides = array<i32>} : memref<64x512xf32, #tpu.memory_space<vmem>>, vector<1x16xf32>,
      %get3A_178 = vector.shape_cast %get3A_177 : vector<1x16xf32> to vector<16xf32>
      %max3A_179 = arith.maximumf %max3A_173, %get3A_178 : vector<16xf32>
      %get3A_180 = arith.constant 29 : i32
      %get3A_181 = arith.index_cast %get3A_180 : i32 to index
      %get3A_182 = arith.index_cast %multiple_of3A : i32 to index
      %get3A_183 = tpu.vector_load %arg5[%get3A_181, %get3A_182] {strides = array<i32>} : memref<64x512xf32, #tpu.memory_space<vmem>>, vector<1x16xf32>,
      %get3A_184 = vector.shape_cast %get3A_183 : vector<1x16xf32> to vector<16xf32>
      %max3A_185 = arith.maximumf %max3A_179, %get3A_184 : vector<16xf32>
      %get3A_186 = arith.constant 30 : i32
      %get3A_187 = arith.index_cast %get3A_186 : i32 to index
      %get3A_188 = arith.index_cast %multiple_of3A : i32 to index
      %get3A_189 = tpu.vector_load %arg5[%get3A_187, %get3A_188] {strides = array<i32>} : memref<64x512xf32, #tpu.memory_space<vmem>>, vector<1x16xf32>,
      %get3A_190 = vector.shape_cast %get3A_189 : vector<1x16xf32> to vector<16xf32>
      %max3A_191 = arith.maximumf %max3A_185, %get3A_190 : vector<16xf32>
      %get3A_192 = arith.constant 31 : i32
      %get3A_193 = arith.index_cast %get3A_192 : i32 to index
      %get3A_194 = arith.index_cast %multiple_of3A : i32 to index
      %get3A_195 = tpu.vector_load %arg5[%get3A_193, %get3A_194] {strides = array<i32>} : memref<64x512xf32, #tpu.memory_space<vmem>>, vector<1x16xf32>,
      %get3A_196 = vector.shape_cast %get3A_195 : vector<1x16xf32> to vector<16xf32>
      %max3A_197 = arith.maximumf %max3A_191, %get3A_196 : vector<16xf32>
      %get3A_198 = arith.constant 32 : i32
      %get3A_199 = arith.index_cast %get3A_198 : i32 to index
      %get3A_200 = arith.index_cast %multiple_of3A : i32 to index
      %get3A_201 = tpu.vector_load %arg5[%get3A_199, %get3A_200] {strides = array<i32>} : memref<64x512xf32, #tpu.memory_space<vmem>>, vector<1x16xf32>,
      %get3A_202 = vector.shape_cast %get3A_201 : vector<1x16xf32> to vector<16xf32>
      %max3A_203 = arith.maximumf %max3A_197, %get3A_202 : vector<16xf32>
      %get3A_204 = arith.constant 33 : i32
      %get3A_205 = arith.index_cast %get3A_204 : i32 to index
      %get3A_206 = arith.index_cast %multiple_of3A : i32 to index
      %get3A_207 = tpu.vector_load %arg5[%get3A_205, %get3A_206] {strides = array<i32>} : memref<64x512xf32, #tpu.memory_space<vmem>>, vector<1x16xf32>,
      %get3A_208 = vector.shape_cast %get3A_207 : vector<1x16xf32> to vector<16xf32>
      %max3A_209 = arith.maximumf %max3A_203, %get3A_208 : vector<16xf32>
      %get3A_210 = arith.constant 34 : i32
      %get3A_211 = arith.index_cast %get3A_210 : i32 to index
      %get3A_212 = arith.index_cast %multiple_of3A : i32 to index
      %get3A_213 = tpu.vector_load %arg5[%get3A_211, %get3A_212] {strides = array<i32>} : memref<64x512xf32, #tpu.memory_space<vmem>>, vector<1x16xf32>,
      %get3A_214 = vector.shape_cast %get3A_213 : vector<1x16xf32> to vector<16xf32>
      %max3A_215 = arith.maximumf %max3A_209, %get3A_214 : vector<16xf32>
      %get3A_216 = arith.constant 35 : i32
      %get3A_217 = arith.index_cast %get3A_216 : i32 to index
      %get3A_218 = arith.index_cast %multiple_of3A : i32 to index
      %get3A_219 = tpu.vector_load %arg5[%get3A_217, %get3A_218] {strides = array<i32>} : memref<64x512xf32, #tpu.memory_space<vmem>>, vector<1x16xf32>,
      %get3A_220 = vector.shape_cast %get3A_219 : vector<1x16xf32> to vector<16xf32>
      %max3A_221 = arith.maximumf %max3A_215, %get3A_220 : vector<16xf32>
      %get3A_222 = arith.constant 36 : i32
      %get3A_223 = arith.index_cast %get3A_222 : i32 to index
      %get3A_224 = arith.index_cast %multiple_of3A : i32 to index
      %get3A_225 = tpu.vector_load %arg5[%get3A_223, %get3A_224] {strides = array<i32>} : memref<64x512xf32, #tpu.memory_space<vmem>>, vector<1x16xf32>,
      %get3A_226 = vector.shape_cast %get3A_225 : vector<1x16xf32> to vector<16xf32>
      %max3A_227 = arith.maximumf %max3A_221, %get3A_226 : vector<16xf32>
      %get3A_228 = arith.constant 37 : i32
      %get3A_229 = arith.index_cast %get3A_228 : i32 to index
      %get3A_230 = arith.index_cast %multiple_of3A : i32 to index
      %get3A_231 = tpu.vector_load %arg5[%get3A_229, %get3A_230] {strides = array<i32>} : memref<64x512xf32, #tpu.memory_space<vmem>>, vector<1x16xf32>,
      %get3A_232 = vector.shape_cast %get3A_231 : vector<1x16xf32> to vector<16xf32>
      %max3A_233 = arith.maximumf %max3A_227, %get3A_232 : vector<16xf32>
      %get3A_234 = arith.constant 38 : i32
      %get3A_235 = arith.index_cast %get3A_234 : i32 to index
      %get3A_236 = arith.index_cast %multiple_of3A : i32 to index
      %get3A_237 = tpu.vector_load %arg5[%get3A_235, %get3A_236] {strides = array<i32>} : memref<64x512xf32, #tpu.memory_space<vmem>>, vector<1x16xf32>,
      %get3A_238 = vector.shape_cast %get3A_237 : vector<1x16xf32> to vector<16xf32>
      %max3A_239 = arith.maximumf %max3A_233, %get3A_238 : vector<16xf32>
      %get3A_240 = arith.constant 39 : i32
      %get3A_241 = arith.index_cast %get3A_240 : i32 to index
      %get3A_242 = arith.index_cast %multiple_of3A : i32 to index
      %get3A_243 = tpu.vector_load %arg5[%get3A_241, %get3A_242] {strides = array<i32>} : memref<64x512xf32, #tpu.memory_space<vmem>>, vector<1x16xf32>,
      %get3A_244 = vector.shape_cast %get3A_243 : vector<1x16xf32> to vector<16xf32>
      %max3A_245 = arith.maximumf %max3A_239, %get3A_244 : vector<16xf32>
      %get3A_246 = arith.constant 40 : i32
      %get3A_247 = arith.index_cast %get3A_246 : i32 to index
      %get3A_248 = arith.index_cast %multiple_of3A : i32 to index
      %get3A_249 = tpu.vector_load %arg5[%get3A_247, %get3A_248] {strides = array<i32>} : memref<64x512xf32, #tpu.memory_space<vmem>>, vector<1x16xf32>,
      %get3A_250 = vector.shape_cast %get3A_249 : vector<1x16xf32> to vector<16xf32>
      %max3A_251 = arith.maximumf %max3A_245, %get3A_250 : vector<16xf32>
      %get3A_252 = arith.constant 41 : i32
      %get3A_253 = arith.index_cast %get3A_252 : i32 to index
      %get3A_254 = arith.index_cast %multiple_of3A : i32 to index
      %get3A_255 = tpu.vector_load %arg5[%get3A_253, %get3A_254] {strides = array<i32>} : memref<64x512xf32, #tpu.memory_space<vmem>>, vector<1x16xf32>,
      %get3A_256 = vector.shape_cast %get3A_255 : vector<1x16xf32> to vector<16xf32>
      %max3A_257 = arith.maximumf %max3A_251, %get3A_256 : vector<16xf32>
      %get3A_258 = arith.constant 42 : i32
      %get3A_259 = arith.index_cast %get3A_258 : i32 to index
      %get3A_260 = arith.index_cast %multiple_of3A : i32 to index
      %get3A_261 = tpu.vector_load %arg5[%get3A_259, %get3A_260] {strides = array<i32>} : memref<64x512xf32, #tpu.memory_space<vmem>>, vector<1x16xf32>,
      %get3A_262 = vector.shape_cast %get3A_261 : vector<1x16xf32> to vector<16xf32>
      %max3A_263 = arith.maximumf %max3A_257, %get3A_262 : vector<16xf32>
      %get3A_264 = arith.constant 43 : i32
      %get3A_265 = arith.index_cast %get3A_264 : i32 to index
      %get3A_266 = arith.index_cast %multiple_of3A : i32 to index
      %get3A_267 = tpu.vector_load %arg5[%get3A_265, %get3A_266] {strides = array<i32>} : memref<64x512xf32, #tpu.memory_space<vmem>>, vector<1x16xf32>,
      %get3A_268 = vector.shape_cast %get3A_267 : vector<1x16xf32> to vector<16xf32>
      %max3A_269 = arith.maximumf %max3A_263, %get3A_268 : vector<16xf32>
      %get3A_270 = arith.constant 44 : i32
      %get3A_271 = arith.index_cast %get3A_270 : i32 to index
      %get3A_272 = arith.index_cast %multiple_of3A : i32 to index
      %get3A_273 = tpu.vector_load %arg5[%get3A_271, %get3A_272] {strides = array<i32>} : memref<64x512xf32, #tpu.memory_space<vmem>>, vector<1x16xf32>,
      %get3A_274 = vector.shape_cast %get3A_273 : vector<1x16xf32> to vector<16xf32>
      %max3A_275 = arith.maximumf %max3A_269, %get3A_274 : vector<16xf32>
      %get3A_276 = arith.constant 45 : i32
      %get3A_277 = arith.index_cast %get3A_276 : i32 to index
      %get3A_278 = arith.index_cast %multiple_of3A : i32 to index
      %get3A_279 = tpu.vector_load %arg5[%get3A_277, %get3A_278] {strides = array<i32>} : memref<64x512xf32, #tpu.memory_space<vmem>>, vector<1x16xf32>,
      %get3A_280 = vector.shape_cast %get3A_279 : vector<1x16xf32> to vector<16xf32>
      %max3A_281 = arith.maximumf %max3A_275, %get3A_280 : vector<16xf32>
      %get3A_282 = arith.constant 46 : i32
      %get3A_283 = arith.index_cast %get3A_282 : i32 to index
      %get3A_284 = arith.index_cast %multiple_of3A : i32 to index
      %get3A_285 = tpu.vector_load %arg5[%get3A_283, %get3A_284] {strides = array<i32>} : memref<64x512xf32, #tpu.memory_space<vmem>>, vector<1x16xf32>,
      %get3A_286 = vector.shape_cast %get3A_285 : vector<1x16xf32> to vector<16xf32>
      %max3A_287 = arith.maximumf %max3A_281, %get3A_286 : vector<16xf32>
      %get3A_288 = arith.constant 47 : i32
      %get3A_289 = arith.index_cast %get3A_288 : i32 to index
      %get3A_290 = arith.index_cast %multiple_of3A : i32 to index
      %get3A_291 = tpu.vector_load %arg5[%get3A_289, %get3A_290] {strides = array<i32>} : memref<64x512xf32, #tpu.memory_space<vmem>>, vector<1x16xf32>,
      %get3A_292 = vector.shape_cast %get3A_291 : vector<1x16xf32> to vector<16xf32>
      %max3A_293 = arith.maximumf %max3A_287, %get3A_292 : vector<16xf32>
      %get3A_294 = arith.constant 48 : i32
      %get3A_295 = arith.index_cast %get3A_294 : i32 to index
      %get3A_296 = arith.index_cast %multiple_of3A : i32 to index
      %get3A_297 = tpu.vector_load %arg5[%get3A_295, %get3A_296] {strides = array<i32>} : memref<64x512xf32, #tpu.memory_space<vmem>>, vector<1x16xf32>,
      %get3A_298 = vector.shape_cast %get3A_297 : vector<1x16xf32> to vector<16xf32>
      %max3A_299 = arith.maximumf %max3A_293, %get3A_298 : vector<16xf32>
      %get3A_300 = arith.constant 49 : i32
      %get3A_301 = arith.index_cast %get3A_300 : i32 to index
      %get3A_302 = arith.index_cast %multiple_of3A : i32 to index
      %get3A_303 = tpu.vector_load %arg5[%get3A_301, %get3A_302] {strides = array<i32>} : memref<64x512xf32, #tpu.memory_space<vmem>>, vector<1x16xf32>,
      %get3A_304 = vector.shape_cast %get3A_303 : vector<1x16xf32> to vector<16xf32>
      %max3A_305 = arith.maximumf %max3A_299, %get3A_304 : vector<16xf32>
      %get3A_306 = arith.constant 50 : i32
      %get3A_307 = arith.index_cast %get3A_306 : i32 to index
      %get3A_308 = arith.index_cast %multiple_of3A : i32 to index
      %get3A_309 = tpu.vector_load %arg5[%get3A_307, %get3A_308] {strides = array<i32>} : memref<64x512xf32, #tpu.memory_space<vmem>>, vector<1x16xf32>,
      %get3A_310 = vector.shape_cast %get3A_309 : vector<1x16xf32> to vector<16xf32>
      %max3A_311 = arith.maximumf %max3A_305, %get3A_310 : vector<16xf32>
      %get3A_312 = arith.constant 51 : i32
      %get3A_313 = arith.index_cast %get3A_312 : i32 to index
      %get3A_314 = arith.index_cast %multiple_of3A : i32 to index
      %get3A_315 = tpu.vector_load %arg5[%get3A_313, %get3A_314] {strides = array<i32>} : memref<64x512xf32, #tpu.memory_space<vmem>>, vector<1x16xf32>,
      %get3A_316 = vector.shape_cast %get3A_315 : vector<1x16xf32> to vector<16xf32>
      %max3A_317 = arith.maximumf %max3A_311, %get3A_316 : vector<16xf32>
      %get3A_318 = arith.constant 52 : i32
      %get3A_319 = arith.index_cast %get3A_318 : i32 to index
      %get3A_320 = arith.index_cast %multiple_of3A : i32 to index
      %get3A_321 = tpu.vector_load %arg5[%get3A_319, %get3A_320] {strides = array<i32>} : memref<64x512xf32, #tpu.memory_space<vmem>>, vector<1x16xf32>,
      %get3A_322 = vector.shape_cast %get3A_321 : vector<1x16xf32> to vector<16xf32>
      %max3A_323 = arith.maximumf %max3A_317, %get3A_322 : vector<16xf32>
      %get3A_324 = arith.constant 53 : i32
      %get3A_325 = arith.index_cast %get3A_324 : i32 to index
      %get3A_326 = arith.index_cast %multiple_of3A : i32 to index
      %get3A_327 = tpu.vector_load %arg5[%get3A_325, %get3A_326] {strides = array<i32>} : memref<64x512xf32, #tpu.memory_space<vmem>>, vector<1x16xf32>,
      %get3A_328 = vector.shape_cast %get3A_327 : vector<1x16xf32> to vector<16xf32>
      %max3A_329 = arith.maximumf %max3A_323, %get3A_328 : vector<16xf32>
      %get3A_330 = arith.constant 54 : i32
      %get3A_331 = arith.index_cast %get3A_330 : i32 to index
      %get3A_332 = arith.index_cast %multiple_of3A : i32 to index
      %get3A_333 = tpu.vector_load %arg5[%get3A_331, %get3A_332] {strides = array<i32>} : memref<64x512xf32, #tpu.memory_space<vmem>>, vector<1x16xf32>,
      %get3A_334 = vector.shape_cast %get3A_333 : vector<1x16xf32> to vector<16xf32>
      %max3A_335 = arith.maximumf %max3A_329, %get3A_334 : vector<16xf32>
      %get3A_336 = arith.constant 55 : i32
      %get3A_337 = arith.index_cast %get3A_336 : i32 to index
      %get3A_338 = arith.index_cast %multiple_of3A : i32 to index
      %get3A_339 = tpu.vector_load %arg5[%get3A_337, %get3A_338] {strides = array<i32>} : memref<64x512xf32, #tpu.memory_space<vmem>>, vector<1x16xf32>,
      %get3A_340 = vector.shape_cast %get3A_339 : vector<1x16xf32> to vector<16xf32>
      %max3A_341 = arith.maximumf %max3A_335, %get3A_340 : vector<16xf32>
      %get3A_342 = arith.constant 56 : i32
      %get3A_343 = arith.index_cast %get3A_342 : i32 to index
      %get3A_344 = arith.index_cast %multiple_of3A : i32 to index
      %get3A_345 = tpu.vector_load %arg5[%get3A_343, %get3A_344] {strides = array<i32>} : memref<64x512xf32, #tpu.memory_space<vmem>>, vector<1x16xf32>,
      %get3A_346 = vector.shape_cast %get3A_345 : vector<1x16xf32> to vector<16xf32>
      %max3A_347 = arith.maximumf %max3A_341, %get3A_346 : vector<16xf32>
      %get3A_348 = arith.constant 57 : i32
      %get3A_349 = arith.index_cast %get3A_348 : i32 to index
      %get3A_350 = arith.index_cast %multiple_of3A : i32 to index
      %get3A_351 = tpu.vector_load %arg5[%get3A_349, %get3A_350] {strides = array<i32>} : memref<64x512xf32, #tpu.memory_space<vmem>>, vector<1x16xf32>,
      %get3A_352 = vector.shape_cast %get3A_351 : vector<1x16xf32> to vector<16xf32>
      %max3A_353 = arith.maximumf %max3A_347, %get3A_352 : vector<16xf32>
      %get3A_354 = arith.constant 58 : i32
      %get3A_355 = arith.index_cast %get3A_354 : i32 to index
      %get3A_356 = arith.index_cast %multiple_of3A : i32 to index
      %get3A_357 = tpu.vector_load %arg5[%get3A_355, %get3A_356] {strides = array<i32>} : memref<64x512xf32, #tpu.memory_space<vmem>>, vector<1x16xf32>,
      %get3A_358 = vector.shape_cast %get3A_357 : vector<1x16xf32> to vector<16xf32>
      %max3A_359 = arith.maximumf %max3A_353, %get3A_358 : vector<16xf32>
      %get3A_360 = arith.constant 59 : i32
      %get3A_361 = arith.index_cast %get3A_360 : i32 to index
      %get3A_362 = arith.index_cast %multiple_of3A : i32 to index
      %get3A_363 = tpu.vector_load %arg5[%get3A_361, %get3A_362] {strides = array<i32>} : memref<64x512xf32, #tpu.memory_space<vmem>>, vector<1x16xf32>,
      %get3A_364 = vector.shape_cast %get3A_363 : vector<1x16xf32> to vector<16xf32>
      %max3A_365 = arith.maximumf %max3A_359, %get3A_364 : vector<16xf32>
      %get3A_366 = arith.constant 60 : i32
      %get3A_367 = arith.index_cast %get3A_366 : i32 to index
      %get3A_368 = arith.index_cast %multiple_of3A : i32 to index
      %get3A_369 = tpu.vector_load %arg5[%get3A_367, %get3A_368] {strides = array<i32>} : memref<64x512xf32, #tpu.memory_space<vmem>>, vector<1x16xf32>,
      %get3A_370 = vector.shape_cast %get3A_369 : vector<1x16xf32> to vector<16xf32>
      %max3A_371 = arith.maximumf %max3A_365, %get3A_370 : vector<16xf32>
      %get3A_372 = arith.constant 61 : i32
      %get3A_373 = arith.index_cast %get3A_372 : i32 to index
      %get3A_374 = arith.index_cast %multiple_of3A : i32 to index
      %get3A_375 = tpu.vector_load %arg5[%get3A_373, %get3A_374] {strides = array<i32>} : memref<64x512xf32, #tpu.memory_space<vmem>>, vector<1x16xf32>,
      %get3A_376 = vector.shape_cast %get3A_375 : vector<1x16xf32> to vector<16xf32>
      %max3A_377 = arith.maximumf %max3A_371, %get3A_376 : vector<16xf32>
      %get3A_378 = arith.constant 62 : i32
      %get3A_379 = arith.index_cast %get3A_378 : i32 to index
      %get3A_380 = arith.index_cast %multiple_of3A : i32 to index
      %get3A_381 = tpu.vector_load %arg5[%get3A_379, %get3A_380] {strides = array<i32>} : memref<64x512xf32, #tpu.memory_space<vmem>>, vector<1x16xf32>,
      %get3A_382 = vector.shape_cast %get3A_381 : vector<1x16xf32> to vector<16xf32>
      %max3A_383 = arith.maximumf %max3A_377, %get3A_382 : vector<16xf32>
      %get3A_384 = arith.constant 63 : i32
      %get3A_385 = arith.index_cast %get3A_384 : i32 to index
      %get3A_386 = arith.index_cast %multiple_of3A : i32 to index
      %get3A_387 = tpu.vector_load %arg5[%get3A_385, %get3A_386] {strides = array<i32>} : memref<64x512xf32, #tpu.memory_space<vmem>>, vector<1x16xf32>,
      %get3A_388 = vector.shape_cast %get3A_387 : vector<1x16xf32> to vector<16xf32>
      %max3A_389 = arith.maximumf %max3A_383, %get3A_388 : vector<16xf32>
      %broadcast_in_dim3A = arith.constant 0xFF800000 : f32
      %broadcast_in_dim3A_390 = vector.broadcast %broadcast_in_dim3A : f32 to vector<16xf32>
      %broadcast_in_dim3A_391 = arith.constant 0xFF800000 : f32
      %broadcast_in_dim3A_392 = vector.broadcast %broadcast_in_dim3A_391 : f32 to vector<16xf32>
      %broadcast_in_dim3A_393 = arith.constant 0xFF800000 : f32
      %broadcast_in_dim3A_394 = vector.broadcast %broadcast_in_dim3A_393 : f32 to vector<16xf32>
      %broadcast_in_dim3A_395 = arith.constant 0xFF800000 : f32
      %broadcast_in_dim3A_396 = vector.broadcast %broadcast_in_dim3A_395 : f32 to vector<16xf32>
      %broadcast_in_dim3A_397 = arith.constant 0xFF800000 : f32
      %broadcast_in_dim3A_398 = vector.broadcast %broadcast_in_dim3A_397 : f32 to vector<16xf32>
      %broadcast_in_dim3A_399 = arith.constant 0xFF800000 : f32
      %broadcast_in_dim3A_400 = vector.broadcast %broadcast_in_dim3A_399 : f32 to vector<16xf32>
      %broadcast_in_dim3A_401 = arith.constant 0xFF800000 : f32
      %broadcast_in_dim3A_402 = vector.broadcast %broadcast_in_dim3A_401 : f32 to vector<16xf32>
      %broadcast_in_dim3A_403 = arith.constant 0xFF800000 : f32
      %broadcast_in_dim3A_404 = vector.broadcast %broadcast_in_dim3A_403 : f32 to vector<16xf32>
      %broadcast_in_dim3A_405 = arith.constant 0 : i32
      %broadcast_in_dim3A_406 = vector.broadcast %broadcast_in_dim3A_405 : i32 to vector<16xi32>
      %broadcast_in_dim3A_407 = arith.constant 0 : i32
      %broadcast_in_dim3A_408 = vector.broadcast %broadcast_in_dim3A_407 : i32 to vector<16xi32>
      %broadcast_in_dim3A_409 = arith.constant 0 : i32
      %broadcast_in_dim3A_410 = vector.broadcast %broadcast_in_dim3A_409 : i32 to vector<16xi32>
      %broadcast_in_dim3A_411 = arith.constant 0 : i32
      %broadcast_in_dim3A_412 = vector.broadcast %broadcast_in_dim3A_411 : i32 to vector<16xi32>
      %broadcast_in_dim3A_413 = arith.constant 0 : i32
      %broadcast_in_dim3A_414 = vector.broadcast %broadcast_in_dim3A_413 : i32 to vector<16xi32>
      %broadcast_in_dim3A_415 = arith.constant 0 : i32
      %broadcast_in_dim3A_416 = vector.broadcast %broadcast_in_dim3A_415 : i32 to vector<16xi32>
      %broadcast_in_dim3A_417 = arith.constant 0 : i32
      %broadcast_in_dim3A_418 = vector.broadcast %broadcast_in_dim3A_417 : i32 to vector<16xi32>
      %broadcast_in_dim3A_419 = arith.constant 0 : i32
      %broadcast_in_dim3A_420 = vector.broadcast %broadcast_in_dim3A_419 : i32 to vector<16xi32>
      %broadcast_in_dim3A_421 = arith.constant 0.000000e+00 : f32
      %broadcast_in_dim3A_422 = vector.broadcast %broadcast_in_dim3A_421 : f32 to vector<16xf32>
      %get3A_423 = arith.constant 0 : i32
      %get3A_424 = arith.index_cast %get3A_423 : i32 to index
      %get3A_425 = arith.index_cast %multiple_of3A : i32 to index
      %get3A_426 = tpu.vector_load %arg5[%get3A_424, %get3A_425] {strides = array<i32>} : memref<64x512xf32, #tpu.memory_space<vmem>>, vector<1x16xf32>,
      %get3A_427 = vector.shape_cast %get3A_426 : vector<1x16xf32> to vector<16xf32>
      %sub3A = arith.subf %get3A_427, %max3A_389 : vector<16xf32>
      %exp3A = math.exp %sub3A : vector<16xf32>
      %add3A_428 = arith.addf %broadcast_in_dim3A_422, %exp3A : vector<16xf32>
      %broadcast_in_dim3A_429 = arith.constant 0 : i32
      %broadcast_in_dim3A_430 = vector.broadcast %broadcast_in_dim3A_429 : i32 to vector<16xi32>
      %gt3A = arith.cmpf ogt, %get3A_427, %broadcast_in_dim3A_390 : vector<16xf32>
      %gt3A_431 = arith.cmpf ogt, %get3A_427, %broadcast_in_dim3A_392 : vector<16xf32>
      %gt3A_432 = arith.cmpf ogt, %get3A_427, %broadcast_in_dim3A_394 : vector<16xf32>
      %gt3A_433 = arith.cmpf ogt, %get3A_427, %broadcast_in_dim3A_396 : vector<16xf32>
      %gt3A_434 = arith.cmpf ogt, %get3A_427, %broadcast_in_dim3A_398 : vector<16xf32>
      %gt3A_435 = arith.cmpf ogt, %get3A_427, %broadcast_in_dim3A_400 : vector<16xf32>
      %gt3A_436 = arith.cmpf ogt, %get3A_427, %broadcast_in_dim3A_402 : vector<16xf32>
      %gt3A_437 = arith.cmpf ogt, %get3A_427, %broadcast_in_dim3A_404 : vector<16xf32>
      %select_n3A = arith.select %gt3A_436, %broadcast_in_dim3A_402, %get3A_427 : vector<16xi1>, vector<16xf32>
      %select_n3A_438 = arith.select %gt3A_437, %select_n3A, %broadcast_in_dim3A_404 : vector<16xi1>, vector<16xf32>
      %select_n3A_439 = arith.select %gt3A_436, %broadcast_in_dim3A_418, %broadcast_in_dim3A_430 : vector<16xi1>, vector<16xi32>
      %select_n3A_440 = arith.select %gt3A_437, %select_n3A_439, %broadcast_in_dim3A_420 : vector<16xi1>, vector<16xi32>
      %select_n3A_441 = arith.select %gt3A_435, %broadcast_in_dim3A_400, %get3A_427 : vector<16xi1>, vector<16xf32>
      %select_n3A_442 = arith.select %gt3A_436, %select_n3A_441, %broadcast_in_dim3A_402 : vector<16xi1>, vector<16xf32>
      %select_n3A_443 = arith.select %gt3A_435, %broadcast_in_dim3A_416, %broadcast_in_dim3A_430 : vector<16xi1>, vector<16xi32>
      %select_n3A_444 = arith.select %gt3A_436, %select_n3A_443, %broadcast_in_dim3A_418 : vector<16xi1>, vector<16xi32>
      %select_n3A_445 = arith.select %gt3A_434, %broadcast_in_dim3A_398, %get3A_427 : vector<16xi1>, vector<16xf32>
      %select_n3A_446 = arith.select %gt3A_435, %select_n3A_445, %broadcast_in_dim3A_400 : vector<16xi1>, vector<16xf32>
      %select_n3A_447 = arith.select %gt3A_434, %broadcast_in_dim3A_414, %broadcast_in_dim3A_430 : vector<16xi1>, vector<16xi32>
      %select_n3A_448 = arith.select %gt3A_435, %select_n3A_447, %broadcast_in_dim3A_416 : vector<16xi1>, vector<16xi32>
      %select_n3A_449 = arith.select %gt3A_433, %broadcast_in_dim3A_396, %get3A_427 : vector<16xi1>, vector<16xf32>
      %select_n3A_450 = arith.select %gt3A_434, %select_n3A_449, %broadcast_in_dim3A_398 : vector<16xi1>, vector<16xf32>
      %select_n3A_451 = arith.select %gt3A_433, %broadcast_in_dim3A_412, %broadcast_in_dim3A_430 : vector<16xi1>, vector<16xi32>
      %select_n3A_452 = arith.select %gt3A_434, %select_n3A_451, %broadcast_in_dim3A_414 : vector<16xi1>, vector<16xi32>
      %select_n3A_453 = arith.select %gt3A_432, %broadcast_in_dim3A_394, %get3A_427 : vector<16xi1>, vector<16xf32>
      %select_n3A_454 = arith.select %gt3A_433, %select_n3A_453, %broadcast_in_dim3A_396 : vector<16xi1>, vector<16xf32>
      %select_n3A_455 = arith.select %gt3A_432, %broadcast_in_dim3A_410, %broadcast_in_dim3A_430 : vector<16xi1>, vector<16xi32>
      %select_n3A_456 = arith.select %gt3A_433, %select_n3A_455, %broadcast_in_dim3A_412 : vector<16xi1>, vector<16xi32>
      %select_n3A_457 = arith.select %gt3A_431, %broadcast_in_dim3A_392, %get3A_427 : vector<16xi1>, vector<16xf32>
      %select_n3A_458 = arith.select %gt3A_432, %select_n3A_457, %broadcast_in_dim3A_394 : vector<16xi1>, vector<16xf32>
      %select_n3A_459 = arith.select %gt3A_431, %broadcast_in_dim3A_408, %broadcast_in_dim3A_430 : vector<16xi1>, vector<16xi32>
      %select_n3A_460 = arith.select %gt3A_432, %select_n3A_459, %broadcast_in_dim3A_410 : vector<16xi1>, vector<16xi32>
      %select_n3A_461 = arith.select %gt3A, %broadcast_in_dim3A_390, %get3A_427 : vector<16xi1>, vector<16xf32>
      %select_n3A_462 = arith.select %gt3A_431, %select_n3A_461, %broadcast_in_dim3A_392 : vector<16xi1>, vector<16xf32>
      %select_n3A_463 = arith.select %gt3A, %broadcast_in_dim3A_406, %broadcast_in_dim3A_430 : vector<16xi1>, vector<16xi32>
      %select_n3A_464 = arith.select %gt3A_431, %select_n3A_463, %broadcast_in_dim3A_408 : vector<16xi1>, vector<16xi32>
      %select_n3A_465 = arith.select %gt3A, %get3A_427, %broadcast_in_dim3A_390 : vector<16xi1>, vector<16xf32>
      %select_n3A_466 = arith.select %gt3A, %broadcast_in_dim3A_430, %broadcast_in_dim3A_406 : vector<16xi1>, vector<16xi32>
      %get3A_467 = arith.constant 1 : i32
      %get3A_468 = arith.index_cast %get3A_467 : i32 to index
      %get3A_469 = arith.index_cast %multiple_of3A : i32 to index
      %get3A_470 = tpu.vector_load %arg5[%get3A_468, %get3A_469] {strides = array<i32>} : memref<64x512xf32, #tpu.memory_space<vmem>>, vector<1x16xf32>,
      %get3A_471 = vector.shape_cast %get3A_470 : vector<1x16xf32> to vector<16xf32>
      %sub3A_472 = arith.subf %get3A_471, %max3A_389 : vector<16xf32>
      %exp3A_473 = math.exp %sub3A_472 : vector<16xf32>
      %add3A_474 = arith.addf %add3A_428, %exp3A_473 : vector<16xf32>
      %broadcast_in_dim3A_475 = arith.constant 1 : i32
      %broadcast_in_dim3A_476 = vector.broadcast %broadcast_in_dim3A_475 : i32 to vector<16xi32>
      %gt3A_477 = arith.cmpf ogt, %get3A_471, %select_n3A_465 : vector<16xf32>
      %gt3A_478 = arith.cmpf ogt, %get3A_471, %select_n3A_462 : vector<16xf32>
      %gt3A_479 = arith.cmpf ogt, %get3A_471, %select_n3A_458 : vector<16xf32>
      %gt3A_480 = arith.cmpf ogt, %get3A_471, %select_n3A_454 : vector<16xf32>
      %gt3A_481 = arith.cmpf ogt, %get3A_471, %select_n3A_450 : vector<16xf32>
      %gt3A_482 = arith.cmpf ogt, %get3A_471, %select_n3A_446 : vector<16xf32>
      %gt3A_483 = arith.cmpf ogt, %get3A_471, %select_n3A_442 : vector<16xf32>
      %gt3A_484 = arith.cmpf ogt, %get3A_471, %select_n3A_438 : vector<16xf32>
      %select_n3A_485 = arith.select %gt3A_483, %select_n3A_442, %get3A_471 : vector<16xi1>, vector<16xf32>
      %select_n3A_486 = arith.select %gt3A_484, %select_n3A_485, %select_n3A_438 : vector<16xi1>, vector<16xf32>
      %select_n3A_487 = arith.select %gt3A_483, %select_n3A_444, %broadcast_in_dim3A_476 : vector<16xi1>, vector<16xi32>
      %select_n3A_488 = arith.select %gt3A_484, %select_n3A_487, %select_n3A_440 : vector<16xi1>, vector<16xi32>
      %select_n3A_489 = arith.select %gt3A_482, %select_n3A_446, %get3A_471 : vector<16xi1>, vector<16xf32>
      %select_n3A_490 = arith.select %gt3A_483, %select_n3A_489, %select_n3A_442 : vector<16xi1>, vector<16xf32>
      %select_n3A_491 = arith.select %gt3A_482, %select_n3A_448, %broadcast_in_dim3A_476 : vector<16xi1>, vector<16xi32>
      %select_n3A_492 = arith.select %gt3A_483, %select_n3A_491, %select_n3A_444 : vector<16xi1>, vector<16xi32>
      %select_n3A_493 = arith.select %gt3A_481, %select_n3A_450, %get3A_471 : vector<16xi1>, vector<16xf32>
      %select_n3A_494 = arith.select %gt3A_482, %select_n3A_493, %select_n3A_446 : vector<16xi1>, vector<16xf32>
      %select_n3A_495 = arith.select %gt3A_481, %select_n3A_452, %broadcast_in_dim3A_476 : vector<16xi1>, vector<16xi32>
      %select_n3A_496 = arith.select %gt3A_482, %select_n3A_495, %select_n3A_448 : vector<16xi1>, vector<16xi32>
      %select_n3A_497 = arith.select %gt3A_480, %select_n3A_454, %get3A_471 : vector<16xi1>, vector<16xf32>
      %select_n3A_498 = arith.select %gt3A_481, %select_n3A_497, %select_n3A_450 : vector<16xi1>, vector<16xf32>
      %select_n3A_499 = arith.select %gt3A_480, %select_n3A_456, %broadcast_in_dim3A_476 : vector<16xi1>, vector<16xi32>
      %select_n3A_500 = arith.select %gt3A_481, %select_n3A_499, %select_n3A_452 : vector<16xi1>, vector<16xi32>
      %select_n3A_501 = arith.select %gt3A_479, %select_n3A_458, %get3A_471 : vector<16xi1>, vector<16xf32>
      %select_n3A_502 = arith.select %gt3A_480, %select_n3A_501, %select_n3A_454 : vector<16xi1>, vector<16xf32>
      %select_n3A_503 = arith.select %gt3A_479, %select_n3A_460, %broadcast_in_dim3A_476 : vector<16xi1>, vector<16xi32>
      %select_n3A_504 = arith.select %gt3A_480, %select_n3A_503, %select_n3A_456 : vector<16xi1>, vector<16xi32>
      %select_n3A_505 = arith.select %gt3A_478, %select_n3A_462, %get3A_471 : vector<16xi1>, vector<16xf32>
      %select_n3A_506 = arith.select %gt3A_479, %select_n3A_505, %select_n3A_458 : vector<16xi1>, vector<16xf32>
      %select_n3A_507 = arith.select %gt3A_478, %select_n3A_464, %broadcast_in_dim3A_476 : vector<16xi1>, vector<16xi32>
      %select_n3A_508 = arith.select %gt3A_479, %select_n3A_507, %select_n3A_460 : vector<16xi1>, vector<16xi32>
      %select_n3A_509 = arith.select %gt3A_477, %select_n3A_465, %get3A_471 : vector<16xi1>, vector<16xf32>
      %select_n3A_510 = arith.select %gt3A_478, %select_n3A_509, %select_n3A_462 : vector<16xi1>, vector<16xf32>
      %select_n3A_511 = arith.select %gt3A_477, %select_n3A_466, %broadcast_in_dim3A_476 : vector<16xi1>, vector<16xi32>
      %select_n3A_512 = arith.select %gt3A_478, %select_n3A_511, %select_n3A_464 : vector<16xi1>, vector<16xi32>
      %select_n3A_513 = arith.select %gt3A_477, %get3A_471, %select_n3A_465 : vector<16xi1>, vector<16xf32>
      %select_n3A_514 = arith.select %gt3A_477, %broadcast_in_dim3A_476, %select_n3A_466 : vector<16xi1>, vector<16xi32>
      %get3A_515 = arith.constant 2 : i32
      %get3A_516 = arith.index_cast %get3A_515 : i32 to index
      %get3A_517 = arith.index_cast %multiple_of3A : i32 to index
      %get3A_518 = tpu.vector_load %arg5[%get3A_516, %get3A_517] {strides = array<i32>} : memref<64x512xf32, #tpu.memory_space<vmem>>, vector<1x16xf32>,
      %get3A_519 = vector.shape_cast %get3A_518 : vector<1x16xf32> to vector<16xf32>
      %sub3A_520 = arith.subf %get3A_519, %max3A_389 : vector<16xf32>
      %exp3A_521 = math.exp %sub3A_520 : vector<16xf32>
      %add3A_522 = arith.addf %add3A_474, %exp3A_521 : vector<16xf32>
      %broadcast_in_dim3A_523 = arith.constant 2 : i32
      %broadcast_in_dim3A_524 = vector.broadcast %broadcast_in_dim3A_523 : i32 to vector<16xi32>
      %gt3A_525 = arith.cmpf ogt, %get3A_519, %select_n3A_513 : vector<16xf32>
      %gt3A_526 = arith.cmpf ogt, %get3A_519, %select_n3A_510 : vector<16xf32>
      %gt3A_527 = arith.cmpf ogt, %get3A_519, %select_n3A_506 : vector<16xf32>
      %gt3A_528 = arith.cmpf ogt, %get3A_519, %select_n3A_502 : vector<16xf32>
      %gt3A_529 = arith.cmpf ogt, %get3A_519, %select_n3A_498 : vector<16xf32>
      %gt3A_530 = arith.cmpf ogt, %get3A_519, %select_n3A_494 : vector<16xf32>
      %gt3A_531 = arith.cmpf ogt, %get3A_519, %select_n3A_490 : vector<16xf32>
      %gt3A_532 = arith.cmpf ogt, %get3A_519, %select_n3A_486 : vector<16xf32>
      %select_n3A_533 = arith.select %gt3A_531, %select_n3A_490, %get3A_519 : vector<16xi1>, vector<16xf32>
      %select_n3A_534 = arith.select %gt3A_532, %select_n3A_533, %select_n3A_486 : vector<16xi1>, vector<16xf32>
      %select_n3A_535 = arith.select %gt3A_531, %select_n3A_492, %broadcast_in_dim3A_524 : vector<16xi1>, vector<16xi32>
      %select_n3A_536 = arith.select %gt3A_532, %select_n3A_535, %select_n3A_488 : vector<16xi1>, vector<16xi32>
      %select_n3A_537 = arith.select %gt3A_530, %select_n3A_494, %get3A_519 : vector<16xi1>, vector<16xf32>
      %select_n3A_538 = arith.select %gt3A_531, %select_n3A_537, %select_n3A_490 : vector<16xi1>, vector<16xf32>
      %select_n3A_539 = arith.select %gt3A_530, %select_n3A_496, %broadcast_in_dim3A_524 : vector<16xi1>, vector<16xi32>
      %select_n3A_540 = arith.select %gt3A_531, %select_n3A_539, %select_n3A_492 : vector<16xi1>, vector<16xi32>
      %select_n3A_541 = arith.select %gt3A_529, %select_n3A_498, %get3A_519 : vector<16xi1>, vector<16xf32>
      %select_n3A_542 = arith.select %gt3A_530, %select_n3A_541, %select_n3A_494 : vector<16xi1>, vector<16xf32>
      %select_n3A_543 = arith.select %gt3A_529, %select_n3A_500, %broadcast_in_dim3A_524 : vector<16xi1>, vector<16xi32>
      %select_n3A_544 = arith.select %gt3A_530, %select_n3A_543, %select_n3A_496 : vector<16xi1>, vector<16xi32>
      %select_n3A_545 = arith.select %gt3A_528, %select_n3A_502, %get3A_519 : vector<16xi1>, vector<16xf32>
      %select_n3A_546 = arith.select %gt3A_529, %select_n3A_545, %select_n3A_498 : vector<16xi1>, vector<16xf32>
      %select_n3A_547 = arith.select %gt3A_528, %select_n3A_504, %broadcast_in_dim3A_524 : vector<16xi1>, vector<16xi32>
      %select_n3A_548 = arith.select %gt3A_529, %select_n3A_547, %select_n3A_500 : vector<16xi1>, vector<16xi32>
      %select_n3A_549 = arith.select %gt3A_527, %select_n3A_506, %get3A_519 : vector<16xi1>, vector<16xf32>
      %select_n3A_550 = arith.select %gt3A_528, %select_n3A_549, %select_n3A_502 : vector<16xi1>, vector<16xf32>
      %select_n3A_551 = arith.select %gt3A_527, %select_n3A_508, %broadcast_in_dim3A_524 : vector<16xi1>, vector<16xi32>
      %select_n3A_552 = arith.select %gt3A_528, %select_n3A_551, %select_n3A_504 : vector<16xi1>, vector<16xi32>
      %select_n3A_553 = arith.select %gt3A_526, %select_n3A_510, %get3A_519 : vector<16xi1>, vector<16xf32>
      %select_n3A_554 = arith.select %gt3A_527, %select_n3A_553, %select_n3A_506 : vector<16xi1>, vector<16xf32>
      %select_n3A_555 = arith.select %gt3A_526, %select_n3A_512, %broadcast_in_dim3A_524 : vector<16xi1>, vector<16xi32>
      %select_n3A_556 = arith.select %gt3A_527, %select_n3A_555, %select_n3A_508 : vector<16xi1>, vector<16xi32>
      %select_n3A_557 = arith.select %gt3A_525, %select_n3A_513, %get3A_519 : vector<16xi1>, vector<16xf32>
      %select_n3A_558 = arith.select %gt3A_526, %select_n3A_557, %select_n3A_510 : vector<16xi1>, vector<16xf32>
      %select_n3A_559 = arith.select %gt3A_525, %select_n3A_514, %broadcast_in_dim3A_524 : vector<16xi1>, vector<16xi32>
      %select_n3A_560 = arith.select %gt3A_526, %select_n3A_559, %select_n3A_512 : vector<16xi1>, vector<16xi32>
      %select_n3A_561 = arith.select %gt3A_525, %get3A_519, %select_n3A_513 : vector<16xi1>, vector<16xf32>
      %select_n3A_562 = arith.select %gt3A_525, %broadcast_in_dim3A_524, %select_n3A_514 : vector<16xi1>, vector<16xi32>
      %get3A_563 = arith.constant 3 : i32
      %get3A_564 = arith.index_cast %get3A_563 : i32 to index
      %get3A_565 = arith.index_cast %multiple_of3A : i32 to index
      %get3A_566 = tpu.vector_load %arg5[%get3A_564, %get3A_565] {strides = array<i32>} : memref<64x512xf32, #tpu.memory_space<vmem>>, vector<1x16xf32>,
      %get3A_567 = vector.shape_cast %get3A_566 : vector<1x16xf32> to vector<16xf32>
      %sub3A_568 = arith.subf %get3A_567, %max3A_389 : vector<16xf32>
      %exp3A_569 = math.exp %sub3A_568 : vector<16xf32>
      %add3A_570 = arith.addf %add3A_522, %exp3A_569 : vector<16xf32>
      %broadcast_in_dim3A_571 = arith.constant 3 : i32
      %broadcast_in_dim3A_572 = vector.broadcast %broadcast_in_dim3A_571 : i32 to vector<16xi32>
      %gt3A_573 = arith.cmpf ogt, %get3A_567, %select_n3A_561 : vector<16xf32>
      %gt3A_574 = arith.cmpf ogt, %get3A_567, %select_n3A_558 : vector<16xf32>
      %gt3A_575 = arith.cmpf ogt, %get3A_567, %select_n3A_554 : vector<16xf32>
      %gt3A_576 = arith.cmpf ogt, %get3A_567, %select_n3A_550 : vector<16xf32>
      %gt3A_577 = arith.cmpf ogt, %get3A_567, %select_n3A_546 : vector<16xf32>
      %gt3A_578 = arith.cmpf ogt, %get3A_567, %select_n3A_542 : vector<16xf32>
      %gt3A_579 = arith.cmpf ogt, %get3A_567, %select_n3A_538 : vector<16xf32>
      %gt3A_580 = arith.cmpf ogt, %get3A_567, %select_n3A_534 : vector<16xf32>
      %select_n3A_581 = arith.select %gt3A_579, %select_n3A_538, %get3A_567 : vector<16xi1>, vector<16xf32>
      %select_n3A_582 = arith.select %gt3A_580, %select_n3A_581, %select_n3A_534 : vector<16xi1>, vector<16xf32>
      %select_n3A_583 = arith.select %gt3A_579, %select_n3A_540, %broadcast_in_dim3A_572 : vector<16xi1>, vector<16xi32>
      %select_n3A_584 = arith.select %gt3A_580, %select_n3A_583, %select_n3A_536 : vector<16xi1>, vector<16xi32>
      %select_n3A_585 = arith.select %gt3A_578, %select_n3A_542, %get3A_567 : vector<16xi1>, vector<16xf32>
      %select_n3A_586 = arith.select %gt3A_579, %select_n3A_585, %select_n3A_538 : vector<16xi1>, vector<16xf32>
      %select_n3A_587 = arith.select %gt3A_578, %select_n3A_544, %broadcast_in_dim3A_572 : vector<16xi1>, vector<16xi32>
      %select_n3A_588 = arith.select %gt3A_579, %select_n3A_587, %select_n3A_540 : vector<16xi1>, vector<16xi32>
      %select_n3A_589 = arith.select %gt3A_577, %select_n3A_546, %get3A_567 : vector<16xi1>, vector<16xf32>
      %select_n3A_590 = arith.select %gt3A_578, %select_n3A_589, %select_n3A_542 : vector<16xi1>, vector<16xf32>
      %select_n3A_591 = arith.select %gt3A_577, %select_n3A_548, %broadcast_in_dim3A_572 : vector<16xi1>, vector<16xi32>
      %select_n3A_592 = arith.select %gt3A_578, %select_n3A_591, %select_n3A_544 : vector<16xi1>, vector<16xi32>
      %select_n3A_593 = arith.select %gt3A_576, %select_n3A_550, %get3A_567 : vector<16xi1>, vector<16xf32>
      %select_n3A_594 = arith.select %gt3A_577, %select_n3A_593, %select_n3A_546 : vector<16xi1>, vector<16xf32>
      %select_n3A_595 = arith.select %gt3A_576, %select_n3A_552, %broadcast_in_dim3A_572 : vector<16xi1>, vector<16xi32>
      %select_n3A_596 = arith.select %gt3A_577, %select_n3A_595, %select_n3A_548 : vector<16xi1>, vector<16xi32>
      %select_n3A_597 = arith.select %gt3A_575, %select_n3A_554, %get3A_567 : vector<16xi1>, vector<16xf32>
      %select_n3A_598 = arith.select %gt3A_576, %select_n3A_597, %select_n3A_550 : vector<16xi1>, vector<16xf32>
      %select_n3A_599 = arith.select %gt3A_575, %select_n3A_556, %broadcast_in_dim3A_572 : vector<16xi1>, vector<16xi32>
      %select_n3A_600 = arith.select %gt3A_576, %select_n3A_599, %select_n3A_552 : vector<16xi1>, vector<16xi32>
      %select_n3A_601 = arith.select %gt3A_574, %select_n3A_558, %get3A_567 : vector<16xi1>, vector<16xf32>
      %select_n3A_602 = arith.select %gt3A_575, %select_n3A_601, %select_n3A_554 : vector<16xi1>, vector<16xf32>
      %select_n3A_603 = arith.select %gt3A_574, %select_n3A_560, %broadcast_in_dim3A_572 : vector<16xi1>, vector<16xi32>
      %select_n3A_604 = arith.select %gt3A_575, %select_n3A_603, %select_n3A_556 : vector<16xi1>, vector<16xi32>
      %select_n3A_605 = arith.select %gt3A_573, %select_n3A_561, %get3A_567 : vector<16xi1>, vector<16xf32>
      %select_n3A_606 = arith.select %gt3A_574, %select_n3A_605, %select_n3A_558 : vector<16xi1>, vector<16xf32>
      %select_n3A_607 = arith.select %gt3A_573, %select_n3A_562, %broadcast_in_dim3A_572 : vector<16xi1>, vector<16xi32>
      %select_n3A_608 = arith.select %gt3A_574, %select_n3A_607, %select_n3A_560 : vector<16xi1>, vector<16xi32>
      %select_n3A_609 = arith.select %gt3A_573, %get3A_567, %select_n3A_561 : vector<16xi1>, vector<16xf32>
      %select_n3A_610 = arith.select %gt3A_573, %broadcast_in_dim3A_572, %select_n3A_562 : vector<16xi1>, vector<16xi32>
      %get3A_611 = arith.constant 4 : i32
      %get3A_612 = arith.index_cast %get3A_611 : i32 to index
      %get3A_613 = arith.index_cast %multiple_of3A : i32 to index
      %get3A_614 = tpu.vector_load %arg5[%get3A_612, %get3A_613] {strides = array<i32>} : memref<64x512xf32, #tpu.memory_space<vmem>>, vector<1x16xf32>,
      %get3A_615 = vector.shape_cast %get3A_614 : vector<1x16xf32> to vector<16xf32>
      %sub3A_616 = arith.subf %get3A_615, %max3A_389 : vector<16xf32>
      %exp3A_617 = math.exp %sub3A_616 : vector<16xf32>
      %add3A_618 = arith.addf %add3A_570, %exp3A_617 : vector<16xf32>
      %broadcast_in_dim3A_619 = arith.constant 4 : i32
      %broadcast_in_dim3A_620 = vector.broadcast %broadcast_in_dim3A_619 : i32 to vector<16xi32>
      %gt3A_621 = arith.cmpf ogt, %get3A_615, %select_n3A_609 : vector<16xf32>
      %gt3A_622 = arith.cmpf ogt, %get3A_615, %select_n3A_606 : vector<16xf32>
      %gt3A_623 = arith.cmpf ogt, %get3A_615, %select_n3A_602 : vector<16xf32>
      %gt3A_624 = arith.cmpf ogt, %get3A_615, %select_n3A_598 : vector<16xf32>
      %gt3A_625 = arith.cmpf ogt, %get3A_615, %select_n3A_594 : vector<16xf32>
      %gt3A_626 = arith.cmpf ogt, %get3A_615, %select_n3A_590 : vector<16xf32>
      %gt3A_627 = arith.cmpf ogt, %get3A_615, %select_n3A_586 : vector<16xf32>
      %gt3A_628 = arith.cmpf ogt, %get3A_615, %select_n3A_582 : vector<16xf32>
      %select_n3A_629 = arith.select %gt3A_627, %select_n3A_586, %get3A_615 : vector<16xi1>, vector<16xf32>
      %select_n3A_630 = arith.select %gt3A_628, %select_n3A_629, %select_n3A_582 : vector<16xi1>, vector<16xf32>
      %select_n3A_631 = arith.select %gt3A_627, %select_n3A_588, %broadcast_in_dim3A_620 : vector<16xi1>, vector<16xi32>
      %select_n3A_632 = arith.select %gt3A_628, %select_n3A_631, %select_n3A_584 : vector<16xi1>, vector<16xi32>
      %select_n3A_633 = arith.select %gt3A_626, %select_n3A_590, %get3A_615 : vector<16xi1>, vector<16xf32>
      %select_n3A_634 = arith.select %gt3A_627, %select_n3A_633, %select_n3A_586 : vector<16xi1>, vector<16xf32>
      %select_n3A_635 = arith.select %gt3A_626, %select_n3A_592, %broadcast_in_dim3A_620 : vector<16xi1>, vector<16xi32>
      %select_n3A_636 = arith.select %gt3A_627, %select_n3A_635, %select_n3A_588 : vector<16xi1>, vector<16xi32>
      %select_n3A_637 = arith.select %gt3A_625, %select_n3A_594, %get3A_615 : vector<16xi1>, vector<16xf32>
      %select_n3A_638 = arith.select %gt3A_626, %select_n3A_637, %select_n3A_590 : vector<16xi1>, vector<16xf32>
      %select_n3A_639 = arith.select %gt3A_625, %select_n3A_596, %broadcast_in_dim3A_620 : vector<16xi1>, vector<16xi32>
      %select_n3A_640 = arith.select %gt3A_626, %select_n3A_639, %select_n3A_592 : vector<16xi1>, vector<16xi32>
      %select_n3A_641 = arith.select %gt3A_624, %select_n3A_598, %get3A_615 : vector<16xi1>, vector<16xf32>
      %select_n3A_642 = arith.select %gt3A_625, %select_n3A_641, %select_n3A_594 : vector<16xi1>, vector<16xf32>
      %select_n3A_643 = arith.select %gt3A_624, %select_n3A_600, %broadcast_in_dim3A_620 : vector<16xi1>, vector<16xi32>
      %select_n3A_644 = arith.select %gt3A_625, %select_n3A_643, %select_n3A_596 : vector<16xi1>, vector<16xi32>
      %select_n3A_645 = arith.select %gt3A_623, %select_n3A_602, %get3A_615 : vector<16xi1>, vector<16xf32>
      %select_n3A_646 = arith.select %gt3A_624, %select_n3A_645, %select_n3A_598 : vector<16xi1>, vector<16xf32>
      %select_n3A_647 = arith.select %gt3A_623, %select_n3A_604, %broadcast_in_dim3A_620 : vector<16xi1>, vector<16xi32>
      %select_n3A_648 = arith.select %gt3A_624, %select_n3A_647, %select_n3A_600 : vector<16xi1>, vector<16xi32>
      %select_n3A_649 = arith.select %gt3A_622, %select_n3A_606, %get3A_615 : vector<16xi1>, vector<16xf32>
      %select_n3A_650 = arith.select %gt3A_623, %select_n3A_649, %select_n3A_602 : vector<16xi1>, vector<16xf32>
      %select_n3A_651 = arith.select %gt3A_622, %select_n3A_608, %broadcast_in_dim3A_620 : vector<16xi1>, vector<16xi32>
      %select_n3A_652 = arith.select %gt3A_623, %select_n3A_651, %select_n3A_604 : vector<16xi1>, vector<16xi32>
      %select_n3A_653 = arith.select %gt3A_621, %select_n3A_609, %get3A_615 : vector<16xi1>, vector<16xf32>
      %select_n3A_654 = arith.select %gt3A_622, %select_n3A_653, %select_n3A_606 : vector<16xi1>, vector<16xf32>
      %select_n3A_655 = arith.select %gt3A_621, %select_n3A_610, %broadcast_in_dim3A_620 : vector<16xi1>, vector<16xi32>
      %select_n3A_656 = arith.select %gt3A_622, %select_n3A_655, %select_n3A_608 : vector<16xi1>, vector<16xi32>
      %select_n3A_657 = arith.select %gt3A_621, %get3A_615, %select_n3A_609 : vector<16xi1>, vector<16xf32>
      %select_n3A_658 = arith.select %gt3A_621, %broadcast_in_dim3A_620, %select_n3A_610 : vector<16xi1>, vector<16xi32>
      %get3A_659 = arith.constant 5 : i32
      %get3A_660 = arith.index_cast %get3A_659 : i32 to index
      %get3A_661 = arith.index_cast %multiple_of3A : i32 to index
      %get3A_662 = tpu.vector_load %arg5[%get3A_660, %get3A_661] {strides = array<i32>} : memref<64x512xf32, #tpu.memory_space<vmem>>, vector<1x16xf32>,
      %get3A_663 = vector.shape_cast %get3A_662 : vector<1x16xf32> to vector<16xf32>
      %sub3A_664 = arith.subf %get3A_663, %max3A_389 : vector<16xf32>
      %exp3A_665 = math.exp %sub3A_664 : vector<16xf32>
      %add3A_666 = arith.addf %add3A_618, %exp3A_665 : vector<16xf32>
      %broadcast_in_dim3A_667 = arith.constant 5 : i32
      %broadcast_in_dim3A_668 = vector.broadcast %broadcast_in_dim3A_667 : i32 to vector<16xi32>
      %gt3A_669 = arith.cmpf ogt, %get3A_663, %select_n3A_657 : vector<16xf32>
      %gt3A_670 = arith.cmpf ogt, %get3A_663, %select_n3A_654 : vector<16xf32>
      %gt3A_671 = arith.cmpf ogt, %get3A_663, %select_n3A_650 : vector<16xf32>
      %gt3A_672 = arith.cmpf ogt, %get3A_663, %select_n3A_646 : vector<16xf32>
      %gt3A_673 = arith.cmpf ogt, %get3A_663, %select_n3A_642 : vector<16xf32>
      %gt3A_674 = arith.cmpf ogt, %get3A_663, %select_n3A_638 : vector<16xf32>
      %gt3A_675 = arith.cmpf ogt, %get3A_663, %select_n3A_634 : vector<16xf32>
      %gt3A_676 = arith.cmpf ogt, %get3A_663, %select_n3A_630 : vector<16xf32>
      %select_n3A_677 = arith.select %gt3A_675, %select_n3A_634, %get3A_663 : vector<16xi1>, vector<16xf32>
      %select_n3A_678 = arith.select %gt3A_676, %select_n3A_677, %select_n3A_630 : vector<16xi1>, vector<16xf32>
      %select_n3A_679 = arith.select %gt3A_675, %select_n3A_636, %broadcast_in_dim3A_668 : vector<16xi1>, vector<16xi32>
      %select_n3A_680 = arith.select %gt3A_676, %select_n3A_679, %select_n3A_632 : vector<16xi1>, vector<16xi32>
      %select_n3A_681 = arith.select %gt3A_674, %select_n3A_638, %get3A_663 : vector<16xi1>, vector<16xf32>
      %select_n3A_682 = arith.select %gt3A_675, %select_n3A_681, %select_n3A_634 : vector<16xi1>, vector<16xf32>
      %select_n3A_683 = arith.select %gt3A_674, %select_n3A_640, %broadcast_in_dim3A_668 : vector<16xi1>, vector<16xi32>
      %select_n3A_684 = arith.select %gt3A_675, %select_n3A_683, %select_n3A_636 : vector<16xi1>, vector<16xi32>
      %select_n3A_685 = arith.select %gt3A_673, %select_n3A_642, %get3A_663 : vector<16xi1>, vector<16xf32>
      %select_n3A_686 = arith.select %gt3A_674, %select_n3A_685, %select_n3A_638 : vector<16xi1>, vector<16xf32>
      %select_n3A_687 = arith.select %gt3A_673, %select_n3A_644, %broadcast_in_dim3A_668 : vector<16xi1>, vector<16xi32>
      %select_n3A_688 = arith.select %gt3A_674, %select_n3A_687, %select_n3A_640 : vector<16xi1>, vector<16xi32>
      %select_n3A_689 = arith.select %gt3A_672, %select_n3A_646, %get3A_663 : vector<16xi1>, vector<16xf32>
      %select_n3A_690 = arith.select %gt3A_673, %select_n3A_689, %select_n3A_642 : vector<16xi1>, vector<16xf32>
      %select_n3A_691 = arith.select %gt3A_672, %select_n3A_648, %broadcast_in_dim3A_668 : vector<16xi1>, vector<16xi32>
      %select_n3A_692 = arith.select %gt3A_673, %select_n3A_691, %select_n3A_644 : vector<16xi1>, vector<16xi32>
      %select_n3A_693 = arith.select %gt3A_671, %select_n3A_650, %get3A_663 : vector<16xi1>, vector<16xf32>
      %select_n3A_694 = arith.select %gt3A_672, %select_n3A_693, %select_n3A_646 : vector<16xi1>, vector<16xf32>
      %select_n3A_695 = arith.select %gt3A_671, %select_n3A_652, %broadcast_in_dim3A_668 : vector<16xi1>, vector<16xi32>
      %select_n3A_696 = arith.select %gt3A_672, %select_n3A_695, %select_n3A_648 : vector<16xi1>, vector<16xi32>
      %select_n3A_697 = arith.select %gt3A_670, %select_n3A_654, %get3A_663 : vector<16xi1>, vector<16xf32>
      %select_n3A_698 = arith.select %gt3A_671, %select_n3A_697, %select_n3A_650 : vector<16xi1>, vector<16xf32>
      %select_n3A_699 = arith.select %gt3A_670, %select_n3A_656, %broadcast_in_dim3A_668 : vector<16xi1>, vector<16xi32>
      %select_n3A_700 = arith.select %gt3A_671, %select_n3A_699, %select_n3A_652 : vector<16xi1>, vector<16xi32>
      %select_n3A_701 = arith.select %gt3A_669, %select_n3A_657, %get3A_663 : vector<16xi1>, vector<16xf32>
      %select_n3A_702 = arith.select %gt3A_670, %select_n3A_701, %select_n3A_654 : vector<16xi1>, vector<16xf32>
      %select_n3A_703 = arith.select %gt3A_669, %select_n3A_658, %broadcast_in_dim3A_668 : vector<16xi1>, vector<16xi32>
      %select_n3A_704 = arith.select %gt3A_670, %select_n3A_703, %select_n3A_656 : vector<16xi1>, vector<16xi32>
      %select_n3A_705 = arith.select %gt3A_669, %get3A_663, %select_n3A_657 : vector<16xi1>, vector<16xf32>
      %select_n3A_706 = arith.select %gt3A_669, %broadcast_in_dim3A_668, %select_n3A_658 : vector<16xi1>, vector<16xi32>
      %get3A_707 = arith.constant 6 : i32
      %get3A_708 = arith.index_cast %get3A_707 : i32 to index
      %get3A_709 = arith.index_cast %multiple_of3A : i32 to index
      %get3A_710 = tpu.vector_load %arg5[%get3A_708, %get3A_709] {strides = array<i32>} : memref<64x512xf32, #tpu.memory_space<vmem>>, vector<1x16xf32>,
      %get3A_711 = vector.shape_cast %get3A_710 : vector<1x16xf32> to vector<16xf32>
      %sub3A_712 = arith.subf %get3A_711, %max3A_389 : vector<16xf32>
      %exp3A_713 = math.exp %sub3A_712 : vector<16xf32>
      %add3A_714 = arith.addf %add3A_666, %exp3A_713 : vector<16xf32>
      %broadcast_in_dim3A_715 = arith.constant 6 : i32
      %broadcast_in_dim3A_716 = vector.broadcast %broadcast_in_dim3A_715 : i32 to vector<16xi32>
      %gt3A_717 = arith.cmpf ogt, %get3A_711, %select_n3A_705 : vector<16xf32>
      %gt3A_718 = arith.cmpf ogt, %get3A_711, %select_n3A_702 : vector<16xf32>
      %gt3A_719 = arith.cmpf ogt, %get3A_711, %select_n3A_698 : vector<16xf32>
      %gt3A_720 = arith.cmpf ogt, %get3A_711, %select_n3A_694 : vector<16xf32>
      %gt3A_721 = arith.cmpf ogt, %get3A_711, %select_n3A_690 : vector<16xf32>
      %gt3A_722 = arith.cmpf ogt, %get3A_711, %select_n3A_686 : vector<16xf32>
      %gt3A_723 = arith.cmpf ogt, %get3A_711, %select_n3A_682 : vector<16xf32>
      %gt3A_724 = arith.cmpf ogt, %get3A_711, %select_n3A_678 : vector<16xf32>
      %select_n3A_725 = arith.select %gt3A_723, %select_n3A_682, %get3A_711 : vector<16xi1>, vector<16xf32>
      %select_n3A_726 = arith.select %gt3A_724, %select_n3A_725, %select_n3A_678 : vector<16xi1>, vector<16xf32>
      %select_n3A_727 = arith.select %gt3A_723, %select_n3A_684, %broadcast_in_dim3A_716 : vector<16xi1>, vector<16xi32>
      %select_n3A_728 = arith.select %gt3A_724, %select_n3A_727, %select_n3A_680 : vector<16xi1>, vector<16xi32>
      %select_n3A_729 = arith.select %gt3A_722, %select_n3A_686, %get3A_711 : vector<16xi1>, vector<16xf32>
      %select_n3A_730 = arith.select %gt3A_723, %select_n3A_729, %select_n3A_682 : vector<16xi1>, vector<16xf32>
      %select_n3A_731 = arith.select %gt3A_722, %select_n3A_688, %broadcast_in_dim3A_716 : vector<16xi1>, vector<16xi32>
      %select_n3A_732 = arith.select %gt3A_723, %select_n3A_731, %select_n3A_684 : vector<16xi1>, vector<16xi32>
      %select_n3A_733 = arith.select %gt3A_721, %select_n3A_690, %get3A_711 : vector<16xi1>, vector<16xf32>
      %select_n3A_734 = arith.select %gt3A_722, %select_n3A_733, %select_n3A_686 : vector<16xi1>, vector<16xf32>
      %select_n3A_735 = arith.select %gt3A_721, %select_n3A_692, %broadcast_in_dim3A_716 : vector<16xi1>, vector<16xi32>
      %select_n3A_736 = arith.select %gt3A_722, %select_n3A_735, %select_n3A_688 : vector<16xi1>, vector<16xi32>
      %select_n3A_737 = arith.select %gt3A_720, %select_n3A_694, %get3A_711 : vector<16xi1>, vector<16xf32>
      %select_n3A_738 = arith.select %gt3A_721, %select_n3A_737, %select_n3A_690 : vector<16xi1>, vector<16xf32>
      %select_n3A_739 = arith.select %gt3A_720, %select_n3A_696, %broadcast_in_dim3A_716 : vector<16xi1>, vector<16xi32>
      %select_n3A_740 = arith.select %gt3A_721, %select_n3A_739, %select_n3A_692 : vector<16xi1>, vector<16xi32>
      %select_n3A_741 = arith.select %gt3A_719, %select_n3A_698, %get3A_711 : vector<16xi1>, vector<16xf32>
      %select_n3A_742 = arith.select %gt3A_720, %select_n3A_741, %select_n3A_694 : vector<16xi1>, vector<16xf32>
      %select_n3A_743 = arith.select %gt3A_719, %select_n3A_700, %broadcast_in_dim3A_716 : vector<16xi1>, vector<16xi32>
      %select_n3A_744 = arith.select %gt3A_720, %select_n3A_743, %select_n3A_696 : vector<16xi1>, vector<16xi32>
      %select_n3A_745 = arith.select %gt3A_718, %select_n3A_702, %get3A_711 : vector<16xi1>, vector<16xf32>
      %select_n3A_746 = arith.select %gt3A_719, %select_n3A_745, %select_n3A_698 : vector<16xi1>, vector<16xf32>
      %select_n3A_747 = arith.select %gt3A_718, %select_n3A_704, %broadcast_in_dim3A_716 : vector<16xi1>, vector<16xi32>
      %select_n3A_748 = arith.select %gt3A_719, %select_n3A_747, %select_n3A_700 : vector<16xi1>, vector<16xi32>
      %select_n3A_749 = arith.select %gt3A_717, %select_n3A_705, %get3A_711 : vector<16xi1>, vector<16xf32>
      %select_n3A_750 = arith.select %gt3A_718, %select_n3A_749, %select_n3A_702 : vector<16xi1>, vector<16xf32>
      %select_n3A_751 = arith.select %gt3A_717, %select_n3A_706, %broadcast_in_dim3A_716 : vector<16xi1>, vector<16xi32>
      %select_n3A_752 = arith.select %gt3A_718, %select_n3A_751, %select_n3A_704 : vector<16xi1>, vector<16xi32>
      %select_n3A_753 = arith.select %gt3A_717, %get3A_711, %select_n3A_705 : vector<16xi1>, vector<16xf32>
      %select_n3A_754 = arith.select %gt3A_717, %broadcast_in_dim3A_716, %select_n3A_706 : vector<16xi1>, vector<16xi32>
      %get3A_755 = arith.constant 7 : i32
      %get3A_756 = arith.index_cast %get3A_755 : i32 to index
      %get3A_757 = arith.index_cast %multiple_of3A : i32 to index
      %get3A_758 = tpu.vector_load %arg5[%get3A_756, %get3A_757] {strides = array<i32>} : memref<64x512xf32, #tpu.memory_space<vmem>>, vector<1x16xf32>,
      %get3A_759 = vector.shape_cast %get3A_758 : vector<1x16xf32> to vector<16xf32>
      %sub3A_760 = arith.subf %get3A_759, %max3A_389 : vector<16xf32>
      %exp3A_761 = math.exp %sub3A_760 : vector<16xf32>
      %add3A_762 = arith.addf %add3A_714, %exp3A_761 : vector<16xf32>
      %broadcast_in_dim3A_763 = arith.constant 7 : i32
      %broadcast_in_dim3A_764 = vector.broadcast %broadcast_in_dim3A_763 : i32 to vector<16xi32>
      %gt3A_765 = arith.cmpf ogt, %get3A_759, %select_n3A_753 : vector<16xf32>
      %gt3A_766 = arith.cmpf ogt, %get3A_759, %select_n3A_750 : vector<16xf32>
      %gt3A_767 = arith.cmpf ogt, %get3A_759, %select_n3A_746 : vector<16xf32>
      %gt3A_768 = arith.cmpf ogt, %get3A_759, %select_n3A_742 : vector<16xf32>
      %gt3A_769 = arith.cmpf ogt, %get3A_759, %select_n3A_738 : vector<16xf32>
      %gt3A_770 = arith.cmpf ogt, %get3A_759, %select_n3A_734 : vector<16xf32>
      %gt3A_771 = arith.cmpf ogt, %get3A_759, %select_n3A_730 : vector<16xf32>
      %gt3A_772 = arith.cmpf ogt, %get3A_759, %select_n3A_726 : vector<16xf32>
      %select_n3A_773 = arith.select %gt3A_771, %select_n3A_730, %get3A_759 : vector<16xi1>, vector<16xf32>
      %select_n3A_774 = arith.select %gt3A_772, %select_n3A_773, %select_n3A_726 : vector<16xi1>, vector<16xf32>
      %select_n3A_775 = arith.select %gt3A_771, %select_n3A_732, %broadcast_in_dim3A_764 : vector<16xi1>, vector<16xi32>
      %select_n3A_776 = arith.select %gt3A_772, %select_n3A_775, %select_n3A_728 : vector<16xi1>, vector<16xi32>
      %select_n3A_777 = arith.select %gt3A_770, %select_n3A_734, %get3A_759 : vector<16xi1>, vector<16xf32>
      %select_n3A_778 = arith.select %gt3A_771, %select_n3A_777, %select_n3A_730 : vector<16xi1>, vector<16xf32>
      %select_n3A_779 = arith.select %gt3A_770, %select_n3A_736, %broadcast_in_dim3A_764 : vector<16xi1>, vector<16xi32>
      %select_n3A_780 = arith.select %gt3A_771, %select_n3A_779, %select_n3A_732 : vector<16xi1>, vector<16xi32>
      %select_n3A_781 = arith.select %gt3A_769, %select_n3A_738, %get3A_759 : vector<16xi1>, vector<16xf32>
      %select_n3A_782 = arith.select %gt3A_770, %select_n3A_781, %select_n3A_734 : vector<16xi1>, vector<16xf32>
      %select_n3A_783 = arith.select %gt3A_769, %select_n3A_740, %broadcast_in_dim3A_764 : vector<16xi1>, vector<16xi32>
      %select_n3A_784 = arith.select %gt3A_770, %select_n3A_783, %select_n3A_736 : vector<16xi1>, vector<16xi32>
      %select_n3A_785 = arith.select %gt3A_768, %select_n3A_742, %get3A_759 : vector<16xi1>, vector<16xf32>
      %select_n3A_786 = arith.select %gt3A_769, %select_n3A_785, %select_n3A_738 : vector<16xi1>, vector<16xf32>
      %select_n3A_787 = arith.select %gt3A_768, %select_n3A_744, %broadcast_in_dim3A_764 : vector<16xi1>, vector<16xi32>
      %select_n3A_788 = arith.select %gt3A_769, %select_n3A_787, %select_n3A_740 : vector<16xi1>, vector<16xi32>
      %select_n3A_789 = arith.select %gt3A_767, %select_n3A_746, %get3A_759 : vector<16xi1>, vector<16xf32>
      %select_n3A_790 = arith.select %gt3A_768, %select_n3A_789, %select_n3A_742 : vector<16xi1>, vector<16xf32>
      %select_n3A_791 = arith.select %gt3A_767, %select_n3A_748, %broadcast_in_dim3A_764 : vector<16xi1>, vector<16xi32>
      %select_n3A_792 = arith.select %gt3A_768, %select_n3A_791, %select_n3A_744 : vector<16xi1>, vector<16xi32>
      %select_n3A_793 = arith.select %gt3A_766, %select_n3A_750, %get3A_759 : vector<16xi1>, vector<16xf32>
      %select_n3A_794 = arith.select %gt3A_767, %select_n3A_793, %select_n3A_746 : vector<16xi1>, vector<16xf32>
      %select_n3A_795 = arith.select %gt3A_766, %select_n3A_752, %broadcast_in_dim3A_764 : vector<16xi1>, vector<16xi32>
      %select_n3A_796 = arith.select %gt3A_767, %select_n3A_795, %select_n3A_748 : vector<16xi1>, vector<16xi32>
      %select_n3A_797 = arith.select %gt3A_765, %select_n3A_753, %get3A_759 : vector<16xi1>, vector<16xf32>
      %select_n3A_798 = arith.select %gt3A_766, %select_n3A_797, %select_n3A_750 : vector<16xi1>, vector<16xf32>
      %select_n3A_799 = arith.select %gt3A_765, %select_n3A_754, %broadcast_in_dim3A_764 : vector<16xi1>, vector<16xi32>
      %select_n3A_800 = arith.select %gt3A_766, %select_n3A_799, %select_n3A_752 : vector<16xi1>, vector<16xi32>
      %select_n3A_801 = arith.select %gt3A_765, %get3A_759, %select_n3A_753 : vector<16xi1>, vector<16xf32>
      %select_n3A_802 = arith.select %gt3A_765, %broadcast_in_dim3A_764, %select_n3A_754 : vector<16xi1>, vector<16xi32>
      %get3A_803 = arith.constant 8 : i32
      %get3A_804 = arith.index_cast %get3A_803 : i32 to index
      %get3A_805 = arith.index_cast %multiple_of3A : i32 to index
      %get3A_806 = tpu.vector_load %arg5[%get3A_804, %get3A_805] {strides = array<i32>} : memref<64x512xf32, #tpu.memory_space<vmem>>, vector<1x16xf32>,
      %get3A_807 = vector.shape_cast %get3A_806 : vector<1x16xf32> to vector<16xf32>
      %sub3A_808 = arith.subf %get3A_807, %max3A_389 : vector<16xf32>
      %exp3A_809 = math.exp %sub3A_808 : vector<16xf32>
      %add3A_810 = arith.addf %add3A_762, %exp3A_809 : vector<16xf32>
      %broadcast_in_dim3A_811 = arith.constant 8 : i32
      %broadcast_in_dim3A_812 = vector.broadcast %broadcast_in_dim3A_811 : i32 to vector<16xi32>
      %gt3A_813 = arith.cmpf ogt, %get3A_807, %select_n3A_801 : vector<16xf32>
      %gt3A_814 = arith.cmpf ogt, %get3A_807, %select_n3A_798 : vector<16xf32>
      %gt3A_815 = arith.cmpf ogt, %get3A_807, %select_n3A_794 : vector<16xf32>
      %gt3A_816 = arith.cmpf ogt, %get3A_807, %select_n3A_790 : vector<16xf32>
      %gt3A_817 = arith.cmpf ogt, %get3A_807, %select_n3A_786 : vector<16xf32>
      %gt3A_818 = arith.cmpf ogt, %get3A_807, %select_n3A_782 : vector<16xf32>
      %gt3A_819 = arith.cmpf ogt, %get3A_807, %select_n3A_778 : vector<16xf32>
      %gt3A_820 = arith.cmpf ogt, %get3A_807, %select_n3A_774 : vector<16xf32>
      %select_n3A_821 = arith.select %gt3A_819, %select_n3A_778, %get3A_807 : vector<16xi1>, vector<16xf32>
      %select_n3A_822 = arith.select %gt3A_820, %select_n3A_821, %select_n3A_774 : vector<16xi1>, vector<16xf32>
      %select_n3A_823 = arith.select %gt3A_819, %select_n3A_780, %broadcast_in_dim3A_812 : vector<16xi1>, vector<16xi32>
      %select_n3A_824 = arith.select %gt3A_820, %select_n3A_823, %select_n3A_776 : vector<16xi1>, vector<16xi32>
      %select_n3A_825 = arith.select %gt3A_818, %select_n3A_782, %get3A_807 : vector<16xi1>, vector<16xf32>
      %select_n3A_826 = arith.select %gt3A_819, %select_n3A_825, %select_n3A_778 : vector<16xi1>, vector<16xf32>
      %select_n3A_827 = arith.select %gt3A_818, %select_n3A_784, %broadcast_in_dim3A_812 : vector<16xi1>, vector<16xi32>
      %select_n3A_828 = arith.select %gt3A_819, %select_n3A_827, %select_n3A_780 : vector<16xi1>, vector<16xi32>
      %select_n3A_829 = arith.select %gt3A_817, %select_n3A_786, %get3A_807 : vector<16xi1>, vector<16xf32>
      %select_n3A_830 = arith.select %gt3A_818, %select_n3A_829, %select_n3A_782 : vector<16xi1>, vector<16xf32>
      %select_n3A_831 = arith.select %gt3A_817, %select_n3A_788, %broadcast_in_dim3A_812 : vector<16xi1>, vector<16xi32>
      %select_n3A_832 = arith.select %gt3A_818, %select_n3A_831, %select_n3A_784 : vector<16xi1>, vector<16xi32>
      %select_n3A_833 = arith.select %gt3A_816, %select_n3A_790, %get3A_807 : vector<16xi1>, vector<16xf32>
      %select_n3A_834 = arith.select %gt3A_817, %select_n3A_833, %select_n3A_786 : vector<16xi1>, vector<16xf32>
      %select_n3A_835 = arith.select %gt3A_816, %select_n3A_792, %broadcast_in_dim3A_812 : vector<16xi1>, vector<16xi32>
      %select_n3A_836 = arith.select %gt3A_817, %select_n3A_835, %select_n3A_788 : vector<16xi1>, vector<16xi32>
      %select_n3A_837 = arith.select %gt3A_815, %select_n3A_794, %get3A_807 : vector<16xi1>, vector<16xf32>
      %select_n3A_838 = arith.select %gt3A_816, %select_n3A_837, %select_n3A_790 : vector<16xi1>, vector<16xf32>
      %select_n3A_839 = arith.select %gt3A_815, %select_n3A_796, %broadcast_in_dim3A_812 : vector<16xi1>, vector<16xi32>
      %select_n3A_840 = arith.select %gt3A_816, %select_n3A_839, %select_n3A_792 : vector<16xi1>, vector<16xi32>
      %select_n3A_841 = arith.select %gt3A_814, %select_n3A_798, %get3A_807 : vector<16xi1>, vector<16xf32>
      %select_n3A_842 = arith.select %gt3A_815, %select_n3A_841, %select_n3A_794 : vector<16xi1>, vector<16xf32>
      %select_n3A_843 = arith.select %gt3A_814, %select_n3A_800, %broadcast_in_dim3A_812 : vector<16xi1>, vector<16xi32>
      %select_n3A_844 = arith.select %gt3A_815, %select_n3A_843, %select_n3A_796 : vector<16xi1>, vector<16xi32>
      %select_n3A_845 = arith.select %gt3A_813, %select_n3A_801, %get3A_807 : vector<16xi1>, vector<16xf32>
      %select_n3A_846 = arith.select %gt3A_814, %select_n3A_845, %select_n3A_798 : vector<16xi1>, vector<16xf32>
      %select_n3A_847 = arith.select %gt3A_813, %select_n3A_802, %broadcast_in_dim3A_812 : vector<16xi1>, vector<16xi32>
      %select_n3A_848 = arith.select %gt3A_814, %select_n3A_847, %select_n3A_800 : vector<16xi1>, vector<16xi32>
      %select_n3A_849 = arith.select %gt3A_813, %get3A_807, %select_n3A_801 : vector<16xi1>, vector<16xf32>
      %select_n3A_850 = arith.select %gt3A_813, %broadcast_in_dim3A_812, %select_n3A_802 : vector<16xi1>, vector<16xi32>
      %get3A_851 = arith.constant 9 : i32
      %get3A_852 = arith.index_cast %get3A_851 : i32 to index
      %get3A_853 = arith.index_cast %multiple_of3A : i32 to index
      %get3A_854 = tpu.vector_load %arg5[%get3A_852, %get3A_853] {strides = array<i32>} : memref<64x512xf32, #tpu.memory_space<vmem>>, vector<1x16xf32>,
      %get3A_855 = vector.shape_cast %get3A_854 : vector<1x16xf32> to vector<16xf32>
      %sub3A_856 = arith.subf %get3A_855, %max3A_389 : vector<16xf32>
      %exp3A_857 = math.exp %sub3A_856 : vector<16xf32>
      %add3A_858 = arith.addf %add3A_810, %exp3A_857 : vector<16xf32>
      %broadcast_in_dim3A_859 = arith.constant 9 : i32
      %broadcast_in_dim3A_860 = vector.broadcast %broadcast_in_dim3A_859 : i32 to vector<16xi32>
      %gt3A_861 = arith.cmpf ogt, %get3A_855, %select_n3A_849 : vector<16xf32>
      %gt3A_862 = arith.cmpf ogt, %get3A_855, %select_n3A_846 : vector<16xf32>
      %gt3A_863 = arith.cmpf ogt, %get3A_855, %select_n3A_842 : vector<16xf32>
      %gt3A_864 = arith.cmpf ogt, %get3A_855, %select_n3A_838 : vector<16xf32>
      %gt3A_865 = arith.cmpf ogt, %get3A_855, %select_n3A_834 : vector<16xf32>
      %gt3A_866 = arith.cmpf ogt, %get3A_855, %select_n3A_830 : vector<16xf32>
      %gt3A_867 = arith.cmpf ogt, %get3A_855, %select_n3A_826 : vector<16xf32>
      %gt3A_868 = arith.cmpf ogt, %get3A_855, %select_n3A_822 : vector<16xf32>
      %select_n3A_869 = arith.select %gt3A_867, %select_n3A_826, %get3A_855 : vector<16xi1>, vector<16xf32>
      %select_n3A_870 = arith.select %gt3A_868, %select_n3A_869, %select_n3A_822 : vector<16xi1>, vector<16xf32>
      %select_n3A_871 = arith.select %gt3A_867, %select_n3A_828, %broadcast_in_dim3A_860 : vector<16xi1>, vector<16xi32>
      %select_n3A_872 = arith.select %gt3A_868, %select_n3A_871, %select_n3A_824 : vector<16xi1>, vector<16xi32>
      %select_n3A_873 = arith.select %gt3A_866, %select_n3A_830, %get3A_855 : vector<16xi1>, vector<16xf32>
      %select_n3A_874 = arith.select %gt3A_867, %select_n3A_873, %select_n3A_826 : vector<16xi1>, vector<16xf32>
      %select_n3A_875 = arith.select %gt3A_866, %select_n3A_832, %broadcast_in_dim3A_860 : vector<16xi1>, vector<16xi32>
      %select_n3A_876 = arith.select %gt3A_867, %select_n3A_875, %select_n3A_828 : vector<16xi1>, vector<16xi32>
      %select_n3A_877 = arith.select %gt3A_865, %select_n3A_834, %get3A_855 : vector<16xi1>, vector<16xf32>
      %select_n3A_878 = arith.select %gt3A_866, %select_n3A_877, %select_n3A_830 : vector<16xi1>, vector<16xf32>
      %select_n3A_879 = arith.select %gt3A_865, %select_n3A_836, %broadcast_in_dim3A_860 : vector<16xi1>, vector<16xi32>
      %select_n3A_880 = arith.select %gt3A_866, %select_n3A_879, %select_n3A_832 : vector<16xi1>, vector<16xi32>
      %select_n3A_881 = arith.select %gt3A_864, %select_n3A_838, %get3A_855 : vector<16xi1>, vector<16xf32>
      %select_n3A_882 = arith.select %gt3A_865, %select_n3A_881, %select_n3A_834 : vector<16xi1>, vector<16xf32>
      %select_n3A_883 = arith.select %gt3A_864, %select_n3A_840, %broadcast_in_dim3A_860 : vector<16xi1>, vector<16xi32>
      %select_n3A_884 = arith.select %gt3A_865, %select_n3A_883, %select_n3A_836 : vector<16xi1>, vector<16xi32>
      %select_n3A_885 = arith.select %gt3A_863, %select_n3A_842, %get3A_855 : vector<16xi1>, vector<16xf32>
      %select_n3A_886 = arith.select %gt3A_864, %select_n3A_885, %select_n3A_838 : vector<16xi1>, vector<16xf32>
      %select_n3A_887 = arith.select %gt3A_863, %select_n3A_844, %broadcast_in_dim3A_860 : vector<16xi1>, vector<16xi32>
      %select_n3A_888 = arith.select %gt3A_864, %select_n3A_887, %select_n3A_840 : vector<16xi1>, vector<16xi32>
      %select_n3A_889 = arith.select %gt3A_862, %select_n3A_846, %get3A_855 : vector<16xi1>, vector<16xf32>
      %select_n3A_890 = arith.select %gt3A_863, %select_n3A_889, %select_n3A_842 : vector<16xi1>, vector<16xf32>
      %select_n3A_891 = arith.select %gt3A_862, %select_n3A_848, %broadcast_in_dim3A_860 : vector<16xi1>, vector<16xi32>
      %select_n3A_892 = arith.select %gt3A_863, %select_n3A_891, %select_n3A_844 : vector<16xi1>, vector<16xi32>
      %select_n3A_893 = arith.select %gt3A_861, %select_n3A_849, %get3A_855 : vector<16xi1>, vector<16xf32>
      %select_n3A_894 = arith.select %gt3A_862, %select_n3A_893, %select_n3A_846 : vector<16xi1>, vector<16xf32>
      %select_n3A_895 = arith.select %gt3A_861, %select_n3A_850, %broadcast_in_dim3A_860 : vector<16xi1>, vector<16xi32>
      %select_n3A_896 = arith.select %gt3A_862, %select_n3A_895, %select_n3A_848 : vector<16xi1>, vector<16xi32>
      %select_n3A_897 = arith.select %gt3A_861, %get3A_855, %select_n3A_849 : vector<16xi1>, vector<16xf32>
      %select_n3A_898 = arith.select %gt3A_861, %broadcast_in_dim3A_860, %select_n3A_850 : vector<16xi1>, vector<16xi32>
      %get3A_899 = arith.constant 10 : i32
      %get3A_900 = arith.index_cast %get3A_899 : i32 to index
      %get3A_901 = arith.index_cast %multiple_of3A : i32 to index
      %get3A_902 = tpu.vector_load %arg5[%get3A_900, %get3A_901] {strides = array<i32>} : memref<64x512xf32, #tpu.memory_space<vmem>>, vector<1x16xf32>,
      %get3A_903 = vector.shape_cast %get3A_902 : vector<1x16xf32> to vector<16xf32>
      %sub3A_904 = arith.subf %get3A_903, %max3A_389 : vector<16xf32>
      %exp3A_905 = math.exp %sub3A_904 : vector<16xf32>
      %add3A_906 = arith.addf %add3A_858, %exp3A_905 : vector<16xf32>
      %broadcast_in_dim3A_907 = arith.constant 10 : i32
      %broadcast_in_dim3A_908 = vector.broadcast %broadcast_in_dim3A_907 : i32 to vector<16xi32>
      %gt3A_909 = arith.cmpf ogt, %get3A_903, %select_n3A_897 : vector<16xf32>
      %gt3A_910 = arith.cmpf ogt, %get3A_903, %select_n3A_894 : vector<16xf32>
      %gt3A_911 = arith.cmpf ogt, %get3A_903, %select_n3A_890 : vector<16xf32>
      %gt3A_912 = arith.cmpf ogt, %get3A_903, %select_n3A_886 : vector<16xf32>
      %gt3A_913 = arith.cmpf ogt, %get3A_903, %select_n3A_882 : vector<16xf32>
      %gt3A_914 = arith.cmpf ogt, %get3A_903, %select_n3A_878 : vector<16xf32>
      %gt3A_915 = arith.cmpf ogt, %get3A_903, %select_n3A_874 : vector<16xf32>
      %gt3A_916 = arith.cmpf ogt, %get3A_903, %select_n3A_870 : vector<16xf32>
      %select_n3A_917 = arith.select %gt3A_915, %select_n3A_874, %get3A_903 : vector<16xi1>, vector<16xf32>
      %select_n3A_918 = arith.select %gt3A_916, %select_n3A_917, %select_n3A_870 : vector<16xi1>, vector<16xf32>
      %select_n3A_919 = arith.select %gt3A_915, %select_n3A_876, %broadcast_in_dim3A_908 : vector<16xi1>, vector<16xi32>
      %select_n3A_920 = arith.select %gt3A_916, %select_n3A_919, %select_n3A_872 : vector<16xi1>, vector<16xi32>
      %select_n3A_921 = arith.select %gt3A_914, %select_n3A_878, %get3A_903 : vector<16xi1>, vector<16xf32>
      %select_n3A_922 = arith.select %gt3A_915, %select_n3A_921, %select_n3A_874 : vector<16xi1>, vector<16xf32>
      %select_n3A_923 = arith.select %gt3A_914, %select_n3A_880, %broadcast_in_dim3A_908 : vector<16xi1>, vector<16xi32>
      %select_n3A_924 = arith.select %gt3A_915, %select_n3A_923, %select_n3A_876 : vector<16xi1>, vector<16xi32>
      %select_n3A_925 = arith.select %gt3A_913, %select_n3A_882, %get3A_903 : vector<16xi1>, vector<16xf32>
      %select_n3A_926 = arith.select %gt3A_914, %select_n3A_925, %select_n3A_878 : vector<16xi1>, vector<16xf32>
      %select_n3A_927 = arith.select %gt3A_913, %select_n3A_884, %broadcast_in_dim3A_908 : vector<16xi1>, vector<16xi32>
      %select_n3A_928 = arith.select %gt3A_914, %select_n3A_927, %select_n3A_880 : vector<16xi1>, vector<16xi32>
      %select_n3A_929 = arith.select %gt3A_912, %select_n3A_886, %get3A_903 : vector<16xi1>, vector<16xf32>
      %select_n3A_930 = arith.select %gt3A_913, %select_n3A_929, %select_n3A_882 : vector<16xi1>, vector<16xf32>
      %select_n3A_931 = arith.select %gt3A_912, %select_n3A_888, %broadcast_in_dim3A_908 : vector<16xi1>, vector<16xi32>
      %select_n3A_932 = arith.select %gt3A_913, %select_n3A_931, %select_n3A_884 : vector<16xi1>, vector<16xi32>
      %select_n3A_933 = arith.select %gt3A_911, %select_n3A_890, %get3A_903 : vector<16xi1>, vector<16xf32>
      %select_n3A_934 = arith.select %gt3A_912, %select_n3A_933, %select_n3A_886 : vector<16xi1>, vector<16xf32>
      %select_n3A_935 = arith.select %gt3A_911, %select_n3A_892, %broadcast_in_dim3A_908 : vector<16xi1>, vector<16xi32>
      %select_n3A_936 = arith.select %gt3A_912, %select_n3A_935, %select_n3A_888 : vector<16xi1>, vector<16xi32>
      %select_n3A_937 = arith.select %gt3A_910, %select_n3A_894, %get3A_903 : vector<16xi1>, vector<16xf32>
      %select_n3A_938 = arith.select %gt3A_911, %select_n3A_937, %select_n3A_890 : vector<16xi1>, vector<16xf32>
      %select_n3A_939 = arith.select %gt3A_910, %select_n3A_896, %broadcast_in_dim3A_908 : vector<16xi1>, vector<16xi32>
      %select_n3A_940 = arith.select %gt3A_911, %select_n3A_939, %select_n3A_892 : vector<16xi1>, vector<16xi32>
      %select_n3A_941 = arith.select %gt3A_909, %select_n3A_897, %get3A_903 : vector<16xi1>, vector<16xf32>
      %select_n3A_942 = arith.select %gt3A_910, %select_n3A_941, %select_n3A_894 : vector<16xi1>, vector<16xf32>
      %select_n3A_943 = arith.select %gt3A_909, %select_n3A_898, %broadcast_in_dim3A_908 : vector<16xi1>, vector<16xi32>
      %select_n3A_944 = arith.select %gt3A_910, %select_n3A_943, %select_n3A_896 : vector<16xi1>, vector<16xi32>
      %select_n3A_945 = arith.select %gt3A_909, %get3A_903, %select_n3A_897 : vector<16xi1>, vector<16xf32>
      %select_n3A_946 = arith.select %gt3A_909, %broadcast_in_dim3A_908, %select_n3A_898 : vector<16xi1>, vector<16xi32>
      %get3A_947 = arith.constant 11 : i32
      %get3A_948 = arith.index_cast %get3A_947 : i32 to index
      %get3A_949 = arith.index_cast %multiple_of3A : i32 to index
      %get3A_950 = tpu.vector_load %arg5[%get3A_948, %get3A_949] {strides = array<i32>} : memref<64x512xf32, #tpu.memory_space<vmem>>, vector<1x16xf32>,
      %get3A_951 = vector.shape_cast %get3A_950 : vector<1x16xf32> to vector<16xf32>
      %sub3A_952 = arith.subf %get3A_951, %max3A_389 : vector<16xf32>
      %exp3A_953 = math.exp %sub3A_952 : vector<16xf32>
      %add3A_954 = arith.addf %add3A_906, %exp3A_953 : vector<16xf32>
      %broadcast_in_dim3A_955 = arith.constant 11 : i32
      %broadcast_in_dim3A_956 = vector.broadcast %broadcast_in_dim3A_955 : i32 to vector<16xi32>
      %gt3A_957 = arith.cmpf ogt, %get3A_951, %select_n3A_945 : vector<16xf32>
      %gt3A_958 = arith.cmpf ogt, %get3A_951, %select_n3A_942 : vector<16xf32>
      %gt3A_959 = arith.cmpf ogt, %get3A_951, %select_n3A_938 : vector<16xf32>
      %gt3A_960 = arith.cmpf ogt, %get3A_951, %select_n3A_934 : vector<16xf32>
      %gt3A_961 = arith.cmpf ogt, %get3A_951, %select_n3A_930 : vector<16xf32>
      %gt3A_962 = arith.cmpf ogt, %get3A_951, %select_n3A_926 : vector<16xf32>
      %gt3A_963 = arith.cmpf ogt, %get3A_951, %select_n3A_922 : vector<16xf32>
      %gt3A_964 = arith.cmpf ogt, %get3A_951, %select_n3A_918 : vector<16xf32>
      %select_n3A_965 = arith.select %gt3A_963, %select_n3A_922, %get3A_951 : vector<16xi1>, vector<16xf32>
      %select_n3A_966 = arith.select %gt3A_964, %select_n3A_965, %select_n3A_918 : vector<16xi1>, vector<16xf32>
      %select_n3A_967 = arith.select %gt3A_963, %select_n3A_924, %broadcast_in_dim3A_956 : vector<16xi1>, vector<16xi32>
      %select_n3A_968 = arith.select %gt3A_964, %select_n3A_967, %select_n3A_920 : vector<16xi1>, vector<16xi32>
      %select_n3A_969 = arith.select %gt3A_962, %select_n3A_926, %get3A_951 : vector<16xi1>, vector<16xf32>
      %select_n3A_970 = arith.select %gt3A_963, %select_n3A_969, %select_n3A_922 : vector<16xi1>, vector<16xf32>
      %select_n3A_971 = arith.select %gt3A_962, %select_n3A_928, %broadcast_in_dim3A_956 : vector<16xi1>, vector<16xi32>
      %select_n3A_972 = arith.select %gt3A_963, %select_n3A_971, %select_n3A_924 : vector<16xi1>, vector<16xi32>
      %select_n3A_973 = arith.select %gt3A_961, %select_n3A_930, %get3A_951 : vector<16xi1>, vector<16xf32>
      %select_n3A_974 = arith.select %gt3A_962, %select_n3A_973, %select_n3A_926 : vector<16xi1>, vector<16xf32>
      %select_n3A_975 = arith.select %gt3A_961, %select_n3A_932, %broadcast_in_dim3A_956 : vector<16xi1>, vector<16xi32>
      %select_n3A_976 = arith.select %gt3A_962, %select_n3A_975, %select_n3A_928 : vector<16xi1>, vector<16xi32>
      %select_n3A_977 = arith.select %gt3A_960, %select_n3A_934, %get3A_951 : vector<16xi1>, vector<16xf32>
      %select_n3A_978 = arith.select %gt3A_961, %select_n3A_977, %select_n3A_930 : vector<16xi1>, vector<16xf32>
      %select_n3A_979 = arith.select %gt3A_960, %select_n3A_936, %broadcast_in_dim3A_956 : vector<16xi1>, vector<16xi32>
      %select_n3A_980 = arith.select %gt3A_961, %select_n3A_979, %select_n3A_932 : vector<16xi1>, vector<16xi32>
      %select_n3A_981 = arith.select %gt3A_959, %select_n3A_938, %get3A_951 : vector<16xi1>, vector<16xf32>
      %select_n3A_982 = arith.select %gt3A_960, %select_n3A_981, %select_n3A_934 : vector<16xi1>, vector<16xf32>
      %select_n3A_983 = arith.select %gt3A_959, %select_n3A_940, %broadcast_in_dim3A_956 : vector<16xi1>, vector<16xi32>
      %select_n3A_984 = arith.select %gt3A_960, %select_n3A_983, %select_n3A_936 : vector<16xi1>, vector<16xi32>
      %select_n3A_985 = arith.select %gt3A_958, %select_n3A_942, %get3A_951 : vector<16xi1>, vector<16xf32>
      %select_n3A_986 = arith.select %gt3A_959, %select_n3A_985, %select_n3A_938 : vector<16xi1>, vector<16xf32>
      %select_n3A_987 = arith.select %gt3A_958, %select_n3A_944, %broadcast_in_dim3A_956 : vector<16xi1>, vector<16xi32>
      %select_n3A_988 = arith.select %gt3A_959, %select_n3A_987, %select_n3A_940 : vector<16xi1>, vector<16xi32>
      %select_n3A_989 = arith.select %gt3A_957, %select_n3A_945, %get3A_951 : vector<16xi1>, vector<16xf32>
      %select_n3A_990 = arith.select %gt3A_958, %select_n3A_989, %select_n3A_942 : vector<16xi1>, vector<16xf32>
      %select_n3A_991 = arith.select %gt3A_957, %select_n3A_946, %broadcast_in_dim3A_956 : vector<16xi1>, vector<16xi32>
      %select_n3A_992 = arith.select %gt3A_958, %select_n3A_991, %select_n3A_944 : vector<16xi1>, vector<16xi32>
      %select_n3A_993 = arith.select %gt3A_957, %get3A_951, %select_n3A_945 : vector<16xi1>, vector<16xf32>
      %select_n3A_994 = arith.select %gt3A_957, %broadcast_in_dim3A_956, %select_n3A_946 : vector<16xi1>, vector<16xi32>
      %get3A_995 = arith.constant 12 : i32
      %get3A_996 = arith.index_cast %get3A_995 : i32 to index
      %get3A_997 = arith.index_cast %multiple_of3A : i32 to index
      %get3A_998 = tpu.vector_load %arg5[%get3A_996, %get3A_997] {strides = array<i32>} : memref<64x512xf32, #tpu.memory_space<vmem>>, vector<1x16xf32>,
      %get3A_999 = vector.shape_cast %get3A_998 : vector<1x16xf32> to vector<16xf32>
      %sub3A_1000 = arith.subf %get3A_999, %max3A_389 : vector<16xf32>
      %exp3A_1001 = math.exp %sub3A_1000 : vector<16xf32>
      %add3A_1002 = arith.addf %add3A_954, %exp3A_1001 : vector<16xf32>
      %broadcast_in_dim3A_1003 = arith.constant 12 : i32
      %broadcast_in_dim3A_1004 = vector.broadcast %broadcast_in_dim3A_1003 : i32 to vector<16xi32>
      %gt3A_1005 = arith.cmpf ogt, %get3A_999, %select_n3A_993 : vector<16xf32>
      %gt3A_1006 = arith.cmpf ogt, %get3A_999, %select_n3A_990 : vector<16xf32>
      %gt3A_1007 = arith.cmpf ogt, %get3A_999, %select_n3A_986 : vector<16xf32>
      %gt3A_1008 = arith.cmpf ogt, %get3A_999, %select_n3A_982 : vector<16xf32>
      %gt3A_1009 = arith.cmpf ogt, %get3A_999, %select_n3A_978 : vector<16xf32>
      %gt3A_1010 = arith.cmpf ogt, %get3A_999, %select_n3A_974 : vector<16xf32>
      %gt3A_1011 = arith.cmpf ogt, %get3A_999, %select_n3A_970 : vector<16xf32>
      %gt3A_1012 = arith.cmpf ogt, %get3A_999, %select_n3A_966 : vector<16xf32>
      %select_n3A_1013 = arith.select %gt3A_1011, %select_n3A_970, %get3A_999 : vector<16xi1>, vector<16xf32>
      %select_n3A_1014 = arith.select %gt3A_1012, %select_n3A_1013, %select_n3A_966 : vector<16xi1>, vector<16xf32>
      %select_n3A_1015 = arith.select %gt3A_1011, %select_n3A_972, %broadcast_in_dim3A_1004 : vector<16xi1>, vector<16xi32>
      %select_n3A_1016 = arith.select %gt3A_1012, %select_n3A_1015, %select_n3A_968 : vector<16xi1>, vector<16xi32>
      %select_n3A_1017 = arith.select %gt3A_1010, %select_n3A_974, %get3A_999 : vector<16xi1>, vector<16xf32>
      %select_n3A_1018 = arith.select %gt3A_1011, %select_n3A_1017, %select_n3A_970 : vector<16xi1>, vector<16xf32>
      %select_n3A_1019 = arith.select %gt3A_1010, %select_n3A_976, %broadcast_in_dim3A_1004 : vector<16xi1>, vector<16xi32>
      %select_n3A_1020 = arith.select %gt3A_1011, %select_n3A_1019, %select_n3A_972 : vector<16xi1>, vector<16xi32>
      %select_n3A_1021 = arith.select %gt3A_1009, %select_n3A_978, %get3A_999 : vector<16xi1>, vector<16xf32>
      %select_n3A_1022 = arith.select %gt3A_1010, %select_n3A_1021, %select_n3A_974 : vector<16xi1>, vector<16xf32>
      %select_n3A_1023 = arith.select %gt3A_1009, %select_n3A_980, %broadcast_in_dim3A_1004 : vector<16xi1>, vector<16xi32>
      %select_n3A_1024 = arith.select %gt3A_1010, %select_n3A_1023, %select_n3A_976 : vector<16xi1>, vector<16xi32>
      %select_n3A_1025 = arith.select %gt3A_1008, %select_n3A_982, %get3A_999 : vector<16xi1>, vector<16xf32>
      %select_n3A_1026 = arith.select %gt3A_1009, %select_n3A_1025, %select_n3A_978 : vector<16xi1>, vector<16xf32>
      %select_n3A_1027 = arith.select %gt3A_1008, %select_n3A_984, %broadcast_in_dim3A_1004 : vector<16xi1>, vector<16xi32>
      %select_n3A_1028 = arith.select %gt3A_1009, %select_n3A_1027, %select_n3A_980 : vector<16xi1>, vector<16xi32>
      %select_n3A_1029 = arith.select %gt3A_1007, %select_n3A_986, %get3A_999 : vector<16xi1>, vector<16xf32>
      %select_n3A_1030 = arith.select %gt3A_1008, %select_n3A_1029, %select_n3A_982 : vector<16xi1>, vector<16xf32>
      %select_n3A_1031 = arith.select %gt3A_1007, %select_n3A_988, %broadcast_in_dim3A_1004 : vector<16xi1>, vector<16xi32>
      %select_n3A_1032 = arith.select %gt3A_1008, %select_n3A_1031, %select_n3A_984 : vector<16xi1>, vector<16xi32>
      %select_n3A_1033 = arith.select %gt3A_1006, %select_n3A_990, %get3A_999 : vector<16xi1>, vector<16xf32>
      %select_n3A_1034 = arith.select %gt3A_1007, %select_n3A_1033, %select_n3A_986 : vector<16xi1>, vector<16xf32>
      %select_n3A_1035 = arith.select %gt3A_1006, %select_n3A_992, %broadcast_in_dim3A_1004 : vector<16xi1>, vector<16xi32>
      %select_n3A_1036 = arith.select %gt3A_1007, %select_n3A_1035, %select_n3A_988 : vector<16xi1>, vector<16xi32>
      %select_n3A_1037 = arith.select %gt3A_1005, %select_n3A_993, %get3A_999 : vector<16xi1>, vector<16xf32>
      %select_n3A_1038 = arith.select %gt3A_1006, %select_n3A_1037, %select_n3A_990 : vector<16xi1>, vector<16xf32>
      %select_n3A_1039 = arith.select %gt3A_1005, %select_n3A_994, %broadcast_in_dim3A_1004 : vector<16xi1>, vector<16xi32>
      %select_n3A_1040 = arith.select %gt3A_1006, %select_n3A_1039, %select_n3A_992 : vector<16xi1>, vector<16xi32>
      %select_n3A_1041 = arith.select %gt3A_1005, %get3A_999, %select_n3A_993 : vector<16xi1>, vector<16xf32>
      %select_n3A_1042 = arith.select %gt3A_1005, %broadcast_in_dim3A_1004, %select_n3A_994 : vector<16xi1>, vector<16xi32>
      %get3A_1043 = arith.constant 13 : i32
      %get3A_1044 = arith.index_cast %get3A_1043 : i32 to index
      %get3A_1045 = arith.index_cast %multiple_of3A : i32 to index
      %get3A_1046 = tpu.vector_load %arg5[%get3A_1044, %get3A_1045] {strides = array<i32>} : memref<64x512xf32, #tpu.memory_space<vmem>>, vector<1x16xf32>,
      %get3A_1047 = vector.shape_cast %get3A_1046 : vector<1x16xf32> to vector<16xf32>
      %sub3A_1048 = arith.subf %get3A_1047, %max3A_389 : vector<16xf32>
      %exp3A_1049 = math.exp %sub3A_1048 : vector<16xf32>
      %add3A_1050 = arith.addf %add3A_1002, %exp3A_1049 : vector<16xf32>
      %broadcast_in_dim3A_1051 = arith.constant 13 : i32
      %broadcast_in_dim3A_1052 = vector.broadcast %broadcast_in_dim3A_1051 : i32 to vector<16xi32>
      %gt3A_1053 = arith.cmpf ogt, %get3A_1047, %select_n3A_1041 : vector<16xf32>
      %gt3A_1054 = arith.cmpf ogt, %get3A_1047, %select_n3A_1038 : vector<16xf32>
      %gt3A_1055 = arith.cmpf ogt, %get3A_1047, %select_n3A_1034 : vector<16xf32>
      %gt3A_1056 = arith.cmpf ogt, %get3A_1047, %select_n3A_1030 : vector<16xf32>
      %gt3A_1057 = arith.cmpf ogt, %get3A_1047, %select_n3A_1026 : vector<16xf32>
      %gt3A_1058 = arith.cmpf ogt, %get3A_1047, %select_n3A_1022 : vector<16xf32>
      %gt3A_1059 = arith.cmpf ogt, %get3A_1047, %select_n3A_1018 : vector<16xf32>
      %gt3A_1060 = arith.cmpf ogt, %get3A_1047, %select_n3A_1014 : vector<16xf32>
      %select_n3A_1061 = arith.select %gt3A_1059, %select_n3A_1018, %get3A_1047 : vector<16xi1>, vector<16xf32>
      %select_n3A_1062 = arith.select %gt3A_1060, %select_n3A_1061, %select_n3A_1014 : vector<16xi1>, vector<16xf32>
      %select_n3A_1063 = arith.select %gt3A_1059, %select_n3A_1020, %broadcast_in_dim3A_1052 : vector<16xi1>, vector<16xi32>
      %select_n3A_1064 = arith.select %gt3A_1060, %select_n3A_1063, %select_n3A_1016 : vector<16xi1>, vector<16xi32>
      %select_n3A_1065 = arith.select %gt3A_1058, %select_n3A_1022, %get3A_1047 : vector<16xi1>, vector<16xf32>
      %select_n3A_1066 = arith.select %gt3A_1059, %select_n3A_1065, %select_n3A_1018 : vector<16xi1>, vector<16xf32>
      %select_n3A_1067 = arith.select %gt3A_1058, %select_n3A_1024, %broadcast_in_dim3A_1052 : vector<16xi1>, vector<16xi32>
      %select_n3A_1068 = arith.select %gt3A_1059, %select_n3A_1067, %select_n3A_1020 : vector<16xi1>, vector<16xi32>
      %select_n3A_1069 = arith.select %gt3A_1057, %select_n3A_1026, %get3A_1047 : vector<16xi1>, vector<16xf32>
      %select_n3A_1070 = arith.select %gt3A_1058, %select_n3A_1069, %select_n3A_1022 : vector<16xi1>, vector<16xf32>
      %select_n3A_1071 = arith.select %gt3A_1057, %select_n3A_1028, %broadcast_in_dim3A_1052 : vector<16xi1>, vector<16xi32>
      %select_n3A_1072 = arith.select %gt3A_1058, %select_n3A_1071, %select_n3A_1024 : vector<16xi1>, vector<16xi32>
      %select_n3A_1073 = arith.select %gt3A_1056, %select_n3A_1030, %get3A_1047 : vector<16xi1>, vector<16xf32>
      %select_n3A_1074 = arith.select %gt3A_1057, %select_n3A_1073, %select_n3A_1026 : vector<16xi1>, vector<16xf32>
      %select_n3A_1075 = arith.select %gt3A_1056, %select_n3A_1032, %broadcast_in_dim3A_1052 : vector<16xi1>, vector<16xi32>
      %select_n3A_1076 = arith.select %gt3A_1057, %select_n3A_1075, %select_n3A_1028 : vector<16xi1>, vector<16xi32>
      %select_n3A_1077 = arith.select %gt3A_1055, %select_n3A_1034, %get3A_1047 : vector<16xi1>, vector<16xf32>
      %select_n3A_1078 = arith.select %gt3A_1056, %select_n3A_1077, %select_n3A_1030 : vector<16xi1>, vector<16xf32>
      %select_n3A_1079 = arith.select %gt3A_1055, %select_n3A_1036, %broadcast_in_dim3A_1052 : vector<16xi1>, vector<16xi32>
      %select_n3A_1080 = arith.select %gt3A_1056, %select_n3A_1079, %select_n3A_1032 : vector<16xi1>, vector<16xi32>
      %select_n3A_1081 = arith.select %gt3A_1054, %select_n3A_1038, %get3A_1047 : vector<16xi1>, vector<16xf32>
      %select_n3A_1082 = arith.select %gt3A_1055, %select_n3A_1081, %select_n3A_1034 : vector<16xi1>, vector<16xf32>
      %select_n3A_1083 = arith.select %gt3A_1054, %select_n3A_1040, %broadcast_in_dim3A_1052 : vector<16xi1>, vector<16xi32>
      %select_n3A_1084 = arith.select %gt3A_1055, %select_n3A_1083, %select_n3A_1036 : vector<16xi1>, vector<16xi32>
      %select_n3A_1085 = arith.select %gt3A_1053, %select_n3A_1041, %get3A_1047 : vector<16xi1>, vector<16xf32>
      %select_n3A_1086 = arith.select %gt3A_1054, %select_n3A_1085, %select_n3A_1038 : vector<16xi1>, vector<16xf32>
      %select_n3A_1087 = arith.select %gt3A_1053, %select_n3A_1042, %broadcast_in_dim3A_1052 : vector<16xi1>, vector<16xi32>
      %select_n3A_1088 = arith.select %gt3A_1054, %select_n3A_1087, %select_n3A_1040 : vector<16xi1>, vector<16xi32>
      %select_n3A_1089 = arith.select %gt3A_1053, %get3A_1047, %select_n3A_1041 : vector<16xi1>, vector<16xf32>
      %select_n3A_1090 = arith.select %gt3A_1053, %broadcast_in_dim3A_1052, %select_n3A_1042 : vector<16xi1>, vector<16xi32>
      %get3A_1091 = arith.constant 14 : i32
      %get3A_1092 = arith.index_cast %get3A_1091 : i32 to index
      %get3A_1093 = arith.index_cast %multiple_of3A : i32 to index
      %get3A_1094 = tpu.vector_load %arg5[%get3A_1092, %get3A_1093] {strides = array<i32>} : memref<64x512xf32, #tpu.memory_space<vmem>>, vector<1x16xf32>,
      %get3A_1095 = vector.shape_cast %get3A_1094 : vector<1x16xf32> to vector<16xf32>
      %sub3A_1096 = arith.subf %get3A_1095, %max3A_389 : vector<16xf32>
      %exp3A_1097 = math.exp %sub3A_1096 : vector<16xf32>
      %add3A_1098 = arith.addf %add3A_1050, %exp3A_1097 : vector<16xf32>
      %broadcast_in_dim3A_1099 = arith.constant 14 : i32
      %broadcast_in_dim3A_1100 = vector.broadcast %broadcast_in_dim3A_1099 : i32 to vector<16xi32>
      %gt3A_1101 = arith.cmpf ogt, %get3A_1095, %select_n3A_1089 : vector<16xf32>
      %gt3A_1102 = arith.cmpf ogt, %get3A_1095, %select_n3A_1086 : vector<16xf32>
      %gt3A_1103 = arith.cmpf ogt, %get3A_1095, %select_n3A_1082 : vector<16xf32>
      %gt3A_1104 = arith.cmpf ogt, %get3A_1095, %select_n3A_1078 : vector<16xf32>
      %gt3A_1105 = arith.cmpf ogt, %get3A_1095, %select_n3A_1074 : vector<16xf32>
      %gt3A_1106 = arith.cmpf ogt, %get3A_1095, %select_n3A_1070 : vector<16xf32>
      %gt3A_1107 = arith.cmpf ogt, %get3A_1095, %select_n3A_1066 : vector<16xf32>
      %gt3A_1108 = arith.cmpf ogt, %get3A_1095, %select_n3A_1062 : vector<16xf32>
      %select_n3A_1109 = arith.select %gt3A_1107, %select_n3A_1066, %get3A_1095 : vector<16xi1>, vector<16xf32>
      %select_n3A_1110 = arith.select %gt3A_1108, %select_n3A_1109, %select_n3A_1062 : vector<16xi1>, vector<16xf32>
      %select_n3A_1111 = arith.select %gt3A_1107, %select_n3A_1068, %broadcast_in_dim3A_1100 : vector<16xi1>, vector<16xi32>
      %select_n3A_1112 = arith.select %gt3A_1108, %select_n3A_1111, %select_n3A_1064 : vector<16xi1>, vector<16xi32>
      %select_n3A_1113 = arith.select %gt3A_1106, %select_n3A_1070, %get3A_1095 : vector<16xi1>, vector<16xf32>
      %select_n3A_1114 = arith.select %gt3A_1107, %select_n3A_1113, %select_n3A_1066 : vector<16xi1>, vector<16xf32>
      %select_n3A_1115 = arith.select %gt3A_1106, %select_n3A_1072, %broadcast_in_dim3A_1100 : vector<16xi1>, vector<16xi32>
      %select_n3A_1116 = arith.select %gt3A_1107, %select_n3A_1115, %select_n3A_1068 : vector<16xi1>, vector<16xi32>
      %select_n3A_1117 = arith.select %gt3A_1105, %select_n3A_1074, %get3A_1095 : vector<16xi1>, vector<16xf32>
      %select_n3A_1118 = arith.select %gt3A_1106, %select_n3A_1117, %select_n3A_1070 : vector<16xi1>, vector<16xf32>
      %select_n3A_1119 = arith.select %gt3A_1105, %select_n3A_1076, %broadcast_in_dim3A_1100 : vector<16xi1>, vector<16xi32>
      %select_n3A_1120 = arith.select %gt3A_1106, %select_n3A_1119, %select_n3A_1072 : vector<16xi1>, vector<16xi32>
      %select_n3A_1121 = arith.select %gt3A_1104, %select_n3A_1078, %get3A_1095 : vector<16xi1>, vector<16xf32>
      %select_n3A_1122 = arith.select %gt3A_1105, %select_n3A_1121, %select_n3A_1074 : vector<16xi1>, vector<16xf32>
      %select_n3A_1123 = arith.select %gt3A_1104, %select_n3A_1080, %broadcast_in_dim3A_1100 : vector<16xi1>, vector<16xi32>
      %select_n3A_1124 = arith.select %gt3A_1105, %select_n3A_1123, %select_n3A_1076 : vector<16xi1>, vector<16xi32>
      %select_n3A_1125 = arith.select %gt3A_1103, %select_n3A_1082, %get3A_1095 : vector<16xi1>, vector<16xf32>
      %select_n3A_1126 = arith.select %gt3A_1104, %select_n3A_1125, %select_n3A_1078 : vector<16xi1>, vector<16xf32>
      %select_n3A_1127 = arith.select %gt3A_1103, %select_n3A_1084, %broadcast_in_dim3A_1100 : vector<16xi1>, vector<16xi32>
      %select_n3A_1128 = arith.select %gt3A_1104, %select_n3A_1127, %select_n3A_1080 : vector<16xi1>, vector<16xi32>
      %select_n3A_1129 = arith.select %gt3A_1102, %select_n3A_1086, %get3A_1095 : vector<16xi1>, vector<16xf32>
      %select_n3A_1130 = arith.select %gt3A_1103, %select_n3A_1129, %select_n3A_1082 : vector<16xi1>, vector<16xf32>
      %select_n3A_1131 = arith.select %gt3A_1102, %select_n3A_1088, %broadcast_in_dim3A_1100 : vector<16xi1>, vector<16xi32>
      %select_n3A_1132 = arith.select %gt3A_1103, %select_n3A_1131, %select_n3A_1084 : vector<16xi1>, vector<16xi32>
      %select_n3A_1133 = arith.select %gt3A_1101, %select_n3A_1089, %get3A_1095 : vector<16xi1>, vector<16xf32>
      %select_n3A_1134 = arith.select %gt3A_1102, %select_n3A_1133, %select_n3A_1086 : vector<16xi1>, vector<16xf32>
      %select_n3A_1135 = arith.select %gt3A_1101, %select_n3A_1090, %broadcast_in_dim3A_1100 : vector<16xi1>, vector<16xi32>
      %select_n3A_1136 = arith.select %gt3A_1102, %select_n3A_1135, %select_n3A_1088 : vector<16xi1>, vector<16xi32>
      %select_n3A_1137 = arith.select %gt3A_1101, %get3A_1095, %select_n3A_1089 : vector<16xi1>, vector<16xf32>
      %select_n3A_1138 = arith.select %gt3A_1101, %broadcast_in_dim3A_1100, %select_n3A_1090 : vector<16xi1>, vector<16xi32>
      %get3A_1139 = arith.constant 15 : i32
      %get3A_1140 = arith.index_cast %get3A_1139 : i32 to index
      %get3A_1141 = arith.index_cast %multiple_of3A : i32 to index
      %get3A_1142 = tpu.vector_load %arg5[%get3A_1140, %get3A_1141] {strides = array<i32>} : memref<64x512xf32, #tpu.memory_space<vmem>>, vector<1x16xf32>,
      %get3A_1143 = vector.shape_cast %get3A_1142 : vector<1x16xf32> to vector<16xf32>
      %sub3A_1144 = arith.subf %get3A_1143, %max3A_389 : vector<16xf32>
      %exp3A_1145 = math.exp %sub3A_1144 : vector<16xf32>
      %add3A_1146 = arith.addf %add3A_1098, %exp3A_1145 : vector<16xf32>
      %broadcast_in_dim3A_1147 = arith.constant 15 : i32
      %broadcast_in_dim3A_1148 = vector.broadcast %broadcast_in_dim3A_1147 : i32 to vector<16xi32>
      %gt3A_1149 = arith.cmpf ogt, %get3A_1143, %select_n3A_1137 : vector<16xf32>
      %gt3A_1150 = arith.cmpf ogt, %get3A_1143, %select_n3A_1134 : vector<16xf32>
      %gt3A_1151 = arith.cmpf ogt, %get3A_1143, %select_n3A_1130 : vector<16xf32>
      %gt3A_1152 = arith.cmpf ogt, %get3A_1143, %select_n3A_1126 : vector<16xf32>
      %gt3A_1153 = arith.cmpf ogt, %get3A_1143, %select_n3A_1122 : vector<16xf32>
      %gt3A_1154 = arith.cmpf ogt, %get3A_1143, %select_n3A_1118 : vector<16xf32>
      %gt3A_1155 = arith.cmpf ogt, %get3A_1143, %select_n3A_1114 : vector<16xf32>
      %gt3A_1156 = arith.cmpf ogt, %get3A_1143, %select_n3A_1110 : vector<16xf32>
      %select_n3A_1157 = arith.select %gt3A_1155, %select_n3A_1114, %get3A_1143 : vector<16xi1>, vector<16xf32>
      %select_n3A_1158 = arith.select %gt3A_1156, %select_n3A_1157, %select_n3A_1110 : vector<16xi1>, vector<16xf32>
      %select_n3A_1159 = arith.select %gt3A_1155, %select_n3A_1116, %broadcast_in_dim3A_1148 : vector<16xi1>, vector<16xi32>
      %select_n3A_1160 = arith.select %gt3A_1156, %select_n3A_1159, %select_n3A_1112 : vector<16xi1>, vector<16xi32>
      %select_n3A_1161 = arith.select %gt3A_1154, %select_n3A_1118, %get3A_1143 : vector<16xi1>, vector<16xf32>
      %select_n3A_1162 = arith.select %gt3A_1155, %select_n3A_1161, %select_n3A_1114 : vector<16xi1>, vector<16xf32>
      %select_n3A_1163 = arith.select %gt3A_1154, %select_n3A_1120, %broadcast_in_dim3A_1148 : vector<16xi1>, vector<16xi32>
      %select_n3A_1164 = arith.select %gt3A_1155, %select_n3A_1163, %select_n3A_1116 : vector<16xi1>, vector<16xi32>
      %select_n3A_1165 = arith.select %gt3A_1153, %select_n3A_1122, %get3A_1143 : vector<16xi1>, vector<16xf32>
      %select_n3A_1166 = arith.select %gt3A_1154, %select_n3A_1165, %select_n3A_1118 : vector<16xi1>, vector<16xf32>
      %select_n3A_1167 = arith.select %gt3A_1153, %select_n3A_1124, %broadcast_in_dim3A_1148 : vector<16xi1>, vector<16xi32>
      %select_n3A_1168 = arith.select %gt3A_1154, %select_n3A_1167, %select_n3A_1120 : vector<16xi1>, vector<16xi32>
      %select_n3A_1169 = arith.select %gt3A_1152, %select_n3A_1126, %get3A_1143 : vector<16xi1>, vector<16xf32>
      %select_n3A_1170 = arith.select %gt3A_1153, %select_n3A_1169, %select_n3A_1122 : vector<16xi1>, vector<16xf32>
      %select_n3A_1171 = arith.select %gt3A_1152, %select_n3A_1128, %broadcast_in_dim3A_1148 : vector<16xi1>, vector<16xi32>
      %select_n3A_1172 = arith.select %gt3A_1153, %select_n3A_1171, %select_n3A_1124 : vector<16xi1>, vector<16xi32>
      %select_n3A_1173 = arith.select %gt3A_1151, %select_n3A_1130, %get3A_1143 : vector<16xi1>, vector<16xf32>
      %select_n3A_1174 = arith.select %gt3A_1152, %select_n3A_1173, %select_n3A_1126 : vector<16xi1>, vector<16xf32>
      %select_n3A_1175 = arith.select %gt3A_1151, %select_n3A_1132, %broadcast_in_dim3A_1148 : vector<16xi1>, vector<16xi32>
      %select_n3A_1176 = arith.select %gt3A_1152, %select_n3A_1175, %select_n3A_1128 : vector<16xi1>, vector<16xi32>
      %select_n3A_1177 = arith.select %gt3A_1150, %select_n3A_1134, %get3A_1143 : vector<16xi1>, vector<16xf32>
      %select_n3A_1178 = arith.select %gt3A_1151, %select_n3A_1177, %select_n3A_1130 : vector<16xi1>, vector<16xf32>
      %select_n3A_1179 = arith.select %gt3A_1150, %select_n3A_1136, %broadcast_in_dim3A_1148 : vector<16xi1>, vector<16xi32>
      %select_n3A_1180 = arith.select %gt3A_1151, %select_n3A_1179, %select_n3A_1132 : vector<16xi1>, vector<16xi32>
      %select_n3A_1181 = arith.select %gt3A_1149, %select_n3A_1137, %get3A_1143 : vector<16xi1>, vector<16xf32>
      %select_n3A_1182 = arith.select %gt3A_1150, %select_n3A_1181, %select_n3A_1134 : vector<16xi1>, vector<16xf32>
      %select_n3A_1183 = arith.select %gt3A_1149, %select_n3A_1138, %broadcast_in_dim3A_1148 : vector<16xi1>, vector<16xi32>
      %select_n3A_1184 = arith.select %gt3A_1150, %select_n3A_1183, %select_n3A_1136 : vector<16xi1>, vector<16xi32>
      %select_n3A_1185 = arith.select %gt3A_1149, %get3A_1143, %select_n3A_1137 : vector<16xi1>, vector<16xf32>
      %select_n3A_1186 = arith.select %gt3A_1149, %broadcast_in_dim3A_1148, %select_n3A_1138 : vector<16xi1>, vector<16xi32>
      %get3A_1187 = arith.constant 16 : i32
      %get3A_1188 = arith.index_cast %get3A_1187 : i32 to index
      %get3A_1189 = arith.index_cast %multiple_of3A : i32 to index
      %get3A_1190 = tpu.vector_load %arg5[%get3A_1188, %get3A_1189] {strides = array<i32>} : memref<64x512xf32, #tpu.memory_space<vmem>>, vector<1x16xf32>,
      %get3A_1191 = vector.shape_cast %get3A_1190 : vector<1x16xf32> to vector<16xf32>
      %sub3A_1192 = arith.subf %get3A_1191, %max3A_389 : vector<16xf32>
      %exp3A_1193 = math.exp %sub3A_1192 : vector<16xf32>
      %add3A_1194 = arith.addf %add3A_1146, %exp3A_1193 : vector<16xf32>
      %broadcast_in_dim3A_1195 = arith.constant 16 : i32
      %broadcast_in_dim3A_1196 = vector.broadcast %broadcast_in_dim3A_1195 : i32 to vector<16xi32>
      %gt3A_1197 = arith.cmpf ogt, %get3A_1191, %select_n3A_1185 : vector<16xf32>
      %gt3A_1198 = arith.cmpf ogt, %get3A_1191, %select_n3A_1182 : vector<16xf32>
      %gt3A_1199 = arith.cmpf ogt, %get3A_1191, %select_n3A_1178 : vector<16xf32>
      %gt3A_1200 = arith.cmpf ogt, %get3A_1191, %select_n3A_1174 : vector<16xf32>
      %gt3A_1201 = arith.cmpf ogt, %get3A_1191, %select_n3A_1170 : vector<16xf32>
      %gt3A_1202 = arith.cmpf ogt, %get3A_1191, %select_n3A_1166 : vector<16xf32>
      %gt3A_1203 = arith.cmpf ogt, %get3A_1191, %select_n3A_1162 : vector<16xf32>
      %gt3A_1204 = arith.cmpf ogt, %get3A_1191, %select_n3A_1158 : vector<16xf32>
      %select_n3A_1205 = arith.select %gt3A_1203, %select_n3A_1162, %get3A_1191 : vector<16xi1>, vector<16xf32>
      %select_n3A_1206 = arith.select %gt3A_1204, %select_n3A_1205, %select_n3A_1158 : vector<16xi1>, vector<16xf32>
      %select_n3A_1207 = arith.select %gt3A_1203, %select_n3A_1164, %broadcast_in_dim3A_1196 : vector<16xi1>, vector<16xi32>
      %select_n3A_1208 = arith.select %gt3A_1204, %select_n3A_1207, %select_n3A_1160 : vector<16xi1>, vector<16xi32>
      %select_n3A_1209 = arith.select %gt3A_1202, %select_n3A_1166, %get3A_1191 : vector<16xi1>, vector<16xf32>
      %select_n3A_1210 = arith.select %gt3A_1203, %select_n3A_1209, %select_n3A_1162 : vector<16xi1>, vector<16xf32>
      %select_n3A_1211 = arith.select %gt3A_1202, %select_n3A_1168, %broadcast_in_dim3A_1196 : vector<16xi1>, vector<16xi32>
      %select_n3A_1212 = arith.select %gt3A_1203, %select_n3A_1211, %select_n3A_1164 : vector<16xi1>, vector<16xi32>
      %select_n3A_1213 = arith.select %gt3A_1201, %select_n3A_1170, %get3A_1191 : vector<16xi1>, vector<16xf32>
      %select_n3A_1214 = arith.select %gt3A_1202, %select_n3A_1213, %select_n3A_1166 : vector<16xi1>, vector<16xf32>
      %select_n3A_1215 = arith.select %gt3A_1201, %select_n3A_1172, %broadcast_in_dim3A_1196 : vector<16xi1>, vector<16xi32>
      %select_n3A_1216 = arith.select %gt3A_1202, %select_n3A_1215, %select_n3A_1168 : vector<16xi1>, vector<16xi32>
      %select_n3A_1217 = arith.select %gt3A_1200, %select_n3A_1174, %get3A_1191 : vector<16xi1>, vector<16xf32>
      %select_n3A_1218 = arith.select %gt3A_1201, %select_n3A_1217, %select_n3A_1170 : vector<16xi1>, vector<16xf32>
      %select_n3A_1219 = arith.select %gt3A_1200, %select_n3A_1176, %broadcast_in_dim3A_1196 : vector<16xi1>, vector<16xi32>
      %select_n3A_1220 = arith.select %gt3A_1201, %select_n3A_1219, %select_n3A_1172 : vector<16xi1>, vector<16xi32>
      %select_n3A_1221 = arith.select %gt3A_1199, %select_n3A_1178, %get3A_1191 : vector<16xi1>, vector<16xf32>
      %select_n3A_1222 = arith.select %gt3A_1200, %select_n3A_1221, %select_n3A_1174 : vector<16xi1>, vector<16xf32>
      %select_n3A_1223 = arith.select %gt3A_1199, %select_n3A_1180, %broadcast_in_dim3A_1196 : vector<16xi1>, vector<16xi32>
      %select_n3A_1224 = arith.select %gt3A_1200, %select_n3A_1223, %select_n3A_1176 : vector<16xi1>, vector<16xi32>
      %select_n3A_1225 = arith.select %gt3A_1198, %select_n3A_1182, %get3A_1191 : vector<16xi1>, vector<16xf32>
      %select_n3A_1226 = arith.select %gt3A_1199, %select_n3A_1225, %select_n3A_1178 : vector<16xi1>, vector<16xf32>
      %select_n3A_1227 = arith.select %gt3A_1198, %select_n3A_1184, %broadcast_in_dim3A_1196 : vector<16xi1>, vector<16xi32>
      %select_n3A_1228 = arith.select %gt3A_1199, %select_n3A_1227, %select_n3A_1180 : vector<16xi1>, vector<16xi32>
      %select_n3A_1229 = arith.select %gt3A_1197, %select_n3A_1185, %get3A_1191 : vector<16xi1>, vector<16xf32>
      %select_n3A_1230 = arith.select %gt3A_1198, %select_n3A_1229, %select_n3A_1182 : vector<16xi1>, vector<16xf32>
      %select_n3A_1231 = arith.select %gt3A_1197, %select_n3A_1186, %broadcast_in_dim3A_1196 : vector<16xi1>, vector<16xi32>
      %select_n3A_1232 = arith.select %gt3A_1198, %select_n3A_1231, %select_n3A_1184 : vector<16xi1>, vector<16xi32>
      %select_n3A_1233 = arith.select %gt3A_1197, %get3A_1191, %select_n3A_1185 : vector<16xi1>, vector<16xf32>
      %select_n3A_1234 = arith.select %gt3A_1197, %broadcast_in_dim3A_1196, %select_n3A_1186 : vector<16xi1>, vector<16xi32>
      %get3A_1235 = arith.constant 17 : i32
      %get3A_1236 = arith.index_cast %get3A_1235 : i32 to index
      %get3A_1237 = arith.index_cast %multiple_of3A : i32 to index
      %get3A_1238 = tpu.vector_load %arg5[%get3A_1236, %get3A_1237] {strides = array<i32>} : memref<64x512xf32, #tpu.memory_space<vmem>>, vector<1x16xf32>,
      %get3A_1239 = vector.shape_cast %get3A_1238 : vector<1x16xf32> to vector<16xf32>
      %sub3A_1240 = arith.subf %get3A_1239, %max3A_389 : vector<16xf32>
      %exp3A_1241 = math.exp %sub3A_1240 : vector<16xf32>
      %add3A_1242 = arith.addf %add3A_1194, %exp3A_1241 : vector<16xf32>
      %broadcast_in_dim3A_1243 = arith.constant 17 : i32
      %broadcast_in_dim3A_1244 = vector.broadcast %broadcast_in_dim3A_1243 : i32 to vector<16xi32>
      %gt3A_1245 = arith.cmpf ogt, %get3A_1239, %select_n3A_1233 : vector<16xf32>
      %gt3A_1246 = arith.cmpf ogt, %get3A_1239, %select_n3A_1230 : vector<16xf32>
      %gt3A_1247 = arith.cmpf ogt, %get3A_1239, %select_n3A_1226 : vector<16xf32>
      %gt3A_1248 = arith.cmpf ogt, %get3A_1239, %select_n3A_1222 : vector<16xf32>
      %gt3A_1249 = arith.cmpf ogt, %get3A_1239, %select_n3A_1218 : vector<16xf32>
      %gt3A_1250 = arith.cmpf ogt, %get3A_1239, %select_n3A_1214 : vector<16xf32>
      %gt3A_1251 = arith.cmpf ogt, %get3A_1239, %select_n3A_1210 : vector<16xf32>
      %gt3A_1252 = arith.cmpf ogt, %get3A_1239, %select_n3A_1206 : vector<16xf32>
      %select_n3A_1253 = arith.select %gt3A_1251, %select_n3A_1210, %get3A_1239 : vector<16xi1>, vector<16xf32>
      %select_n3A_1254 = arith.select %gt3A_1252, %select_n3A_1253, %select_n3A_1206 : vector<16xi1>, vector<16xf32>
      %select_n3A_1255 = arith.select %gt3A_1251, %select_n3A_1212, %broadcast_in_dim3A_1244 : vector<16xi1>, vector<16xi32>
      %select_n3A_1256 = arith.select %gt3A_1252, %select_n3A_1255, %select_n3A_1208 : vector<16xi1>, vector<16xi32>
      %select_n3A_1257 = arith.select %gt3A_1250, %select_n3A_1214, %get3A_1239 : vector<16xi1>, vector<16xf32>
      %select_n3A_1258 = arith.select %gt3A_1251, %select_n3A_1257, %select_n3A_1210 : vector<16xi1>, vector<16xf32>
      %select_n3A_1259 = arith.select %gt3A_1250, %select_n3A_1216, %broadcast_in_dim3A_1244 : vector<16xi1>, vector<16xi32>
      %select_n3A_1260 = arith.select %gt3A_1251, %select_n3A_1259, %select_n3A_1212 : vector<16xi1>, vector<16xi32>
      %select_n3A_1261 = arith.select %gt3A_1249, %select_n3A_1218, %get3A_1239 : vector<16xi1>, vector<16xf32>
      %select_n3A_1262 = arith.select %gt3A_1250, %select_n3A_1261, %select_n3A_1214 : vector<16xi1>, vector<16xf32>
      %select_n3A_1263 = arith.select %gt3A_1249, %select_n3A_1220, %broadcast_in_dim3A_1244 : vector<16xi1>, vector<16xi32>
      %select_n3A_1264 = arith.select %gt3A_1250, %select_n3A_1263, %select_n3A_1216 : vector<16xi1>, vector<16xi32>
      %select_n3A_1265 = arith.select %gt3A_1248, %select_n3A_1222, %get3A_1239 : vector<16xi1>, vector<16xf32>
      %select_n3A_1266 = arith.select %gt3A_1249, %select_n3A_1265, %select_n3A_1218 : vector<16xi1>, vector<16xf32>
      %select_n3A_1267 = arith.select %gt3A_1248, %select_n3A_1224, %broadcast_in_dim3A_1244 : vector<16xi1>, vector<16xi32>
      %select_n3A_1268 = arith.select %gt3A_1249, %select_n3A_1267, %select_n3A_1220 : vector<16xi1>, vector<16xi32>
      %select_n3A_1269 = arith.select %gt3A_1247, %select_n3A_1226, %get3A_1239 : vector<16xi1>, vector<16xf32>
      %select_n3A_1270 = arith.select %gt3A_1248, %select_n3A_1269, %select_n3A_1222 : vector<16xi1>, vector<16xf32>
      %select_n3A_1271 = arith.select %gt3A_1247, %select_n3A_1228, %broadcast_in_dim3A_1244 : vector<16xi1>, vector<16xi32>
      %select_n3A_1272 = arith.select %gt3A_1248, %select_n3A_1271, %select_n3A_1224 : vector<16xi1>, vector<16xi32>
      %select_n3A_1273 = arith.select %gt3A_1246, %select_n3A_1230, %get3A_1239 : vector<16xi1>, vector<16xf32>
      %select_n3A_1274 = arith.select %gt3A_1247, %select_n3A_1273, %select_n3A_1226 : vector<16xi1>, vector<16xf32>
      %select_n3A_1275 = arith.select %gt3A_1246, %select_n3A_1232, %broadcast_in_dim3A_1244 : vector<16xi1>, vector<16xi32>
      %select_n3A_1276 = arith.select %gt3A_1247, %select_n3A_1275, %select_n3A_1228 : vector<16xi1>, vector<16xi32>
      %select_n3A_1277 = arith.select %gt3A_1245, %select_n3A_1233, %get3A_1239 : vector<16xi1>, vector<16xf32>
      %select_n3A_1278 = arith.select %gt3A_1246, %select_n3A_1277, %select_n3A_1230 : vector<16xi1>, vector<16xf32>
      %select_n3A_1279 = arith.select %gt3A_1245, %select_n3A_1234, %broadcast_in_dim3A_1244 : vector<16xi1>, vector<16xi32>
      %select_n3A_1280 = arith.select %gt3A_1246, %select_n3A_1279, %select_n3A_1232 : vector<16xi1>, vector<16xi32>
      %select_n3A_1281 = arith.select %gt3A_1245, %get3A_1239, %select_n3A_1233 : vector<16xi1>, vector<16xf32>
      %select_n3A_1282 = arith.select %gt3A_1245, %broadcast_in_dim3A_1244, %select_n3A_1234 : vector<16xi1>, vector<16xi32>
      %get3A_1283 = arith.constant 18 : i32
      %get3A_1284 = arith.index_cast %get3A_1283 : i32 to index
      %get3A_1285 = arith.index_cast %multiple_of3A : i32 to index
      %get3A_1286 = tpu.vector_load %arg5[%get3A_1284, %get3A_1285] {strides = array<i32>} : memref<64x512xf32, #tpu.memory_space<vmem>>, vector<1x16xf32>,
      %get3A_1287 = vector.shape_cast %get3A_1286 : vector<1x16xf32> to vector<16xf32>
      %sub3A_1288 = arith.subf %get3A_1287, %max3A_389 : vector<16xf32>
      %exp3A_1289 = math.exp %sub3A_1288 : vector<16xf32>
      %add3A_1290 = arith.addf %add3A_1242, %exp3A_1289 : vector<16xf32>
      %broadcast_in_dim3A_1291 = arith.constant 18 : i32
      %broadcast_in_dim3A_1292 = vector.broadcast %broadcast_in_dim3A_1291 : i32 to vector<16xi32>
      %gt3A_1293 = arith.cmpf ogt, %get3A_1287, %select_n3A_1281 : vector<16xf32>
      %gt3A_1294 = arith.cmpf ogt, %get3A_1287, %select_n3A_1278 : vector<16xf32>
      %gt3A_1295 = arith.cmpf ogt, %get3A_1287, %select_n3A_1274 : vector<16xf32>
      %gt3A_1296 = arith.cmpf ogt, %get3A_1287, %select_n3A_1270 : vector<16xf32>
      %gt3A_1297 = arith.cmpf ogt, %get3A_1287, %select_n3A_1266 : vector<16xf32>
      %gt3A_1298 = arith.cmpf ogt, %get3A_1287, %select_n3A_1262 : vector<16xf32>
      %gt3A_1299 = arith.cmpf ogt, %get3A_1287, %select_n3A_1258 : vector<16xf32>
      %gt3A_1300 = arith.cmpf ogt, %get3A_1287, %select_n3A_1254 : vector<16xf32>
      %select_n3A_1301 = arith.select %gt3A_1299, %select_n3A_1258, %get3A_1287 : vector<16xi1>, vector<16xf32>
      %select_n3A_1302 = arith.select %gt3A_1300, %select_n3A_1301, %select_n3A_1254 : vector<16xi1>, vector<16xf32>
      %select_n3A_1303 = arith.select %gt3A_1299, %select_n3A_1260, %broadcast_in_dim3A_1292 : vector<16xi1>, vector<16xi32>
      %select_n3A_1304 = arith.select %gt3A_1300, %select_n3A_1303, %select_n3A_1256 : vector<16xi1>, vector<16xi32>
      %select_n3A_1305 = arith.select %gt3A_1298, %select_n3A_1262, %get3A_1287 : vector<16xi1>, vector<16xf32>
      %select_n3A_1306 = arith.select %gt3A_1299, %select_n3A_1305, %select_n3A_1258 : vector<16xi1>, vector<16xf32>
      %select_n3A_1307 = arith.select %gt3A_1298, %select_n3A_1264, %broadcast_in_dim3A_1292 : vector<16xi1>, vector<16xi32>
      %select_n3A_1308 = arith.select %gt3A_1299, %select_n3A_1307, %select_n3A_1260 : vector<16xi1>, vector<16xi32>
      %select_n3A_1309 = arith.select %gt3A_1297, %select_n3A_1266, %get3A_1287 : vector<16xi1>, vector<16xf32>
      %select_n3A_1310 = arith.select %gt3A_1298, %select_n3A_1309, %select_n3A_1262 : vector<16xi1>, vector<16xf32>
      %select_n3A_1311 = arith.select %gt3A_1297, %select_n3A_1268, %broadcast_in_dim3A_1292 : vector<16xi1>, vector<16xi32>
      %select_n3A_1312 = arith.select %gt3A_1298, %select_n3A_1311, %select_n3A_1264 : vector<16xi1>, vector<16xi32>
      %select_n3A_1313 = arith.select %gt3A_1296, %select_n3A_1270, %get3A_1287 : vector<16xi1>, vector<16xf32>
      %select_n3A_1314 = arith.select %gt3A_1297, %select_n3A_1313, %select_n3A_1266 : vector<16xi1>, vector<16xf32>
      %select_n3A_1315 = arith.select %gt3A_1296, %select_n3A_1272, %broadcast_in_dim3A_1292 : vector<16xi1>, vector<16xi32>
      %select_n3A_1316 = arith.select %gt3A_1297, %select_n3A_1315, %select_n3A_1268 : vector<16xi1>, vector<16xi32>
      %select_n3A_1317 = arith.select %gt3A_1295, %select_n3A_1274, %get3A_1287 : vector<16xi1>, vector<16xf32>
      %select_n3A_1318 = arith.select %gt3A_1296, %select_n3A_1317, %select_n3A_1270 : vector<16xi1>, vector<16xf32>
      %select_n3A_1319 = arith.select %gt3A_1295, %select_n3A_1276, %broadcast_in_dim3A_1292 : vector<16xi1>, vector<16xi32>
      %select_n3A_1320 = arith.select %gt3A_1296, %select_n3A_1319, %select_n3A_1272 : vector<16xi1>, vector<16xi32>
      %select_n3A_1321 = arith.select %gt3A_1294, %select_n3A_1278, %get3A_1287 : vector<16xi1>, vector<16xf32>
      %select_n3A_1322 = arith.select %gt3A_1295, %select_n3A_1321, %select_n3A_1274 : vector<16xi1>, vector<16xf32>
      %select_n3A_1323 = arith.select %gt3A_1294, %select_n3A_1280, %broadcast_in_dim3A_1292 : vector<16xi1>, vector<16xi32>
      %select_n3A_1324 = arith.select %gt3A_1295, %select_n3A_1323, %select_n3A_1276 : vector<16xi1>, vector<16xi32>
      %select_n3A_1325 = arith.select %gt3A_1293, %select_n3A_1281, %get3A_1287 : vector<16xi1>, vector<16xf32>
      %select_n3A_1326 = arith.select %gt3A_1294, %select_n3A_1325, %select_n3A_1278 : vector<16xi1>, vector<16xf32>
      %select_n3A_1327 = arith.select %gt3A_1293, %select_n3A_1282, %broadcast_in_dim3A_1292 : vector<16xi1>, vector<16xi32>
      %select_n3A_1328 = arith.select %gt3A_1294, %select_n3A_1327, %select_n3A_1280 : vector<16xi1>, vector<16xi32>
      %select_n3A_1329 = arith.select %gt3A_1293, %get3A_1287, %select_n3A_1281 : vector<16xi1>, vector<16xf32>
      %select_n3A_1330 = arith.select %gt3A_1293, %broadcast_in_dim3A_1292, %select_n3A_1282 : vector<16xi1>, vector<16xi32>
      %get3A_1331 = arith.constant 19 : i32
      %get3A_1332 = arith.index_cast %get3A_1331 : i32 to index
      %get3A_1333 = arith.index_cast %multiple_of3A : i32 to index
      %get3A_1334 = tpu.vector_load %arg5[%get3A_1332, %get3A_1333] {strides = array<i32>} : memref<64x512xf32, #tpu.memory_space<vmem>>, vector<1x16xf32>,
      %get3A_1335 = vector.shape_cast %get3A_1334 : vector<1x16xf32> to vector<16xf32>
      %sub3A_1336 = arith.subf %get3A_1335, %max3A_389 : vector<16xf32>
      %exp3A_1337 = math.exp %sub3A_1336 : vector<16xf32>
      %add3A_1338 = arith.addf %add3A_1290, %exp3A_1337 : vector<16xf32>
      %broadcast_in_dim3A_1339 = arith.constant 19 : i32
      %broadcast_in_dim3A_1340 = vector.broadcast %broadcast_in_dim3A_1339 : i32 to vector<16xi32>
      %gt3A_1341 = arith.cmpf ogt, %get3A_1335, %select_n3A_1329 : vector<16xf32>
      %gt3A_1342 = arith.cmpf ogt, %get3A_1335, %select_n3A_1326 : vector<16xf32>
      %gt3A_1343 = arith.cmpf ogt, %get3A_1335, %select_n3A_1322 : vector<16xf32>
      %gt3A_1344 = arith.cmpf ogt, %get3A_1335, %select_n3A_1318 : vector<16xf32>
      %gt3A_1345 = arith.cmpf ogt, %get3A_1335, %select_n3A_1314 : vector<16xf32>
      %gt3A_1346 = arith.cmpf ogt, %get3A_1335, %select_n3A_1310 : vector<16xf32>
      %gt3A_1347 = arith.cmpf ogt, %get3A_1335, %select_n3A_1306 : vector<16xf32>
      %gt3A_1348 = arith.cmpf ogt, %get3A_1335, %select_n3A_1302 : vector<16xf32>
      %select_n3A_1349 = arith.select %gt3A_1347, %select_n3A_1306, %get3A_1335 : vector<16xi1>, vector<16xf32>
      %select_n3A_1350 = arith.select %gt3A_1348, %select_n3A_1349, %select_n3A_1302 : vector<16xi1>, vector<16xf32>
      %select_n3A_1351 = arith.select %gt3A_1347, %select_n3A_1308, %broadcast_in_dim3A_1340 : vector<16xi1>, vector<16xi32>
      %select_n3A_1352 = arith.select %gt3A_1348, %select_n3A_1351, %select_n3A_1304 : vector<16xi1>, vector<16xi32>
      %select_n3A_1353 = arith.select %gt3A_1346, %select_n3A_1310, %get3A_1335 : vector<16xi1>, vector<16xf32>
      %select_n3A_1354 = arith.select %gt3A_1347, %select_n3A_1353, %select_n3A_1306 : vector<16xi1>, vector<16xf32>
      %select_n3A_1355 = arith.select %gt3A_1346, %select_n3A_1312, %broadcast_in_dim3A_1340 : vector<16xi1>, vector<16xi32>
      %select_n3A_1356 = arith.select %gt3A_1347, %select_n3A_1355, %select_n3A_1308 : vector<16xi1>, vector<16xi32>
      %select_n3A_1357 = arith.select %gt3A_1345, %select_n3A_1314, %get3A_1335 : vector<16xi1>, vector<16xf32>
      %select_n3A_1358 = arith.select %gt3A_1346, %select_n3A_1357, %select_n3A_1310 : vector<16xi1>, vector<16xf32>
      %select_n3A_1359 = arith.select %gt3A_1345, %select_n3A_1316, %broadcast_in_dim3A_1340 : vector<16xi1>, vector<16xi32>
      %select_n3A_1360 = arith.select %gt3A_1346, %select_n3A_1359, %select_n3A_1312 : vector<16xi1>, vector<16xi32>
      %select_n3A_1361 = arith.select %gt3A_1344, %select_n3A_1318, %get3A_1335 : vector<16xi1>, vector<16xf32>
      %select_n3A_1362 = arith.select %gt3A_1345, %select_n3A_1361, %select_n3A_1314 : vector<16xi1>, vector<16xf32>
      %select_n3A_1363 = arith.select %gt3A_1344, %select_n3A_1320, %broadcast_in_dim3A_1340 : vector<16xi1>, vector<16xi32>
      %select_n3A_1364 = arith.select %gt3A_1345, %select_n3A_1363, %select_n3A_1316 : vector<16xi1>, vector<16xi32>
      %select_n3A_1365 = arith.select %gt3A_1343, %select_n3A_1322, %get3A_1335 : vector<16xi1>, vector<16xf32>
      %select_n3A_1366 = arith.select %gt3A_1344, %select_n3A_1365, %select_n3A_1318 : vector<16xi1>, vector<16xf32>
      %select_n3A_1367 = arith.select %gt3A_1343, %select_n3A_1324, %broadcast_in_dim3A_1340 : vector<16xi1>, vector<16xi32>
      %select_n3A_1368 = arith.select %gt3A_1344, %select_n3A_1367, %select_n3A_1320 : vector<16xi1>, vector<16xi32>
      %select_n3A_1369 = arith.select %gt3A_1342, %select_n3A_1326, %get3A_1335 : vector<16xi1>, vector<16xf32>
      %select_n3A_1370 = arith.select %gt3A_1343, %select_n3A_1369, %select_n3A_1322 : vector<16xi1>, vector<16xf32>
      %select_n3A_1371 = arith.select %gt3A_1342, %select_n3A_1328, %broadcast_in_dim3A_1340 : vector<16xi1>, vector<16xi32>
      %select_n3A_1372 = arith.select %gt3A_1343, %select_n3A_1371, %select_n3A_1324 : vector<16xi1>, vector<16xi32>
      %select_n3A_1373 = arith.select %gt3A_1341, %select_n3A_1329, %get3A_1335 : vector<16xi1>, vector<16xf32>
      %select_n3A_1374 = arith.select %gt3A_1342, %select_n3A_1373, %select_n3A_1326 : vector<16xi1>, vector<16xf32>
      %select_n3A_1375 = arith.select %gt3A_1341, %select_n3A_1330, %broadcast_in_dim3A_1340 : vector<16xi1>, vector<16xi32>
      %select_n3A_1376 = arith.select %gt3A_1342, %select_n3A_1375, %select_n3A_1328 : vector<16xi1>, vector<16xi32>
      %select_n3A_1377 = arith.select %gt3A_1341, %get3A_1335, %select_n3A_1329 : vector<16xi1>, vector<16xf32>
      %select_n3A_1378 = arith.select %gt3A_1341, %broadcast_in_dim3A_1340, %select_n3A_1330 : vector<16xi1>, vector<16xi32>
      %get3A_1379 = arith.constant 20 : i32
      %get3A_1380 = arith.index_cast %get3A_1379 : i32 to index
      %get3A_1381 = arith.index_cast %multiple_of3A : i32 to index
      %get3A_1382 = tpu.vector_load %arg5[%get3A_1380, %get3A_1381] {strides = array<i32>} : memref<64x512xf32, #tpu.memory_space<vmem>>, vector<1x16xf32>,
      %get3A_1383 = vector.shape_cast %get3A_1382 : vector<1x16xf32> to vector<16xf32>
      %sub3A_1384 = arith.subf %get3A_1383, %max3A_389 : vector<16xf32>
      %exp3A_1385 = math.exp %sub3A_1384 : vector<16xf32>
      %add3A_1386 = arith.addf %add3A_1338, %exp3A_1385 : vector<16xf32>
      %broadcast_in_dim3A_1387 = arith.constant 20 : i32
      %broadcast_in_dim3A_1388 = vector.broadcast %broadcast_in_dim3A_1387 : i32 to vector<16xi32>
      %gt3A_1389 = arith.cmpf ogt, %get3A_1383, %select_n3A_1377 : vector<16xf32>
      %gt3A_1390 = arith.cmpf ogt, %get3A_1383, %select_n3A_1374 : vector<16xf32>
      %gt3A_1391 = arith.cmpf ogt, %get3A_1383, %select_n3A_1370 : vector<16xf32>
      %gt3A_1392 = arith.cmpf ogt, %get3A_1383, %select_n3A_1366 : vector<16xf32>
      %gt3A_1393 = arith.cmpf ogt, %get3A_1383, %select_n3A_1362 : vector<16xf32>
      %gt3A_1394 = arith.cmpf ogt, %get3A_1383, %select_n3A_1358 : vector<16xf32>
      %gt3A_1395 = arith.cmpf ogt, %get3A_1383, %select_n3A_1354 : vector<16xf32>
      %gt3A_1396 = arith.cmpf ogt, %get3A_1383, %select_n3A_1350 : vector<16xf32>
      %select_n3A_1397 = arith.select %gt3A_1395, %select_n3A_1354, %get3A_1383 : vector<16xi1>, vector<16xf32>
      %select_n3A_1398 = arith.select %gt3A_1396, %select_n3A_1397, %select_n3A_1350 : vector<16xi1>, vector<16xf32>
      %select_n3A_1399 = arith.select %gt3A_1395, %select_n3A_1356, %broadcast_in_dim3A_1388 : vector<16xi1>, vector<16xi32>
      %select_n3A_1400 = arith.select %gt3A_1396, %select_n3A_1399, %select_n3A_1352 : vector<16xi1>, vector<16xi32>
      %select_n3A_1401 = arith.select %gt3A_1394, %select_n3A_1358, %get3A_1383 : vector<16xi1>, vector<16xf32>
      %select_n3A_1402 = arith.select %gt3A_1395, %select_n3A_1401, %select_n3A_1354 : vector<16xi1>, vector<16xf32>
      %select_n3A_1403 = arith.select %gt3A_1394, %select_n3A_1360, %broadcast_in_dim3A_1388 : vector<16xi1>, vector<16xi32>
      %select_n3A_1404 = arith.select %gt3A_1395, %select_n3A_1403, %select_n3A_1356 : vector<16xi1>, vector<16xi32>
      %select_n3A_1405 = arith.select %gt3A_1393, %select_n3A_1362, %get3A_1383 : vector<16xi1>, vector<16xf32>
      %select_n3A_1406 = arith.select %gt3A_1394, %select_n3A_1405, %select_n3A_1358 : vector<16xi1>, vector<16xf32>
      %select_n3A_1407 = arith.select %gt3A_1393, %select_n3A_1364, %broadcast_in_dim3A_1388 : vector<16xi1>, vector<16xi32>
      %select_n3A_1408 = arith.select %gt3A_1394, %select_n3A_1407, %select_n3A_1360 : vector<16xi1>, vector<16xi32>
      %select_n3A_1409 = arith.select %gt3A_1392, %select_n3A_1366, %get3A_1383 : vector<16xi1>, vector<16xf32>
      %select_n3A_1410 = arith.select %gt3A_1393, %select_n3A_1409, %select_n3A_1362 : vector<16xi1>, vector<16xf32>
      %select_n3A_1411 = arith.select %gt3A_1392, %select_n3A_1368, %broadcast_in_dim3A_1388 : vector<16xi1>, vector<16xi32>
      %select_n3A_1412 = arith.select %gt3A_1393, %select_n3A_1411, %select_n3A_1364 : vector<16xi1>, vector<16xi32>
      %select_n3A_1413 = arith.select %gt3A_1391, %select_n3A_1370, %get3A_1383 : vector<16xi1>, vector<16xf32>
      %select_n3A_1414 = arith.select %gt3A_1392, %select_n3A_1413, %select_n3A_1366 : vector<16xi1>, vector<16xf32>
      %select_n3A_1415 = arith.select %gt3A_1391, %select_n3A_1372, %broadcast_in_dim3A_1388 : vector<16xi1>, vector<16xi32>
      %select_n3A_1416 = arith.select %gt3A_1392, %select_n3A_1415, %select_n3A_1368 : vector<16xi1>, vector<16xi32>
      %select_n3A_1417 = arith.select %gt3A_1390, %select_n3A_1374, %get3A_1383 : vector<16xi1>, vector<16xf32>
      %select_n3A_1418 = arith.select %gt3A_1391, %select_n3A_1417, %select_n3A_1370 : vector<16xi1>, vector<16xf32>
      %select_n3A_1419 = arith.select %gt3A_1390, %select_n3A_1376, %broadcast_in_dim3A_1388 : vector<16xi1>, vector<16xi32>
      %select_n3A_1420 = arith.select %gt3A_1391, %select_n3A_1419, %select_n3A_1372 : vector<16xi1>, vector<16xi32>
      %select_n3A_1421 = arith.select %gt3A_1389, %select_n3A_1377, %get3A_1383 : vector<16xi1>, vector<16xf32>
      %select_n3A_1422 = arith.select %gt3A_1390, %select_n3A_1421, %select_n3A_1374 : vector<16xi1>, vector<16xf32>
      %select_n3A_1423 = arith.select %gt3A_1389, %select_n3A_1378, %broadcast_in_dim3A_1388 : vector<16xi1>, vector<16xi32>
      %select_n3A_1424 = arith.select %gt3A_1390, %select_n3A_1423, %select_n3A_1376 : vector<16xi1>, vector<16xi32>
      %select_n3A_1425 = arith.select %gt3A_1389, %get3A_1383, %select_n3A_1377 : vector<16xi1>, vector<16xf32>
      %select_n3A_1426 = arith.select %gt3A_1389, %broadcast_in_dim3A_1388, %select_n3A_1378 : vector<16xi1>, vector<16xi32>
      %get3A_1427 = arith.constant 21 : i32
      %get3A_1428 = arith.index_cast %get3A_1427 : i32 to index
      %get3A_1429 = arith.index_cast %multiple_of3A : i32 to index
      %get3A_1430 = tpu.vector_load %arg5[%get3A_1428, %get3A_1429] {strides = array<i32>} : memref<64x512xf32, #tpu.memory_space<vmem>>, vector<1x16xf32>,
      %get3A_1431 = vector.shape_cast %get3A_1430 : vector<1x16xf32> to vector<16xf32>
      %sub3A_1432 = arith.subf %get3A_1431, %max3A_389 : vector<16xf32>
      %exp3A_1433 = math.exp %sub3A_1432 : vector<16xf32>
      %add3A_1434 = arith.addf %add3A_1386, %exp3A_1433 : vector<16xf32>
      %broadcast_in_dim3A_1435 = arith.constant 21 : i32
      %broadcast_in_dim3A_1436 = vector.broadcast %broadcast_in_dim3A_1435 : i32 to vector<16xi32>
      %gt3A_1437 = arith.cmpf ogt, %get3A_1431, %select_n3A_1425 : vector<16xf32>
      %gt3A_1438 = arith.cmpf ogt, %get3A_1431, %select_n3A_1422 : vector<16xf32>
      %gt3A_1439 = arith.cmpf ogt, %get3A_1431, %select_n3A_1418 : vector<16xf32>
      %gt3A_1440 = arith.cmpf ogt, %get3A_1431, %select_n3A_1414 : vector<16xf32>
      %gt3A_1441 = arith.cmpf ogt, %get3A_1431, %select_n3A_1410 : vector<16xf32>
      %gt3A_1442 = arith.cmpf ogt, %get3A_1431, %select_n3A_1406 : vector<16xf32>
      %gt3A_1443 = arith.cmpf ogt, %get3A_1431, %select_n3A_1402 : vector<16xf32>
      %gt3A_1444 = arith.cmpf ogt, %get3A_1431, %select_n3A_1398 : vector<16xf32>
      %select_n3A_1445 = arith.select %gt3A_1443, %select_n3A_1402, %get3A_1431 : vector<16xi1>, vector<16xf32>
      %select_n3A_1446 = arith.select %gt3A_1444, %select_n3A_1445, %select_n3A_1398 : vector<16xi1>, vector<16xf32>
      %select_n3A_1447 = arith.select %gt3A_1443, %select_n3A_1404, %broadcast_in_dim3A_1436 : vector<16xi1>, vector<16xi32>
      %select_n3A_1448 = arith.select %gt3A_1444, %select_n3A_1447, %select_n3A_1400 : vector<16xi1>, vector<16xi32>
      %select_n3A_1449 = arith.select %gt3A_1442, %select_n3A_1406, %get3A_1431 : vector<16xi1>, vector<16xf32>
      %select_n3A_1450 = arith.select %gt3A_1443, %select_n3A_1449, %select_n3A_1402 : vector<16xi1>, vector<16xf32>
      %select_n3A_1451 = arith.select %gt3A_1442, %select_n3A_1408, %broadcast_in_dim3A_1436 : vector<16xi1>, vector<16xi32>
      %select_n3A_1452 = arith.select %gt3A_1443, %select_n3A_1451, %select_n3A_1404 : vector<16xi1>, vector<16xi32>
      %select_n3A_1453 = arith.select %gt3A_1441, %select_n3A_1410, %get3A_1431 : vector<16xi1>, vector<16xf32>
      %select_n3A_1454 = arith.select %gt3A_1442, %select_n3A_1453, %select_n3A_1406 : vector<16xi1>, vector<16xf32>
      %select_n3A_1455 = arith.select %gt3A_1441, %select_n3A_1412, %broadcast_in_dim3A_1436 : vector<16xi1>, vector<16xi32>
      %select_n3A_1456 = arith.select %gt3A_1442, %select_n3A_1455, %select_n3A_1408 : vector<16xi1>, vector<16xi32>
      %select_n3A_1457 = arith.select %gt3A_1440, %select_n3A_1414, %get3A_1431 : vector<16xi1>, vector<16xf32>
      %select_n3A_1458 = arith.select %gt3A_1441, %select_n3A_1457, %select_n3A_1410 : vector<16xi1>, vector<16xf32>
      %select_n3A_1459 = arith.select %gt3A_1440, %select_n3A_1416, %broadcast_in_dim3A_1436 : vector<16xi1>, vector<16xi32>
      %select_n3A_1460 = arith.select %gt3A_1441, %select_n3A_1459, %select_n3A_1412 : vector<16xi1>, vector<16xi32>
      %select_n3A_1461 = arith.select %gt3A_1439, %select_n3A_1418, %get3A_1431 : vector<16xi1>, vector<16xf32>
      %select_n3A_1462 = arith.select %gt3A_1440, %select_n3A_1461, %select_n3A_1414 : vector<16xi1>, vector<16xf32>
      %select_n3A_1463 = arith.select %gt3A_1439, %select_n3A_1420, %broadcast_in_dim3A_1436 : vector<16xi1>, vector<16xi32>
      %select_n3A_1464 = arith.select %gt3A_1440, %select_n3A_1463, %select_n3A_1416 : vector<16xi1>, vector<16xi32>
      %select_n3A_1465 = arith.select %gt3A_1438, %select_n3A_1422, %get3A_1431 : vector<16xi1>, vector<16xf32>
      %select_n3A_1466 = arith.select %gt3A_1439, %select_n3A_1465, %select_n3A_1418 : vector<16xi1>, vector<16xf32>
      %select_n3A_1467 = arith.select %gt3A_1438, %select_n3A_1424, %broadcast_in_dim3A_1436 : vector<16xi1>, vector<16xi32>
      %select_n3A_1468 = arith.select %gt3A_1439, %select_n3A_1467, %select_n3A_1420 : vector<16xi1>, vector<16xi32>
      %select_n3A_1469 = arith.select %gt3A_1437, %select_n3A_1425, %get3A_1431 : vector<16xi1>, vector<16xf32>
      %select_n3A_1470 = arith.select %gt3A_1438, %select_n3A_1469, %select_n3A_1422 : vector<16xi1>, vector<16xf32>
      %select_n3A_1471 = arith.select %gt3A_1437, %select_n3A_1426, %broadcast_in_dim3A_1436 : vector<16xi1>, vector<16xi32>
      %select_n3A_1472 = arith.select %gt3A_1438, %select_n3A_1471, %select_n3A_1424 : vector<16xi1>, vector<16xi32>
      %select_n3A_1473 = arith.select %gt3A_1437, %get3A_1431, %select_n3A_1425 : vector<16xi1>, vector<16xf32>
      %select_n3A_1474 = arith.select %gt3A_1437, %broadcast_in_dim3A_1436, %select_n3A_1426 : vector<16xi1>, vector<16xi32>
      %get3A_1475 = arith.constant 22 : i32
      %get3A_1476 = arith.index_cast %get3A_1475 : i32 to index
      %get3A_1477 = arith.index_cast %multiple_of3A : i32 to index
      %get3A_1478 = tpu.vector_load %arg5[%get3A_1476, %get3A_1477] {strides = array<i32>} : memref<64x512xf32, #tpu.memory_space<vmem>>, vector<1x16xf32>,
      %get3A_1479 = vector.shape_cast %get3A_1478 : vector<1x16xf32> to vector<16xf32>
      %sub3A_1480 = arith.subf %get3A_1479, %max3A_389 : vector<16xf32>
      %exp3A_1481 = math.exp %sub3A_1480 : vector<16xf32>
      %add3A_1482 = arith.addf %add3A_1434, %exp3A_1481 : vector<16xf32>
      %broadcast_in_dim3A_1483 = arith.constant 22 : i32
      %broadcast_in_dim3A_1484 = vector.broadcast %broadcast_in_dim3A_1483 : i32 to vector<16xi32>
      %gt3A_1485 = arith.cmpf ogt, %get3A_1479, %select_n3A_1473 : vector<16xf32>
      %gt3A_1486 = arith.cmpf ogt, %get3A_1479, %select_n3A_1470 : vector<16xf32>
      %gt3A_1487 = arith.cmpf ogt, %get3A_1479, %select_n3A_1466 : vector<16xf32>
      %gt3A_1488 = arith.cmpf ogt, %get3A_1479, %select_n3A_1462 : vector<16xf32>
      %gt3A_1489 = arith.cmpf ogt, %get3A_1479, %select_n3A_1458 : vector<16xf32>
      %gt3A_1490 = arith.cmpf ogt, %get3A_1479, %select_n3A_1454 : vector<16xf32>
      %gt3A_1491 = arith.cmpf ogt, %get3A_1479, %select_n3A_1450 : vector<16xf32>
      %gt3A_1492 = arith.cmpf ogt, %get3A_1479, %select_n3A_1446 : vector<16xf32>
      %select_n3A_1493 = arith.select %gt3A_1491, %select_n3A_1450, %get3A_1479 : vector<16xi1>, vector<16xf32>
      %select_n3A_1494 = arith.select %gt3A_1492, %select_n3A_1493, %select_n3A_1446 : vector<16xi1>, vector<16xf32>
      %select_n3A_1495 = arith.select %gt3A_1491, %select_n3A_1452, %broadcast_in_dim3A_1484 : vector<16xi1>, vector<16xi32>
      %select_n3A_1496 = arith.select %gt3A_1492, %select_n3A_1495, %select_n3A_1448 : vector<16xi1>, vector<16xi32>
      %select_n3A_1497 = arith.select %gt3A_1490, %select_n3A_1454, %get3A_1479 : vector<16xi1>, vector<16xf32>
      %select_n3A_1498 = arith.select %gt3A_1491, %select_n3A_1497, %select_n3A_1450 : vector<16xi1>, vector<16xf32>
      %select_n3A_1499 = arith.select %gt3A_1490, %select_n3A_1456, %broadcast_in_dim3A_1484 : vector<16xi1>, vector<16xi32>
      %select_n3A_1500 = arith.select %gt3A_1491, %select_n3A_1499, %select_n3A_1452 : vector<16xi1>, vector<16xi32>
      %select_n3A_1501 = arith.select %gt3A_1489, %select_n3A_1458, %get3A_1479 : vector<16xi1>, vector<16xf32>
      %select_n3A_1502 = arith.select %gt3A_1490, %select_n3A_1501, %select_n3A_1454 : vector<16xi1>, vector<16xf32>
      %select_n3A_1503 = arith.select %gt3A_1489, %select_n3A_1460, %broadcast_in_dim3A_1484 : vector<16xi1>, vector<16xi32>
      %select_n3A_1504 = arith.select %gt3A_1490, %select_n3A_1503, %select_n3A_1456 : vector<16xi1>, vector<16xi32>
      %select_n3A_1505 = arith.select %gt3A_1488, %select_n3A_1462, %get3A_1479 : vector<16xi1>, vector<16xf32>
      %select_n3A_1506 = arith.select %gt3A_1489, %select_n3A_1505, %select_n3A_1458 : vector<16xi1>, vector<16xf32>
      %select_n3A_1507 = arith.select %gt3A_1488, %select_n3A_1464, %broadcast_in_dim3A_1484 : vector<16xi1>, vector<16xi32>
      %select_n3A_1508 = arith.select %gt3A_1489, %select_n3A_1507, %select_n3A_1460 : vector<16xi1>, vector<16xi32>
      %select_n3A_1509 = arith.select %gt3A_1487, %select_n3A_1466, %get3A_1479 : vector<16xi1>, vector<16xf32>
      %select_n3A_1510 = arith.select %gt3A_1488, %select_n3A_1509, %select_n3A_1462 : vector<16xi1>, vector<16xf32>
      %select_n3A_1511 = arith.select %gt3A_1487, %select_n3A_1468, %broadcast_in_dim3A_1484 : vector<16xi1>, vector<16xi32>
      %select_n3A_1512 = arith.select %gt3A_1488, %select_n3A_1511, %select_n3A_1464 : vector<16xi1>, vector<16xi32>
      %select_n3A_1513 = arith.select %gt3A_1486, %select_n3A_1470, %get3A_1479 : vector<16xi1>, vector<16xf32>
      %select_n3A_1514 = arith.select %gt3A_1487, %select_n3A_1513, %select_n3A_1466 : vector<16xi1>, vector<16xf32>
      %select_n3A_1515 = arith.select %gt3A_1486, %select_n3A_1472, %broadcast_in_dim3A_1484 : vector<16xi1>, vector<16xi32>
      %select_n3A_1516 = arith.select %gt3A_1487, %select_n3A_1515, %select_n3A_1468 : vector<16xi1>, vector<16xi32>
      %select_n3A_1517 = arith.select %gt3A_1485, %select_n3A_1473, %get3A_1479 : vector<16xi1>, vector<16xf32>
      %select_n3A_1518 = arith.select %gt3A_1486, %select_n3A_1517, %select_n3A_1470 : vector<16xi1>, vector<16xf32>
      %select_n3A_1519 = arith.select %gt3A_1485, %select_n3A_1474, %broadcast_in_dim3A_1484 : vector<16xi1>, vector<16xi32>
      %select_n3A_1520 = arith.select %gt3A_1486, %select_n3A_1519, %select_n3A_1472 : vector<16xi1>, vector<16xi32>
      %select_n3A_1521 = arith.select %gt3A_1485, %get3A_1479, %select_n3A_1473 : vector<16xi1>, vector<16xf32>
      %select_n3A_1522 = arith.select %gt3A_1485, %broadcast_in_dim3A_1484, %select_n3A_1474 : vector<16xi1>, vector<16xi32>
      %get3A_1523 = arith.constant 23 : i32
      %get3A_1524 = arith.index_cast %get3A_1523 : i32 to index
      %get3A_1525 = arith.index_cast %multiple_of3A : i32 to index
      %get3A_1526 = tpu.vector_load %arg5[%get3A_1524, %get3A_1525] {strides = array<i32>} : memref<64x512xf32, #tpu.memory_space<vmem>>, vector<1x16xf32>,
      %get3A_1527 = vector.shape_cast %get3A_1526 : vector<1x16xf32> to vector<16xf32>
      %sub3A_1528 = arith.subf %get3A_1527, %max3A_389 : vector<16xf32>
      %exp3A_1529 = math.exp %sub3A_1528 : vector<16xf32>
      %add3A_1530 = arith.addf %add3A_1482, %exp3A_1529 : vector<16xf32>
      %broadcast_in_dim3A_1531 = arith.constant 23 : i32
      %broadcast_in_dim3A_1532 = vector.broadcast %broadcast_in_dim3A_1531 : i32 to vector<16xi32>
      %gt3A_1533 = arith.cmpf ogt, %get3A_1527, %select_n3A_1521 : vector<16xf32>
      %gt3A_1534 = arith.cmpf ogt, %get3A_1527, %select_n3A_1518 : vector<16xf32>
      %gt3A_1535 = arith.cmpf ogt, %get3A_1527, %select_n3A_1514 : vector<16xf32>
      %gt3A_1536 = arith.cmpf ogt, %get3A_1527, %select_n3A_1510 : vector<16xf32>
      %gt3A_1537 = arith.cmpf ogt, %get3A_1527, %select_n3A_1506 : vector<16xf32>
      %gt3A_1538 = arith.cmpf ogt, %get3A_1527, %select_n3A_1502 : vector<16xf32>
      %gt3A_1539 = arith.cmpf ogt, %get3A_1527, %select_n3A_1498 : vector<16xf32>
      %gt3A_1540 = arith.cmpf ogt, %get3A_1527, %select_n3A_1494 : vector<16xf32>
      %select_n3A_1541 = arith.select %gt3A_1539, %select_n3A_1498, %get3A_1527 : vector<16xi1>, vector<16xf32>
      %select_n3A_1542 = arith.select %gt3A_1540, %select_n3A_1541, %select_n3A_1494 : vector<16xi1>, vector<16xf32>
      %select_n3A_1543 = arith.select %gt3A_1539, %select_n3A_1500, %broadcast_in_dim3A_1532 : vector<16xi1>, vector<16xi32>
      %select_n3A_1544 = arith.select %gt3A_1540, %select_n3A_1543, %select_n3A_1496 : vector<16xi1>, vector<16xi32>
      %select_n3A_1545 = arith.select %gt3A_1538, %select_n3A_1502, %get3A_1527 : vector<16xi1>, vector<16xf32>
      %select_n3A_1546 = arith.select %gt3A_1539, %select_n3A_1545, %select_n3A_1498 : vector<16xi1>, vector<16xf32>
      %select_n3A_1547 = arith.select %gt3A_1538, %select_n3A_1504, %broadcast_in_dim3A_1532 : vector<16xi1>, vector<16xi32>
      %select_n3A_1548 = arith.select %gt3A_1539, %select_n3A_1547, %select_n3A_1500 : vector<16xi1>, vector<16xi32>
      %select_n3A_1549 = arith.select %gt3A_1537, %select_n3A_1506, %get3A_1527 : vector<16xi1>, vector<16xf32>
      %select_n3A_1550 = arith.select %gt3A_1538, %select_n3A_1549, %select_n3A_1502 : vector<16xi1>, vector<16xf32>
      %select_n3A_1551 = arith.select %gt3A_1537, %select_n3A_1508, %broadcast_in_dim3A_1532 : vector<16xi1>, vector<16xi32>
      %select_n3A_1552 = arith.select %gt3A_1538, %select_n3A_1551, %select_n3A_1504 : vector<16xi1>, vector<16xi32>
      %select_n3A_1553 = arith.select %gt3A_1536, %select_n3A_1510, %get3A_1527 : vector<16xi1>, vector<16xf32>
      %select_n3A_1554 = arith.select %gt3A_1537, %select_n3A_1553, %select_n3A_1506 : vector<16xi1>, vector<16xf32>
      %select_n3A_1555 = arith.select %gt3A_1536, %select_n3A_1512, %broadcast_in_dim3A_1532 : vector<16xi1>, vector<16xi32>
      %select_n3A_1556 = arith.select %gt3A_1537, %select_n3A_1555, %select_n3A_1508 : vector<16xi1>, vector<16xi32>
      %select_n3A_1557 = arith.select %gt3A_1535, %select_n3A_1514, %get3A_1527 : vector<16xi1>, vector<16xf32>
      %select_n3A_1558 = arith.select %gt3A_1536, %select_n3A_1557, %select_n3A_1510 : vector<16xi1>, vector<16xf32>
      %select_n3A_1559 = arith.select %gt3A_1535, %select_n3A_1516, %broadcast_in_dim3A_1532 : vector<16xi1>, vector<16xi32>
      %select_n3A_1560 = arith.select %gt3A_1536, %select_n3A_1559, %select_n3A_1512 : vector<16xi1>, vector<16xi32>
      %select_n3A_1561 = arith.select %gt3A_1534, %select_n3A_1518, %get3A_1527 : vector<16xi1>, vector<16xf32>
      %select_n3A_1562 = arith.select %gt3A_1535, %select_n3A_1561, %select_n3A_1514 : vector<16xi1>, vector<16xf32>
      %select_n3A_1563 = arith.select %gt3A_1534, %select_n3A_1520, %broadcast_in_dim3A_1532 : vector<16xi1>, vector<16xi32>
      %select_n3A_1564 = arith.select %gt3A_1535, %select_n3A_1563, %select_n3A_1516 : vector<16xi1>, vector<16xi32>
      %select_n3A_1565 = arith.select %gt3A_1533, %select_n3A_1521, %get3A_1527 : vector<16xi1>, vector<16xf32>
      %select_n3A_1566 = arith.select %gt3A_1534, %select_n3A_1565, %select_n3A_1518 : vector<16xi1>, vector<16xf32>
      %select_n3A_1567 = arith.select %gt3A_1533, %select_n3A_1522, %broadcast_in_dim3A_1532 : vector<16xi1>, vector<16xi32>
      %select_n3A_1568 = arith.select %gt3A_1534, %select_n3A_1567, %select_n3A_1520 : vector<16xi1>, vector<16xi32>
      %select_n3A_1569 = arith.select %gt3A_1533, %get3A_1527, %select_n3A_1521 : vector<16xi1>, vector<16xf32>
      %select_n3A_1570 = arith.select %gt3A_1533, %broadcast_in_dim3A_1532, %select_n3A_1522 : vector<16xi1>, vector<16xi32>
      %get3A_1571 = arith.constant 24 : i32
      %get3A_1572 = arith.index_cast %get3A_1571 : i32 to index
      %get3A_1573 = arith.index_cast %multiple_of3A : i32 to index
      %get3A_1574 = tpu.vector_load %arg5[%get3A_1572, %get3A_1573] {strides = array<i32>} : memref<64x512xf32, #tpu.memory_space<vmem>>, vector<1x16xf32>,
      %get3A_1575 = vector.shape_cast %get3A_1574 : vector<1x16xf32> to vector<16xf32>
      %sub3A_1576 = arith.subf %get3A_1575, %max3A_389 : vector<16xf32>
      %exp3A_1577 = math.exp %sub3A_1576 : vector<16xf32>
      %add3A_1578 = arith.addf %add3A_1530, %exp3A_1577 : vector<16xf32>
      %broadcast_in_dim3A_1579 = arith.constant 24 : i32
      %broadcast_in_dim3A_1580 = vector.broadcast %broadcast_in_dim3A_1579 : i32 to vector<16xi32>
      %gt3A_1581 = arith.cmpf ogt, %get3A_1575, %select_n3A_1569 : vector<16xf32>
      %gt3A_1582 = arith.cmpf ogt, %get3A_1575, %select_n3A_1566 : vector<16xf32>
      %gt3A_1583 = arith.cmpf ogt, %get3A_1575, %select_n3A_1562 : vector<16xf32>
      %gt3A_1584 = arith.cmpf ogt, %get3A_1575, %select_n3A_1558 : vector<16xf32>
      %gt3A_1585 = arith.cmpf ogt, %get3A_1575, %select_n3A_1554 : vector<16xf32>
      %gt3A_1586 = arith.cmpf ogt, %get3A_1575, %select_n3A_1550 : vector<16xf32>
      %gt3A_1587 = arith.cmpf ogt, %get3A_1575, %select_n3A_1546 : vector<16xf32>
      %gt3A_1588 = arith.cmpf ogt, %get3A_1575, %select_n3A_1542 : vector<16xf32>
      %select_n3A_1589 = arith.select %gt3A_1587, %select_n3A_1546, %get3A_1575 : vector<16xi1>, vector<16xf32>
      %select_n3A_1590 = arith.select %gt3A_1588, %select_n3A_1589, %select_n3A_1542 : vector<16xi1>, vector<16xf32>
      %select_n3A_1591 = arith.select %gt3A_1587, %select_n3A_1548, %broadcast_in_dim3A_1580 : vector<16xi1>, vector<16xi32>
      %select_n3A_1592 = arith.select %gt3A_1588, %select_n3A_1591, %select_n3A_1544 : vector<16xi1>, vector<16xi32>
      %select_n3A_1593 = arith.select %gt3A_1586, %select_n3A_1550, %get3A_1575 : vector<16xi1>, vector<16xf32>
      %select_n3A_1594 = arith.select %gt3A_1587, %select_n3A_1593, %select_n3A_1546 : vector<16xi1>, vector<16xf32>
      %select_n3A_1595 = arith.select %gt3A_1586, %select_n3A_1552, %broadcast_in_dim3A_1580 : vector<16xi1>, vector<16xi32>
      %select_n3A_1596 = arith.select %gt3A_1587, %select_n3A_1595, %select_n3A_1548 : vector<16xi1>, vector<16xi32>
      %select_n3A_1597 = arith.select %gt3A_1585, %select_n3A_1554, %get3A_1575 : vector<16xi1>, vector<16xf32>
      %select_n3A_1598 = arith.select %gt3A_1586, %select_n3A_1597, %select_n3A_1550 : vector<16xi1>, vector<16xf32>
      %select_n3A_1599 = arith.select %gt3A_1585, %select_n3A_1556, %broadcast_in_dim3A_1580 : vector<16xi1>, vector<16xi32>
      %select_n3A_1600 = arith.select %gt3A_1586, %select_n3A_1599, %select_n3A_1552 : vector<16xi1>, vector<16xi32>
      %select_n3A_1601 = arith.select %gt3A_1584, %select_n3A_1558, %get3A_1575 : vector<16xi1>, vector<16xf32>
      %select_n3A_1602 = arith.select %gt3A_1585, %select_n3A_1601, %select_n3A_1554 : vector<16xi1>, vector<16xf32>
      %select_n3A_1603 = arith.select %gt3A_1584, %select_n3A_1560, %broadcast_in_dim3A_1580 : vector<16xi1>, vector<16xi32>
      %select_n3A_1604 = arith.select %gt3A_1585, %select_n3A_1603, %select_n3A_1556 : vector<16xi1>, vector<16xi32>
      %select_n3A_1605 = arith.select %gt3A_1583, %select_n3A_1562, %get3A_1575 : vector<16xi1>, vector<16xf32>
      %select_n3A_1606 = arith.select %gt3A_1584, %select_n3A_1605, %select_n3A_1558 : vector<16xi1>, vector<16xf32>
      %select_n3A_1607 = arith.select %gt3A_1583, %select_n3A_1564, %broadcast_in_dim3A_1580 : vector<16xi1>, vector<16xi32>
      %select_n3A_1608 = arith.select %gt3A_1584, %select_n3A_1607, %select_n3A_1560 : vector<16xi1>, vector<16xi32>
      %select_n3A_1609 = arith.select %gt3A_1582, %select_n3A_1566, %get3A_1575 : vector<16xi1>, vector<16xf32>
      %select_n3A_1610 = arith.select %gt3A_1583, %select_n3A_1609, %select_n3A_1562 : vector<16xi1>, vector<16xf32>
      %select_n3A_1611 = arith.select %gt3A_1582, %select_n3A_1568, %broadcast_in_dim3A_1580 : vector<16xi1>, vector<16xi32>
      %select_n3A_1612 = arith.select %gt3A_1583, %select_n3A_1611, %select_n3A_1564 : vector<16xi1>, vector<16xi32>
      %select_n3A_1613 = arith.select %gt3A_1581, %select_n3A_1569, %get3A_1575 : vector<16xi1>, vector<16xf32>
      %select_n3A_1614 = arith.select %gt3A_1582, %select_n3A_1613, %select_n3A_1566 : vector<16xi1>, vector<16xf32>
      %select_n3A_1615 = arith.select %gt3A_1581, %select_n3A_1570, %broadcast_in_dim3A_1580 : vector<16xi1>, vector<16xi32>
      %select_n3A_1616 = arith.select %gt3A_1582, %select_n3A_1615, %select_n3A_1568 : vector<16xi1>, vector<16xi32>
      %select_n3A_1617 = arith.select %gt3A_1581, %get3A_1575, %select_n3A_1569 : vector<16xi1>, vector<16xf32>
      %select_n3A_1618 = arith.select %gt3A_1581, %broadcast_in_dim3A_1580, %select_n3A_1570 : vector<16xi1>, vector<16xi32>
      %get3A_1619 = arith.constant 25 : i32
      %get3A_1620 = arith.index_cast %get3A_1619 : i32 to index
      %get3A_1621 = arith.index_cast %multiple_of3A : i32 to index
      %get3A_1622 = tpu.vector_load %arg5[%get3A_1620, %get3A_1621] {strides = array<i32>} : memref<64x512xf32, #tpu.memory_space<vmem>>, vector<1x16xf32>,
      %get3A_1623 = vector.shape_cast %get3A_1622 : vector<1x16xf32> to vector<16xf32>
      %sub3A_1624 = arith.subf %get3A_1623, %max3A_389 : vector<16xf32>
      %exp3A_1625 = math.exp %sub3A_1624 : vector<16xf32>
      %add3A_1626 = arith.addf %add3A_1578, %exp3A_1625 : vector<16xf32>
      %broadcast_in_dim3A_1627 = arith.constant 25 : i32
      %broadcast_in_dim3A_1628 = vector.broadcast %broadcast_in_dim3A_1627 : i32 to vector<16xi32>
      %gt3A_1629 = arith.cmpf ogt, %get3A_1623, %select_n3A_1617 : vector<16xf32>
      %gt3A_1630 = arith.cmpf ogt, %get3A_1623, %select_n3A_1614 : vector<16xf32>
      %gt3A_1631 = arith.cmpf ogt, %get3A_1623, %select_n3A_1610 : vector<16xf32>
      %gt3A_1632 = arith.cmpf ogt, %get3A_1623, %select_n3A_1606 : vector<16xf32>
      %gt3A_1633 = arith.cmpf ogt, %get3A_1623, %select_n3A_1602 : vector<16xf32>
      %gt3A_1634 = arith.cmpf ogt, %get3A_1623, %select_n3A_1598 : vector<16xf32>
      %gt3A_1635 = arith.cmpf ogt, %get3A_1623, %select_n3A_1594 : vector<16xf32>
      %gt3A_1636 = arith.cmpf ogt, %get3A_1623, %select_n3A_1590 : vector<16xf32>
      %select_n3A_1637 = arith.select %gt3A_1635, %select_n3A_1594, %get3A_1623 : vector<16xi1>, vector<16xf32>
      %select_n3A_1638 = arith.select %gt3A_1636, %select_n3A_1637, %select_n3A_1590 : vector<16xi1>, vector<16xf32>
      %select_n3A_1639 = arith.select %gt3A_1635, %select_n3A_1596, %broadcast_in_dim3A_1628 : vector<16xi1>, vector<16xi32>
      %select_n3A_1640 = arith.select %gt3A_1636, %select_n3A_1639, %select_n3A_1592 : vector<16xi1>, vector<16xi32>
      %select_n3A_1641 = arith.select %gt3A_1634, %select_n3A_1598, %get3A_1623 : vector<16xi1>, vector<16xf32>
      %select_n3A_1642 = arith.select %gt3A_1635, %select_n3A_1641, %select_n3A_1594 : vector<16xi1>, vector<16xf32>
      %select_n3A_1643 = arith.select %gt3A_1634, %select_n3A_1600, %broadcast_in_dim3A_1628 : vector<16xi1>, vector<16xi32>
      %select_n3A_1644 = arith.select %gt3A_1635, %select_n3A_1643, %select_n3A_1596 : vector<16xi1>, vector<16xi32>
      %select_n3A_1645 = arith.select %gt3A_1633, %select_n3A_1602, %get3A_1623 : vector<16xi1>, vector<16xf32>
      %select_n3A_1646 = arith.select %gt3A_1634, %select_n3A_1645, %select_n3A_1598 : vector<16xi1>, vector<16xf32>
      %select_n3A_1647 = arith.select %gt3A_1633, %select_n3A_1604, %broadcast_in_dim3A_1628 : vector<16xi1>, vector<16xi32>
      %select_n3A_1648 = arith.select %gt3A_1634, %select_n3A_1647, %select_n3A_1600 : vector<16xi1>, vector<16xi32>
      %select_n3A_1649 = arith.select %gt3A_1632, %select_n3A_1606, %get3A_1623 : vector<16xi1>, vector<16xf32>
      %select_n3A_1650 = arith.select %gt3A_1633, %select_n3A_1649, %select_n3A_1602 : vector<16xi1>, vector<16xf32>
      %select_n3A_1651 = arith.select %gt3A_1632, %select_n3A_1608, %broadcast_in_dim3A_1628 : vector<16xi1>, vector<16xi32>
      %select_n3A_1652 = arith.select %gt3A_1633, %select_n3A_1651, %select_n3A_1604 : vector<16xi1>, vector<16xi32>
      %select_n3A_1653 = arith.select %gt3A_1631, %select_n3A_1610, %get3A_1623 : vector<16xi1>, vector<16xf32>
      %select_n3A_1654 = arith.select %gt3A_1632, %select_n3A_1653, %select_n3A_1606 : vector<16xi1>, vector<16xf32>
      %select_n3A_1655 = arith.select %gt3A_1631, %select_n3A_1612, %broadcast_in_dim3A_1628 : vector<16xi1>, vector<16xi32>
      %select_n3A_1656 = arith.select %gt3A_1632, %select_n3A_1655, %select_n3A_1608 : vector<16xi1>, vector<16xi32>
      %select_n3A_1657 = arith.select %gt3A_1630, %select_n3A_1614, %get3A_1623 : vector<16xi1>, vector<16xf32>
      %select_n3A_1658 = arith.select %gt3A_1631, %select_n3A_1657, %select_n3A_1610 : vector<16xi1>, vector<16xf32>
      %select_n3A_1659 = arith.select %gt3A_1630, %select_n3A_1616, %broadcast_in_dim3A_1628 : vector<16xi1>, vector<16xi32>
      %select_n3A_1660 = arith.select %gt3A_1631, %select_n3A_1659, %select_n3A_1612 : vector<16xi1>, vector<16xi32>
      %select_n3A_1661 = arith.select %gt3A_1629, %select_n3A_1617, %get3A_1623 : vector<16xi1>, vector<16xf32>
      %select_n3A_1662 = arith.select %gt3A_1630, %select_n3A_1661, %select_n3A_1614 : vector<16xi1>, vector<16xf32>
      %select_n3A_1663 = arith.select %gt3A_1629, %select_n3A_1618, %broadcast_in_dim3A_1628 : vector<16xi1>, vector<16xi32>
      %select_n3A_1664 = arith.select %gt3A_1630, %select_n3A_1663, %select_n3A_1616 : vector<16xi1>, vector<16xi32>
      %select_n3A_1665 = arith.select %gt3A_1629, %get3A_1623, %select_n3A_1617 : vector<16xi1>, vector<16xf32>
      %select_n3A_1666 = arith.select %gt3A_1629, %broadcast_in_dim3A_1628, %select_n3A_1618 : vector<16xi1>, vector<16xi32>
      %get3A_1667 = arith.constant 26 : i32
      %get3A_1668 = arith.index_cast %get3A_1667 : i32 to index
      %get3A_1669 = arith.index_cast %multiple_of3A : i32 to index
      %get3A_1670 = tpu.vector_load %arg5[%get3A_1668, %get3A_1669] {strides = array<i32>} : memref<64x512xf32, #tpu.memory_space<vmem>>, vector<1x16xf32>,
      %get3A_1671 = vector.shape_cast %get3A_1670 : vector<1x16xf32> to vector<16xf32>
      %sub3A_1672 = arith.subf %get3A_1671, %max3A_389 : vector<16xf32>
      %exp3A_1673 = math.exp %sub3A_1672 : vector<16xf32>
      %add3A_1674 = arith.addf %add3A_1626, %exp3A_1673 : vector<16xf32>
      %broadcast_in_dim3A_1675 = arith.constant 26 : i32
      %broadcast_in_dim3A_1676 = vector.broadcast %broadcast_in_dim3A_1675 : i32 to vector<16xi32>
      %gt3A_1677 = arith.cmpf ogt, %get3A_1671, %select_n3A_1665 : vector<16xf32>
      %gt3A_1678 = arith.cmpf ogt, %get3A_1671, %select_n3A_1662 : vector<16xf32>
      %gt3A_1679 = arith.cmpf ogt, %get3A_1671, %select_n3A_1658 : vector<16xf32>
      %gt3A_1680 = arith.cmpf ogt, %get3A_1671, %select_n3A_1654 : vector<16xf32>
      %gt3A_1681 = arith.cmpf ogt, %get3A_1671, %select_n3A_1650 : vector<16xf32>
      %gt3A_1682 = arith.cmpf ogt, %get3A_1671, %select_n3A_1646 : vector<16xf32>
      %gt3A_1683 = arith.cmpf ogt, %get3A_1671, %select_n3A_1642 : vector<16xf32>
      %gt3A_1684 = arith.cmpf ogt, %get3A_1671, %select_n3A_1638 : vector<16xf32>
      %select_n3A_1685 = arith.select %gt3A_1683, %select_n3A_1642, %get3A_1671 : vector<16xi1>, vector<16xf32>
      %select_n3A_1686 = arith.select %gt3A_1684, %select_n3A_1685, %select_n3A_1638 : vector<16xi1>, vector<16xf32>
      %select_n3A_1687 = arith.select %gt3A_1683, %select_n3A_1644, %broadcast_in_dim3A_1676 : vector<16xi1>, vector<16xi32>
      %select_n3A_1688 = arith.select %gt3A_1684, %select_n3A_1687, %select_n3A_1640 : vector<16xi1>, vector<16xi32>
      %select_n3A_1689 = arith.select %gt3A_1682, %select_n3A_1646, %get3A_1671 : vector<16xi1>, vector<16xf32>
      %select_n3A_1690 = arith.select %gt3A_1683, %select_n3A_1689, %select_n3A_1642 : vector<16xi1>, vector<16xf32>
      %select_n3A_1691 = arith.select %gt3A_1682, %select_n3A_1648, %broadcast_in_dim3A_1676 : vector<16xi1>, vector<16xi32>
      %select_n3A_1692 = arith.select %gt3A_1683, %select_n3A_1691, %select_n3A_1644 : vector<16xi1>, vector<16xi32>
      %select_n3A_1693 = arith.select %gt3A_1681, %select_n3A_1650, %get3A_1671 : vector<16xi1>, vector<16xf32>
      %select_n3A_1694 = arith.select %gt3A_1682, %select_n3A_1693, %select_n3A_1646 : vector<16xi1>, vector<16xf32>
      %select_n3A_1695 = arith.select %gt3A_1681, %select_n3A_1652, %broadcast_in_dim3A_1676 : vector<16xi1>, vector<16xi32>
      %select_n3A_1696 = arith.select %gt3A_1682, %select_n3A_1695, %select_n3A_1648 : vector<16xi1>, vector<16xi32>
      %select_n3A_1697 = arith.select %gt3A_1680, %select_n3A_1654, %get3A_1671 : vector<16xi1>, vector<16xf32>
      %select_n3A_1698 = arith.select %gt3A_1681, %select_n3A_1697, %select_n3A_1650 : vector<16xi1>, vector<16xf32>
      %select_n3A_1699 = arith.select %gt3A_1680, %select_n3A_1656, %broadcast_in_dim3A_1676 : vector<16xi1>, vector<16xi32>
      %select_n3A_1700 = arith.select %gt3A_1681, %select_n3A_1699, %select_n3A_1652 : vector<16xi1>, vector<16xi32>
      %select_n3A_1701 = arith.select %gt3A_1679, %select_n3A_1658, %get3A_1671 : vector<16xi1>, vector<16xf32>
      %select_n3A_1702 = arith.select %gt3A_1680, %select_n3A_1701, %select_n3A_1654 : vector<16xi1>, vector<16xf32>
      %select_n3A_1703 = arith.select %gt3A_1679, %select_n3A_1660, %broadcast_in_dim3A_1676 : vector<16xi1>, vector<16xi32>
      %select_n3A_1704 = arith.select %gt3A_1680, %select_n3A_1703, %select_n3A_1656 : vector<16xi1>, vector<16xi32>
      %select_n3A_1705 = arith.select %gt3A_1678, %select_n3A_1662, %get3A_1671 : vector<16xi1>, vector<16xf32>
      %select_n3A_1706 = arith.select %gt3A_1679, %select_n3A_1705, %select_n3A_1658 : vector<16xi1>, vector<16xf32>
      %select_n3A_1707 = arith.select %gt3A_1678, %select_n3A_1664, %broadcast_in_dim3A_1676 : vector<16xi1>, vector<16xi32>
      %select_n3A_1708 = arith.select %gt3A_1679, %select_n3A_1707, %select_n3A_1660 : vector<16xi1>, vector<16xi32>
      %select_n3A_1709 = arith.select %gt3A_1677, %select_n3A_1665, %get3A_1671 : vector<16xi1>, vector<16xf32>
      %select_n3A_1710 = arith.select %gt3A_1678, %select_n3A_1709, %select_n3A_1662 : vector<16xi1>, vector<16xf32>
      %select_n3A_1711 = arith.select %gt3A_1677, %select_n3A_1666, %broadcast_in_dim3A_1676 : vector<16xi1>, vector<16xi32>
      %select_n3A_1712 = arith.select %gt3A_1678, %select_n3A_1711, %select_n3A_1664 : vector<16xi1>, vector<16xi32>
      %select_n3A_1713 = arith.select %gt3A_1677, %get3A_1671, %select_n3A_1665 : vector<16xi1>, vector<16xf32>
      %select_n3A_1714 = arith.select %gt3A_1677, %broadcast_in_dim3A_1676, %select_n3A_1666 : vector<16xi1>, vector<16xi32>
      %get3A_1715 = arith.constant 27 : i32
      %get3A_1716 = arith.index_cast %get3A_1715 : i32 to index
      %get3A_1717 = arith.index_cast %multiple_of3A : i32 to index
      %get3A_1718 = tpu.vector_load %arg5[%get3A_1716, %get3A_1717] {strides = array<i32>} : memref<64x512xf32, #tpu.memory_space<vmem>>, vector<1x16xf32>,
      %get3A_1719 = vector.shape_cast %get3A_1718 : vector<1x16xf32> to vector<16xf32>
      %sub3A_1720 = arith.subf %get3A_1719, %max3A_389 : vector<16xf32>
      %exp3A_1721 = math.exp %sub3A_1720 : vector<16xf32>
      %add3A_1722 = arith.addf %add3A_1674, %exp3A_1721 : vector<16xf32>
      %broadcast_in_dim3A_1723 = arith.constant 27 : i32
      %broadcast_in_dim3A_1724 = vector.broadcast %broadcast_in_dim3A_1723 : i32 to vector<16xi32>
      %gt3A_1725 = arith.cmpf ogt, %get3A_1719, %select_n3A_1713 : vector<16xf32>
      %gt3A_1726 = arith.cmpf ogt, %get3A_1719, %select_n3A_1710 : vector<16xf32>
      %gt3A_1727 = arith.cmpf ogt, %get3A_1719, %select_n3A_1706 : vector<16xf32>
      %gt3A_1728 = arith.cmpf ogt, %get3A_1719, %select_n3A_1702 : vector<16xf32>
      %gt3A_1729 = arith.cmpf ogt, %get3A_1719, %select_n3A_1698 : vector<16xf32>
      %gt3A_1730 = arith.cmpf ogt, %get3A_1719, %select_n3A_1694 : vector<16xf32>
      %gt3A_1731 = arith.cmpf ogt, %get3A_1719, %select_n3A_1690 : vector<16xf32>
      %gt3A_1732 = arith.cmpf ogt, %get3A_1719, %select_n3A_1686 : vector<16xf32>
      %select_n3A_1733 = arith.select %gt3A_1731, %select_n3A_1690, %get3A_1719 : vector<16xi1>, vector<16xf32>
      %select_n3A_1734 = arith.select %gt3A_1732, %select_n3A_1733, %select_n3A_1686 : vector<16xi1>, vector<16xf32>
      %select_n3A_1735 = arith.select %gt3A_1731, %select_n3A_1692, %broadcast_in_dim3A_1724 : vector<16xi1>, vector<16xi32>
      %select_n3A_1736 = arith.select %gt3A_1732, %select_n3A_1735, %select_n3A_1688 : vector<16xi1>, vector<16xi32>
      %select_n3A_1737 = arith.select %gt3A_1730, %select_n3A_1694, %get3A_1719 : vector<16xi1>, vector<16xf32>
      %select_n3A_1738 = arith.select %gt3A_1731, %select_n3A_1737, %select_n3A_1690 : vector<16xi1>, vector<16xf32>
      %select_n3A_1739 = arith.select %gt3A_1730, %select_n3A_1696, %broadcast_in_dim3A_1724 : vector<16xi1>, vector<16xi32>
      %select_n3A_1740 = arith.select %gt3A_1731, %select_n3A_1739, %select_n3A_1692 : vector<16xi1>, vector<16xi32>
      %select_n3A_1741 = arith.select %gt3A_1729, %select_n3A_1698, %get3A_1719 : vector<16xi1>, vector<16xf32>
      %select_n3A_1742 = arith.select %gt3A_1730, %select_n3A_1741, %select_n3A_1694 : vector<16xi1>, vector<16xf32>
      %select_n3A_1743 = arith.select %gt3A_1729, %select_n3A_1700, %broadcast_in_dim3A_1724 : vector<16xi1>, vector<16xi32>
      %select_n3A_1744 = arith.select %gt3A_1730, %select_n3A_1743, %select_n3A_1696 : vector<16xi1>, vector<16xi32>
      %select_n3A_1745 = arith.select %gt3A_1728, %select_n3A_1702, %get3A_1719 : vector<16xi1>, vector<16xf32>
      %select_n3A_1746 = arith.select %gt3A_1729, %select_n3A_1745, %select_n3A_1698 : vector<16xi1>, vector<16xf32>
      %select_n3A_1747 = arith.select %gt3A_1728, %select_n3A_1704, %broadcast_in_dim3A_1724 : vector<16xi1>, vector<16xi32>
      %select_n3A_1748 = arith.select %gt3A_1729, %select_n3A_1747, %select_n3A_1700 : vector<16xi1>, vector<16xi32>
      %select_n3A_1749 = arith.select %gt3A_1727, %select_n3A_1706, %get3A_1719 : vector<16xi1>, vector<16xf32>
      %select_n3A_1750 = arith.select %gt3A_1728, %select_n3A_1749, %select_n3A_1702 : vector<16xi1>, vector<16xf32>
      %select_n3A_1751 = arith.select %gt3A_1727, %select_n3A_1708, %broadcast_in_dim3A_1724 : vector<16xi1>, vector<16xi32>
      %select_n3A_1752 = arith.select %gt3A_1728, %select_n3A_1751, %select_n3A_1704 : vector<16xi1>, vector<16xi32>
      %select_n3A_1753 = arith.select %gt3A_1726, %select_n3A_1710, %get3A_1719 : vector<16xi1>, vector<16xf32>
      %select_n3A_1754 = arith.select %gt3A_1727, %select_n3A_1753, %select_n3A_1706 : vector<16xi1>, vector<16xf32>
      %select_n3A_1755 = arith.select %gt3A_1726, %select_n3A_1712, %broadcast_in_dim3A_1724 : vector<16xi1>, vector<16xi32>
      %select_n3A_1756 = arith.select %gt3A_1727, %select_n3A_1755, %select_n3A_1708 : vector<16xi1>, vector<16xi32>
      %select_n3A_1757 = arith.select %gt3A_1725, %select_n3A_1713, %get3A_1719 : vector<16xi1>, vector<16xf32>
      %select_n3A_1758 = arith.select %gt3A_1726, %select_n3A_1757, %select_n3A_1710 : vector<16xi1>, vector<16xf32>
      %select_n3A_1759 = arith.select %gt3A_1725, %select_n3A_1714, %broadcast_in_dim3A_1724 : vector<16xi1>, vector<16xi32>
      %select_n3A_1760 = arith.select %gt3A_1726, %select_n3A_1759, %select_n3A_1712 : vector<16xi1>, vector<16xi32>
      %select_n3A_1761 = arith.select %gt3A_1725, %get3A_1719, %select_n3A_1713 : vector<16xi1>, vector<16xf32>
      %select_n3A_1762 = arith.select %gt3A_1725, %broadcast_in_dim3A_1724, %select_n3A_1714 : vector<16xi1>, vector<16xi32>
      %get3A_1763 = arith.constant 28 : i32
      %get3A_1764 = arith.index_cast %get3A_1763 : i32 to index
      %get3A_1765 = arith.index_cast %multiple_of3A : i32 to index
      %get3A_1766 = tpu.vector_load %arg5[%get3A_1764, %get3A_1765] {strides = array<i32>} : memref<64x512xf32, #tpu.memory_space<vmem>>, vector<1x16xf32>,
      %get3A_1767 = vector.shape_cast %get3A_1766 : vector<1x16xf32> to vector<16xf32>
      %sub3A_1768 = arith.subf %get3A_1767, %max3A_389 : vector<16xf32>
      %exp3A_1769 = math.exp %sub3A_1768 : vector<16xf32>
      %add3A_1770 = arith.addf %add3A_1722, %exp3A_1769 : vector<16xf32>
      %broadcast_in_dim3A_1771 = arith.constant 28 : i32
      %broadcast_in_dim3A_1772 = vector.broadcast %broadcast_in_dim3A_1771 : i32 to vector<16xi32>
      %gt3A_1773 = arith.cmpf ogt, %get3A_1767, %select_n3A_1761 : vector<16xf32>
      %gt3A_1774 = arith.cmpf ogt, %get3A_1767, %select_n3A_1758 : vector<16xf32>
      %gt3A_1775 = arith.cmpf ogt, %get3A_1767, %select_n3A_1754 : vector<16xf32>
      %gt3A_1776 = arith.cmpf ogt, %get3A_1767, %select_n3A_1750 : vector<16xf32>
      %gt3A_1777 = arith.cmpf ogt, %get3A_1767, %select_n3A_1746 : vector<16xf32>
      %gt3A_1778 = arith.cmpf ogt, %get3A_1767, %select_n3A_1742 : vector<16xf32>
      %gt3A_1779 = arith.cmpf ogt, %get3A_1767, %select_n3A_1738 : vector<16xf32>
      %gt3A_1780 = arith.cmpf ogt, %get3A_1767, %select_n3A_1734 : vector<16xf32>
      %select_n3A_1781 = arith.select %gt3A_1779, %select_n3A_1738, %get3A_1767 : vector<16xi1>, vector<16xf32>
      %select_n3A_1782 = arith.select %gt3A_1780, %select_n3A_1781, %select_n3A_1734 : vector<16xi1>, vector<16xf32>
      %select_n3A_1783 = arith.select %gt3A_1779, %select_n3A_1740, %broadcast_in_dim3A_1772 : vector<16xi1>, vector<16xi32>
      %select_n3A_1784 = arith.select %gt3A_1780, %select_n3A_1783, %select_n3A_1736 : vector<16xi1>, vector<16xi32>
      %select_n3A_1785 = arith.select %gt3A_1778, %select_n3A_1742, %get3A_1767 : vector<16xi1>, vector<16xf32>
      %select_n3A_1786 = arith.select %gt3A_1779, %select_n3A_1785, %select_n3A_1738 : vector<16xi1>, vector<16xf32>
      %select_n3A_1787 = arith.select %gt3A_1778, %select_n3A_1744, %broadcast_in_dim3A_1772 : vector<16xi1>, vector<16xi32>
      %select_n3A_1788 = arith.select %gt3A_1779, %select_n3A_1787, %select_n3A_1740 : vector<16xi1>, vector<16xi32>
      %select_n3A_1789 = arith.select %gt3A_1777, %select_n3A_1746, %get3A_1767 : vector<16xi1>, vector<16xf32>
      %select_n3A_1790 = arith.select %gt3A_1778, %select_n3A_1789, %select_n3A_1742 : vector<16xi1>, vector<16xf32>
      %select_n3A_1791 = arith.select %gt3A_1777, %select_n3A_1748, %broadcast_in_dim3A_1772 : vector<16xi1>, vector<16xi32>
      %select_n3A_1792 = arith.select %gt3A_1778, %select_n3A_1791, %select_n3A_1744 : vector<16xi1>, vector<16xi32>
      %select_n3A_1793 = arith.select %gt3A_1776, %select_n3A_1750, %get3A_1767 : vector<16xi1>, vector<16xf32>
      %select_n3A_1794 = arith.select %gt3A_1777, %select_n3A_1793, %select_n3A_1746 : vector<16xi1>, vector<16xf32>
      %select_n3A_1795 = arith.select %gt3A_1776, %select_n3A_1752, %broadcast_in_dim3A_1772 : vector<16xi1>, vector<16xi32>
      %select_n3A_1796 = arith.select %gt3A_1777, %select_n3A_1795, %select_n3A_1748 : vector<16xi1>, vector<16xi32>
      %select_n3A_1797 = arith.select %gt3A_1775, %select_n3A_1754, %get3A_1767 : vector<16xi1>, vector<16xf32>
      %select_n3A_1798 = arith.select %gt3A_1776, %select_n3A_1797, %select_n3A_1750 : vector<16xi1>, vector<16xf32>
      %select_n3A_1799 = arith.select %gt3A_1775, %select_n3A_1756, %broadcast_in_dim3A_1772 : vector<16xi1>, vector<16xi32>
      %select_n3A_1800 = arith.select %gt3A_1776, %select_n3A_1799, %select_n3A_1752 : vector<16xi1>, vector<16xi32>
      %select_n3A_1801 = arith.select %gt3A_1774, %select_n3A_1758, %get3A_1767 : vector<16xi1>, vector<16xf32>
      %select_n3A_1802 = arith.select %gt3A_1775, %select_n3A_1801, %select_n3A_1754 : vector<16xi1>, vector<16xf32>
      %select_n3A_1803 = arith.select %gt3A_1774, %select_n3A_1760, %broadcast_in_dim3A_1772 : vector<16xi1>, vector<16xi32>
      %select_n3A_1804 = arith.select %gt3A_1775, %select_n3A_1803, %select_n3A_1756 : vector<16xi1>, vector<16xi32>
      %select_n3A_1805 = arith.select %gt3A_1773, %select_n3A_1761, %get3A_1767 : vector<16xi1>, vector<16xf32>
      %select_n3A_1806 = arith.select %gt3A_1774, %select_n3A_1805, %select_n3A_1758 : vector<16xi1>, vector<16xf32>
      %select_n3A_1807 = arith.select %gt3A_1773, %select_n3A_1762, %broadcast_in_dim3A_1772 : vector<16xi1>, vector<16xi32>
      %select_n3A_1808 = arith.select %gt3A_1774, %select_n3A_1807, %select_n3A_1760 : vector<16xi1>, vector<16xi32>
      %select_n3A_1809 = arith.select %gt3A_1773, %get3A_1767, %select_n3A_1761 : vector<16xi1>, vector<16xf32>
      %select_n3A_1810 = arith.select %gt3A_1773, %broadcast_in_dim3A_1772, %select_n3A_1762 : vector<16xi1>, vector<16xi32>
      %get3A_1811 = arith.constant 29 : i32
      %get3A_1812 = arith.index_cast %get3A_1811 : i32 to index
      %get3A_1813 = arith.index_cast %multiple_of3A : i32 to index
      %get3A_1814 = tpu.vector_load %arg5[%get3A_1812, %get3A_1813] {strides = array<i32>} : memref<64x512xf32, #tpu.memory_space<vmem>>, vector<1x16xf32>,
      %get3A_1815 = vector.shape_cast %get3A_1814 : vector<1x16xf32> to vector<16xf32>
      %sub3A_1816 = arith.subf %get3A_1815, %max3A_389 : vector<16xf32>
      %exp3A_1817 = math.exp %sub3A_1816 : vector<16xf32>
      %add3A_1818 = arith.addf %add3A_1770, %exp3A_1817 : vector<16xf32>
      %broadcast_in_dim3A_1819 = arith.constant 29 : i32
      %broadcast_in_dim3A_1820 = vector.broadcast %broadcast_in_dim3A_1819 : i32 to vector<16xi32>
      %gt3A_1821 = arith.cmpf ogt, %get3A_1815, %select_n3A_1809 : vector<16xf32>
      %gt3A_1822 = arith.cmpf ogt, %get3A_1815, %select_n3A_1806 : vector<16xf32>
      %gt3A_1823 = arith.cmpf ogt, %get3A_1815, %select_n3A_1802 : vector<16xf32>
      %gt3A_1824 = arith.cmpf ogt, %get3A_1815, %select_n3A_1798 : vector<16xf32>
      %gt3A_1825 = arith.cmpf ogt, %get3A_1815, %select_n3A_1794 : vector<16xf32>
      %gt3A_1826 = arith.cmpf ogt, %get3A_1815, %select_n3A_1790 : vector<16xf32>
      %gt3A_1827 = arith.cmpf ogt, %get3A_1815, %select_n3A_1786 : vector<16xf32>
      %gt3A_1828 = arith.cmpf ogt, %get3A_1815, %select_n3A_1782 : vector<16xf32>
      %select_n3A_1829 = arith.select %gt3A_1827, %select_n3A_1786, %get3A_1815 : vector<16xi1>, vector<16xf32>
      %select_n3A_1830 = arith.select %gt3A_1828, %select_n3A_1829, %select_n3A_1782 : vector<16xi1>, vector<16xf32>
      %select_n3A_1831 = arith.select %gt3A_1827, %select_n3A_1788, %broadcast_in_dim3A_1820 : vector<16xi1>, vector<16xi32>
      %select_n3A_1832 = arith.select %gt3A_1828, %select_n3A_1831, %select_n3A_1784 : vector<16xi1>, vector<16xi32>
      %select_n3A_1833 = arith.select %gt3A_1826, %select_n3A_1790, %get3A_1815 : vector<16xi1>, vector<16xf32>
      %select_n3A_1834 = arith.select %gt3A_1827, %select_n3A_1833, %select_n3A_1786 : vector<16xi1>, vector<16xf32>
      %select_n3A_1835 = arith.select %gt3A_1826, %select_n3A_1792, %broadcast_in_dim3A_1820 : vector<16xi1>, vector<16xi32>
      %select_n3A_1836 = arith.select %gt3A_1827, %select_n3A_1835, %select_n3A_1788 : vector<16xi1>, vector<16xi32>
      %select_n3A_1837 = arith.select %gt3A_1825, %select_n3A_1794, %get3A_1815 : vector<16xi1>, vector<16xf32>
      %select_n3A_1838 = arith.select %gt3A_1826, %select_n3A_1837, %select_n3A_1790 : vector<16xi1>, vector<16xf32>
      %select_n3A_1839 = arith.select %gt3A_1825, %select_n3A_1796, %broadcast_in_dim3A_1820 : vector<16xi1>, vector<16xi32>
      %select_n3A_1840 = arith.select %gt3A_1826, %select_n3A_1839, %select_n3A_1792 : vector<16xi1>, vector<16xi32>
      %select_n3A_1841 = arith.select %gt3A_1824, %select_n3A_1798, %get3A_1815 : vector<16xi1>, vector<16xf32>
      %select_n3A_1842 = arith.select %gt3A_1825, %select_n3A_1841, %select_n3A_1794 : vector<16xi1>, vector<16xf32>
      %select_n3A_1843 = arith.select %gt3A_1824, %select_n3A_1800, %broadcast_in_dim3A_1820 : vector<16xi1>, vector<16xi32>
      %select_n3A_1844 = arith.select %gt3A_1825, %select_n3A_1843, %select_n3A_1796 : vector<16xi1>, vector<16xi32>
      %select_n3A_1845 = arith.select %gt3A_1823, %select_n3A_1802, %get3A_1815 : vector<16xi1>, vector<16xf32>
      %select_n3A_1846 = arith.select %gt3A_1824, %select_n3A_1845, %select_n3A_1798 : vector<16xi1>, vector<16xf32>
      %select_n3A_1847 = arith.select %gt3A_1823, %select_n3A_1804, %broadcast_in_dim3A_1820 : vector<16xi1>, vector<16xi32>
      %select_n3A_1848 = arith.select %gt3A_1824, %select_n3A_1847, %select_n3A_1800 : vector<16xi1>, vector<16xi32>
      %select_n3A_1849 = arith.select %gt3A_1822, %select_n3A_1806, %get3A_1815 : vector<16xi1>, vector<16xf32>
      %select_n3A_1850 = arith.select %gt3A_1823, %select_n3A_1849, %select_n3A_1802 : vector<16xi1>, vector<16xf32>
      %select_n3A_1851 = arith.select %gt3A_1822, %select_n3A_1808, %broadcast_in_dim3A_1820 : vector<16xi1>, vector<16xi32>
      %select_n3A_1852 = arith.select %gt3A_1823, %select_n3A_1851, %select_n3A_1804 : vector<16xi1>, vector<16xi32>
      %select_n3A_1853 = arith.select %gt3A_1821, %select_n3A_1809, %get3A_1815 : vector<16xi1>, vector<16xf32>
      %select_n3A_1854 = arith.select %gt3A_1822, %select_n3A_1853, %select_n3A_1806 : vector<16xi1>, vector<16xf32>
      %select_n3A_1855 = arith.select %gt3A_1821, %select_n3A_1810, %broadcast_in_dim3A_1820 : vector<16xi1>, vector<16xi32>
      %select_n3A_1856 = arith.select %gt3A_1822, %select_n3A_1855, %select_n3A_1808 : vector<16xi1>, vector<16xi32>
      %select_n3A_1857 = arith.select %gt3A_1821, %get3A_1815, %select_n3A_1809 : vector<16xi1>, vector<16xf32>
      %select_n3A_1858 = arith.select %gt3A_1821, %broadcast_in_dim3A_1820, %select_n3A_1810 : vector<16xi1>, vector<16xi32>
      %get3A_1859 = arith.constant 30 : i32
      %get3A_1860 = arith.index_cast %get3A_1859 : i32 to index
      %get3A_1861 = arith.index_cast %multiple_of3A : i32 to index
      %get3A_1862 = tpu.vector_load %arg5[%get3A_1860, %get3A_1861] {strides = array<i32>} : memref<64x512xf32, #tpu.memory_space<vmem>>, vector<1x16xf32>,
      %get3A_1863 = vector.shape_cast %get3A_1862 : vector<1x16xf32> to vector<16xf32>
      %sub3A_1864 = arith.subf %get3A_1863, %max3A_389 : vector<16xf32>
      %exp3A_1865 = math.exp %sub3A_1864 : vector<16xf32>
      %add3A_1866 = arith.addf %add3A_1818, %exp3A_1865 : vector<16xf32>
      %broadcast_in_dim3A_1867 = arith.constant 30 : i32
      %broadcast_in_dim3A_1868 = vector.broadcast %broadcast_in_dim3A_1867 : i32 to vector<16xi32>
      %gt3A_1869 = arith.cmpf ogt, %get3A_1863, %select_n3A_1857 : vector<16xf32>
      %gt3A_1870 = arith.cmpf ogt, %get3A_1863, %select_n3A_1854 : vector<16xf32>
      %gt3A_1871 = arith.cmpf ogt, %get3A_1863, %select_n3A_1850 : vector<16xf32>
      %gt3A_1872 = arith.cmpf ogt, %get3A_1863, %select_n3A_1846 : vector<16xf32>
      %gt3A_1873 = arith.cmpf ogt, %get3A_1863, %select_n3A_1842 : vector<16xf32>
      %gt3A_1874 = arith.cmpf ogt, %get3A_1863, %select_n3A_1838 : vector<16xf32>
      %gt3A_1875 = arith.cmpf ogt, %get3A_1863, %select_n3A_1834 : vector<16xf32>
      %gt3A_1876 = arith.cmpf ogt, %get3A_1863, %select_n3A_1830 : vector<16xf32>
      %select_n3A_1877 = arith.select %gt3A_1875, %select_n3A_1834, %get3A_1863 : vector<16xi1>, vector<16xf32>
      %select_n3A_1878 = arith.select %gt3A_1876, %select_n3A_1877, %select_n3A_1830 : vector<16xi1>, vector<16xf32>
      %select_n3A_1879 = arith.select %gt3A_1875, %select_n3A_1836, %broadcast_in_dim3A_1868 : vector<16xi1>, vector<16xi32>
      %select_n3A_1880 = arith.select %gt3A_1876, %select_n3A_1879, %select_n3A_1832 : vector<16xi1>, vector<16xi32>
      %select_n3A_1881 = arith.select %gt3A_1874, %select_n3A_1838, %get3A_1863 : vector<16xi1>, vector<16xf32>
      %select_n3A_1882 = arith.select %gt3A_1875, %select_n3A_1881, %select_n3A_1834 : vector<16xi1>, vector<16xf32>
      %select_n3A_1883 = arith.select %gt3A_1874, %select_n3A_1840, %broadcast_in_dim3A_1868 : vector<16xi1>, vector<16xi32>
      %select_n3A_1884 = arith.select %gt3A_1875, %select_n3A_1883, %select_n3A_1836 : vector<16xi1>, vector<16xi32>
      %select_n3A_1885 = arith.select %gt3A_1873, %select_n3A_1842, %get3A_1863 : vector<16xi1>, vector<16xf32>
      %select_n3A_1886 = arith.select %gt3A_1874, %select_n3A_1885, %select_n3A_1838 : vector<16xi1>, vector<16xf32>
      %select_n3A_1887 = arith.select %gt3A_1873, %select_n3A_1844, %broadcast_in_dim3A_1868 : vector<16xi1>, vector<16xi32>
      %select_n3A_1888 = arith.select %gt3A_1874, %select_n3A_1887, %select_n3A_1840 : vector<16xi1>, vector<16xi32>
      %select_n3A_1889 = arith.select %gt3A_1872, %select_n3A_1846, %get3A_1863 : vector<16xi1>, vector<16xf32>
      %select_n3A_1890 = arith.select %gt3A_1873, %select_n3A_1889, %select_n3A_1842 : vector<16xi1>, vector<16xf32>
      %select_n3A_1891 = arith.select %gt3A_1872, %select_n3A_1848, %broadcast_in_dim3A_1868 : vector<16xi1>, vector<16xi32>
      %select_n3A_1892 = arith.select %gt3A_1873, %select_n3A_1891, %select_n3A_1844 : vector<16xi1>, vector<16xi32>
      %select_n3A_1893 = arith.select %gt3A_1871, %select_n3A_1850, %get3A_1863 : vector<16xi1>, vector<16xf32>
      %select_n3A_1894 = arith.select %gt3A_1872, %select_n3A_1893, %select_n3A_1846 : vector<16xi1>, vector<16xf32>
      %select_n3A_1895 = arith.select %gt3A_1871, %select_n3A_1852, %broadcast_in_dim3A_1868 : vector<16xi1>, vector<16xi32>
      %select_n3A_1896 = arith.select %gt3A_1872, %select_n3A_1895, %select_n3A_1848 : vector<16xi1>, vector<16xi32>
      %select_n3A_1897 = arith.select %gt3A_1870, %select_n3A_1854, %get3A_1863 : vector<16xi1>, vector<16xf32>
      %select_n3A_1898 = arith.select %gt3A_1871, %select_n3A_1897, %select_n3A_1850 : vector<16xi1>, vector<16xf32>
      %select_n3A_1899 = arith.select %gt3A_1870, %select_n3A_1856, %broadcast_in_dim3A_1868 : vector<16xi1>, vector<16xi32>
      %select_n3A_1900 = arith.select %gt3A_1871, %select_n3A_1899, %select_n3A_1852 : vector<16xi1>, vector<16xi32>
      %select_n3A_1901 = arith.select %gt3A_1869, %select_n3A_1857, %get3A_1863 : vector<16xi1>, vector<16xf32>
      %select_n3A_1902 = arith.select %gt3A_1870, %select_n3A_1901, %select_n3A_1854 : vector<16xi1>, vector<16xf32>
      %select_n3A_1903 = arith.select %gt3A_1869, %select_n3A_1858, %broadcast_in_dim3A_1868 : vector<16xi1>, vector<16xi32>
      %select_n3A_1904 = arith.select %gt3A_1870, %select_n3A_1903, %select_n3A_1856 : vector<16xi1>, vector<16xi32>
      %select_n3A_1905 = arith.select %gt3A_1869, %get3A_1863, %select_n3A_1857 : vector<16xi1>, vector<16xf32>
      %select_n3A_1906 = arith.select %gt3A_1869, %broadcast_in_dim3A_1868, %select_n3A_1858 : vector<16xi1>, vector<16xi32>
      %get3A_1907 = arith.constant 31 : i32
      %get3A_1908 = arith.index_cast %get3A_1907 : i32 to index
      %get3A_1909 = arith.index_cast %multiple_of3A : i32 to index
      %get3A_1910 = tpu.vector_load %arg5[%get3A_1908, %get3A_1909] {strides = array<i32>} : memref<64x512xf32, #tpu.memory_space<vmem>>, vector<1x16xf32>,
      %get3A_1911 = vector.shape_cast %get3A_1910 : vector<1x16xf32> to vector<16xf32>
      %sub3A_1912 = arith.subf %get3A_1911, %max3A_389 : vector<16xf32>
      %exp3A_1913 = math.exp %sub3A_1912 : vector<16xf32>
      %add3A_1914 = arith.addf %add3A_1866, %exp3A_1913 : vector<16xf32>
      %broadcast_in_dim3A_1915 = arith.constant 31 : i32
      %broadcast_in_dim3A_1916 = vector.broadcast %broadcast_in_dim3A_1915 : i32 to vector<16xi32>
      %gt3A_1917 = arith.cmpf ogt, %get3A_1911, %select_n3A_1905 : vector<16xf32>
      %gt3A_1918 = arith.cmpf ogt, %get3A_1911, %select_n3A_1902 : vector<16xf32>
      %gt3A_1919 = arith.cmpf ogt, %get3A_1911, %select_n3A_1898 : vector<16xf32>
      %gt3A_1920 = arith.cmpf ogt, %get3A_1911, %select_n3A_1894 : vector<16xf32>
      %gt3A_1921 = arith.cmpf ogt, %get3A_1911, %select_n3A_1890 : vector<16xf32>
      %gt3A_1922 = arith.cmpf ogt, %get3A_1911, %select_n3A_1886 : vector<16xf32>
      %gt3A_1923 = arith.cmpf ogt, %get3A_1911, %select_n3A_1882 : vector<16xf32>
      %gt3A_1924 = arith.cmpf ogt, %get3A_1911, %select_n3A_1878 : vector<16xf32>
      %select_n3A_1925 = arith.select %gt3A_1923, %select_n3A_1882, %get3A_1911 : vector<16xi1>, vector<16xf32>
      %select_n3A_1926 = arith.select %gt3A_1924, %select_n3A_1925, %select_n3A_1878 : vector<16xi1>, vector<16xf32>
      %select_n3A_1927 = arith.select %gt3A_1923, %select_n3A_1884, %broadcast_in_dim3A_1916 : vector<16xi1>, vector<16xi32>
      %select_n3A_1928 = arith.select %gt3A_1924, %select_n3A_1927, %select_n3A_1880 : vector<16xi1>, vector<16xi32>
      %select_n3A_1929 = arith.select %gt3A_1922, %select_n3A_1886, %get3A_1911 : vector<16xi1>, vector<16xf32>
      %select_n3A_1930 = arith.select %gt3A_1923, %select_n3A_1929, %select_n3A_1882 : vector<16xi1>, vector<16xf32>
      %select_n3A_1931 = arith.select %gt3A_1922, %select_n3A_1888, %broadcast_in_dim3A_1916 : vector<16xi1>, vector<16xi32>
      %select_n3A_1932 = arith.select %gt3A_1923, %select_n3A_1931, %select_n3A_1884 : vector<16xi1>, vector<16xi32>
      %select_n3A_1933 = arith.select %gt3A_1921, %select_n3A_1890, %get3A_1911 : vector<16xi1>, vector<16xf32>
      %select_n3A_1934 = arith.select %gt3A_1922, %select_n3A_1933, %select_n3A_1886 : vector<16xi1>, vector<16xf32>
      %select_n3A_1935 = arith.select %gt3A_1921, %select_n3A_1892, %broadcast_in_dim3A_1916 : vector<16xi1>, vector<16xi32>
      %select_n3A_1936 = arith.select %gt3A_1922, %select_n3A_1935, %select_n3A_1888 : vector<16xi1>, vector<16xi32>
      %select_n3A_1937 = arith.select %gt3A_1920, %select_n3A_1894, %get3A_1911 : vector<16xi1>, vector<16xf32>
      %select_n3A_1938 = arith.select %gt3A_1921, %select_n3A_1937, %select_n3A_1890 : vector<16xi1>, vector<16xf32>
      %select_n3A_1939 = arith.select %gt3A_1920, %select_n3A_1896, %broadcast_in_dim3A_1916 : vector<16xi1>, vector<16xi32>
      %select_n3A_1940 = arith.select %gt3A_1921, %select_n3A_1939, %select_n3A_1892 : vector<16xi1>, vector<16xi32>
      %select_n3A_1941 = arith.select %gt3A_1919, %select_n3A_1898, %get3A_1911 : vector<16xi1>, vector<16xf32>
      %select_n3A_1942 = arith.select %gt3A_1920, %select_n3A_1941, %select_n3A_1894 : vector<16xi1>, vector<16xf32>
      %select_n3A_1943 = arith.select %gt3A_1919, %select_n3A_1900, %broadcast_in_dim3A_1916 : vector<16xi1>, vector<16xi32>
      %select_n3A_1944 = arith.select %gt3A_1920, %select_n3A_1943, %select_n3A_1896 : vector<16xi1>, vector<16xi32>
      %select_n3A_1945 = arith.select %gt3A_1918, %select_n3A_1902, %get3A_1911 : vector<16xi1>, vector<16xf32>
      %select_n3A_1946 = arith.select %gt3A_1919, %select_n3A_1945, %select_n3A_1898 : vector<16xi1>, vector<16xf32>
      %select_n3A_1947 = arith.select %gt3A_1918, %select_n3A_1904, %broadcast_in_dim3A_1916 : vector<16xi1>, vector<16xi32>
      %select_n3A_1948 = arith.select %gt3A_1919, %select_n3A_1947, %select_n3A_1900 : vector<16xi1>, vector<16xi32>
      %select_n3A_1949 = arith.select %gt3A_1917, %select_n3A_1905, %get3A_1911 : vector<16xi1>, vector<16xf32>
      %select_n3A_1950 = arith.select %gt3A_1918, %select_n3A_1949, %select_n3A_1902 : vector<16xi1>, vector<16xf32>
      %select_n3A_1951 = arith.select %gt3A_1917, %select_n3A_1906, %broadcast_in_dim3A_1916 : vector<16xi1>, vector<16xi32>
      %select_n3A_1952 = arith.select %gt3A_1918, %select_n3A_1951, %select_n3A_1904 : vector<16xi1>, vector<16xi32>
      %select_n3A_1953 = arith.select %gt3A_1917, %get3A_1911, %select_n3A_1905 : vector<16xi1>, vector<16xf32>
      %select_n3A_1954 = arith.select %gt3A_1917, %broadcast_in_dim3A_1916, %select_n3A_1906 : vector<16xi1>, vector<16xi32>
      %get3A_1955 = arith.constant 32 : i32
      %get3A_1956 = arith.index_cast %get3A_1955 : i32 to index
      %get3A_1957 = arith.index_cast %multiple_of3A : i32 to index
      %get3A_1958 = tpu.vector_load %arg5[%get3A_1956, %get3A_1957] {strides = array<i32>} : memref<64x512xf32, #tpu.memory_space<vmem>>, vector<1x16xf32>,
      %get3A_1959 = vector.shape_cast %get3A_1958 : vector<1x16xf32> to vector<16xf32>
      %sub3A_1960 = arith.subf %get3A_1959, %max3A_389 : vector<16xf32>
      %exp3A_1961 = math.exp %sub3A_1960 : vector<16xf32>
      %add3A_1962 = arith.addf %add3A_1914, %exp3A_1961 : vector<16xf32>
      %broadcast_in_dim3A_1963 = arith.constant 32 : i32
      %broadcast_in_dim3A_1964 = vector.broadcast %broadcast_in_dim3A_1963 : i32 to vector<16xi32>
      %gt3A_1965 = arith.cmpf ogt, %get3A_1959, %select_n3A_1953 : vector<16xf32>
      %gt3A_1966 = arith.cmpf ogt, %get3A_1959, %select_n3A_1950 : vector<16xf32>
      %gt3A_1967 = arith.cmpf ogt, %get3A_1959, %select_n3A_1946 : vector<16xf32>
      %gt3A_1968 = arith.cmpf ogt, %get3A_1959, %select_n3A_1942 : vector<16xf32>
      %gt3A_1969 = arith.cmpf ogt, %get3A_1959, %select_n3A_1938 : vector<16xf32>
      %gt3A_1970 = arith.cmpf ogt, %get3A_1959, %select_n3A_1934 : vector<16xf32>
      %gt3A_1971 = arith.cmpf ogt, %get3A_1959, %select_n3A_1930 : vector<16xf32>
      %gt3A_1972 = arith.cmpf ogt, %get3A_1959, %select_n3A_1926 : vector<16xf32>
      %select_n3A_1973 = arith.select %gt3A_1971, %select_n3A_1930, %get3A_1959 : vector<16xi1>, vector<16xf32>
      %select_n3A_1974 = arith.select %gt3A_1972, %select_n3A_1973, %select_n3A_1926 : vector<16xi1>, vector<16xf32>
      %select_n3A_1975 = arith.select %gt3A_1971, %select_n3A_1932, %broadcast_in_dim3A_1964 : vector<16xi1>, vector<16xi32>
      %select_n3A_1976 = arith.select %gt3A_1972, %select_n3A_1975, %select_n3A_1928 : vector<16xi1>, vector<16xi32>
      %select_n3A_1977 = arith.select %gt3A_1970, %select_n3A_1934, %get3A_1959 : vector<16xi1>, vector<16xf32>
      %select_n3A_1978 = arith.select %gt3A_1971, %select_n3A_1977, %select_n3A_1930 : vector<16xi1>, vector<16xf32>
      %select_n3A_1979 = arith.select %gt3A_1970, %select_n3A_1936, %broadcast_in_dim3A_1964 : vector<16xi1>, vector<16xi32>
      %select_n3A_1980 = arith.select %gt3A_1971, %select_n3A_1979, %select_n3A_1932 : vector<16xi1>, vector<16xi32>
      %select_n3A_1981 = arith.select %gt3A_1969, %select_n3A_1938, %get3A_1959 : vector<16xi1>, vector<16xf32>
      %select_n3A_1982 = arith.select %gt3A_1970, %select_n3A_1981, %select_n3A_1934 : vector<16xi1>, vector<16xf32>
      %select_n3A_1983 = arith.select %gt3A_1969, %select_n3A_1940, %broadcast_in_dim3A_1964 : vector<16xi1>, vector<16xi32>
      %select_n3A_1984 = arith.select %gt3A_1970, %select_n3A_1983, %select_n3A_1936 : vector<16xi1>, vector<16xi32>
      %select_n3A_1985 = arith.select %gt3A_1968, %select_n3A_1942, %get3A_1959 : vector<16xi1>, vector<16xf32>
      %select_n3A_1986 = arith.select %gt3A_1969, %select_n3A_1985, %select_n3A_1938 : vector<16xi1>, vector<16xf32>
      %select_n3A_1987 = arith.select %gt3A_1968, %select_n3A_1944, %broadcast_in_dim3A_1964 : vector<16xi1>, vector<16xi32>
      %select_n3A_1988 = arith.select %gt3A_1969, %select_n3A_1987, %select_n3A_1940 : vector<16xi1>, vector<16xi32>
      %select_n3A_1989 = arith.select %gt3A_1967, %select_n3A_1946, %get3A_1959 : vector<16xi1>, vector<16xf32>
      %select_n3A_1990 = arith.select %gt3A_1968, %select_n3A_1989, %select_n3A_1942 : vector<16xi1>, vector<16xf32>
      %select_n3A_1991 = arith.select %gt3A_1967, %select_n3A_1948, %broadcast_in_dim3A_1964 : vector<16xi1>, vector<16xi32>
      %select_n3A_1992 = arith.select %gt3A_1968, %select_n3A_1991, %select_n3A_1944 : vector<16xi1>, vector<16xi32>
      %select_n3A_1993 = arith.select %gt3A_1966, %select_n3A_1950, %get3A_1959 : vector<16xi1>, vector<16xf32>
      %select_n3A_1994 = arith.select %gt3A_1967, %select_n3A_1993, %select_n3A_1946 : vector<16xi1>, vector<16xf32>
      %select_n3A_1995 = arith.select %gt3A_1966, %select_n3A_1952, %broadcast_in_dim3A_1964 : vector<16xi1>, vector<16xi32>
      %select_n3A_1996 = arith.select %gt3A_1967, %select_n3A_1995, %select_n3A_1948 : vector<16xi1>, vector<16xi32>
      %select_n3A_1997 = arith.select %gt3A_1965, %select_n3A_1953, %get3A_1959 : vector<16xi1>, vector<16xf32>
      %select_n3A_1998 = arith.select %gt3A_1966, %select_n3A_1997, %select_n3A_1950 : vector<16xi1>, vector<16xf32>
      %select_n3A_1999 = arith.select %gt3A_1965, %select_n3A_1954, %broadcast_in_dim3A_1964 : vector<16xi1>, vector<16xi32>
      %select_n3A_2000 = arith.select %gt3A_1966, %select_n3A_1999, %select_n3A_1952 : vector<16xi1>, vector<16xi32>
      %select_n3A_2001 = arith.select %gt3A_1965, %get3A_1959, %select_n3A_1953 : vector<16xi1>, vector<16xf32>
      %select_n3A_2002 = arith.select %gt3A_1965, %broadcast_in_dim3A_1964, %select_n3A_1954 : vector<16xi1>, vector<16xi32>
      %get3A_2003 = arith.constant 33 : i32
      %get3A_2004 = arith.index_cast %get3A_2003 : i32 to index
      %get3A_2005 = arith.index_cast %multiple_of3A : i32 to index
      %get3A_2006 = tpu.vector_load %arg5[%get3A_2004, %get3A_2005] {strides = array<i32>} : memref<64x512xf32, #tpu.memory_space<vmem>>, vector<1x16xf32>,
      %get3A_2007 = vector.shape_cast %get3A_2006 : vector<1x16xf32> to vector<16xf32>
      %sub3A_2008 = arith.subf %get3A_2007, %max3A_389 : vector<16xf32>
      %exp3A_2009 = math.exp %sub3A_2008 : vector<16xf32>
      %add3A_2010 = arith.addf %add3A_1962, %exp3A_2009 : vector<16xf32>
      %broadcast_in_dim3A_2011 = arith.constant 33 : i32
      %broadcast_in_dim3A_2012 = vector.broadcast %broadcast_in_dim3A_2011 : i32 to vector<16xi32>
      %gt3A_2013 = arith.cmpf ogt, %get3A_2007, %select_n3A_2001 : vector<16xf32>
      %gt3A_2014 = arith.cmpf ogt, %get3A_2007, %select_n3A_1998 : vector<16xf32>
      %gt3A_2015 = arith.cmpf ogt, %get3A_2007, %select_n3A_1994 : vector<16xf32>
      %gt3A_2016 = arith.cmpf ogt, %get3A_2007, %select_n3A_1990 : vector<16xf32>
      %gt3A_2017 = arith.cmpf ogt, %get3A_2007, %select_n3A_1986 : vector<16xf32>
      %gt3A_2018 = arith.cmpf ogt, %get3A_2007, %select_n3A_1982 : vector<16xf32>
      %gt3A_2019 = arith.cmpf ogt, %get3A_2007, %select_n3A_1978 : vector<16xf32>
      %gt3A_2020 = arith.cmpf ogt, %get3A_2007, %select_n3A_1974 : vector<16xf32>
      %select_n3A_2021 = arith.select %gt3A_2019, %select_n3A_1978, %get3A_2007 : vector<16xi1>, vector<16xf32>
      %select_n3A_2022 = arith.select %gt3A_2020, %select_n3A_2021, %select_n3A_1974 : vector<16xi1>, vector<16xf32>
      %select_n3A_2023 = arith.select %gt3A_2019, %select_n3A_1980, %broadcast_in_dim3A_2012 : vector<16xi1>, vector<16xi32>
      %select_n3A_2024 = arith.select %gt3A_2020, %select_n3A_2023, %select_n3A_1976 : vector<16xi1>, vector<16xi32>
      %select_n3A_2025 = arith.select %gt3A_2018, %select_n3A_1982, %get3A_2007 : vector<16xi1>, vector<16xf32>
      %select_n3A_2026 = arith.select %gt3A_2019, %select_n3A_2025, %select_n3A_1978 : vector<16xi1>, vector<16xf32>
      %select_n3A_2027 = arith.select %gt3A_2018, %select_n3A_1984, %broadcast_in_dim3A_2012 : vector<16xi1>, vector<16xi32>
      %select_n3A_2028 = arith.select %gt3A_2019, %select_n3A_2027, %select_n3A_1980 : vector<16xi1>, vector<16xi32>
      %select_n3A_2029 = arith.select %gt3A_2017, %select_n3A_1986, %get3A_2007 : vector<16xi1>, vector<16xf32>
      %select_n3A_2030 = arith.select %gt3A_2018, %select_n3A_2029, %select_n3A_1982 : vector<16xi1>, vector<16xf32>
      %select_n3A_2031 = arith.select %gt3A_2017, %select_n3A_1988, %broadcast_in_dim3A_2012 : vector<16xi1>, vector<16xi32>
      %select_n3A_2032 = arith.select %gt3A_2018, %select_n3A_2031, %select_n3A_1984 : vector<16xi1>, vector<16xi32>
      %select_n3A_2033 = arith.select %gt3A_2016, %select_n3A_1990, %get3A_2007 : vector<16xi1>, vector<16xf32>
      %select_n3A_2034 = arith.select %gt3A_2017, %select_n3A_2033, %select_n3A_1986 : vector<16xi1>, vector<16xf32>
      %select_n3A_2035 = arith.select %gt3A_2016, %select_n3A_1992, %broadcast_in_dim3A_2012 : vector<16xi1>, vector<16xi32>
      %select_n3A_2036 = arith.select %gt3A_2017, %select_n3A_2035, %select_n3A_1988 : vector<16xi1>, vector<16xi32>
      %select_n3A_2037 = arith.select %gt3A_2015, %select_n3A_1994, %get3A_2007 : vector<16xi1>, vector<16xf32>
      %select_n3A_2038 = arith.select %gt3A_2016, %select_n3A_2037, %select_n3A_1990 : vector<16xi1>, vector<16xf32>
      %select_n3A_2039 = arith.select %gt3A_2015, %select_n3A_1996, %broadcast_in_dim3A_2012 : vector<16xi1>, vector<16xi32>
      %select_n3A_2040 = arith.select %gt3A_2016, %select_n3A_2039, %select_n3A_1992 : vector<16xi1>, vector<16xi32>
      %select_n3A_2041 = arith.select %gt3A_2014, %select_n3A_1998, %get3A_2007 : vector<16xi1>, vector<16xf32>
      %select_n3A_2042 = arith.select %gt3A_2015, %select_n3A_2041, %select_n3A_1994 : vector<16xi1>, vector<16xf32>
      %select_n3A_2043 = arith.select %gt3A_2014, %select_n3A_2000, %broadcast_in_dim3A_2012 : vector<16xi1>, vector<16xi32>
      %select_n3A_2044 = arith.select %gt3A_2015, %select_n3A_2043, %select_n3A_1996 : vector<16xi1>, vector<16xi32>
      %select_n3A_2045 = arith.select %gt3A_2013, %select_n3A_2001, %get3A_2007 : vector<16xi1>, vector<16xf32>
      %select_n3A_2046 = arith.select %gt3A_2014, %select_n3A_2045, %select_n3A_1998 : vector<16xi1>, vector<16xf32>
      %select_n3A_2047 = arith.select %gt3A_2013, %select_n3A_2002, %broadcast_in_dim3A_2012 : vector<16xi1>, vector<16xi32>
      %select_n3A_2048 = arith.select %gt3A_2014, %select_n3A_2047, %select_n3A_2000 : vector<16xi1>, vector<16xi32>
      %select_n3A_2049 = arith.select %gt3A_2013, %get3A_2007, %select_n3A_2001 : vector<16xi1>, vector<16xf32>
      %select_n3A_2050 = arith.select %gt3A_2013, %broadcast_in_dim3A_2012, %select_n3A_2002 : vector<16xi1>, vector<16xi32>
      %get3A_2051 = arith.constant 34 : i32
      %get3A_2052 = arith.index_cast %get3A_2051 : i32 to index
      %get3A_2053 = arith.index_cast %multiple_of3A : i32 to index
      %get3A_2054 = tpu.vector_load %arg5[%get3A_2052, %get3A_2053] {strides = array<i32>} : memref<64x512xf32, #tpu.memory_space<vmem>>, vector<1x16xf32>,
      %get3A_2055 = vector.shape_cast %get3A_2054 : vector<1x16xf32> to vector<16xf32>
      %sub3A_2056 = arith.subf %get3A_2055, %max3A_389 : vector<16xf32>
      %exp3A_2057 = math.exp %sub3A_2056 : vector<16xf32>
      %add3A_2058 = arith.addf %add3A_2010, %exp3A_2057 : vector<16xf32>
      %broadcast_in_dim3A_2059 = arith.constant 34 : i32
      %broadcast_in_dim3A_2060 = vector.broadcast %broadcast_in_dim3A_2059 : i32 to vector<16xi32>
      %gt3A_2061 = arith.cmpf ogt, %get3A_2055, %select_n3A_2049 : vector<16xf32>
      %gt3A_2062 = arith.cmpf ogt, %get3A_2055, %select_n3A_2046 : vector<16xf32>
      %gt3A_2063 = arith.cmpf ogt, %get3A_2055, %select_n3A_2042 : vector<16xf32>
      %gt3A_2064 = arith.cmpf ogt, %get3A_2055, %select_n3A_2038 : vector<16xf32>
      %gt3A_2065 = arith.cmpf ogt, %get3A_2055, %select_n3A_2034 : vector<16xf32>
      %gt3A_2066 = arith.cmpf ogt, %get3A_2055, %select_n3A_2030 : vector<16xf32>
      %gt3A_2067 = arith.cmpf ogt, %get3A_2055, %select_n3A_2026 : vector<16xf32>
      %gt3A_2068 = arith.cmpf ogt, %get3A_2055, %select_n3A_2022 : vector<16xf32>
      %select_n3A_2069 = arith.select %gt3A_2067, %select_n3A_2026, %get3A_2055 : vector<16xi1>, vector<16xf32>
      %select_n3A_2070 = arith.select %gt3A_2068, %select_n3A_2069, %select_n3A_2022 : vector<16xi1>, vector<16xf32>
      %select_n3A_2071 = arith.select %gt3A_2067, %select_n3A_2028, %broadcast_in_dim3A_2060 : vector<16xi1>, vector<16xi32>
      %select_n3A_2072 = arith.select %gt3A_2068, %select_n3A_2071, %select_n3A_2024 : vector<16xi1>, vector<16xi32>
      %select_n3A_2073 = arith.select %gt3A_2066, %select_n3A_2030, %get3A_2055 : vector<16xi1>, vector<16xf32>
      %select_n3A_2074 = arith.select %gt3A_2067, %select_n3A_2073, %select_n3A_2026 : vector<16xi1>, vector<16xf32>
      %select_n3A_2075 = arith.select %gt3A_2066, %select_n3A_2032, %broadcast_in_dim3A_2060 : vector<16xi1>, vector<16xi32>
      %select_n3A_2076 = arith.select %gt3A_2067, %select_n3A_2075, %select_n3A_2028 : vector<16xi1>, vector<16xi32>
      %select_n3A_2077 = arith.select %gt3A_2065, %select_n3A_2034, %get3A_2055 : vector<16xi1>, vector<16xf32>
      %select_n3A_2078 = arith.select %gt3A_2066, %select_n3A_2077, %select_n3A_2030 : vector<16xi1>, vector<16xf32>
      %select_n3A_2079 = arith.select %gt3A_2065, %select_n3A_2036, %broadcast_in_dim3A_2060 : vector<16xi1>, vector<16xi32>
      %select_n3A_2080 = arith.select %gt3A_2066, %select_n3A_2079, %select_n3A_2032 : vector<16xi1>, vector<16xi32>
      %select_n3A_2081 = arith.select %gt3A_2064, %select_n3A_2038, %get3A_2055 : vector<16xi1>, vector<16xf32>
      %select_n3A_2082 = arith.select %gt3A_2065, %select_n3A_2081, %select_n3A_2034 : vector<16xi1>, vector<16xf32>
      %select_n3A_2083 = arith.select %gt3A_2064, %select_n3A_2040, %broadcast_in_dim3A_2060 : vector<16xi1>, vector<16xi32>
      %select_n3A_2084 = arith.select %gt3A_2065, %select_n3A_2083, %select_n3A_2036 : vector<16xi1>, vector<16xi32>
      %select_n3A_2085 = arith.select %gt3A_2063, %select_n3A_2042, %get3A_2055 : vector<16xi1>, vector<16xf32>
      %select_n3A_2086 = arith.select %gt3A_2064, %select_n3A_2085, %select_n3A_2038 : vector<16xi1>, vector<16xf32>
      %select_n3A_2087 = arith.select %gt3A_2063, %select_n3A_2044, %broadcast_in_dim3A_2060 : vector<16xi1>, vector<16xi32>
      %select_n3A_2088 = arith.select %gt3A_2064, %select_n3A_2087, %select_n3A_2040 : vector<16xi1>, vector<16xi32>
      %select_n3A_2089 = arith.select %gt3A_2062, %select_n3A_2046, %get3A_2055 : vector<16xi1>, vector<16xf32>
      %select_n3A_2090 = arith.select %gt3A_2063, %select_n3A_2089, %select_n3A_2042 : vector<16xi1>, vector<16xf32>
      %select_n3A_2091 = arith.select %gt3A_2062, %select_n3A_2048, %broadcast_in_dim3A_2060 : vector<16xi1>, vector<16xi32>
      %select_n3A_2092 = arith.select %gt3A_2063, %select_n3A_2091, %select_n3A_2044 : vector<16xi1>, vector<16xi32>
      %select_n3A_2093 = arith.select %gt3A_2061, %select_n3A_2049, %get3A_2055 : vector<16xi1>, vector<16xf32>
      %select_n3A_2094 = arith.select %gt3A_2062, %select_n3A_2093, %select_n3A_2046 : vector<16xi1>, vector<16xf32>
      %select_n3A_2095 = arith.select %gt3A_2061, %select_n3A_2050, %broadcast_in_dim3A_2060 : vector<16xi1>, vector<16xi32>
      %select_n3A_2096 = arith.select %gt3A_2062, %select_n3A_2095, %select_n3A_2048 : vector<16xi1>, vector<16xi32>
      %select_n3A_2097 = arith.select %gt3A_2061, %get3A_2055, %select_n3A_2049 : vector<16xi1>, vector<16xf32>
      %select_n3A_2098 = arith.select %gt3A_2061, %broadcast_in_dim3A_2060, %select_n3A_2050 : vector<16xi1>, vector<16xi32>
      %get3A_2099 = arith.constant 35 : i32
      %get3A_2100 = arith.index_cast %get3A_2099 : i32 to index
      %get3A_2101 = arith.index_cast %multiple_of3A : i32 to index
      %get3A_2102 = tpu.vector_load %arg5[%get3A_2100, %get3A_2101] {strides = array<i32>} : memref<64x512xf32, #tpu.memory_space<vmem>>, vector<1x16xf32>,
      %get3A_2103 = vector.shape_cast %get3A_2102 : vector<1x16xf32> to vector<16xf32>
      %sub3A_2104 = arith.subf %get3A_2103, %max3A_389 : vector<16xf32>
      %exp3A_2105 = math.exp %sub3A_2104 : vector<16xf32>
      %add3A_2106 = arith.addf %add3A_2058, %exp3A_2105 : vector<16xf32>
      %broadcast_in_dim3A_2107 = arith.constant 35 : i32
      %broadcast_in_dim3A_2108 = vector.broadcast %broadcast_in_dim3A_2107 : i32 to vector<16xi32>
      %gt3A_2109 = arith.cmpf ogt, %get3A_2103, %select_n3A_2097 : vector<16xf32>
      %gt3A_2110 = arith.cmpf ogt, %get3A_2103, %select_n3A_2094 : vector<16xf32>
      %gt3A_2111 = arith.cmpf ogt, %get3A_2103, %select_n3A_2090 : vector<16xf32>
      %gt3A_2112 = arith.cmpf ogt, %get3A_2103, %select_n3A_2086 : vector<16xf32>
      %gt3A_2113 = arith.cmpf ogt, %get3A_2103, %select_n3A_2082 : vector<16xf32>
      %gt3A_2114 = arith.cmpf ogt, %get3A_2103, %select_n3A_2078 : vector<16xf32>
      %gt3A_2115 = arith.cmpf ogt, %get3A_2103, %select_n3A_2074 : vector<16xf32>
      %gt3A_2116 = arith.cmpf ogt, %get3A_2103, %select_n3A_2070 : vector<16xf32>
      %select_n3A_2117 = arith.select %gt3A_2115, %select_n3A_2074, %get3A_2103 : vector<16xi1>, vector<16xf32>
      %select_n3A_2118 = arith.select %gt3A_2116, %select_n3A_2117, %select_n3A_2070 : vector<16xi1>, vector<16xf32>
      %select_n3A_2119 = arith.select %gt3A_2115, %select_n3A_2076, %broadcast_in_dim3A_2108 : vector<16xi1>, vector<16xi32>
      %select_n3A_2120 = arith.select %gt3A_2116, %select_n3A_2119, %select_n3A_2072 : vector<16xi1>, vector<16xi32>
      %select_n3A_2121 = arith.select %gt3A_2114, %select_n3A_2078, %get3A_2103 : vector<16xi1>, vector<16xf32>
      %select_n3A_2122 = arith.select %gt3A_2115, %select_n3A_2121, %select_n3A_2074 : vector<16xi1>, vector<16xf32>
      %select_n3A_2123 = arith.select %gt3A_2114, %select_n3A_2080, %broadcast_in_dim3A_2108 : vector<16xi1>, vector<16xi32>
      %select_n3A_2124 = arith.select %gt3A_2115, %select_n3A_2123, %select_n3A_2076 : vector<16xi1>, vector<16xi32>
      %select_n3A_2125 = arith.select %gt3A_2113, %select_n3A_2082, %get3A_2103 : vector<16xi1>, vector<16xf32>
      %select_n3A_2126 = arith.select %gt3A_2114, %select_n3A_2125, %select_n3A_2078 : vector<16xi1>, vector<16xf32>
      %select_n3A_2127 = arith.select %gt3A_2113, %select_n3A_2084, %broadcast_in_dim3A_2108 : vector<16xi1>, vector<16xi32>
      %select_n3A_2128 = arith.select %gt3A_2114, %select_n3A_2127, %select_n3A_2080 : vector<16xi1>, vector<16xi32>
      %select_n3A_2129 = arith.select %gt3A_2112, %select_n3A_2086, %get3A_2103 : vector<16xi1>, vector<16xf32>
      %select_n3A_2130 = arith.select %gt3A_2113, %select_n3A_2129, %select_n3A_2082 : vector<16xi1>, vector<16xf32>
      %select_n3A_2131 = arith.select %gt3A_2112, %select_n3A_2088, %broadcast_in_dim3A_2108 : vector<16xi1>, vector<16xi32>
      %select_n3A_2132 = arith.select %gt3A_2113, %select_n3A_2131, %select_n3A_2084 : vector<16xi1>, vector<16xi32>
      %select_n3A_2133 = arith.select %gt3A_2111, %select_n3A_2090, %get3A_2103 : vector<16xi1>, vector<16xf32>
      %select_n3A_2134 = arith.select %gt3A_2112, %select_n3A_2133, %select_n3A_2086 : vector<16xi1>, vector<16xf32>
      %select_n3A_2135 = arith.select %gt3A_2111, %select_n3A_2092, %broadcast_in_dim3A_2108 : vector<16xi1>, vector<16xi32>
      %select_n3A_2136 = arith.select %gt3A_2112, %select_n3A_2135, %select_n3A_2088 : vector<16xi1>, vector<16xi32>
      %select_n3A_2137 = arith.select %gt3A_2110, %select_n3A_2094, %get3A_2103 : vector<16xi1>, vector<16xf32>
      %select_n3A_2138 = arith.select %gt3A_2111, %select_n3A_2137, %select_n3A_2090 : vector<16xi1>, vector<16xf32>
      %select_n3A_2139 = arith.select %gt3A_2110, %select_n3A_2096, %broadcast_in_dim3A_2108 : vector<16xi1>, vector<16xi32>
      %select_n3A_2140 = arith.select %gt3A_2111, %select_n3A_2139, %select_n3A_2092 : vector<16xi1>, vector<16xi32>
      %select_n3A_2141 = arith.select %gt3A_2109, %select_n3A_2097, %get3A_2103 : vector<16xi1>, vector<16xf32>
      %select_n3A_2142 = arith.select %gt3A_2110, %select_n3A_2141, %select_n3A_2094 : vector<16xi1>, vector<16xf32>
      %select_n3A_2143 = arith.select %gt3A_2109, %select_n3A_2098, %broadcast_in_dim3A_2108 : vector<16xi1>, vector<16xi32>
      %select_n3A_2144 = arith.select %gt3A_2110, %select_n3A_2143, %select_n3A_2096 : vector<16xi1>, vector<16xi32>
      %select_n3A_2145 = arith.select %gt3A_2109, %get3A_2103, %select_n3A_2097 : vector<16xi1>, vector<16xf32>
      %select_n3A_2146 = arith.select %gt3A_2109, %broadcast_in_dim3A_2108, %select_n3A_2098 : vector<16xi1>, vector<16xi32>
      %get3A_2147 = arith.constant 36 : i32
      %get3A_2148 = arith.index_cast %get3A_2147 : i32 to index
      %get3A_2149 = arith.index_cast %multiple_of3A : i32 to index
      %get3A_2150 = tpu.vector_load %arg5[%get3A_2148, %get3A_2149] {strides = array<i32>} : memref<64x512xf32, #tpu.memory_space<vmem>>, vector<1x16xf32>,
      %get3A_2151 = vector.shape_cast %get3A_2150 : vector<1x16xf32> to vector<16xf32>
      %sub3A_2152 = arith.subf %get3A_2151, %max3A_389 : vector<16xf32>
      %exp3A_2153 = math.exp %sub3A_2152 : vector<16xf32>
      %add3A_2154 = arith.addf %add3A_2106, %exp3A_2153 : vector<16xf32>
      %broadcast_in_dim3A_2155 = arith.constant 36 : i32
      %broadcast_in_dim3A_2156 = vector.broadcast %broadcast_in_dim3A_2155 : i32 to vector<16xi32>
      %gt3A_2157 = arith.cmpf ogt, %get3A_2151, %select_n3A_2145 : vector<16xf32>
      %gt3A_2158 = arith.cmpf ogt, %get3A_2151, %select_n3A_2142 : vector<16xf32>
      %gt3A_2159 = arith.cmpf ogt, %get3A_2151, %select_n3A_2138 : vector<16xf32>
      %gt3A_2160 = arith.cmpf ogt, %get3A_2151, %select_n3A_2134 : vector<16xf32>
      %gt3A_2161 = arith.cmpf ogt, %get3A_2151, %select_n3A_2130 : vector<16xf32>
      %gt3A_2162 = arith.cmpf ogt, %get3A_2151, %select_n3A_2126 : vector<16xf32>
      %gt3A_2163 = arith.cmpf ogt, %get3A_2151, %select_n3A_2122 : vector<16xf32>
      %gt3A_2164 = arith.cmpf ogt, %get3A_2151, %select_n3A_2118 : vector<16xf32>
      %select_n3A_2165 = arith.select %gt3A_2163, %select_n3A_2122, %get3A_2151 : vector<16xi1>, vector<16xf32>
      %select_n3A_2166 = arith.select %gt3A_2164, %select_n3A_2165, %select_n3A_2118 : vector<16xi1>, vector<16xf32>
      %select_n3A_2167 = arith.select %gt3A_2163, %select_n3A_2124, %broadcast_in_dim3A_2156 : vector<16xi1>, vector<16xi32>
      %select_n3A_2168 = arith.select %gt3A_2164, %select_n3A_2167, %select_n3A_2120 : vector<16xi1>, vector<16xi32>
      %select_n3A_2169 = arith.select %gt3A_2162, %select_n3A_2126, %get3A_2151 : vector<16xi1>, vector<16xf32>
      %select_n3A_2170 = arith.select %gt3A_2163, %select_n3A_2169, %select_n3A_2122 : vector<16xi1>, vector<16xf32>
      %select_n3A_2171 = arith.select %gt3A_2162, %select_n3A_2128, %broadcast_in_dim3A_2156 : vector<16xi1>, vector<16xi32>
      %select_n3A_2172 = arith.select %gt3A_2163, %select_n3A_2171, %select_n3A_2124 : vector<16xi1>, vector<16xi32>
      %select_n3A_2173 = arith.select %gt3A_2161, %select_n3A_2130, %get3A_2151 : vector<16xi1>, vector<16xf32>
      %select_n3A_2174 = arith.select %gt3A_2162, %select_n3A_2173, %select_n3A_2126 : vector<16xi1>, vector<16xf32>
      %select_n3A_2175 = arith.select %gt3A_2161, %select_n3A_2132, %broadcast_in_dim3A_2156 : vector<16xi1>, vector<16xi32>
      %select_n3A_2176 = arith.select %gt3A_2162, %select_n3A_2175, %select_n3A_2128 : vector<16xi1>, vector<16xi32>
      %select_n3A_2177 = arith.select %gt3A_2160, %select_n3A_2134, %get3A_2151 : vector<16xi1>, vector<16xf32>
      %select_n3A_2178 = arith.select %gt3A_2161, %select_n3A_2177, %select_n3A_2130 : vector<16xi1>, vector<16xf32>
      %select_n3A_2179 = arith.select %gt3A_2160, %select_n3A_2136, %broadcast_in_dim3A_2156 : vector<16xi1>, vector<16xi32>
      %select_n3A_2180 = arith.select %gt3A_2161, %select_n3A_2179, %select_n3A_2132 : vector<16xi1>, vector<16xi32>
      %select_n3A_2181 = arith.select %gt3A_2159, %select_n3A_2138, %get3A_2151 : vector<16xi1>, vector<16xf32>
      %select_n3A_2182 = arith.select %gt3A_2160, %select_n3A_2181, %select_n3A_2134 : vector<16xi1>, vector<16xf32>
      %select_n3A_2183 = arith.select %gt3A_2159, %select_n3A_2140, %broadcast_in_dim3A_2156 : vector<16xi1>, vector<16xi32>
      %select_n3A_2184 = arith.select %gt3A_2160, %select_n3A_2183, %select_n3A_2136 : vector<16xi1>, vector<16xi32>
      %select_n3A_2185 = arith.select %gt3A_2158, %select_n3A_2142, %get3A_2151 : vector<16xi1>, vector<16xf32>
      %select_n3A_2186 = arith.select %gt3A_2159, %select_n3A_2185, %select_n3A_2138 : vector<16xi1>, vector<16xf32>
      %select_n3A_2187 = arith.select %gt3A_2158, %select_n3A_2144, %broadcast_in_dim3A_2156 : vector<16xi1>, vector<16xi32>
      %select_n3A_2188 = arith.select %gt3A_2159, %select_n3A_2187, %select_n3A_2140 : vector<16xi1>, vector<16xi32>
      %select_n3A_2189 = arith.select %gt3A_2157, %select_n3A_2145, %get3A_2151 : vector<16xi1>, vector<16xf32>
      %select_n3A_2190 = arith.select %gt3A_2158, %select_n3A_2189, %select_n3A_2142 : vector<16xi1>, vector<16xf32>
      %select_n3A_2191 = arith.select %gt3A_2157, %select_n3A_2146, %broadcast_in_dim3A_2156 : vector<16xi1>, vector<16xi32>
      %select_n3A_2192 = arith.select %gt3A_2158, %select_n3A_2191, %select_n3A_2144 : vector<16xi1>, vector<16xi32>
      %select_n3A_2193 = arith.select %gt3A_2157, %get3A_2151, %select_n3A_2145 : vector<16xi1>, vector<16xf32>
      %select_n3A_2194 = arith.select %gt3A_2157, %broadcast_in_dim3A_2156, %select_n3A_2146 : vector<16xi1>, vector<16xi32>
      %get3A_2195 = arith.constant 37 : i32
      %get3A_2196 = arith.index_cast %get3A_2195 : i32 to index
      %get3A_2197 = arith.index_cast %multiple_of3A : i32 to index
      %get3A_2198 = tpu.vector_load %arg5[%get3A_2196, %get3A_2197] {strides = array<i32>} : memref<64x512xf32, #tpu.memory_space<vmem>>, vector<1x16xf32>,
      %get3A_2199 = vector.shape_cast %get3A_2198 : vector<1x16xf32> to vector<16xf32>
      %sub3A_2200 = arith.subf %get3A_2199, %max3A_389 : vector<16xf32>
      %exp3A_2201 = math.exp %sub3A_2200 : vector<16xf32>
      %add3A_2202 = arith.addf %add3A_2154, %exp3A_2201 : vector<16xf32>
      %broadcast_in_dim3A_2203 = arith.constant 37 : i32
      %broadcast_in_dim3A_2204 = vector.broadcast %broadcast_in_dim3A_2203 : i32 to vector<16xi32>
      %gt3A_2205 = arith.cmpf ogt, %get3A_2199, %select_n3A_2193 : vector<16xf32>
      %gt3A_2206 = arith.cmpf ogt, %get3A_2199, %select_n3A_2190 : vector<16xf32>
      %gt3A_2207 = arith.cmpf ogt, %get3A_2199, %select_n3A_2186 : vector<16xf32>
      %gt3A_2208 = arith.cmpf ogt, %get3A_2199, %select_n3A_2182 : vector<16xf32>
      %gt3A_2209 = arith.cmpf ogt, %get3A_2199, %select_n3A_2178 : vector<16xf32>
      %gt3A_2210 = arith.cmpf ogt, %get3A_2199, %select_n3A_2174 : vector<16xf32>
      %gt3A_2211 = arith.cmpf ogt, %get3A_2199, %select_n3A_2170 : vector<16xf32>
      %gt3A_2212 = arith.cmpf ogt, %get3A_2199, %select_n3A_2166 : vector<16xf32>
      %select_n3A_2213 = arith.select %gt3A_2211, %select_n3A_2170, %get3A_2199 : vector<16xi1>, vector<16xf32>
      %select_n3A_2214 = arith.select %gt3A_2212, %select_n3A_2213, %select_n3A_2166 : vector<16xi1>, vector<16xf32>
      %select_n3A_2215 = arith.select %gt3A_2211, %select_n3A_2172, %broadcast_in_dim3A_2204 : vector<16xi1>, vector<16xi32>
      %select_n3A_2216 = arith.select %gt3A_2212, %select_n3A_2215, %select_n3A_2168 : vector<16xi1>, vector<16xi32>
      %select_n3A_2217 = arith.select %gt3A_2210, %select_n3A_2174, %get3A_2199 : vector<16xi1>, vector<16xf32>
      %select_n3A_2218 = arith.select %gt3A_2211, %select_n3A_2217, %select_n3A_2170 : vector<16xi1>, vector<16xf32>
      %select_n3A_2219 = arith.select %gt3A_2210, %select_n3A_2176, %broadcast_in_dim3A_2204 : vector<16xi1>, vector<16xi32>
      %select_n3A_2220 = arith.select %gt3A_2211, %select_n3A_2219, %select_n3A_2172 : vector<16xi1>, vector<16xi32>
      %select_n3A_2221 = arith.select %gt3A_2209, %select_n3A_2178, %get3A_2199 : vector<16xi1>, vector<16xf32>
      %select_n3A_2222 = arith.select %gt3A_2210, %select_n3A_2221, %select_n3A_2174 : vector<16xi1>, vector<16xf32>
      %select_n3A_2223 = arith.select %gt3A_2209, %select_n3A_2180, %broadcast_in_dim3A_2204 : vector<16xi1>, vector<16xi32>
      %select_n3A_2224 = arith.select %gt3A_2210, %select_n3A_2223, %select_n3A_2176 : vector<16xi1>, vector<16xi32>
      %select_n3A_2225 = arith.select %gt3A_2208, %select_n3A_2182, %get3A_2199 : vector<16xi1>, vector<16xf32>
      %select_n3A_2226 = arith.select %gt3A_2209, %select_n3A_2225, %select_n3A_2178 : vector<16xi1>, vector<16xf32>
      %select_n3A_2227 = arith.select %gt3A_2208, %select_n3A_2184, %broadcast_in_dim3A_2204 : vector<16xi1>, vector<16xi32>
      %select_n3A_2228 = arith.select %gt3A_2209, %select_n3A_2227, %select_n3A_2180 : vector<16xi1>, vector<16xi32>
      %select_n3A_2229 = arith.select %gt3A_2207, %select_n3A_2186, %get3A_2199 : vector<16xi1>, vector<16xf32>
      %select_n3A_2230 = arith.select %gt3A_2208, %select_n3A_2229, %select_n3A_2182 : vector<16xi1>, vector<16xf32>
      %select_n3A_2231 = arith.select %gt3A_2207, %select_n3A_2188, %broadcast_in_dim3A_2204 : vector<16xi1>, vector<16xi32>
      %select_n3A_2232 = arith.select %gt3A_2208, %select_n3A_2231, %select_n3A_2184 : vector<16xi1>, vector<16xi32>
      %select_n3A_2233 = arith.select %gt3A_2206, %select_n3A_2190, %get3A_2199 : vector<16xi1>, vector<16xf32>
      %select_n3A_2234 = arith.select %gt3A_2207, %select_n3A_2233, %select_n3A_2186 : vector<16xi1>, vector<16xf32>
      %select_n3A_2235 = arith.select %gt3A_2206, %select_n3A_2192, %broadcast_in_dim3A_2204 : vector<16xi1>, vector<16xi32>
      %select_n3A_2236 = arith.select %gt3A_2207, %select_n3A_2235, %select_n3A_2188 : vector<16xi1>, vector<16xi32>
      %select_n3A_2237 = arith.select %gt3A_2205, %select_n3A_2193, %get3A_2199 : vector<16xi1>, vector<16xf32>
      %select_n3A_2238 = arith.select %gt3A_2206, %select_n3A_2237, %select_n3A_2190 : vector<16xi1>, vector<16xf32>
      %select_n3A_2239 = arith.select %gt3A_2205, %select_n3A_2194, %broadcast_in_dim3A_2204 : vector<16xi1>, vector<16xi32>
      %select_n3A_2240 = arith.select %gt3A_2206, %select_n3A_2239, %select_n3A_2192 : vector<16xi1>, vector<16xi32>
      %select_n3A_2241 = arith.select %gt3A_2205, %get3A_2199, %select_n3A_2193 : vector<16xi1>, vector<16xf32>
      %select_n3A_2242 = arith.select %gt3A_2205, %broadcast_in_dim3A_2204, %select_n3A_2194 : vector<16xi1>, vector<16xi32>
      %get3A_2243 = arith.constant 38 : i32
      %get3A_2244 = arith.index_cast %get3A_2243 : i32 to index
      %get3A_2245 = arith.index_cast %multiple_of3A : i32 to index
      %get3A_2246 = tpu.vector_load %arg5[%get3A_2244, %get3A_2245] {strides = array<i32>} : memref<64x512xf32, #tpu.memory_space<vmem>>, vector<1x16xf32>,
      %get3A_2247 = vector.shape_cast %get3A_2246 : vector<1x16xf32> to vector<16xf32>
      %sub3A_2248 = arith.subf %get3A_2247, %max3A_389 : vector<16xf32>
      %exp3A_2249 = math.exp %sub3A_2248 : vector<16xf32>
      %add3A_2250 = arith.addf %add3A_2202, %exp3A_2249 : vector<16xf32>
      %broadcast_in_dim3A_2251 = arith.constant 38 : i32
      %broadcast_in_dim3A_2252 = vector.broadcast %broadcast_in_dim3A_2251 : i32 to vector<16xi32>
      %gt3A_2253 = arith.cmpf ogt, %get3A_2247, %select_n3A_2241 : vector<16xf32>
      %gt3A_2254 = arith.cmpf ogt, %get3A_2247, %select_n3A_2238 : vector<16xf32>
      %gt3A_2255 = arith.cmpf ogt, %get3A_2247, %select_n3A_2234 : vector<16xf32>
      %gt3A_2256 = arith.cmpf ogt, %get3A_2247, %select_n3A_2230 : vector<16xf32>
      %gt3A_2257 = arith.cmpf ogt, %get3A_2247, %select_n3A_2226 : vector<16xf32>
      %gt3A_2258 = arith.cmpf ogt, %get3A_2247, %select_n3A_2222 : vector<16xf32>
      %gt3A_2259 = arith.cmpf ogt, %get3A_2247, %select_n3A_2218 : vector<16xf32>
      %gt3A_2260 = arith.cmpf ogt, %get3A_2247, %select_n3A_2214 : vector<16xf32>
      %select_n3A_2261 = arith.select %gt3A_2259, %select_n3A_2218, %get3A_2247 : vector<16xi1>, vector<16xf32>
      %select_n3A_2262 = arith.select %gt3A_2260, %select_n3A_2261, %select_n3A_2214 : vector<16xi1>, vector<16xf32>
      %select_n3A_2263 = arith.select %gt3A_2259, %select_n3A_2220, %broadcast_in_dim3A_2252 : vector<16xi1>, vector<16xi32>
      %select_n3A_2264 = arith.select %gt3A_2260, %select_n3A_2263, %select_n3A_2216 : vector<16xi1>, vector<16xi32>
      %select_n3A_2265 = arith.select %gt3A_2258, %select_n3A_2222, %get3A_2247 : vector<16xi1>, vector<16xf32>
      %select_n3A_2266 = arith.select %gt3A_2259, %select_n3A_2265, %select_n3A_2218 : vector<16xi1>, vector<16xf32>
      %select_n3A_2267 = arith.select %gt3A_2258, %select_n3A_2224, %broadcast_in_dim3A_2252 : vector<16xi1>, vector<16xi32>
      %select_n3A_2268 = arith.select %gt3A_2259, %select_n3A_2267, %select_n3A_2220 : vector<16xi1>, vector<16xi32>
      %select_n3A_2269 = arith.select %gt3A_2257, %select_n3A_2226, %get3A_2247 : vector<16xi1>, vector<16xf32>
      %select_n3A_2270 = arith.select %gt3A_2258, %select_n3A_2269, %select_n3A_2222 : vector<16xi1>, vector<16xf32>
      %select_n3A_2271 = arith.select %gt3A_2257, %select_n3A_2228, %broadcast_in_dim3A_2252 : vector<16xi1>, vector<16xi32>
      %select_n3A_2272 = arith.select %gt3A_2258, %select_n3A_2271, %select_n3A_2224 : vector<16xi1>, vector<16xi32>
      %select_n3A_2273 = arith.select %gt3A_2256, %select_n3A_2230, %get3A_2247 : vector<16xi1>, vector<16xf32>
      %select_n3A_2274 = arith.select %gt3A_2257, %select_n3A_2273, %select_n3A_2226 : vector<16xi1>, vector<16xf32>
      %select_n3A_2275 = arith.select %gt3A_2256, %select_n3A_2232, %broadcast_in_dim3A_2252 : vector<16xi1>, vector<16xi32>
      %select_n3A_2276 = arith.select %gt3A_2257, %select_n3A_2275, %select_n3A_2228 : vector<16xi1>, vector<16xi32>
      %select_n3A_2277 = arith.select %gt3A_2255, %select_n3A_2234, %get3A_2247 : vector<16xi1>, vector<16xf32>
      %select_n3A_2278 = arith.select %gt3A_2256, %select_n3A_2277, %select_n3A_2230 : vector<16xi1>, vector<16xf32>
      %select_n3A_2279 = arith.select %gt3A_2255, %select_n3A_2236, %broadcast_in_dim3A_2252 : vector<16xi1>, vector<16xi32>
      %select_n3A_2280 = arith.select %gt3A_2256, %select_n3A_2279, %select_n3A_2232 : vector<16xi1>, vector<16xi32>
      %select_n3A_2281 = arith.select %gt3A_2254, %select_n3A_2238, %get3A_2247 : vector<16xi1>, vector<16xf32>
      %select_n3A_2282 = arith.select %gt3A_2255, %select_n3A_2281, %select_n3A_2234 : vector<16xi1>, vector<16xf32>
      %select_n3A_2283 = arith.select %gt3A_2254, %select_n3A_2240, %broadcast_in_dim3A_2252 : vector<16xi1>, vector<16xi32>
      %select_n3A_2284 = arith.select %gt3A_2255, %select_n3A_2283, %select_n3A_2236 : vector<16xi1>, vector<16xi32>
      %select_n3A_2285 = arith.select %gt3A_2253, %select_n3A_2241, %get3A_2247 : vector<16xi1>, vector<16xf32>
      %select_n3A_2286 = arith.select %gt3A_2254, %select_n3A_2285, %select_n3A_2238 : vector<16xi1>, vector<16xf32>
      %select_n3A_2287 = arith.select %gt3A_2253, %select_n3A_2242, %broadcast_in_dim3A_2252 : vector<16xi1>, vector<16xi32>
      %select_n3A_2288 = arith.select %gt3A_2254, %select_n3A_2287, %select_n3A_2240 : vector<16xi1>, vector<16xi32>
      %select_n3A_2289 = arith.select %gt3A_2253, %get3A_2247, %select_n3A_2241 : vector<16xi1>, vector<16xf32>
      %select_n3A_2290 = arith.select %gt3A_2253, %broadcast_in_dim3A_2252, %select_n3A_2242 : vector<16xi1>, vector<16xi32>
      %get3A_2291 = arith.constant 39 : i32
      %get3A_2292 = arith.index_cast %get3A_2291 : i32 to index
      %get3A_2293 = arith.index_cast %multiple_of3A : i32 to index
      %get3A_2294 = tpu.vector_load %arg5[%get3A_2292, %get3A_2293] {strides = array<i32>} : memref<64x512xf32, #tpu.memory_space<vmem>>, vector<1x16xf32>,
      %get3A_2295 = vector.shape_cast %get3A_2294 : vector<1x16xf32> to vector<16xf32>
      %sub3A_2296 = arith.subf %get3A_2295, %max3A_389 : vector<16xf32>
      %exp3A_2297 = math.exp %sub3A_2296 : vector<16xf32>
      %add3A_2298 = arith.addf %add3A_2250, %exp3A_2297 : vector<16xf32>
      %broadcast_in_dim3A_2299 = arith.constant 39 : i32
      %broadcast_in_dim3A_2300 = vector.broadcast %broadcast_in_dim3A_2299 : i32 to vector<16xi32>
      %gt3A_2301 = arith.cmpf ogt, %get3A_2295, %select_n3A_2289 : vector<16xf32>
      %gt3A_2302 = arith.cmpf ogt, %get3A_2295, %select_n3A_2286 : vector<16xf32>
      %gt3A_2303 = arith.cmpf ogt, %get3A_2295, %select_n3A_2282 : vector<16xf32>
      %gt3A_2304 = arith.cmpf ogt, %get3A_2295, %select_n3A_2278 : vector<16xf32>
      %gt3A_2305 = arith.cmpf ogt, %get3A_2295, %select_n3A_2274 : vector<16xf32>
      %gt3A_2306 = arith.cmpf ogt, %get3A_2295, %select_n3A_2270 : vector<16xf32>
      %gt3A_2307 = arith.cmpf ogt, %get3A_2295, %select_n3A_2266 : vector<16xf32>
      %gt3A_2308 = arith.cmpf ogt, %get3A_2295, %select_n3A_2262 : vector<16xf32>
      %select_n3A_2309 = arith.select %gt3A_2307, %select_n3A_2266, %get3A_2295 : vector<16xi1>, vector<16xf32>
      %select_n3A_2310 = arith.select %gt3A_2308, %select_n3A_2309, %select_n3A_2262 : vector<16xi1>, vector<16xf32>
      %select_n3A_2311 = arith.select %gt3A_2307, %select_n3A_2268, %broadcast_in_dim3A_2300 : vector<16xi1>, vector<16xi32>
      %select_n3A_2312 = arith.select %gt3A_2308, %select_n3A_2311, %select_n3A_2264 : vector<16xi1>, vector<16xi32>
      %select_n3A_2313 = arith.select %gt3A_2306, %select_n3A_2270, %get3A_2295 : vector<16xi1>, vector<16xf32>
      %select_n3A_2314 = arith.select %gt3A_2307, %select_n3A_2313, %select_n3A_2266 : vector<16xi1>, vector<16xf32>
      %select_n3A_2315 = arith.select %gt3A_2306, %select_n3A_2272, %broadcast_in_dim3A_2300 : vector<16xi1>, vector<16xi32>
      %select_n3A_2316 = arith.select %gt3A_2307, %select_n3A_2315, %select_n3A_2268 : vector<16xi1>, vector<16xi32>
      %select_n3A_2317 = arith.select %gt3A_2305, %select_n3A_2274, %get3A_2295 : vector<16xi1>, vector<16xf32>
      %select_n3A_2318 = arith.select %gt3A_2306, %select_n3A_2317, %select_n3A_2270 : vector<16xi1>, vector<16xf32>
      %select_n3A_2319 = arith.select %gt3A_2305, %select_n3A_2276, %broadcast_in_dim3A_2300 : vector<16xi1>, vector<16xi32>
      %select_n3A_2320 = arith.select %gt3A_2306, %select_n3A_2319, %select_n3A_2272 : vector<16xi1>, vector<16xi32>
      %select_n3A_2321 = arith.select %gt3A_2304, %select_n3A_2278, %get3A_2295 : vector<16xi1>, vector<16xf32>
      %select_n3A_2322 = arith.select %gt3A_2305, %select_n3A_2321, %select_n3A_2274 : vector<16xi1>, vector<16xf32>
      %select_n3A_2323 = arith.select %gt3A_2304, %select_n3A_2280, %broadcast_in_dim3A_2300 : vector<16xi1>, vector<16xi32>
      %select_n3A_2324 = arith.select %gt3A_2305, %select_n3A_2323, %select_n3A_2276 : vector<16xi1>, vector<16xi32>
      %select_n3A_2325 = arith.select %gt3A_2303, %select_n3A_2282, %get3A_2295 : vector<16xi1>, vector<16xf32>
      %select_n3A_2326 = arith.select %gt3A_2304, %select_n3A_2325, %select_n3A_2278 : vector<16xi1>, vector<16xf32>
      %select_n3A_2327 = arith.select %gt3A_2303, %select_n3A_2284, %broadcast_in_dim3A_2300 : vector<16xi1>, vector<16xi32>
      %select_n3A_2328 = arith.select %gt3A_2304, %select_n3A_2327, %select_n3A_2280 : vector<16xi1>, vector<16xi32>
      %select_n3A_2329 = arith.select %gt3A_2302, %select_n3A_2286, %get3A_2295 : vector<16xi1>, vector<16xf32>
      %select_n3A_2330 = arith.select %gt3A_2303, %select_n3A_2329, %select_n3A_2282 : vector<16xi1>, vector<16xf32>
      %select_n3A_2331 = arith.select %gt3A_2302, %select_n3A_2288, %broadcast_in_dim3A_2300 : vector<16xi1>, vector<16xi32>
      %select_n3A_2332 = arith.select %gt3A_2303, %select_n3A_2331, %select_n3A_2284 : vector<16xi1>, vector<16xi32>
      %select_n3A_2333 = arith.select %gt3A_2301, %select_n3A_2289, %get3A_2295 : vector<16xi1>, vector<16xf32>
      %select_n3A_2334 = arith.select %gt3A_2302, %select_n3A_2333, %select_n3A_2286 : vector<16xi1>, vector<16xf32>
      %select_n3A_2335 = arith.select %gt3A_2301, %select_n3A_2290, %broadcast_in_dim3A_2300 : vector<16xi1>, vector<16xi32>
      %select_n3A_2336 = arith.select %gt3A_2302, %select_n3A_2335, %select_n3A_2288 : vector<16xi1>, vector<16xi32>
      %select_n3A_2337 = arith.select %gt3A_2301, %get3A_2295, %select_n3A_2289 : vector<16xi1>, vector<16xf32>
      %select_n3A_2338 = arith.select %gt3A_2301, %broadcast_in_dim3A_2300, %select_n3A_2290 : vector<16xi1>, vector<16xi32>
      %get3A_2339 = arith.constant 40 : i32
      %get3A_2340 = arith.index_cast %get3A_2339 : i32 to index
      %get3A_2341 = arith.index_cast %multiple_of3A : i32 to index
      %get3A_2342 = tpu.vector_load %arg5[%get3A_2340, %get3A_2341] {strides = array<i32>} : memref<64x512xf32, #tpu.memory_space<vmem>>, vector<1x16xf32>,
      %get3A_2343 = vector.shape_cast %get3A_2342 : vector<1x16xf32> to vector<16xf32>
      %sub3A_2344 = arith.subf %get3A_2343, %max3A_389 : vector<16xf32>
      %exp3A_2345 = math.exp %sub3A_2344 : vector<16xf32>
      %add3A_2346 = arith.addf %add3A_2298, %exp3A_2345 : vector<16xf32>
      %broadcast_in_dim3A_2347 = arith.constant 40 : i32
      %broadcast_in_dim3A_2348 = vector.broadcast %broadcast_in_dim3A_2347 : i32 to vector<16xi32>
      %gt3A_2349 = arith.cmpf ogt, %get3A_2343, %select_n3A_2337 : vector<16xf32>
      %gt3A_2350 = arith.cmpf ogt, %get3A_2343, %select_n3A_2334 : vector<16xf32>
      %gt3A_2351 = arith.cmpf ogt, %get3A_2343, %select_n3A_2330 : vector<16xf32>
      %gt3A_2352 = arith.cmpf ogt, %get3A_2343, %select_n3A_2326 : vector<16xf32>
      %gt3A_2353 = arith.cmpf ogt, %get3A_2343, %select_n3A_2322 : vector<16xf32>
      %gt3A_2354 = arith.cmpf ogt, %get3A_2343, %select_n3A_2318 : vector<16xf32>
      %gt3A_2355 = arith.cmpf ogt, %get3A_2343, %select_n3A_2314 : vector<16xf32>
      %gt3A_2356 = arith.cmpf ogt, %get3A_2343, %select_n3A_2310 : vector<16xf32>
      %select_n3A_2357 = arith.select %gt3A_2355, %select_n3A_2314, %get3A_2343 : vector<16xi1>, vector<16xf32>
      %select_n3A_2358 = arith.select %gt3A_2356, %select_n3A_2357, %select_n3A_2310 : vector<16xi1>, vector<16xf32>
      %select_n3A_2359 = arith.select %gt3A_2355, %select_n3A_2316, %broadcast_in_dim3A_2348 : vector<16xi1>, vector<16xi32>
      %select_n3A_2360 = arith.select %gt3A_2356, %select_n3A_2359, %select_n3A_2312 : vector<16xi1>, vector<16xi32>
      %select_n3A_2361 = arith.select %gt3A_2354, %select_n3A_2318, %get3A_2343 : vector<16xi1>, vector<16xf32>
      %select_n3A_2362 = arith.select %gt3A_2355, %select_n3A_2361, %select_n3A_2314 : vector<16xi1>, vector<16xf32>
      %select_n3A_2363 = arith.select %gt3A_2354, %select_n3A_2320, %broadcast_in_dim3A_2348 : vector<16xi1>, vector<16xi32>
      %select_n3A_2364 = arith.select %gt3A_2355, %select_n3A_2363, %select_n3A_2316 : vector<16xi1>, vector<16xi32>
      %select_n3A_2365 = arith.select %gt3A_2353, %select_n3A_2322, %get3A_2343 : vector<16xi1>, vector<16xf32>
      %select_n3A_2366 = arith.select %gt3A_2354, %select_n3A_2365, %select_n3A_2318 : vector<16xi1>, vector<16xf32>
      %select_n3A_2367 = arith.select %gt3A_2353, %select_n3A_2324, %broadcast_in_dim3A_2348 : vector<16xi1>, vector<16xi32>
      %select_n3A_2368 = arith.select %gt3A_2354, %select_n3A_2367, %select_n3A_2320 : vector<16xi1>, vector<16xi32>
      %select_n3A_2369 = arith.select %gt3A_2352, %select_n3A_2326, %get3A_2343 : vector<16xi1>, vector<16xf32>
      %select_n3A_2370 = arith.select %gt3A_2353, %select_n3A_2369, %select_n3A_2322 : vector<16xi1>, vector<16xf32>
      %select_n3A_2371 = arith.select %gt3A_2352, %select_n3A_2328, %broadcast_in_dim3A_2348 : vector<16xi1>, vector<16xi32>
      %select_n3A_2372 = arith.select %gt3A_2353, %select_n3A_2371, %select_n3A_2324 : vector<16xi1>, vector<16xi32>
      %select_n3A_2373 = arith.select %gt3A_2351, %select_n3A_2330, %get3A_2343 : vector<16xi1>, vector<16xf32>
      %select_n3A_2374 = arith.select %gt3A_2352, %select_n3A_2373, %select_n3A_2326 : vector<16xi1>, vector<16xf32>
      %select_n3A_2375 = arith.select %gt3A_2351, %select_n3A_2332, %broadcast_in_dim3A_2348 : vector<16xi1>, vector<16xi32>
      %select_n3A_2376 = arith.select %gt3A_2352, %select_n3A_2375, %select_n3A_2328 : vector<16xi1>, vector<16xi32>
      %select_n3A_2377 = arith.select %gt3A_2350, %select_n3A_2334, %get3A_2343 : vector<16xi1>, vector<16xf32>
      %select_n3A_2378 = arith.select %gt3A_2351, %select_n3A_2377, %select_n3A_2330 : vector<16xi1>, vector<16xf32>
      %select_n3A_2379 = arith.select %gt3A_2350, %select_n3A_2336, %broadcast_in_dim3A_2348 : vector<16xi1>, vector<16xi32>
      %select_n3A_2380 = arith.select %gt3A_2351, %select_n3A_2379, %select_n3A_2332 : vector<16xi1>, vector<16xi32>
      %select_n3A_2381 = arith.select %gt3A_2349, %select_n3A_2337, %get3A_2343 : vector<16xi1>, vector<16xf32>
      %select_n3A_2382 = arith.select %gt3A_2350, %select_n3A_2381, %select_n3A_2334 : vector<16xi1>, vector<16xf32>
      %select_n3A_2383 = arith.select %gt3A_2349, %select_n3A_2338, %broadcast_in_dim3A_2348 : vector<16xi1>, vector<16xi32>
      %select_n3A_2384 = arith.select %gt3A_2350, %select_n3A_2383, %select_n3A_2336 : vector<16xi1>, vector<16xi32>
      %select_n3A_2385 = arith.select %gt3A_2349, %get3A_2343, %select_n3A_2337 : vector<16xi1>, vector<16xf32>
      %select_n3A_2386 = arith.select %gt3A_2349, %broadcast_in_dim3A_2348, %select_n3A_2338 : vector<16xi1>, vector<16xi32>
      %get3A_2387 = arith.constant 41 : i32
      %get3A_2388 = arith.index_cast %get3A_2387 : i32 to index
      %get3A_2389 = arith.index_cast %multiple_of3A : i32 to index
      %get3A_2390 = tpu.vector_load %arg5[%get3A_2388, %get3A_2389] {strides = array<i32>} : memref<64x512xf32, #tpu.memory_space<vmem>>, vector<1x16xf32>,
      %get3A_2391 = vector.shape_cast %get3A_2390 : vector<1x16xf32> to vector<16xf32>
      %sub3A_2392 = arith.subf %get3A_2391, %max3A_389 : vector<16xf32>
      %exp3A_2393 = math.exp %sub3A_2392 : vector<16xf32>
      %add3A_2394 = arith.addf %add3A_2346, %exp3A_2393 : vector<16xf32>
      %broadcast_in_dim3A_2395 = arith.constant 41 : i32
      %broadcast_in_dim3A_2396 = vector.broadcast %broadcast_in_dim3A_2395 : i32 to vector<16xi32>
      %gt3A_2397 = arith.cmpf ogt, %get3A_2391, %select_n3A_2385 : vector<16xf32>
      %gt3A_2398 = arith.cmpf ogt, %get3A_2391, %select_n3A_2382 : vector<16xf32>
      %gt3A_2399 = arith.cmpf ogt, %get3A_2391, %select_n3A_2378 : vector<16xf32>
      %gt3A_2400 = arith.cmpf ogt, %get3A_2391, %select_n3A_2374 : vector<16xf32>
      %gt3A_2401 = arith.cmpf ogt, %get3A_2391, %select_n3A_2370 : vector<16xf32>
      %gt3A_2402 = arith.cmpf ogt, %get3A_2391, %select_n3A_2366 : vector<16xf32>
      %gt3A_2403 = arith.cmpf ogt, %get3A_2391, %select_n3A_2362 : vector<16xf32>
      %gt3A_2404 = arith.cmpf ogt, %get3A_2391, %select_n3A_2358 : vector<16xf32>
      %select_n3A_2405 = arith.select %gt3A_2403, %select_n3A_2362, %get3A_2391 : vector<16xi1>, vector<16xf32>
      %select_n3A_2406 = arith.select %gt3A_2404, %select_n3A_2405, %select_n3A_2358 : vector<16xi1>, vector<16xf32>
      %select_n3A_2407 = arith.select %gt3A_2403, %select_n3A_2364, %broadcast_in_dim3A_2396 : vector<16xi1>, vector<16xi32>
      %select_n3A_2408 = arith.select %gt3A_2404, %select_n3A_2407, %select_n3A_2360 : vector<16xi1>, vector<16xi32>
      %select_n3A_2409 = arith.select %gt3A_2402, %select_n3A_2366, %get3A_2391 : vector<16xi1>, vector<16xf32>
      %select_n3A_2410 = arith.select %gt3A_2403, %select_n3A_2409, %select_n3A_2362 : vector<16xi1>, vector<16xf32>
      %select_n3A_2411 = arith.select %gt3A_2402, %select_n3A_2368, %broadcast_in_dim3A_2396 : vector<16xi1>, vector<16xi32>
      %select_n3A_2412 = arith.select %gt3A_2403, %select_n3A_2411, %select_n3A_2364 : vector<16xi1>, vector<16xi32>
      %select_n3A_2413 = arith.select %gt3A_2401, %select_n3A_2370, %get3A_2391 : vector<16xi1>, vector<16xf32>
      %select_n3A_2414 = arith.select %gt3A_2402, %select_n3A_2413, %select_n3A_2366 : vector<16xi1>, vector<16xf32>
      %select_n3A_2415 = arith.select %gt3A_2401, %select_n3A_2372, %broadcast_in_dim3A_2396 : vector<16xi1>, vector<16xi32>
      %select_n3A_2416 = arith.select %gt3A_2402, %select_n3A_2415, %select_n3A_2368 : vector<16xi1>, vector<16xi32>
      %select_n3A_2417 = arith.select %gt3A_2400, %select_n3A_2374, %get3A_2391 : vector<16xi1>, vector<16xf32>
      %select_n3A_2418 = arith.select %gt3A_2401, %select_n3A_2417, %select_n3A_2370 : vector<16xi1>, vector<16xf32>
      %select_n3A_2419 = arith.select %gt3A_2400, %select_n3A_2376, %broadcast_in_dim3A_2396 : vector<16xi1>, vector<16xi32>
      %select_n3A_2420 = arith.select %gt3A_2401, %select_n3A_2419, %select_n3A_2372 : vector<16xi1>, vector<16xi32>
      %select_n3A_2421 = arith.select %gt3A_2399, %select_n3A_2378, %get3A_2391 : vector<16xi1>, vector<16xf32>
      %select_n3A_2422 = arith.select %gt3A_2400, %select_n3A_2421, %select_n3A_2374 : vector<16xi1>, vector<16xf32>
      %select_n3A_2423 = arith.select %gt3A_2399, %select_n3A_2380, %broadcast_in_dim3A_2396 : vector<16xi1>, vector<16xi32>
      %select_n3A_2424 = arith.select %gt3A_2400, %select_n3A_2423, %select_n3A_2376 : vector<16xi1>, vector<16xi32>
      %select_n3A_2425 = arith.select %gt3A_2398, %select_n3A_2382, %get3A_2391 : vector<16xi1>, vector<16xf32>
      %select_n3A_2426 = arith.select %gt3A_2399, %select_n3A_2425, %select_n3A_2378 : vector<16xi1>, vector<16xf32>
      %select_n3A_2427 = arith.select %gt3A_2398, %select_n3A_2384, %broadcast_in_dim3A_2396 : vector<16xi1>, vector<16xi32>
      %select_n3A_2428 = arith.select %gt3A_2399, %select_n3A_2427, %select_n3A_2380 : vector<16xi1>, vector<16xi32>
      %select_n3A_2429 = arith.select %gt3A_2397, %select_n3A_2385, %get3A_2391 : vector<16xi1>, vector<16xf32>
      %select_n3A_2430 = arith.select %gt3A_2398, %select_n3A_2429, %select_n3A_2382 : vector<16xi1>, vector<16xf32>
      %select_n3A_2431 = arith.select %gt3A_2397, %select_n3A_2386, %broadcast_in_dim3A_2396 : vector<16xi1>, vector<16xi32>
      %select_n3A_2432 = arith.select %gt3A_2398, %select_n3A_2431, %select_n3A_2384 : vector<16xi1>, vector<16xi32>
      %select_n3A_2433 = arith.select %gt3A_2397, %get3A_2391, %select_n3A_2385 : vector<16xi1>, vector<16xf32>
      %select_n3A_2434 = arith.select %gt3A_2397, %broadcast_in_dim3A_2396, %select_n3A_2386 : vector<16xi1>, vector<16xi32>
      %get3A_2435 = arith.constant 42 : i32
      %get3A_2436 = arith.index_cast %get3A_2435 : i32 to index
      %get3A_2437 = arith.index_cast %multiple_of3A : i32 to index
      %get3A_2438 = tpu.vector_load %arg5[%get3A_2436, %get3A_2437] {strides = array<i32>} : memref<64x512xf32, #tpu.memory_space<vmem>>, vector<1x16xf32>,
      %get3A_2439 = vector.shape_cast %get3A_2438 : vector<1x16xf32> to vector<16xf32>
      %sub3A_2440 = arith.subf %get3A_2439, %max3A_389 : vector<16xf32>
      %exp3A_2441 = math.exp %sub3A_2440 : vector<16xf32>
      %add3A_2442 = arith.addf %add3A_2394, %exp3A_2441 : vector<16xf32>
      %broadcast_in_dim3A_2443 = arith.constant 42 : i32
      %broadcast_in_dim3A_2444 = vector.broadcast %broadcast_in_dim3A_2443 : i32 to vector<16xi32>
      %gt3A_2445 = arith.cmpf ogt, %get3A_2439, %select_n3A_2433 : vector<16xf32>
      %gt3A_2446 = arith.cmpf ogt, %get3A_2439, %select_n3A_2430 : vector<16xf32>
      %gt3A_2447 = arith.cmpf ogt, %get3A_2439, %select_n3A_2426 : vector<16xf32>
      %gt3A_2448 = arith.cmpf ogt, %get3A_2439, %select_n3A_2422 : vector<16xf32>
      %gt3A_2449 = arith.cmpf ogt, %get3A_2439, %select_n3A_2418 : vector<16xf32>
      %gt3A_2450 = arith.cmpf ogt, %get3A_2439, %select_n3A_2414 : vector<16xf32>
      %gt3A_2451 = arith.cmpf ogt, %get3A_2439, %select_n3A_2410 : vector<16xf32>
      %gt3A_2452 = arith.cmpf ogt, %get3A_2439, %select_n3A_2406 : vector<16xf32>
      %select_n3A_2453 = arith.select %gt3A_2451, %select_n3A_2410, %get3A_2439 : vector<16xi1>, vector<16xf32>
      %select_n3A_2454 = arith.select %gt3A_2452, %select_n3A_2453, %select_n3A_2406 : vector<16xi1>, vector<16xf32>
      %select_n3A_2455 = arith.select %gt3A_2451, %select_n3A_2412, %broadcast_in_dim3A_2444 : vector<16xi1>, vector<16xi32>
      %select_n3A_2456 = arith.select %gt3A_2452, %select_n3A_2455, %select_n3A_2408 : vector<16xi1>, vector<16xi32>
      %select_n3A_2457 = arith.select %gt3A_2450, %select_n3A_2414, %get3A_2439 : vector<16xi1>, vector<16xf32>
      %select_n3A_2458 = arith.select %gt3A_2451, %select_n3A_2457, %select_n3A_2410 : vector<16xi1>, vector<16xf32>
      %select_n3A_2459 = arith.select %gt3A_2450, %select_n3A_2416, %broadcast_in_dim3A_2444 : vector<16xi1>, vector<16xi32>
      %select_n3A_2460 = arith.select %gt3A_2451, %select_n3A_2459, %select_n3A_2412 : vector<16xi1>, vector<16xi32>
      %select_n3A_2461 = arith.select %gt3A_2449, %select_n3A_2418, %get3A_2439 : vector<16xi1>, vector<16xf32>
      %select_n3A_2462 = arith.select %gt3A_2450, %select_n3A_2461, %select_n3A_2414 : vector<16xi1>, vector<16xf32>
      %select_n3A_2463 = arith.select %gt3A_2449, %select_n3A_2420, %broadcast_in_dim3A_2444 : vector<16xi1>, vector<16xi32>
      %select_n3A_2464 = arith.select %gt3A_2450, %select_n3A_2463, %select_n3A_2416 : vector<16xi1>, vector<16xi32>
      %select_n3A_2465 = arith.select %gt3A_2448, %select_n3A_2422, %get3A_2439 : vector<16xi1>, vector<16xf32>
      %select_n3A_2466 = arith.select %gt3A_2449, %select_n3A_2465, %select_n3A_2418 : vector<16xi1>, vector<16xf32>
      %select_n3A_2467 = arith.select %gt3A_2448, %select_n3A_2424, %broadcast_in_dim3A_2444 : vector<16xi1>, vector<16xi32>
      %select_n3A_2468 = arith.select %gt3A_2449, %select_n3A_2467, %select_n3A_2420 : vector<16xi1>, vector<16xi32>
      %select_n3A_2469 = arith.select %gt3A_2447, %select_n3A_2426, %get3A_2439 : vector<16xi1>, vector<16xf32>
      %select_n3A_2470 = arith.select %gt3A_2448, %select_n3A_2469, %select_n3A_2422 : vector<16xi1>, vector<16xf32>
      %select_n3A_2471 = arith.select %gt3A_2447, %select_n3A_2428, %broadcast_in_dim3A_2444 : vector<16xi1>, vector<16xi32>
      %select_n3A_2472 = arith.select %gt3A_2448, %select_n3A_2471, %select_n3A_2424 : vector<16xi1>, vector<16xi32>
      %select_n3A_2473 = arith.select %gt3A_2446, %select_n3A_2430, %get3A_2439 : vector<16xi1>, vector<16xf32>
      %select_n3A_2474 = arith.select %gt3A_2447, %select_n3A_2473, %select_n3A_2426 : vector<16xi1>, vector<16xf32>
      %select_n3A_2475 = arith.select %gt3A_2446, %select_n3A_2432, %broadcast_in_dim3A_2444 : vector<16xi1>, vector<16xi32>
      %select_n3A_2476 = arith.select %gt3A_2447, %select_n3A_2475, %select_n3A_2428 : vector<16xi1>, vector<16xi32>
      %select_n3A_2477 = arith.select %gt3A_2445, %select_n3A_2433, %get3A_2439 : vector<16xi1>, vector<16xf32>
      %select_n3A_2478 = arith.select %gt3A_2446, %select_n3A_2477, %select_n3A_2430 : vector<16xi1>, vector<16xf32>
      %select_n3A_2479 = arith.select %gt3A_2445, %select_n3A_2434, %broadcast_in_dim3A_2444 : vector<16xi1>, vector<16xi32>
      %select_n3A_2480 = arith.select %gt3A_2446, %select_n3A_2479, %select_n3A_2432 : vector<16xi1>, vector<16xi32>
      %select_n3A_2481 = arith.select %gt3A_2445, %get3A_2439, %select_n3A_2433 : vector<16xi1>, vector<16xf32>
      %select_n3A_2482 = arith.select %gt3A_2445, %broadcast_in_dim3A_2444, %select_n3A_2434 : vector<16xi1>, vector<16xi32>
      %get3A_2483 = arith.constant 43 : i32
      %get3A_2484 = arith.index_cast %get3A_2483 : i32 to index
      %get3A_2485 = arith.index_cast %multiple_of3A : i32 to index
      %get3A_2486 = tpu.vector_load %arg5[%get3A_2484, %get3A_2485] {strides = array<i32>} : memref<64x512xf32, #tpu.memory_space<vmem>>, vector<1x16xf32>,
      %get3A_2487 = vector.shape_cast %get3A_2486 : vector<1x16xf32> to vector<16xf32>
      %sub3A_2488 = arith.subf %get3A_2487, %max3A_389 : vector<16xf32>
      %exp3A_2489 = math.exp %sub3A_2488 : vector<16xf32>
      %add3A_2490 = arith.addf %add3A_2442, %exp3A_2489 : vector<16xf32>
      %broadcast_in_dim3A_2491 = arith.constant 43 : i32
      %broadcast_in_dim3A_2492 = vector.broadcast %broadcast_in_dim3A_2491 : i32 to vector<16xi32>
      %gt3A_2493 = arith.cmpf ogt, %get3A_2487, %select_n3A_2481 : vector<16xf32>
      %gt3A_2494 = arith.cmpf ogt, %get3A_2487, %select_n3A_2478 : vector<16xf32>
      %gt3A_2495 = arith.cmpf ogt, %get3A_2487, %select_n3A_2474 : vector<16xf32>
      %gt3A_2496 = arith.cmpf ogt, %get3A_2487, %select_n3A_2470 : vector<16xf32>
      %gt3A_2497 = arith.cmpf ogt, %get3A_2487, %select_n3A_2466 : vector<16xf32>
      %gt3A_2498 = arith.cmpf ogt, %get3A_2487, %select_n3A_2462 : vector<16xf32>
      %gt3A_2499 = arith.cmpf ogt, %get3A_2487, %select_n3A_2458 : vector<16xf32>
      %gt3A_2500 = arith.cmpf ogt, %get3A_2487, %select_n3A_2454 : vector<16xf32>
      %select_n3A_2501 = arith.select %gt3A_2499, %select_n3A_2458, %get3A_2487 : vector<16xi1>, vector<16xf32>
      %select_n3A_2502 = arith.select %gt3A_2500, %select_n3A_2501, %select_n3A_2454 : vector<16xi1>, vector<16xf32>
      %select_n3A_2503 = arith.select %gt3A_2499, %select_n3A_2460, %broadcast_in_dim3A_2492 : vector<16xi1>, vector<16xi32>
      %select_n3A_2504 = arith.select %gt3A_2500, %select_n3A_2503, %select_n3A_2456 : vector<16xi1>, vector<16xi32>
      %select_n3A_2505 = arith.select %gt3A_2498, %select_n3A_2462, %get3A_2487 : vector<16xi1>, vector<16xf32>
      %select_n3A_2506 = arith.select %gt3A_2499, %select_n3A_2505, %select_n3A_2458 : vector<16xi1>, vector<16xf32>
      %select_n3A_2507 = arith.select %gt3A_2498, %select_n3A_2464, %broadcast_in_dim3A_2492 : vector<16xi1>, vector<16xi32>
      %select_n3A_2508 = arith.select %gt3A_2499, %select_n3A_2507, %select_n3A_2460 : vector<16xi1>, vector<16xi32>
      %select_n3A_2509 = arith.select %gt3A_2497, %select_n3A_2466, %get3A_2487 : vector<16xi1>, vector<16xf32>
      %select_n3A_2510 = arith.select %gt3A_2498, %select_n3A_2509, %select_n3A_2462 : vector<16xi1>, vector<16xf32>
      %select_n3A_2511 = arith.select %gt3A_2497, %select_n3A_2468, %broadcast_in_dim3A_2492 : vector<16xi1>, vector<16xi32>
      %select_n3A_2512 = arith.select %gt3A_2498, %select_n3A_2511, %select_n3A_2464 : vector<16xi1>, vector<16xi32>
      %select_n3A_2513 = arith.select %gt3A_2496, %select_n3A_2470, %get3A_2487 : vector<16xi1>, vector<16xf32>
      %select_n3A_2514 = arith.select %gt3A_2497, %select_n3A_2513, %select_n3A_2466 : vector<16xi1>, vector<16xf32>
      %select_n3A_2515 = arith.select %gt3A_2496, %select_n3A_2472, %broadcast_in_dim3A_2492 : vector<16xi1>, vector<16xi32>
      %select_n3A_2516 = arith.select %gt3A_2497, %select_n3A_2515, %select_n3A_2468 : vector<16xi1>, vector<16xi32>
      %select_n3A_2517 = arith.select %gt3A_2495, %select_n3A_2474, %get3A_2487 : vector<16xi1>, vector<16xf32>
      %select_n3A_2518 = arith.select %gt3A_2496, %select_n3A_2517, %select_n3A_2470 : vector<16xi1>, vector<16xf32>
      %select_n3A_2519 = arith.select %gt3A_2495, %select_n3A_2476, %broadcast_in_dim3A_2492 : vector<16xi1>, vector<16xi32>
      %select_n3A_2520 = arith.select %gt3A_2496, %select_n3A_2519, %select_n3A_2472 : vector<16xi1>, vector<16xi32>
      %select_n3A_2521 = arith.select %gt3A_2494, %select_n3A_2478, %get3A_2487 : vector<16xi1>, vector<16xf32>
      %select_n3A_2522 = arith.select %gt3A_2495, %select_n3A_2521, %select_n3A_2474 : vector<16xi1>, vector<16xf32>
      %select_n3A_2523 = arith.select %gt3A_2494, %select_n3A_2480, %broadcast_in_dim3A_2492 : vector<16xi1>, vector<16xi32>
      %select_n3A_2524 = arith.select %gt3A_2495, %select_n3A_2523, %select_n3A_2476 : vector<16xi1>, vector<16xi32>
      %select_n3A_2525 = arith.select %gt3A_2493, %select_n3A_2481, %get3A_2487 : vector<16xi1>, vector<16xf32>
      %select_n3A_2526 = arith.select %gt3A_2494, %select_n3A_2525, %select_n3A_2478 : vector<16xi1>, vector<16xf32>
      %select_n3A_2527 = arith.select %gt3A_2493, %select_n3A_2482, %broadcast_in_dim3A_2492 : vector<16xi1>, vector<16xi32>
      %select_n3A_2528 = arith.select %gt3A_2494, %select_n3A_2527, %select_n3A_2480 : vector<16xi1>, vector<16xi32>
      %select_n3A_2529 = arith.select %gt3A_2493, %get3A_2487, %select_n3A_2481 : vector<16xi1>, vector<16xf32>
      %select_n3A_2530 = arith.select %gt3A_2493, %broadcast_in_dim3A_2492, %select_n3A_2482 : vector<16xi1>, vector<16xi32>
      %get3A_2531 = arith.constant 44 : i32
      %get3A_2532 = arith.index_cast %get3A_2531 : i32 to index
      %get3A_2533 = arith.index_cast %multiple_of3A : i32 to index
      %get3A_2534 = tpu.vector_load %arg5[%get3A_2532, %get3A_2533] {strides = array<i32>} : memref<64x512xf32, #tpu.memory_space<vmem>>, vector<1x16xf32>,
      %get3A_2535 = vector.shape_cast %get3A_2534 : vector<1x16xf32> to vector<16xf32>
      %sub3A_2536 = arith.subf %get3A_2535, %max3A_389 : vector<16xf32>
      %exp3A_2537 = math.exp %sub3A_2536 : vector<16xf32>
      %add3A_2538 = arith.addf %add3A_2490, %exp3A_2537 : vector<16xf32>
      %broadcast_in_dim3A_2539 = arith.constant 44 : i32
      %broadcast_in_dim3A_2540 = vector.broadcast %broadcast_in_dim3A_2539 : i32 to vector<16xi32>
      %gt3A_2541 = arith.cmpf ogt, %get3A_2535, %select_n3A_2529 : vector<16xf32>
      %gt3A_2542 = arith.cmpf ogt, %get3A_2535, %select_n3A_2526 : vector<16xf32>
      %gt3A_2543 = arith.cmpf ogt, %get3A_2535, %select_n3A_2522 : vector<16xf32>
      %gt3A_2544 = arith.cmpf ogt, %get3A_2535, %select_n3A_2518 : vector<16xf32>
      %gt3A_2545 = arith.cmpf ogt, %get3A_2535, %select_n3A_2514 : vector<16xf32>
      %gt3A_2546 = arith.cmpf ogt, %get3A_2535, %select_n3A_2510 : vector<16xf32>
      %gt3A_2547 = arith.cmpf ogt, %get3A_2535, %select_n3A_2506 : vector<16xf32>
      %gt3A_2548 = arith.cmpf ogt, %get3A_2535, %select_n3A_2502 : vector<16xf32>
      %select_n3A_2549 = arith.select %gt3A_2547, %select_n3A_2506, %get3A_2535 : vector<16xi1>, vector<16xf32>
      %select_n3A_2550 = arith.select %gt3A_2548, %select_n3A_2549, %select_n3A_2502 : vector<16xi1>, vector<16xf32>
      %select_n3A_2551 = arith.select %gt3A_2547, %select_n3A_2508, %broadcast_in_dim3A_2540 : vector<16xi1>, vector<16xi32>
      %select_n3A_2552 = arith.select %gt3A_2548, %select_n3A_2551, %select_n3A_2504 : vector<16xi1>, vector<16xi32>
      %select_n3A_2553 = arith.select %gt3A_2546, %select_n3A_2510, %get3A_2535 : vector<16xi1>, vector<16xf32>
      %select_n3A_2554 = arith.select %gt3A_2547, %select_n3A_2553, %select_n3A_2506 : vector<16xi1>, vector<16xf32>
      %select_n3A_2555 = arith.select %gt3A_2546, %select_n3A_2512, %broadcast_in_dim3A_2540 : vector<16xi1>, vector<16xi32>
      %select_n3A_2556 = arith.select %gt3A_2547, %select_n3A_2555, %select_n3A_2508 : vector<16xi1>, vector<16xi32>
      %select_n3A_2557 = arith.select %gt3A_2545, %select_n3A_2514, %get3A_2535 : vector<16xi1>, vector<16xf32>
      %select_n3A_2558 = arith.select %gt3A_2546, %select_n3A_2557, %select_n3A_2510 : vector<16xi1>, vector<16xf32>
      %select_n3A_2559 = arith.select %gt3A_2545, %select_n3A_2516, %broadcast_in_dim3A_2540 : vector<16xi1>, vector<16xi32>
      %select_n3A_2560 = arith.select %gt3A_2546, %select_n3A_2559, %select_n3A_2512 : vector<16xi1>, vector<16xi32>
      %select_n3A_2561 = arith.select %gt3A_2544, %select_n3A_2518, %get3A_2535 : vector<16xi1>, vector<16xf32>
      %select_n3A_2562 = arith.select %gt3A_2545, %select_n3A_2561, %select_n3A_2514 : vector<16xi1>, vector<16xf32>
      %select_n3A_2563 = arith.select %gt3A_2544, %select_n3A_2520, %broadcast_in_dim3A_2540 : vector<16xi1>, vector<16xi32>
      %select_n3A_2564 = arith.select %gt3A_2545, %select_n3A_2563, %select_n3A_2516 : vector<16xi1>, vector<16xi32>
      %select_n3A_2565 = arith.select %gt3A_2543, %select_n3A_2522, %get3A_2535 : vector<16xi1>, vector<16xf32>
      %select_n3A_2566 = arith.select %gt3A_2544, %select_n3A_2565, %select_n3A_2518 : vector<16xi1>, vector<16xf32>
      %select_n3A_2567 = arith.select %gt3A_2543, %select_n3A_2524, %broadcast_in_dim3A_2540 : vector<16xi1>, vector<16xi32>
      %select_n3A_2568 = arith.select %gt3A_2544, %select_n3A_2567, %select_n3A_2520 : vector<16xi1>, vector<16xi32>
      %select_n3A_2569 = arith.select %gt3A_2542, %select_n3A_2526, %get3A_2535 : vector<16xi1>, vector<16xf32>
      %select_n3A_2570 = arith.select %gt3A_2543, %select_n3A_2569, %select_n3A_2522 : vector<16xi1>, vector<16xf32>
      %select_n3A_2571 = arith.select %gt3A_2542, %select_n3A_2528, %broadcast_in_dim3A_2540 : vector<16xi1>, vector<16xi32>
      %select_n3A_2572 = arith.select %gt3A_2543, %select_n3A_2571, %select_n3A_2524 : vector<16xi1>, vector<16xi32>
      %select_n3A_2573 = arith.select %gt3A_2541, %select_n3A_2529, %get3A_2535 : vector<16xi1>, vector<16xf32>
      %select_n3A_2574 = arith.select %gt3A_2542, %select_n3A_2573, %select_n3A_2526 : vector<16xi1>, vector<16xf32>
      %select_n3A_2575 = arith.select %gt3A_2541, %select_n3A_2530, %broadcast_in_dim3A_2540 : vector<16xi1>, vector<16xi32>
      %select_n3A_2576 = arith.select %gt3A_2542, %select_n3A_2575, %select_n3A_2528 : vector<16xi1>, vector<16xi32>
      %select_n3A_2577 = arith.select %gt3A_2541, %get3A_2535, %select_n3A_2529 : vector<16xi1>, vector<16xf32>
      %select_n3A_2578 = arith.select %gt3A_2541, %broadcast_in_dim3A_2540, %select_n3A_2530 : vector<16xi1>, vector<16xi32>
      %get3A_2579 = arith.constant 45 : i32
      %get3A_2580 = arith.index_cast %get3A_2579 : i32 to index
      %get3A_2581 = arith.index_cast %multiple_of3A : i32 to index
      %get3A_2582 = tpu.vector_load %arg5[%get3A_2580, %get3A_2581] {strides = array<i32>} : memref<64x512xf32, #tpu.memory_space<vmem>>, vector<1x16xf32>,
      %get3A_2583 = vector.shape_cast %get3A_2582 : vector<1x16xf32> to vector<16xf32>
      %sub3A_2584 = arith.subf %get3A_2583, %max3A_389 : vector<16xf32>
      %exp3A_2585 = math.exp %sub3A_2584 : vector<16xf32>
      %add3A_2586 = arith.addf %add3A_2538, %exp3A_2585 : vector<16xf32>
      %broadcast_in_dim3A_2587 = arith.constant 45 : i32
      %broadcast_in_dim3A_2588 = vector.broadcast %broadcast_in_dim3A_2587 : i32 to vector<16xi32>
      %gt3A_2589 = arith.cmpf ogt, %get3A_2583, %select_n3A_2577 : vector<16xf32>
      %gt3A_2590 = arith.cmpf ogt, %get3A_2583, %select_n3A_2574 : vector<16xf32>
      %gt3A_2591 = arith.cmpf ogt, %get3A_2583, %select_n3A_2570 : vector<16xf32>
      %gt3A_2592 = arith.cmpf ogt, %get3A_2583, %select_n3A_2566 : vector<16xf32>
      %gt3A_2593 = arith.cmpf ogt, %get3A_2583, %select_n3A_2562 : vector<16xf32>
      %gt3A_2594 = arith.cmpf ogt, %get3A_2583, %select_n3A_2558 : vector<16xf32>
      %gt3A_2595 = arith.cmpf ogt, %get3A_2583, %select_n3A_2554 : vector<16xf32>
      %gt3A_2596 = arith.cmpf ogt, %get3A_2583, %select_n3A_2550 : vector<16xf32>
      %select_n3A_2597 = arith.select %gt3A_2595, %select_n3A_2554, %get3A_2583 : vector<16xi1>, vector<16xf32>
      %select_n3A_2598 = arith.select %gt3A_2596, %select_n3A_2597, %select_n3A_2550 : vector<16xi1>, vector<16xf32>
      %select_n3A_2599 = arith.select %gt3A_2595, %select_n3A_2556, %broadcast_in_dim3A_2588 : vector<16xi1>, vector<16xi32>
      %select_n3A_2600 = arith.select %gt3A_2596, %select_n3A_2599, %select_n3A_2552 : vector<16xi1>, vector<16xi32>
      %select_n3A_2601 = arith.select %gt3A_2594, %select_n3A_2558, %get3A_2583 : vector<16xi1>, vector<16xf32>
      %select_n3A_2602 = arith.select %gt3A_2595, %select_n3A_2601, %select_n3A_2554 : vector<16xi1>, vector<16xf32>
      %select_n3A_2603 = arith.select %gt3A_2594, %select_n3A_2560, %broadcast_in_dim3A_2588 : vector<16xi1>, vector<16xi32>
      %select_n3A_2604 = arith.select %gt3A_2595, %select_n3A_2603, %select_n3A_2556 : vector<16xi1>, vector<16xi32>
      %select_n3A_2605 = arith.select %gt3A_2593, %select_n3A_2562, %get3A_2583 : vector<16xi1>, vector<16xf32>
      %select_n3A_2606 = arith.select %gt3A_2594, %select_n3A_2605, %select_n3A_2558 : vector<16xi1>, vector<16xf32>
      %select_n3A_2607 = arith.select %gt3A_2593, %select_n3A_2564, %broadcast_in_dim3A_2588 : vector<16xi1>, vector<16xi32>
      %select_n3A_2608 = arith.select %gt3A_2594, %select_n3A_2607, %select_n3A_2560 : vector<16xi1>, vector<16xi32>
      %select_n3A_2609 = arith.select %gt3A_2592, %select_n3A_2566, %get3A_2583 : vector<16xi1>, vector<16xf32>
      %select_n3A_2610 = arith.select %gt3A_2593, %select_n3A_2609, %select_n3A_2562 : vector<16xi1>, vector<16xf32>
      %select_n3A_2611 = arith.select %gt3A_2592, %select_n3A_2568, %broadcast_in_dim3A_2588 : vector<16xi1>, vector<16xi32>
      %select_n3A_2612 = arith.select %gt3A_2593, %select_n3A_2611, %select_n3A_2564 : vector<16xi1>, vector<16xi32>
      %select_n3A_2613 = arith.select %gt3A_2591, %select_n3A_2570, %get3A_2583 : vector<16xi1>, vector<16xf32>
      %select_n3A_2614 = arith.select %gt3A_2592, %select_n3A_2613, %select_n3A_2566 : vector<16xi1>, vector<16xf32>
      %select_n3A_2615 = arith.select %gt3A_2591, %select_n3A_2572, %broadcast_in_dim3A_2588 : vector<16xi1>, vector<16xi32>
      %select_n3A_2616 = arith.select %gt3A_2592, %select_n3A_2615, %select_n3A_2568 : vector<16xi1>, vector<16xi32>
      %select_n3A_2617 = arith.select %gt3A_2590, %select_n3A_2574, %get3A_2583 : vector<16xi1>, vector<16xf32>
      %select_n3A_2618 = arith.select %gt3A_2591, %select_n3A_2617, %select_n3A_2570 : vector<16xi1>, vector<16xf32>
      %select_n3A_2619 = arith.select %gt3A_2590, %select_n3A_2576, %broadcast_in_dim3A_2588 : vector<16xi1>, vector<16xi32>
      %select_n3A_2620 = arith.select %gt3A_2591, %select_n3A_2619, %select_n3A_2572 : vector<16xi1>, vector<16xi32>
      %select_n3A_2621 = arith.select %gt3A_2589, %select_n3A_2577, %get3A_2583 : vector<16xi1>, vector<16xf32>
      %select_n3A_2622 = arith.select %gt3A_2590, %select_n3A_2621, %select_n3A_2574 : vector<16xi1>, vector<16xf32>
      %select_n3A_2623 = arith.select %gt3A_2589, %select_n3A_2578, %broadcast_in_dim3A_2588 : vector<16xi1>, vector<16xi32>
      %select_n3A_2624 = arith.select %gt3A_2590, %select_n3A_2623, %select_n3A_2576 : vector<16xi1>, vector<16xi32>
      %select_n3A_2625 = arith.select %gt3A_2589, %get3A_2583, %select_n3A_2577 : vector<16xi1>, vector<16xf32>
      %select_n3A_2626 = arith.select %gt3A_2589, %broadcast_in_dim3A_2588, %select_n3A_2578 : vector<16xi1>, vector<16xi32>
      %get3A_2627 = arith.constant 46 : i32
      %get3A_2628 = arith.index_cast %get3A_2627 : i32 to index
      %get3A_2629 = arith.index_cast %multiple_of3A : i32 to index
      %get3A_2630 = tpu.vector_load %arg5[%get3A_2628, %get3A_2629] {strides = array<i32>} : memref<64x512xf32, #tpu.memory_space<vmem>>, vector<1x16xf32>,
      %get3A_2631 = vector.shape_cast %get3A_2630 : vector<1x16xf32> to vector<16xf32>
      %sub3A_2632 = arith.subf %get3A_2631, %max3A_389 : vector<16xf32>
      %exp3A_2633 = math.exp %sub3A_2632 : vector<16xf32>
      %add3A_2634 = arith.addf %add3A_2586, %exp3A_2633 : vector<16xf32>
      %broadcast_in_dim3A_2635 = arith.constant 46 : i32
      %broadcast_in_dim3A_2636 = vector.broadcast %broadcast_in_dim3A_2635 : i32 to vector<16xi32>
      %gt3A_2637 = arith.cmpf ogt, %get3A_2631, %select_n3A_2625 : vector<16xf32>
      %gt3A_2638 = arith.cmpf ogt, %get3A_2631, %select_n3A_2622 : vector<16xf32>
      %gt3A_2639 = arith.cmpf ogt, %get3A_2631, %select_n3A_2618 : vector<16xf32>
      %gt3A_2640 = arith.cmpf ogt, %get3A_2631, %select_n3A_2614 : vector<16xf32>
      %gt3A_2641 = arith.cmpf ogt, %get3A_2631, %select_n3A_2610 : vector<16xf32>
      %gt3A_2642 = arith.cmpf ogt, %get3A_2631, %select_n3A_2606 : vector<16xf32>
      %gt3A_2643 = arith.cmpf ogt, %get3A_2631, %select_n3A_2602 : vector<16xf32>
      %gt3A_2644 = arith.cmpf ogt, %get3A_2631, %select_n3A_2598 : vector<16xf32>
      %select_n3A_2645 = arith.select %gt3A_2643, %select_n3A_2602, %get3A_2631 : vector<16xi1>, vector<16xf32>
      %select_n3A_2646 = arith.select %gt3A_2644, %select_n3A_2645, %select_n3A_2598 : vector<16xi1>, vector<16xf32>
      %select_n3A_2647 = arith.select %gt3A_2643, %select_n3A_2604, %broadcast_in_dim3A_2636 : vector<16xi1>, vector<16xi32>
      %select_n3A_2648 = arith.select %gt3A_2644, %select_n3A_2647, %select_n3A_2600 : vector<16xi1>, vector<16xi32>
      %select_n3A_2649 = arith.select %gt3A_2642, %select_n3A_2606, %get3A_2631 : vector<16xi1>, vector<16xf32>
      %select_n3A_2650 = arith.select %gt3A_2643, %select_n3A_2649, %select_n3A_2602 : vector<16xi1>, vector<16xf32>
      %select_n3A_2651 = arith.select %gt3A_2642, %select_n3A_2608, %broadcast_in_dim3A_2636 : vector<16xi1>, vector<16xi32>
      %select_n3A_2652 = arith.select %gt3A_2643, %select_n3A_2651, %select_n3A_2604 : vector<16xi1>, vector<16xi32>
      %select_n3A_2653 = arith.select %gt3A_2641, %select_n3A_2610, %get3A_2631 : vector<16xi1>, vector<16xf32>
      %select_n3A_2654 = arith.select %gt3A_2642, %select_n3A_2653, %select_n3A_2606 : vector<16xi1>, vector<16xf32>
      %select_n3A_2655 = arith.select %gt3A_2641, %select_n3A_2612, %broadcast_in_dim3A_2636 : vector<16xi1>, vector<16xi32>
      %select_n3A_2656 = arith.select %gt3A_2642, %select_n3A_2655, %select_n3A_2608 : vector<16xi1>, vector<16xi32>
      %select_n3A_2657 = arith.select %gt3A_2640, %select_n3A_2614, %get3A_2631 : vector<16xi1>, vector<16xf32>
      %select_n3A_2658 = arith.select %gt3A_2641, %select_n3A_2657, %select_n3A_2610 : vector<16xi1>, vector<16xf32>
      %select_n3A_2659 = arith.select %gt3A_2640, %select_n3A_2616, %broadcast_in_dim3A_2636 : vector<16xi1>, vector<16xi32>
      %select_n3A_2660 = arith.select %gt3A_2641, %select_n3A_2659, %select_n3A_2612 : vector<16xi1>, vector<16xi32>
      %select_n3A_2661 = arith.select %gt3A_2639, %select_n3A_2618, %get3A_2631 : vector<16xi1>, vector<16xf32>
      %select_n3A_2662 = arith.select %gt3A_2640, %select_n3A_2661, %select_n3A_2614 : vector<16xi1>, vector<16xf32>
      %select_n3A_2663 = arith.select %gt3A_2639, %select_n3A_2620, %broadcast_in_dim3A_2636 : vector<16xi1>, vector<16xi32>
      %select_n3A_2664 = arith.select %gt3A_2640, %select_n3A_2663, %select_n3A_2616 : vector<16xi1>, vector<16xi32>
      %select_n3A_2665 = arith.select %gt3A_2638, %select_n3A_2622, %get3A_2631 : vector<16xi1>, vector<16xf32>
      %select_n3A_2666 = arith.select %gt3A_2639, %select_n3A_2665, %select_n3A_2618 : vector<16xi1>, vector<16xf32>
      %select_n3A_2667 = arith.select %gt3A_2638, %select_n3A_2624, %broadcast_in_dim3A_2636 : vector<16xi1>, vector<16xi32>
      %select_n3A_2668 = arith.select %gt3A_2639, %select_n3A_2667, %select_n3A_2620 : vector<16xi1>, vector<16xi32>
      %select_n3A_2669 = arith.select %gt3A_2637, %select_n3A_2625, %get3A_2631 : vector<16xi1>, vector<16xf32>
      %select_n3A_2670 = arith.select %gt3A_2638, %select_n3A_2669, %select_n3A_2622 : vector<16xi1>, vector<16xf32>
      %select_n3A_2671 = arith.select %gt3A_2637, %select_n3A_2626, %broadcast_in_dim3A_2636 : vector<16xi1>, vector<16xi32>
      %select_n3A_2672 = arith.select %gt3A_2638, %select_n3A_2671, %select_n3A_2624 : vector<16xi1>, vector<16xi32>
      %select_n3A_2673 = arith.select %gt3A_2637, %get3A_2631, %select_n3A_2625 : vector<16xi1>, vector<16xf32>
      %select_n3A_2674 = arith.select %gt3A_2637, %broadcast_in_dim3A_2636, %select_n3A_2626 : vector<16xi1>, vector<16xi32>
      %get3A_2675 = arith.constant 47 : i32
      %get3A_2676 = arith.index_cast %get3A_2675 : i32 to index
      %get3A_2677 = arith.index_cast %multiple_of3A : i32 to index
      %get3A_2678 = tpu.vector_load %arg5[%get3A_2676, %get3A_2677] {strides = array<i32>} : memref<64x512xf32, #tpu.memory_space<vmem>>, vector<1x16xf32>,
      %get3A_2679 = vector.shape_cast %get3A_2678 : vector<1x16xf32> to vector<16xf32>
      %sub3A_2680 = arith.subf %get3A_2679, %max3A_389 : vector<16xf32>
      %exp3A_2681 = math.exp %sub3A_2680 : vector<16xf32>
      %add3A_2682 = arith.addf %add3A_2634, %exp3A_2681 : vector<16xf32>
      %broadcast_in_dim3A_2683 = arith.constant 47 : i32
      %broadcast_in_dim3A_2684 = vector.broadcast %broadcast_in_dim3A_2683 : i32 to vector<16xi32>
      %gt3A_2685 = arith.cmpf ogt, %get3A_2679, %select_n3A_2673 : vector<16xf32>
      %gt3A_2686 = arith.cmpf ogt, %get3A_2679, %select_n3A_2670 : vector<16xf32>
      %gt3A_2687 = arith.cmpf ogt, %get3A_2679, %select_n3A_2666 : vector<16xf32>
      %gt3A_2688 = arith.cmpf ogt, %get3A_2679, %select_n3A_2662 : vector<16xf32>
      %gt3A_2689 = arith.cmpf ogt, %get3A_2679, %select_n3A_2658 : vector<16xf32>
      %gt3A_2690 = arith.cmpf ogt, %get3A_2679, %select_n3A_2654 : vector<16xf32>
      %gt3A_2691 = arith.cmpf ogt, %get3A_2679, %select_n3A_2650 : vector<16xf32>
      %gt3A_2692 = arith.cmpf ogt, %get3A_2679, %select_n3A_2646 : vector<16xf32>
      %select_n3A_2693 = arith.select %gt3A_2691, %select_n3A_2650, %get3A_2679 : vector<16xi1>, vector<16xf32>
      %select_n3A_2694 = arith.select %gt3A_2692, %select_n3A_2693, %select_n3A_2646 : vector<16xi1>, vector<16xf32>
      %select_n3A_2695 = arith.select %gt3A_2691, %select_n3A_2652, %broadcast_in_dim3A_2684 : vector<16xi1>, vector<16xi32>
      %select_n3A_2696 = arith.select %gt3A_2692, %select_n3A_2695, %select_n3A_2648 : vector<16xi1>, vector<16xi32>
      %select_n3A_2697 = arith.select %gt3A_2690, %select_n3A_2654, %get3A_2679 : vector<16xi1>, vector<16xf32>
      %select_n3A_2698 = arith.select %gt3A_2691, %select_n3A_2697, %select_n3A_2650 : vector<16xi1>, vector<16xf32>
      %select_n3A_2699 = arith.select %gt3A_2690, %select_n3A_2656, %broadcast_in_dim3A_2684 : vector<16xi1>, vector<16xi32>
      %select_n3A_2700 = arith.select %gt3A_2691, %select_n3A_2699, %select_n3A_2652 : vector<16xi1>, vector<16xi32>
      %select_n3A_2701 = arith.select %gt3A_2689, %select_n3A_2658, %get3A_2679 : vector<16xi1>, vector<16xf32>
      %select_n3A_2702 = arith.select %gt3A_2690, %select_n3A_2701, %select_n3A_2654 : vector<16xi1>, vector<16xf32>
      %select_n3A_2703 = arith.select %gt3A_2689, %select_n3A_2660, %broadcast_in_dim3A_2684 : vector<16xi1>, vector<16xi32>
      %select_n3A_2704 = arith.select %gt3A_2690, %select_n3A_2703, %select_n3A_2656 : vector<16xi1>, vector<16xi32>
      %select_n3A_2705 = arith.select %gt3A_2688, %select_n3A_2662, %get3A_2679 : vector<16xi1>, vector<16xf32>
      %select_n3A_2706 = arith.select %gt3A_2689, %select_n3A_2705, %select_n3A_2658 : vector<16xi1>, vector<16xf32>
      %select_n3A_2707 = arith.select %gt3A_2688, %select_n3A_2664, %broadcast_in_dim3A_2684 : vector<16xi1>, vector<16xi32>
      %select_n3A_2708 = arith.select %gt3A_2689, %select_n3A_2707, %select_n3A_2660 : vector<16xi1>, vector<16xi32>
      %select_n3A_2709 = arith.select %gt3A_2687, %select_n3A_2666, %get3A_2679 : vector<16xi1>, vector<16xf32>
      %select_n3A_2710 = arith.select %gt3A_2688, %select_n3A_2709, %select_n3A_2662 : vector<16xi1>, vector<16xf32>
      %select_n3A_2711 = arith.select %gt3A_2687, %select_n3A_2668, %broadcast_in_dim3A_2684 : vector<16xi1>, vector<16xi32>
      %select_n3A_2712 = arith.select %gt3A_2688, %select_n3A_2711, %select_n3A_2664 : vector<16xi1>, vector<16xi32>
      %select_n3A_2713 = arith.select %gt3A_2686, %select_n3A_2670, %get3A_2679 : vector<16xi1>, vector<16xf32>
      %select_n3A_2714 = arith.select %gt3A_2687, %select_n3A_2713, %select_n3A_2666 : vector<16xi1>, vector<16xf32>
      %select_n3A_2715 = arith.select %gt3A_2686, %select_n3A_2672, %broadcast_in_dim3A_2684 : vector<16xi1>, vector<16xi32>
      %select_n3A_2716 = arith.select %gt3A_2687, %select_n3A_2715, %select_n3A_2668 : vector<16xi1>, vector<16xi32>
      %select_n3A_2717 = arith.select %gt3A_2685, %select_n3A_2673, %get3A_2679 : vector<16xi1>, vector<16xf32>
      %select_n3A_2718 = arith.select %gt3A_2686, %select_n3A_2717, %select_n3A_2670 : vector<16xi1>, vector<16xf32>
      %select_n3A_2719 = arith.select %gt3A_2685, %select_n3A_2674, %broadcast_in_dim3A_2684 : vector<16xi1>, vector<16xi32>
      %select_n3A_2720 = arith.select %gt3A_2686, %select_n3A_2719, %select_n3A_2672 : vector<16xi1>, vector<16xi32>
      %select_n3A_2721 = arith.select %gt3A_2685, %get3A_2679, %select_n3A_2673 : vector<16xi1>, vector<16xf32>
      %select_n3A_2722 = arith.select %gt3A_2685, %broadcast_in_dim3A_2684, %select_n3A_2674 : vector<16xi1>, vector<16xi32>
      %get3A_2723 = arith.constant 48 : i32
      %get3A_2724 = arith.index_cast %get3A_2723 : i32 to index
      %get3A_2725 = arith.index_cast %multiple_of3A : i32 to index
      %get3A_2726 = tpu.vector_load %arg5[%get3A_2724, %get3A_2725] {strides = array<i32>} : memref<64x512xf32, #tpu.memory_space<vmem>>, vector<1x16xf32>,
      %get3A_2727 = vector.shape_cast %get3A_2726 : vector<1x16xf32> to vector<16xf32>
      %sub3A_2728 = arith.subf %get3A_2727, %max3A_389 : vector<16xf32>
      %exp3A_2729 = math.exp %sub3A_2728 : vector<16xf32>
      %add3A_2730 = arith.addf %add3A_2682, %exp3A_2729 : vector<16xf32>
      %broadcast_in_dim3A_2731 = arith.constant 48 : i32
      %broadcast_in_dim3A_2732 = vector.broadcast %broadcast_in_dim3A_2731 : i32 to vector<16xi32>
      %gt3A_2733 = arith.cmpf ogt, %get3A_2727, %select_n3A_2721 : vector<16xf32>
      %gt3A_2734 = arith.cmpf ogt, %get3A_2727, %select_n3A_2718 : vector<16xf32>
      %gt3A_2735 = arith.cmpf ogt, %get3A_2727, %select_n3A_2714 : vector<16xf32>
      %gt3A_2736 = arith.cmpf ogt, %get3A_2727, %select_n3A_2710 : vector<16xf32>
      %gt3A_2737 = arith.cmpf ogt, %get3A_2727, %select_n3A_2706 : vector<16xf32>
      %gt3A_2738 = arith.cmpf ogt, %get3A_2727, %select_n3A_2702 : vector<16xf32>
      %gt3A_2739 = arith.cmpf ogt, %get3A_2727, %select_n3A_2698 : vector<16xf32>
      %gt3A_2740 = arith.cmpf ogt, %get3A_2727, %select_n3A_2694 : vector<16xf32>
      %select_n3A_2741 = arith.select %gt3A_2739, %select_n3A_2698, %get3A_2727 : vector<16xi1>, vector<16xf32>
      %select_n3A_2742 = arith.select %gt3A_2740, %select_n3A_2741, %select_n3A_2694 : vector<16xi1>, vector<16xf32>
      %select_n3A_2743 = arith.select %gt3A_2739, %select_n3A_2700, %broadcast_in_dim3A_2732 : vector<16xi1>, vector<16xi32>
      %select_n3A_2744 = arith.select %gt3A_2740, %select_n3A_2743, %select_n3A_2696 : vector<16xi1>, vector<16xi32>
      %select_n3A_2745 = arith.select %gt3A_2738, %select_n3A_2702, %get3A_2727 : vector<16xi1>, vector<16xf32>
      %select_n3A_2746 = arith.select %gt3A_2739, %select_n3A_2745, %select_n3A_2698 : vector<16xi1>, vector<16xf32>
      %select_n3A_2747 = arith.select %gt3A_2738, %select_n3A_2704, %broadcast_in_dim3A_2732 : vector<16xi1>, vector<16xi32>
      %select_n3A_2748 = arith.select %gt3A_2739, %select_n3A_2747, %select_n3A_2700 : vector<16xi1>, vector<16xi32>
      %select_n3A_2749 = arith.select %gt3A_2737, %select_n3A_2706, %get3A_2727 : vector<16xi1>, vector<16xf32>
      %select_n3A_2750 = arith.select %gt3A_2738, %select_n3A_2749, %select_n3A_2702 : vector<16xi1>, vector<16xf32>
      %select_n3A_2751 = arith.select %gt3A_2737, %select_n3A_2708, %broadcast_in_dim3A_2732 : vector<16xi1>, vector<16xi32>
      %select_n3A_2752 = arith.select %gt3A_2738, %select_n3A_2751, %select_n3A_2704 : vector<16xi1>, vector<16xi32>
      %select_n3A_2753 = arith.select %gt3A_2736, %select_n3A_2710, %get3A_2727 : vector<16xi1>, vector<16xf32>
      %select_n3A_2754 = arith.select %gt3A_2737, %select_n3A_2753, %select_n3A_2706 : vector<16xi1>, vector<16xf32>
      %select_n3A_2755 = arith.select %gt3A_2736, %select_n3A_2712, %broadcast_in_dim3A_2732 : vector<16xi1>, vector<16xi32>
      %select_n3A_2756 = arith.select %gt3A_2737, %select_n3A_2755, %select_n3A_2708 : vector<16xi1>, vector<16xi32>
      %select_n3A_2757 = arith.select %gt3A_2735, %select_n3A_2714, %get3A_2727 : vector<16xi1>, vector<16xf32>
      %select_n3A_2758 = arith.select %gt3A_2736, %select_n3A_2757, %select_n3A_2710 : vector<16xi1>, vector<16xf32>
      %select_n3A_2759 = arith.select %gt3A_2735, %select_n3A_2716, %broadcast_in_dim3A_2732 : vector<16xi1>, vector<16xi32>
      %select_n3A_2760 = arith.select %gt3A_2736, %select_n3A_2759, %select_n3A_2712 : vector<16xi1>, vector<16xi32>
      %select_n3A_2761 = arith.select %gt3A_2734, %select_n3A_2718, %get3A_2727 : vector<16xi1>, vector<16xf32>
      %select_n3A_2762 = arith.select %gt3A_2735, %select_n3A_2761, %select_n3A_2714 : vector<16xi1>, vector<16xf32>
      %select_n3A_2763 = arith.select %gt3A_2734, %select_n3A_2720, %broadcast_in_dim3A_2732 : vector<16xi1>, vector<16xi32>
      %select_n3A_2764 = arith.select %gt3A_2735, %select_n3A_2763, %select_n3A_2716 : vector<16xi1>, vector<16xi32>
      %select_n3A_2765 = arith.select %gt3A_2733, %select_n3A_2721, %get3A_2727 : vector<16xi1>, vector<16xf32>
      %select_n3A_2766 = arith.select %gt3A_2734, %select_n3A_2765, %select_n3A_2718 : vector<16xi1>, vector<16xf32>
      %select_n3A_2767 = arith.select %gt3A_2733, %select_n3A_2722, %broadcast_in_dim3A_2732 : vector<16xi1>, vector<16xi32>
      %select_n3A_2768 = arith.select %gt3A_2734, %select_n3A_2767, %select_n3A_2720 : vector<16xi1>, vector<16xi32>
      %select_n3A_2769 = arith.select %gt3A_2733, %get3A_2727, %select_n3A_2721 : vector<16xi1>, vector<16xf32>
      %select_n3A_2770 = arith.select %gt3A_2733, %broadcast_in_dim3A_2732, %select_n3A_2722 : vector<16xi1>, vector<16xi32>
      %get3A_2771 = arith.constant 49 : i32
      %get3A_2772 = arith.index_cast %get3A_2771 : i32 to index
      %get3A_2773 = arith.index_cast %multiple_of3A : i32 to index
      %get3A_2774 = tpu.vector_load %arg5[%get3A_2772, %get3A_2773] {strides = array<i32>} : memref<64x512xf32, #tpu.memory_space<vmem>>, vector<1x16xf32>,
      %get3A_2775 = vector.shape_cast %get3A_2774 : vector<1x16xf32> to vector<16xf32>
      %sub3A_2776 = arith.subf %get3A_2775, %max3A_389 : vector<16xf32>
      %exp3A_2777 = math.exp %sub3A_2776 : vector<16xf32>
      %add3A_2778 = arith.addf %add3A_2730, %exp3A_2777 : vector<16xf32>
      %broadcast_in_dim3A_2779 = arith.constant 49 : i32
      %broadcast_in_dim3A_2780 = vector.broadcast %broadcast_in_dim3A_2779 : i32 to vector<16xi32>
      %gt3A_2781 = arith.cmpf ogt, %get3A_2775, %select_n3A_2769 : vector<16xf32>
      %gt3A_2782 = arith.cmpf ogt, %get3A_2775, %select_n3A_2766 : vector<16xf32>
      %gt3A_2783 = arith.cmpf ogt, %get3A_2775, %select_n3A_2762 : vector<16xf32>
      %gt3A_2784 = arith.cmpf ogt, %get3A_2775, %select_n3A_2758 : vector<16xf32>
      %gt3A_2785 = arith.cmpf ogt, %get3A_2775, %select_n3A_2754 : vector<16xf32>
      %gt3A_2786 = arith.cmpf ogt, %get3A_2775, %select_n3A_2750 : vector<16xf32>
      %gt3A_2787 = arith.cmpf ogt, %get3A_2775, %select_n3A_2746 : vector<16xf32>
      %gt3A_2788 = arith.cmpf ogt, %get3A_2775, %select_n3A_2742 : vector<16xf32>
      %select_n3A_2789 = arith.select %gt3A_2787, %select_n3A_2746, %get3A_2775 : vector<16xi1>, vector<16xf32>
      %select_n3A_2790 = arith.select %gt3A_2788, %select_n3A_2789, %select_n3A_2742 : vector<16xi1>, vector<16xf32>
      %select_n3A_2791 = arith.select %gt3A_2787, %select_n3A_2748, %broadcast_in_dim3A_2780 : vector<16xi1>, vector<16xi32>
      %select_n3A_2792 = arith.select %gt3A_2788, %select_n3A_2791, %select_n3A_2744 : vector<16xi1>, vector<16xi32>
      %select_n3A_2793 = arith.select %gt3A_2786, %select_n3A_2750, %get3A_2775 : vector<16xi1>, vector<16xf32>
      %select_n3A_2794 = arith.select %gt3A_2787, %select_n3A_2793, %select_n3A_2746 : vector<16xi1>, vector<16xf32>
      %select_n3A_2795 = arith.select %gt3A_2786, %select_n3A_2752, %broadcast_in_dim3A_2780 : vector<16xi1>, vector<16xi32>
      %select_n3A_2796 = arith.select %gt3A_2787, %select_n3A_2795, %select_n3A_2748 : vector<16xi1>, vector<16xi32>
      %select_n3A_2797 = arith.select %gt3A_2785, %select_n3A_2754, %get3A_2775 : vector<16xi1>, vector<16xf32>
      %select_n3A_2798 = arith.select %gt3A_2786, %select_n3A_2797, %select_n3A_2750 : vector<16xi1>, vector<16xf32>
      %select_n3A_2799 = arith.select %gt3A_2785, %select_n3A_2756, %broadcast_in_dim3A_2780 : vector<16xi1>, vector<16xi32>
      %select_n3A_2800 = arith.select %gt3A_2786, %select_n3A_2799, %select_n3A_2752 : vector<16xi1>, vector<16xi32>
      %select_n3A_2801 = arith.select %gt3A_2784, %select_n3A_2758, %get3A_2775 : vector<16xi1>, vector<16xf32>
      %select_n3A_2802 = arith.select %gt3A_2785, %select_n3A_2801, %select_n3A_2754 : vector<16xi1>, vector<16xf32>
      %select_n3A_2803 = arith.select %gt3A_2784, %select_n3A_2760, %broadcast_in_dim3A_2780 : vector<16xi1>, vector<16xi32>
      %select_n3A_2804 = arith.select %gt3A_2785, %select_n3A_2803, %select_n3A_2756 : vector<16xi1>, vector<16xi32>
      %select_n3A_2805 = arith.select %gt3A_2783, %select_n3A_2762, %get3A_2775 : vector<16xi1>, vector<16xf32>
      %select_n3A_2806 = arith.select %gt3A_2784, %select_n3A_2805, %select_n3A_2758 : vector<16xi1>, vector<16xf32>
      %select_n3A_2807 = arith.select %gt3A_2783, %select_n3A_2764, %broadcast_in_dim3A_2780 : vector<16xi1>, vector<16xi32>
      %select_n3A_2808 = arith.select %gt3A_2784, %select_n3A_2807, %select_n3A_2760 : vector<16xi1>, vector<16xi32>
      %select_n3A_2809 = arith.select %gt3A_2782, %select_n3A_2766, %get3A_2775 : vector<16xi1>, vector<16xf32>
      %select_n3A_2810 = arith.select %gt3A_2783, %select_n3A_2809, %select_n3A_2762 : vector<16xi1>, vector<16xf32>
      %select_n3A_2811 = arith.select %gt3A_2782, %select_n3A_2768, %broadcast_in_dim3A_2780 : vector<16xi1>, vector<16xi32>
      %select_n3A_2812 = arith.select %gt3A_2783, %select_n3A_2811, %select_n3A_2764 : vector<16xi1>, vector<16xi32>
      %select_n3A_2813 = arith.select %gt3A_2781, %select_n3A_2769, %get3A_2775 : vector<16xi1>, vector<16xf32>
      %select_n3A_2814 = arith.select %gt3A_2782, %select_n3A_2813, %select_n3A_2766 : vector<16xi1>, vector<16xf32>
      %select_n3A_2815 = arith.select %gt3A_2781, %select_n3A_2770, %broadcast_in_dim3A_2780 : vector<16xi1>, vector<16xi32>
      %select_n3A_2816 = arith.select %gt3A_2782, %select_n3A_2815, %select_n3A_2768 : vector<16xi1>, vector<16xi32>
      %select_n3A_2817 = arith.select %gt3A_2781, %get3A_2775, %select_n3A_2769 : vector<16xi1>, vector<16xf32>
      %select_n3A_2818 = arith.select %gt3A_2781, %broadcast_in_dim3A_2780, %select_n3A_2770 : vector<16xi1>, vector<16xi32>
      %get3A_2819 = arith.constant 50 : i32
      %get3A_2820 = arith.index_cast %get3A_2819 : i32 to index
      %get3A_2821 = arith.index_cast %multiple_of3A : i32 to index
      %get3A_2822 = tpu.vector_load %arg5[%get3A_2820, %get3A_2821] {strides = array<i32>} : memref<64x512xf32, #tpu.memory_space<vmem>>, vector<1x16xf32>,
      %get3A_2823 = vector.shape_cast %get3A_2822 : vector<1x16xf32> to vector<16xf32>
      %sub3A_2824 = arith.subf %get3A_2823, %max3A_389 : vector<16xf32>
      %exp3A_2825 = math.exp %sub3A_2824 : vector<16xf32>
      %add3A_2826 = arith.addf %add3A_2778, %exp3A_2825 : vector<16xf32>
      %broadcast_in_dim3A_2827 = arith.constant 50 : i32
      %broadcast_in_dim3A_2828 = vector.broadcast %broadcast_in_dim3A_2827 : i32 to vector<16xi32>
      %gt3A_2829 = arith.cmpf ogt, %get3A_2823, %select_n3A_2817 : vector<16xf32>
      %gt3A_2830 = arith.cmpf ogt, %get3A_2823, %select_n3A_2814 : vector<16xf32>
      %gt3A_2831 = arith.cmpf ogt, %get3A_2823, %select_n3A_2810 : vector<16xf32>
      %gt3A_2832 = arith.cmpf ogt, %get3A_2823, %select_n3A_2806 : vector<16xf32>
      %gt3A_2833 = arith.cmpf ogt, %get3A_2823, %select_n3A_2802 : vector<16xf32>
      %gt3A_2834 = arith.cmpf ogt, %get3A_2823, %select_n3A_2798 : vector<16xf32>
      %gt3A_2835 = arith.cmpf ogt, %get3A_2823, %select_n3A_2794 : vector<16xf32>
      %gt3A_2836 = arith.cmpf ogt, %get3A_2823, %select_n3A_2790 : vector<16xf32>
      %select_n3A_2837 = arith.select %gt3A_2835, %select_n3A_2794, %get3A_2823 : vector<16xi1>, vector<16xf32>
      %select_n3A_2838 = arith.select %gt3A_2836, %select_n3A_2837, %select_n3A_2790 : vector<16xi1>, vector<16xf32>
      %select_n3A_2839 = arith.select %gt3A_2835, %select_n3A_2796, %broadcast_in_dim3A_2828 : vector<16xi1>, vector<16xi32>
      %select_n3A_2840 = arith.select %gt3A_2836, %select_n3A_2839, %select_n3A_2792 : vector<16xi1>, vector<16xi32>
      %select_n3A_2841 = arith.select %gt3A_2834, %select_n3A_2798, %get3A_2823 : vector<16xi1>, vector<16xf32>
      %select_n3A_2842 = arith.select %gt3A_2835, %select_n3A_2841, %select_n3A_2794 : vector<16xi1>, vector<16xf32>
      %select_n3A_2843 = arith.select %gt3A_2834, %select_n3A_2800, %broadcast_in_dim3A_2828 : vector<16xi1>, vector<16xi32>
      %select_n3A_2844 = arith.select %gt3A_2835, %select_n3A_2843, %select_n3A_2796 : vector<16xi1>, vector<16xi32>
      %select_n3A_2845 = arith.select %gt3A_2833, %select_n3A_2802, %get3A_2823 : vector<16xi1>, vector<16xf32>
      %select_n3A_2846 = arith.select %gt3A_2834, %select_n3A_2845, %select_n3A_2798 : vector<16xi1>, vector<16xf32>
      %select_n3A_2847 = arith.select %gt3A_2833, %select_n3A_2804, %broadcast_in_dim3A_2828 : vector<16xi1>, vector<16xi32>
      %select_n3A_2848 = arith.select %gt3A_2834, %select_n3A_2847, %select_n3A_2800 : vector<16xi1>, vector<16xi32>
      %select_n3A_2849 = arith.select %gt3A_2832, %select_n3A_2806, %get3A_2823 : vector<16xi1>, vector<16xf32>
      %select_n3A_2850 = arith.select %gt3A_2833, %select_n3A_2849, %select_n3A_2802 : vector<16xi1>, vector<16xf32>
      %select_n3A_2851 = arith.select %gt3A_2832, %select_n3A_2808, %broadcast_in_dim3A_2828 : vector<16xi1>, vector<16xi32>
      %select_n3A_2852 = arith.select %gt3A_2833, %select_n3A_2851, %select_n3A_2804 : vector<16xi1>, vector<16xi32>
      %select_n3A_2853 = arith.select %gt3A_2831, %select_n3A_2810, %get3A_2823 : vector<16xi1>, vector<16xf32>
      %select_n3A_2854 = arith.select %gt3A_2832, %select_n3A_2853, %select_n3A_2806 : vector<16xi1>, vector<16xf32>
      %select_n3A_2855 = arith.select %gt3A_2831, %select_n3A_2812, %broadcast_in_dim3A_2828 : vector<16xi1>, vector<16xi32>
      %select_n3A_2856 = arith.select %gt3A_2832, %select_n3A_2855, %select_n3A_2808 : vector<16xi1>, vector<16xi32>
      %select_n3A_2857 = arith.select %gt3A_2830, %select_n3A_2814, %get3A_2823 : vector<16xi1>, vector<16xf32>
      %select_n3A_2858 = arith.select %gt3A_2831, %select_n3A_2857, %select_n3A_2810 : vector<16xi1>, vector<16xf32>
      %select_n3A_2859 = arith.select %gt3A_2830, %select_n3A_2816, %broadcast_in_dim3A_2828 : vector<16xi1>, vector<16xi32>
      %select_n3A_2860 = arith.select %gt3A_2831, %select_n3A_2859, %select_n3A_2812 : vector<16xi1>, vector<16xi32>
      %select_n3A_2861 = arith.select %gt3A_2829, %select_n3A_2817, %get3A_2823 : vector<16xi1>, vector<16xf32>
      %select_n3A_2862 = arith.select %gt3A_2830, %select_n3A_2861, %select_n3A_2814 : vector<16xi1>, vector<16xf32>
      %select_n3A_2863 = arith.select %gt3A_2829, %select_n3A_2818, %broadcast_in_dim3A_2828 : vector<16xi1>, vector<16xi32>
      %select_n3A_2864 = arith.select %gt3A_2830, %select_n3A_2863, %select_n3A_2816 : vector<16xi1>, vector<16xi32>
      %select_n3A_2865 = arith.select %gt3A_2829, %get3A_2823, %select_n3A_2817 : vector<16xi1>, vector<16xf32>
      %select_n3A_2866 = arith.select %gt3A_2829, %broadcast_in_dim3A_2828, %select_n3A_2818 : vector<16xi1>, vector<16xi32>
      %get3A_2867 = arith.constant 51 : i32
      %get3A_2868 = arith.index_cast %get3A_2867 : i32 to index
      %get3A_2869 = arith.index_cast %multiple_of3A : i32 to index
      %get3A_2870 = tpu.vector_load %arg5[%get3A_2868, %get3A_2869] {strides = array<i32>} : memref<64x512xf32, #tpu.memory_space<vmem>>, vector<1x16xf32>,
      %get3A_2871 = vector.shape_cast %get3A_2870 : vector<1x16xf32> to vector<16xf32>
      %sub3A_2872 = arith.subf %get3A_2871, %max3A_389 : vector<16xf32>
      %exp3A_2873 = math.exp %sub3A_2872 : vector<16xf32>
      %add3A_2874 = arith.addf %add3A_2826, %exp3A_2873 : vector<16xf32>
      %broadcast_in_dim3A_2875 = arith.constant 51 : i32
      %broadcast_in_dim3A_2876 = vector.broadcast %broadcast_in_dim3A_2875 : i32 to vector<16xi32>
      %gt3A_2877 = arith.cmpf ogt, %get3A_2871, %select_n3A_2865 : vector<16xf32>
      %gt3A_2878 = arith.cmpf ogt, %get3A_2871, %select_n3A_2862 : vector<16xf32>
      %gt3A_2879 = arith.cmpf ogt, %get3A_2871, %select_n3A_2858 : vector<16xf32>
      %gt3A_2880 = arith.cmpf ogt, %get3A_2871, %select_n3A_2854 : vector<16xf32>
      %gt3A_2881 = arith.cmpf ogt, %get3A_2871, %select_n3A_2850 : vector<16xf32>
      %gt3A_2882 = arith.cmpf ogt, %get3A_2871, %select_n3A_2846 : vector<16xf32>
      %gt3A_2883 = arith.cmpf ogt, %get3A_2871, %select_n3A_2842 : vector<16xf32>
      %gt3A_2884 = arith.cmpf ogt, %get3A_2871, %select_n3A_2838 : vector<16xf32>
      %select_n3A_2885 = arith.select %gt3A_2883, %select_n3A_2842, %get3A_2871 : vector<16xi1>, vector<16xf32>
      %select_n3A_2886 = arith.select %gt3A_2884, %select_n3A_2885, %select_n3A_2838 : vector<16xi1>, vector<16xf32>
      %select_n3A_2887 = arith.select %gt3A_2883, %select_n3A_2844, %broadcast_in_dim3A_2876 : vector<16xi1>, vector<16xi32>
      %select_n3A_2888 = arith.select %gt3A_2884, %select_n3A_2887, %select_n3A_2840 : vector<16xi1>, vector<16xi32>
      %select_n3A_2889 = arith.select %gt3A_2882, %select_n3A_2846, %get3A_2871 : vector<16xi1>, vector<16xf32>
      %select_n3A_2890 = arith.select %gt3A_2883, %select_n3A_2889, %select_n3A_2842 : vector<16xi1>, vector<16xf32>
      %select_n3A_2891 = arith.select %gt3A_2882, %select_n3A_2848, %broadcast_in_dim3A_2876 : vector<16xi1>, vector<16xi32>
      %select_n3A_2892 = arith.select %gt3A_2883, %select_n3A_2891, %select_n3A_2844 : vector<16xi1>, vector<16xi32>
      %select_n3A_2893 = arith.select %gt3A_2881, %select_n3A_2850, %get3A_2871 : vector<16xi1>, vector<16xf32>
      %select_n3A_2894 = arith.select %gt3A_2882, %select_n3A_2893, %select_n3A_2846 : vector<16xi1>, vector<16xf32>
      %select_n3A_2895 = arith.select %gt3A_2881, %select_n3A_2852, %broadcast_in_dim3A_2876 : vector<16xi1>, vector<16xi32>
      %select_n3A_2896 = arith.select %gt3A_2882, %select_n3A_2895, %select_n3A_2848 : vector<16xi1>, vector<16xi32>
      %select_n3A_2897 = arith.select %gt3A_2880, %select_n3A_2854, %get3A_2871 : vector<16xi1>, vector<16xf32>
      %select_n3A_2898 = arith.select %gt3A_2881, %select_n3A_2897, %select_n3A_2850 : vector<16xi1>, vector<16xf32>
      %select_n3A_2899 = arith.select %gt3A_2880, %select_n3A_2856, %broadcast_in_dim3A_2876 : vector<16xi1>, vector<16xi32>
      %select_n3A_2900 = arith.select %gt3A_2881, %select_n3A_2899, %select_n3A_2852 : vector<16xi1>, vector<16xi32>
      %select_n3A_2901 = arith.select %gt3A_2879, %select_n3A_2858, %get3A_2871 : vector<16xi1>, vector<16xf32>
      %select_n3A_2902 = arith.select %gt3A_2880, %select_n3A_2901, %select_n3A_2854 : vector<16xi1>, vector<16xf32>
      %select_n3A_2903 = arith.select %gt3A_2879, %select_n3A_2860, %broadcast_in_dim3A_2876 : vector<16xi1>, vector<16xi32>
      %select_n3A_2904 = arith.select %gt3A_2880, %select_n3A_2903, %select_n3A_2856 : vector<16xi1>, vector<16xi32>
      %select_n3A_2905 = arith.select %gt3A_2878, %select_n3A_2862, %get3A_2871 : vector<16xi1>, vector<16xf32>
      %select_n3A_2906 = arith.select %gt3A_2879, %select_n3A_2905, %select_n3A_2858 : vector<16xi1>, vector<16xf32>
      %select_n3A_2907 = arith.select %gt3A_2878, %select_n3A_2864, %broadcast_in_dim3A_2876 : vector<16xi1>, vector<16xi32>
      %select_n3A_2908 = arith.select %gt3A_2879, %select_n3A_2907, %select_n3A_2860 : vector<16xi1>, vector<16xi32>
      %select_n3A_2909 = arith.select %gt3A_2877, %select_n3A_2865, %get3A_2871 : vector<16xi1>, vector<16xf32>
      %select_n3A_2910 = arith.select %gt3A_2878, %select_n3A_2909, %select_n3A_2862 : vector<16xi1>, vector<16xf32>
      %select_n3A_2911 = arith.select %gt3A_2877, %select_n3A_2866, %broadcast_in_dim3A_2876 : vector<16xi1>, vector<16xi32>
      %select_n3A_2912 = arith.select %gt3A_2878, %select_n3A_2911, %select_n3A_2864 : vector<16xi1>, vector<16xi32>
      %select_n3A_2913 = arith.select %gt3A_2877, %get3A_2871, %select_n3A_2865 : vector<16xi1>, vector<16xf32>
      %select_n3A_2914 = arith.select %gt3A_2877, %broadcast_in_dim3A_2876, %select_n3A_2866 : vector<16xi1>, vector<16xi32>
      %get3A_2915 = arith.constant 52 : i32
      %get3A_2916 = arith.index_cast %get3A_2915 : i32 to index
      %get3A_2917 = arith.index_cast %multiple_of3A : i32 to index
      %get3A_2918 = tpu.vector_load %arg5[%get3A_2916, %get3A_2917] {strides = array<i32>} : memref<64x512xf32, #tpu.memory_space<vmem>>, vector<1x16xf32>,
      %get3A_2919 = vector.shape_cast %get3A_2918 : vector<1x16xf32> to vector<16xf32>
      %sub3A_2920 = arith.subf %get3A_2919, %max3A_389 : vector<16xf32>
      %exp3A_2921 = math.exp %sub3A_2920 : vector<16xf32>
      %add3A_2922 = arith.addf %add3A_2874, %exp3A_2921 : vector<16xf32>
      %broadcast_in_dim3A_2923 = arith.constant 52 : i32
      %broadcast_in_dim3A_2924 = vector.broadcast %broadcast_in_dim3A_2923 : i32 to vector<16xi32>
      %gt3A_2925 = arith.cmpf ogt, %get3A_2919, %select_n3A_2913 : vector<16xf32>
      %gt3A_2926 = arith.cmpf ogt, %get3A_2919, %select_n3A_2910 : vector<16xf32>
      %gt3A_2927 = arith.cmpf ogt, %get3A_2919, %select_n3A_2906 : vector<16xf32>
      %gt3A_2928 = arith.cmpf ogt, %get3A_2919, %select_n3A_2902 : vector<16xf32>
      %gt3A_2929 = arith.cmpf ogt, %get3A_2919, %select_n3A_2898 : vector<16xf32>
      %gt3A_2930 = arith.cmpf ogt, %get3A_2919, %select_n3A_2894 : vector<16xf32>
      %gt3A_2931 = arith.cmpf ogt, %get3A_2919, %select_n3A_2890 : vector<16xf32>
      %gt3A_2932 = arith.cmpf ogt, %get3A_2919, %select_n3A_2886 : vector<16xf32>
      %select_n3A_2933 = arith.select %gt3A_2931, %select_n3A_2890, %get3A_2919 : vector<16xi1>, vector<16xf32>
      %select_n3A_2934 = arith.select %gt3A_2932, %select_n3A_2933, %select_n3A_2886 : vector<16xi1>, vector<16xf32>
      %select_n3A_2935 = arith.select %gt3A_2931, %select_n3A_2892, %broadcast_in_dim3A_2924 : vector<16xi1>, vector<16xi32>
      %select_n3A_2936 = arith.select %gt3A_2932, %select_n3A_2935, %select_n3A_2888 : vector<16xi1>, vector<16xi32>
      %select_n3A_2937 = arith.select %gt3A_2930, %select_n3A_2894, %get3A_2919 : vector<16xi1>, vector<16xf32>
      %select_n3A_2938 = arith.select %gt3A_2931, %select_n3A_2937, %select_n3A_2890 : vector<16xi1>, vector<16xf32>
      %select_n3A_2939 = arith.select %gt3A_2930, %select_n3A_2896, %broadcast_in_dim3A_2924 : vector<16xi1>, vector<16xi32>
      %select_n3A_2940 = arith.select %gt3A_2931, %select_n3A_2939, %select_n3A_2892 : vector<16xi1>, vector<16xi32>
      %select_n3A_2941 = arith.select %gt3A_2929, %select_n3A_2898, %get3A_2919 : vector<16xi1>, vector<16xf32>
      %select_n3A_2942 = arith.select %gt3A_2930, %select_n3A_2941, %select_n3A_2894 : vector<16xi1>, vector<16xf32>
      %select_n3A_2943 = arith.select %gt3A_2929, %select_n3A_2900, %broadcast_in_dim3A_2924 : vector<16xi1>, vector<16xi32>
      %select_n3A_2944 = arith.select %gt3A_2930, %select_n3A_2943, %select_n3A_2896 : vector<16xi1>, vector<16xi32>
      %select_n3A_2945 = arith.select %gt3A_2928, %select_n3A_2902, %get3A_2919 : vector<16xi1>, vector<16xf32>
      %select_n3A_2946 = arith.select %gt3A_2929, %select_n3A_2945, %select_n3A_2898 : vector<16xi1>, vector<16xf32>
      %select_n3A_2947 = arith.select %gt3A_2928, %select_n3A_2904, %broadcast_in_dim3A_2924 : vector<16xi1>, vector<16xi32>
      %select_n3A_2948 = arith.select %gt3A_2929, %select_n3A_2947, %select_n3A_2900 : vector<16xi1>, vector<16xi32>
      %select_n3A_2949 = arith.select %gt3A_2927, %select_n3A_2906, %get3A_2919 : vector<16xi1>, vector<16xf32>
      %select_n3A_2950 = arith.select %gt3A_2928, %select_n3A_2949, %select_n3A_2902 : vector<16xi1>, vector<16xf32>
      %select_n3A_2951 = arith.select %gt3A_2927, %select_n3A_2908, %broadcast_in_dim3A_2924 : vector<16xi1>, vector<16xi32>
      %select_n3A_2952 = arith.select %gt3A_2928, %select_n3A_2951, %select_n3A_2904 : vector<16xi1>, vector<16xi32>
      %select_n3A_2953 = arith.select %gt3A_2926, %select_n3A_2910, %get3A_2919 : vector<16xi1>, vector<16xf32>
      %select_n3A_2954 = arith.select %gt3A_2927, %select_n3A_2953, %select_n3A_2906 : vector<16xi1>, vector<16xf32>
      %select_n3A_2955 = arith.select %gt3A_2926, %select_n3A_2912, %broadcast_in_dim3A_2924 : vector<16xi1>, vector<16xi32>
      %select_n3A_2956 = arith.select %gt3A_2927, %select_n3A_2955, %select_n3A_2908 : vector<16xi1>, vector<16xi32>
      %select_n3A_2957 = arith.select %gt3A_2925, %select_n3A_2913, %get3A_2919 : vector<16xi1>, vector<16xf32>
      %select_n3A_2958 = arith.select %gt3A_2926, %select_n3A_2957, %select_n3A_2910 : vector<16xi1>, vector<16xf32>
      %select_n3A_2959 = arith.select %gt3A_2925, %select_n3A_2914, %broadcast_in_dim3A_2924 : vector<16xi1>, vector<16xi32>
      %select_n3A_2960 = arith.select %gt3A_2926, %select_n3A_2959, %select_n3A_2912 : vector<16xi1>, vector<16xi32>
      %select_n3A_2961 = arith.select %gt3A_2925, %get3A_2919, %select_n3A_2913 : vector<16xi1>, vector<16xf32>
      %select_n3A_2962 = arith.select %gt3A_2925, %broadcast_in_dim3A_2924, %select_n3A_2914 : vector<16xi1>, vector<16xi32>
      %get3A_2963 = arith.constant 53 : i32
      %get3A_2964 = arith.index_cast %get3A_2963 : i32 to index
      %get3A_2965 = arith.index_cast %multiple_of3A : i32 to index
      %get3A_2966 = tpu.vector_load %arg5[%get3A_2964, %get3A_2965] {strides = array<i32>} : memref<64x512xf32, #tpu.memory_space<vmem>>, vector<1x16xf32>,
      %get3A_2967 = vector.shape_cast %get3A_2966 : vector<1x16xf32> to vector<16xf32>
      %sub3A_2968 = arith.subf %get3A_2967, %max3A_389 : vector<16xf32>
      %exp3A_2969 = math.exp %sub3A_2968 : vector<16xf32>
      %add3A_2970 = arith.addf %add3A_2922, %exp3A_2969 : vector<16xf32>
      %broadcast_in_dim3A_2971 = arith.constant 53 : i32
      %broadcast_in_dim3A_2972 = vector.broadcast %broadcast_in_dim3A_2971 : i32 to vector<16xi32>
      %gt3A_2973 = arith.cmpf ogt, %get3A_2967, %select_n3A_2961 : vector<16xf32>
      %gt3A_2974 = arith.cmpf ogt, %get3A_2967, %select_n3A_2958 : vector<16xf32>
      %gt3A_2975 = arith.cmpf ogt, %get3A_2967, %select_n3A_2954 : vector<16xf32>
      %gt3A_2976 = arith.cmpf ogt, %get3A_2967, %select_n3A_2950 : vector<16xf32>
      %gt3A_2977 = arith.cmpf ogt, %get3A_2967, %select_n3A_2946 : vector<16xf32>
      %gt3A_2978 = arith.cmpf ogt, %get3A_2967, %select_n3A_2942 : vector<16xf32>
      %gt3A_2979 = arith.cmpf ogt, %get3A_2967, %select_n3A_2938 : vector<16xf32>
      %gt3A_2980 = arith.cmpf ogt, %get3A_2967, %select_n3A_2934 : vector<16xf32>
      %select_n3A_2981 = arith.select %gt3A_2979, %select_n3A_2938, %get3A_2967 : vector<16xi1>, vector<16xf32>
      %select_n3A_2982 = arith.select %gt3A_2980, %select_n3A_2981, %select_n3A_2934 : vector<16xi1>, vector<16xf32>
      %select_n3A_2983 = arith.select %gt3A_2979, %select_n3A_2940, %broadcast_in_dim3A_2972 : vector<16xi1>, vector<16xi32>
      %select_n3A_2984 = arith.select %gt3A_2980, %select_n3A_2983, %select_n3A_2936 : vector<16xi1>, vector<16xi32>
      %select_n3A_2985 = arith.select %gt3A_2978, %select_n3A_2942, %get3A_2967 : vector<16xi1>, vector<16xf32>
      %select_n3A_2986 = arith.select %gt3A_2979, %select_n3A_2985, %select_n3A_2938 : vector<16xi1>, vector<16xf32>
      %select_n3A_2987 = arith.select %gt3A_2978, %select_n3A_2944, %broadcast_in_dim3A_2972 : vector<16xi1>, vector<16xi32>
      %select_n3A_2988 = arith.select %gt3A_2979, %select_n3A_2987, %select_n3A_2940 : vector<16xi1>, vector<16xi32>
      %select_n3A_2989 = arith.select %gt3A_2977, %select_n3A_2946, %get3A_2967 : vector<16xi1>, vector<16xf32>
      %select_n3A_2990 = arith.select %gt3A_2978, %select_n3A_2989, %select_n3A_2942 : vector<16xi1>, vector<16xf32>
      %select_n3A_2991 = arith.select %gt3A_2977, %select_n3A_2948, %broadcast_in_dim3A_2972 : vector<16xi1>, vector<16xi32>
      %select_n3A_2992 = arith.select %gt3A_2978, %select_n3A_2991, %select_n3A_2944 : vector<16xi1>, vector<16xi32>
      %select_n3A_2993 = arith.select %gt3A_2976, %select_n3A_2950, %get3A_2967 : vector<16xi1>, vector<16xf32>
      %select_n3A_2994 = arith.select %gt3A_2977, %select_n3A_2993, %select_n3A_2946 : vector<16xi1>, vector<16xf32>
      %select_n3A_2995 = arith.select %gt3A_2976, %select_n3A_2952, %broadcast_in_dim3A_2972 : vector<16xi1>, vector<16xi32>
      %select_n3A_2996 = arith.select %gt3A_2977, %select_n3A_2995, %select_n3A_2948 : vector<16xi1>, vector<16xi32>
      %select_n3A_2997 = arith.select %gt3A_2975, %select_n3A_2954, %get3A_2967 : vector<16xi1>, vector<16xf32>
      %select_n3A_2998 = arith.select %gt3A_2976, %select_n3A_2997, %select_n3A_2950 : vector<16xi1>, vector<16xf32>
      %select_n3A_2999 = arith.select %gt3A_2975, %select_n3A_2956, %broadcast_in_dim3A_2972 : vector<16xi1>, vector<16xi32>
      %select_n3A_3000 = arith.select %gt3A_2976, %select_n3A_2999, %select_n3A_2952 : vector<16xi1>, vector<16xi32>
      %select_n3A_3001 = arith.select %gt3A_2974, %select_n3A_2958, %get3A_2967 : vector<16xi1>, vector<16xf32>
      %select_n3A_3002 = arith.select %gt3A_2975, %select_n3A_3001, %select_n3A_2954 : vector<16xi1>, vector<16xf32>
      %select_n3A_3003 = arith.select %gt3A_2974, %select_n3A_2960, %broadcast_in_dim3A_2972 : vector<16xi1>, vector<16xi32>
      %select_n3A_3004 = arith.select %gt3A_2975, %select_n3A_3003, %select_n3A_2956 : vector<16xi1>, vector<16xi32>
      %select_n3A_3005 = arith.select %gt3A_2973, %select_n3A_2961, %get3A_2967 : vector<16xi1>, vector<16xf32>
      %select_n3A_3006 = arith.select %gt3A_2974, %select_n3A_3005, %select_n3A_2958 : vector<16xi1>, vector<16xf32>
      %select_n3A_3007 = arith.select %gt3A_2973, %select_n3A_2962, %broadcast_in_dim3A_2972 : vector<16xi1>, vector<16xi32>
      %select_n3A_3008 = arith.select %gt3A_2974, %select_n3A_3007, %select_n3A_2960 : vector<16xi1>, vector<16xi32>
      %select_n3A_3009 = arith.select %gt3A_2973, %get3A_2967, %select_n3A_2961 : vector<16xi1>, vector<16xf32>
      %select_n3A_3010 = arith.select %gt3A_2973, %broadcast_in_dim3A_2972, %select_n3A_2962 : vector<16xi1>, vector<16xi32>
      %get3A_3011 = arith.constant 54 : i32
      %get3A_3012 = arith.index_cast %get3A_3011 : i32 to index
      %get3A_3013 = arith.index_cast %multiple_of3A : i32 to index
      %get3A_3014 = tpu.vector_load %arg5[%get3A_3012, %get3A_3013] {strides = array<i32>} : memref<64x512xf32, #tpu.memory_space<vmem>>, vector<1x16xf32>,
      %get3A_3015 = vector.shape_cast %get3A_3014 : vector<1x16xf32> to vector<16xf32>
      %sub3A_3016 = arith.subf %get3A_3015, %max3A_389 : vector<16xf32>
      %exp3A_3017 = math.exp %sub3A_3016 : vector<16xf32>
      %add3A_3018 = arith.addf %add3A_2970, %exp3A_3017 : vector<16xf32>
      %broadcast_in_dim3A_3019 = arith.constant 54 : i32
      %broadcast_in_dim3A_3020 = vector.broadcast %broadcast_in_dim3A_3019 : i32 to vector<16xi32>
      %gt3A_3021 = arith.cmpf ogt, %get3A_3015, %select_n3A_3009 : vector<16xf32>
      %gt3A_3022 = arith.cmpf ogt, %get3A_3015, %select_n3A_3006 : vector<16xf32>
      %gt3A_3023 = arith.cmpf ogt, %get3A_3015, %select_n3A_3002 : vector<16xf32>
      %gt3A_3024 = arith.cmpf ogt, %get3A_3015, %select_n3A_2998 : vector<16xf32>
      %gt3A_3025 = arith.cmpf ogt, %get3A_3015, %select_n3A_2994 : vector<16xf32>
      %gt3A_3026 = arith.cmpf ogt, %get3A_3015, %select_n3A_2990 : vector<16xf32>
      %gt3A_3027 = arith.cmpf ogt, %get3A_3015, %select_n3A_2986 : vector<16xf32>
      %gt3A_3028 = arith.cmpf ogt, %get3A_3015, %select_n3A_2982 : vector<16xf32>
      %select_n3A_3029 = arith.select %gt3A_3027, %select_n3A_2986, %get3A_3015 : vector<16xi1>, vector<16xf32>
      %select_n3A_3030 = arith.select %gt3A_3028, %select_n3A_3029, %select_n3A_2982 : vector<16xi1>, vector<16xf32>
      %select_n3A_3031 = arith.select %gt3A_3027, %select_n3A_2988, %broadcast_in_dim3A_3020 : vector<16xi1>, vector<16xi32>
      %select_n3A_3032 = arith.select %gt3A_3028, %select_n3A_3031, %select_n3A_2984 : vector<16xi1>, vector<16xi32>
      %select_n3A_3033 = arith.select %gt3A_3026, %select_n3A_2990, %get3A_3015 : vector<16xi1>, vector<16xf32>
      %select_n3A_3034 = arith.select %gt3A_3027, %select_n3A_3033, %select_n3A_2986 : vector<16xi1>, vector<16xf32>
      %select_n3A_3035 = arith.select %gt3A_3026, %select_n3A_2992, %broadcast_in_dim3A_3020 : vector<16xi1>, vector<16xi32>
      %select_n3A_3036 = arith.select %gt3A_3027, %select_n3A_3035, %select_n3A_2988 : vector<16xi1>, vector<16xi32>
      %select_n3A_3037 = arith.select %gt3A_3025, %select_n3A_2994, %get3A_3015 : vector<16xi1>, vector<16xf32>
      %select_n3A_3038 = arith.select %gt3A_3026, %select_n3A_3037, %select_n3A_2990 : vector<16xi1>, vector<16xf32>
      %select_n3A_3039 = arith.select %gt3A_3025, %select_n3A_2996, %broadcast_in_dim3A_3020 : vector<16xi1>, vector<16xi32>
      %select_n3A_3040 = arith.select %gt3A_3026, %select_n3A_3039, %select_n3A_2992 : vector<16xi1>, vector<16xi32>
      %select_n3A_3041 = arith.select %gt3A_3024, %select_n3A_2998, %get3A_3015 : vector<16xi1>, vector<16xf32>
      %select_n3A_3042 = arith.select %gt3A_3025, %select_n3A_3041, %select_n3A_2994 : vector<16xi1>, vector<16xf32>
      %select_n3A_3043 = arith.select %gt3A_3024, %select_n3A_3000, %broadcast_in_dim3A_3020 : vector<16xi1>, vector<16xi32>
      %select_n3A_3044 = arith.select %gt3A_3025, %select_n3A_3043, %select_n3A_2996 : vector<16xi1>, vector<16xi32>
      %select_n3A_3045 = arith.select %gt3A_3023, %select_n3A_3002, %get3A_3015 : vector<16xi1>, vector<16xf32>
      %select_n3A_3046 = arith.select %gt3A_3024, %select_n3A_3045, %select_n3A_2998 : vector<16xi1>, vector<16xf32>
      %select_n3A_3047 = arith.select %gt3A_3023, %select_n3A_3004, %broadcast_in_dim3A_3020 : vector<16xi1>, vector<16xi32>
      %select_n3A_3048 = arith.select %gt3A_3024, %select_n3A_3047, %select_n3A_3000 : vector<16xi1>, vector<16xi32>
      %select_n3A_3049 = arith.select %gt3A_3022, %select_n3A_3006, %get3A_3015 : vector<16xi1>, vector<16xf32>
      %select_n3A_3050 = arith.select %gt3A_3023, %select_n3A_3049, %select_n3A_3002 : vector<16xi1>, vector<16xf32>
      %select_n3A_3051 = arith.select %gt3A_3022, %select_n3A_3008, %broadcast_in_dim3A_3020 : vector<16xi1>, vector<16xi32>
      %select_n3A_3052 = arith.select %gt3A_3023, %select_n3A_3051, %select_n3A_3004 : vector<16xi1>, vector<16xi32>
      %select_n3A_3053 = arith.select %gt3A_3021, %select_n3A_3009, %get3A_3015 : vector<16xi1>, vector<16xf32>
      %select_n3A_3054 = arith.select %gt3A_3022, %select_n3A_3053, %select_n3A_3006 : vector<16xi1>, vector<16xf32>
      %select_n3A_3055 = arith.select %gt3A_3021, %select_n3A_3010, %broadcast_in_dim3A_3020 : vector<16xi1>, vector<16xi32>
      %select_n3A_3056 = arith.select %gt3A_3022, %select_n3A_3055, %select_n3A_3008 : vector<16xi1>, vector<16xi32>
      %select_n3A_3057 = arith.select %gt3A_3021, %get3A_3015, %select_n3A_3009 : vector<16xi1>, vector<16xf32>
      %select_n3A_3058 = arith.select %gt3A_3021, %broadcast_in_dim3A_3020, %select_n3A_3010 : vector<16xi1>, vector<16xi32>
      %get3A_3059 = arith.constant 55 : i32
      %get3A_3060 = arith.index_cast %get3A_3059 : i32 to index
      %get3A_3061 = arith.index_cast %multiple_of3A : i32 to index
      %get3A_3062 = tpu.vector_load %arg5[%get3A_3060, %get3A_3061] {strides = array<i32>} : memref<64x512xf32, #tpu.memory_space<vmem>>, vector<1x16xf32>,
      %get3A_3063 = vector.shape_cast %get3A_3062 : vector<1x16xf32> to vector<16xf32>
      %sub3A_3064 = arith.subf %get3A_3063, %max3A_389 : vector<16xf32>
      %exp3A_3065 = math.exp %sub3A_3064 : vector<16xf32>
      %add3A_3066 = arith.addf %add3A_3018, %exp3A_3065 : vector<16xf32>
      %broadcast_in_dim3A_3067 = arith.constant 55 : i32
      %broadcast_in_dim3A_3068 = vector.broadcast %broadcast_in_dim3A_3067 : i32 to vector<16xi32>
      %gt3A_3069 = arith.cmpf ogt, %get3A_3063, %select_n3A_3057 : vector<16xf32>
      %gt3A_3070 = arith.cmpf ogt, %get3A_3063, %select_n3A_3054 : vector<16xf32>
      %gt3A_3071 = arith.cmpf ogt, %get3A_3063, %select_n3A_3050 : vector<16xf32>
      %gt3A_3072 = arith.cmpf ogt, %get3A_3063, %select_n3A_3046 : vector<16xf32>
      %gt3A_3073 = arith.cmpf ogt, %get3A_3063, %select_n3A_3042 : vector<16xf32>
      %gt3A_3074 = arith.cmpf ogt, %get3A_3063, %select_n3A_3038 : vector<16xf32>
      %gt3A_3075 = arith.cmpf ogt, %get3A_3063, %select_n3A_3034 : vector<16xf32>
      %gt3A_3076 = arith.cmpf ogt, %get3A_3063, %select_n3A_3030 : vector<16xf32>
      %select_n3A_3077 = arith.select %gt3A_3075, %select_n3A_3034, %get3A_3063 : vector<16xi1>, vector<16xf32>
      %select_n3A_3078 = arith.select %gt3A_3076, %select_n3A_3077, %select_n3A_3030 : vector<16xi1>, vector<16xf32>
      %select_n3A_3079 = arith.select %gt3A_3075, %select_n3A_3036, %broadcast_in_dim3A_3068 : vector<16xi1>, vector<16xi32>
      %select_n3A_3080 = arith.select %gt3A_3076, %select_n3A_3079, %select_n3A_3032 : vector<16xi1>, vector<16xi32>
      %select_n3A_3081 = arith.select %gt3A_3074, %select_n3A_3038, %get3A_3063 : vector<16xi1>, vector<16xf32>
      %select_n3A_3082 = arith.select %gt3A_3075, %select_n3A_3081, %select_n3A_3034 : vector<16xi1>, vector<16xf32>
      %select_n3A_3083 = arith.select %gt3A_3074, %select_n3A_3040, %broadcast_in_dim3A_3068 : vector<16xi1>, vector<16xi32>
      %select_n3A_3084 = arith.select %gt3A_3075, %select_n3A_3083, %select_n3A_3036 : vector<16xi1>, vector<16xi32>
      %select_n3A_3085 = arith.select %gt3A_3073, %select_n3A_3042, %get3A_3063 : vector<16xi1>, vector<16xf32>
      %select_n3A_3086 = arith.select %gt3A_3074, %select_n3A_3085, %select_n3A_3038 : vector<16xi1>, vector<16xf32>
      %select_n3A_3087 = arith.select %gt3A_3073, %select_n3A_3044, %broadcast_in_dim3A_3068 : vector<16xi1>, vector<16xi32>
      %select_n3A_3088 = arith.select %gt3A_3074, %select_n3A_3087, %select_n3A_3040 : vector<16xi1>, vector<16xi32>
      %select_n3A_3089 = arith.select %gt3A_3072, %select_n3A_3046, %get3A_3063 : vector<16xi1>, vector<16xf32>
      %select_n3A_3090 = arith.select %gt3A_3073, %select_n3A_3089, %select_n3A_3042 : vector<16xi1>, vector<16xf32>
      %select_n3A_3091 = arith.select %gt3A_3072, %select_n3A_3048, %broadcast_in_dim3A_3068 : vector<16xi1>, vector<16xi32>
      %select_n3A_3092 = arith.select %gt3A_3073, %select_n3A_3091, %select_n3A_3044 : vector<16xi1>, vector<16xi32>
      %select_n3A_3093 = arith.select %gt3A_3071, %select_n3A_3050, %get3A_3063 : vector<16xi1>, vector<16xf32>
      %select_n3A_3094 = arith.select %gt3A_3072, %select_n3A_3093, %select_n3A_3046 : vector<16xi1>, vector<16xf32>
      %select_n3A_3095 = arith.select %gt3A_3071, %select_n3A_3052, %broadcast_in_dim3A_3068 : vector<16xi1>, vector<16xi32>
      %select_n3A_3096 = arith.select %gt3A_3072, %select_n3A_3095, %select_n3A_3048 : vector<16xi1>, vector<16xi32>
      %select_n3A_3097 = arith.select %gt3A_3070, %select_n3A_3054, %get3A_3063 : vector<16xi1>, vector<16xf32>
      %select_n3A_3098 = arith.select %gt3A_3071, %select_n3A_3097, %select_n3A_3050 : vector<16xi1>, vector<16xf32>
      %select_n3A_3099 = arith.select %gt3A_3070, %select_n3A_3056, %broadcast_in_dim3A_3068 : vector<16xi1>, vector<16xi32>
      %select_n3A_3100 = arith.select %gt3A_3071, %select_n3A_3099, %select_n3A_3052 : vector<16xi1>, vector<16xi32>
      %select_n3A_3101 = arith.select %gt3A_3069, %select_n3A_3057, %get3A_3063 : vector<16xi1>, vector<16xf32>
      %select_n3A_3102 = arith.select %gt3A_3070, %select_n3A_3101, %select_n3A_3054 : vector<16xi1>, vector<16xf32>
      %select_n3A_3103 = arith.select %gt3A_3069, %select_n3A_3058, %broadcast_in_dim3A_3068 : vector<16xi1>, vector<16xi32>
      %select_n3A_3104 = arith.select %gt3A_3070, %select_n3A_3103, %select_n3A_3056 : vector<16xi1>, vector<16xi32>
      %select_n3A_3105 = arith.select %gt3A_3069, %get3A_3063, %select_n3A_3057 : vector<16xi1>, vector<16xf32>
      %select_n3A_3106 = arith.select %gt3A_3069, %broadcast_in_dim3A_3068, %select_n3A_3058 : vector<16xi1>, vector<16xi32>
      %get3A_3107 = arith.constant 56 : i32
      %get3A_3108 = arith.index_cast %get3A_3107 : i32 to index
      %get3A_3109 = arith.index_cast %multiple_of3A : i32 to index
      %get3A_3110 = tpu.vector_load %arg5[%get3A_3108, %get3A_3109] {strides = array<i32>} : memref<64x512xf32, #tpu.memory_space<vmem>>, vector<1x16xf32>,
      %get3A_3111 = vector.shape_cast %get3A_3110 : vector<1x16xf32> to vector<16xf32>
      %sub3A_3112 = arith.subf %get3A_3111, %max3A_389 : vector<16xf32>
      %exp3A_3113 = math.exp %sub3A_3112 : vector<16xf32>
      %add3A_3114 = arith.addf %add3A_3066, %exp3A_3113 : vector<16xf32>
      %broadcast_in_dim3A_3115 = arith.constant 56 : i32
      %broadcast_in_dim3A_3116 = vector.broadcast %broadcast_in_dim3A_3115 : i32 to vector<16xi32>
      %gt3A_3117 = arith.cmpf ogt, %get3A_3111, %select_n3A_3105 : vector<16xf32>
      %gt3A_3118 = arith.cmpf ogt, %get3A_3111, %select_n3A_3102 : vector<16xf32>
      %gt3A_3119 = arith.cmpf ogt, %get3A_3111, %select_n3A_3098 : vector<16xf32>
      %gt3A_3120 = arith.cmpf ogt, %get3A_3111, %select_n3A_3094 : vector<16xf32>
      %gt3A_3121 = arith.cmpf ogt, %get3A_3111, %select_n3A_3090 : vector<16xf32>
      %gt3A_3122 = arith.cmpf ogt, %get3A_3111, %select_n3A_3086 : vector<16xf32>
      %gt3A_3123 = arith.cmpf ogt, %get3A_3111, %select_n3A_3082 : vector<16xf32>
      %gt3A_3124 = arith.cmpf ogt, %get3A_3111, %select_n3A_3078 : vector<16xf32>
      %select_n3A_3125 = arith.select %gt3A_3123, %select_n3A_3082, %get3A_3111 : vector<16xi1>, vector<16xf32>
      %select_n3A_3126 = arith.select %gt3A_3124, %select_n3A_3125, %select_n3A_3078 : vector<16xi1>, vector<16xf32>
      %select_n3A_3127 = arith.select %gt3A_3123, %select_n3A_3084, %broadcast_in_dim3A_3116 : vector<16xi1>, vector<16xi32>
      %select_n3A_3128 = arith.select %gt3A_3124, %select_n3A_3127, %select_n3A_3080 : vector<16xi1>, vector<16xi32>
      %select_n3A_3129 = arith.select %gt3A_3122, %select_n3A_3086, %get3A_3111 : vector<16xi1>, vector<16xf32>
      %select_n3A_3130 = arith.select %gt3A_3123, %select_n3A_3129, %select_n3A_3082 : vector<16xi1>, vector<16xf32>
      %select_n3A_3131 = arith.select %gt3A_3122, %select_n3A_3088, %broadcast_in_dim3A_3116 : vector<16xi1>, vector<16xi32>
      %select_n3A_3132 = arith.select %gt3A_3123, %select_n3A_3131, %select_n3A_3084 : vector<16xi1>, vector<16xi32>
      %select_n3A_3133 = arith.select %gt3A_3121, %select_n3A_3090, %get3A_3111 : vector<16xi1>, vector<16xf32>
      %select_n3A_3134 = arith.select %gt3A_3122, %select_n3A_3133, %select_n3A_3086 : vector<16xi1>, vector<16xf32>
      %select_n3A_3135 = arith.select %gt3A_3121, %select_n3A_3092, %broadcast_in_dim3A_3116 : vector<16xi1>, vector<16xi32>
      %select_n3A_3136 = arith.select %gt3A_3122, %select_n3A_3135, %select_n3A_3088 : vector<16xi1>, vector<16xi32>
      %select_n3A_3137 = arith.select %gt3A_3120, %select_n3A_3094, %get3A_3111 : vector<16xi1>, vector<16xf32>
      %select_n3A_3138 = arith.select %gt3A_3121, %select_n3A_3137, %select_n3A_3090 : vector<16xi1>, vector<16xf32>
      %select_n3A_3139 = arith.select %gt3A_3120, %select_n3A_3096, %broadcast_in_dim3A_3116 : vector<16xi1>, vector<16xi32>
      %select_n3A_3140 = arith.select %gt3A_3121, %select_n3A_3139, %select_n3A_3092 : vector<16xi1>, vector<16xi32>
      %select_n3A_3141 = arith.select %gt3A_3119, %select_n3A_3098, %get3A_3111 : vector<16xi1>, vector<16xf32>
      %select_n3A_3142 = arith.select %gt3A_3120, %select_n3A_3141, %select_n3A_3094 : vector<16xi1>, vector<16xf32>
      %select_n3A_3143 = arith.select %gt3A_3119, %select_n3A_3100, %broadcast_in_dim3A_3116 : vector<16xi1>, vector<16xi32>
      %select_n3A_3144 = arith.select %gt3A_3120, %select_n3A_3143, %select_n3A_3096 : vector<16xi1>, vector<16xi32>
      %select_n3A_3145 = arith.select %gt3A_3118, %select_n3A_3102, %get3A_3111 : vector<16xi1>, vector<16xf32>
      %select_n3A_3146 = arith.select %gt3A_3119, %select_n3A_3145, %select_n3A_3098 : vector<16xi1>, vector<16xf32>
      %select_n3A_3147 = arith.select %gt3A_3118, %select_n3A_3104, %broadcast_in_dim3A_3116 : vector<16xi1>, vector<16xi32>
      %select_n3A_3148 = arith.select %gt3A_3119, %select_n3A_3147, %select_n3A_3100 : vector<16xi1>, vector<16xi32>
      %select_n3A_3149 = arith.select %gt3A_3117, %select_n3A_3105, %get3A_3111 : vector<16xi1>, vector<16xf32>
      %select_n3A_3150 = arith.select %gt3A_3118, %select_n3A_3149, %select_n3A_3102 : vector<16xi1>, vector<16xf32>
      %select_n3A_3151 = arith.select %gt3A_3117, %select_n3A_3106, %broadcast_in_dim3A_3116 : vector<16xi1>, vector<16xi32>
      %select_n3A_3152 = arith.select %gt3A_3118, %select_n3A_3151, %select_n3A_3104 : vector<16xi1>, vector<16xi32>
      %select_n3A_3153 = arith.select %gt3A_3117, %get3A_3111, %select_n3A_3105 : vector<16xi1>, vector<16xf32>
      %select_n3A_3154 = arith.select %gt3A_3117, %broadcast_in_dim3A_3116, %select_n3A_3106 : vector<16xi1>, vector<16xi32>
      %get3A_3155 = arith.constant 57 : i32
      %get3A_3156 = arith.index_cast %get3A_3155 : i32 to index
      %get3A_3157 = arith.index_cast %multiple_of3A : i32 to index
      %get3A_3158 = tpu.vector_load %arg5[%get3A_3156, %get3A_3157] {strides = array<i32>} : memref<64x512xf32, #tpu.memory_space<vmem>>, vector<1x16xf32>,
      %get3A_3159 = vector.shape_cast %get3A_3158 : vector<1x16xf32> to vector<16xf32>
      %sub3A_3160 = arith.subf %get3A_3159, %max3A_389 : vector<16xf32>
      %exp3A_3161 = math.exp %sub3A_3160 : vector<16xf32>
      %add3A_3162 = arith.addf %add3A_3114, %exp3A_3161 : vector<16xf32>
      %broadcast_in_dim3A_3163 = arith.constant 57 : i32
      %broadcast_in_dim3A_3164 = vector.broadcast %broadcast_in_dim3A_3163 : i32 to vector<16xi32>
      %gt3A_3165 = arith.cmpf ogt, %get3A_3159, %select_n3A_3153 : vector<16xf32>
      %gt3A_3166 = arith.cmpf ogt, %get3A_3159, %select_n3A_3150 : vector<16xf32>
      %gt3A_3167 = arith.cmpf ogt, %get3A_3159, %select_n3A_3146 : vector<16xf32>
      %gt3A_3168 = arith.cmpf ogt, %get3A_3159, %select_n3A_3142 : vector<16xf32>
      %gt3A_3169 = arith.cmpf ogt, %get3A_3159, %select_n3A_3138 : vector<16xf32>
      %gt3A_3170 = arith.cmpf ogt, %get3A_3159, %select_n3A_3134 : vector<16xf32>
      %gt3A_3171 = arith.cmpf ogt, %get3A_3159, %select_n3A_3130 : vector<16xf32>
      %gt3A_3172 = arith.cmpf ogt, %get3A_3159, %select_n3A_3126 : vector<16xf32>
      %select_n3A_3173 = arith.select %gt3A_3171, %select_n3A_3130, %get3A_3159 : vector<16xi1>, vector<16xf32>
      %select_n3A_3174 = arith.select %gt3A_3172, %select_n3A_3173, %select_n3A_3126 : vector<16xi1>, vector<16xf32>
      %select_n3A_3175 = arith.select %gt3A_3171, %select_n3A_3132, %broadcast_in_dim3A_3164 : vector<16xi1>, vector<16xi32>
      %select_n3A_3176 = arith.select %gt3A_3172, %select_n3A_3175, %select_n3A_3128 : vector<16xi1>, vector<16xi32>
      %select_n3A_3177 = arith.select %gt3A_3170, %select_n3A_3134, %get3A_3159 : vector<16xi1>, vector<16xf32>
      %select_n3A_3178 = arith.select %gt3A_3171, %select_n3A_3177, %select_n3A_3130 : vector<16xi1>, vector<16xf32>
      %select_n3A_3179 = arith.select %gt3A_3170, %select_n3A_3136, %broadcast_in_dim3A_3164 : vector<16xi1>, vector<16xi32>
      %select_n3A_3180 = arith.select %gt3A_3171, %select_n3A_3179, %select_n3A_3132 : vector<16xi1>, vector<16xi32>
      %select_n3A_3181 = arith.select %gt3A_3169, %select_n3A_3138, %get3A_3159 : vector<16xi1>, vector<16xf32>
      %select_n3A_3182 = arith.select %gt3A_3170, %select_n3A_3181, %select_n3A_3134 : vector<16xi1>, vector<16xf32>
      %select_n3A_3183 = arith.select %gt3A_3169, %select_n3A_3140, %broadcast_in_dim3A_3164 : vector<16xi1>, vector<16xi32>
      %select_n3A_3184 = arith.select %gt3A_3170, %select_n3A_3183, %select_n3A_3136 : vector<16xi1>, vector<16xi32>
      %select_n3A_3185 = arith.select %gt3A_3168, %select_n3A_3142, %get3A_3159 : vector<16xi1>, vector<16xf32>
      %select_n3A_3186 = arith.select %gt3A_3169, %select_n3A_3185, %select_n3A_3138 : vector<16xi1>, vector<16xf32>
      %select_n3A_3187 = arith.select %gt3A_3168, %select_n3A_3144, %broadcast_in_dim3A_3164 : vector<16xi1>, vector<16xi32>
      %select_n3A_3188 = arith.select %gt3A_3169, %select_n3A_3187, %select_n3A_3140 : vector<16xi1>, vector<16xi32>
      %select_n3A_3189 = arith.select %gt3A_3167, %select_n3A_3146, %get3A_3159 : vector<16xi1>, vector<16xf32>
      %select_n3A_3190 = arith.select %gt3A_3168, %select_n3A_3189, %select_n3A_3142 : vector<16xi1>, vector<16xf32>
      %select_n3A_3191 = arith.select %gt3A_3167, %select_n3A_3148, %broadcast_in_dim3A_3164 : vector<16xi1>, vector<16xi32>
      %select_n3A_3192 = arith.select %gt3A_3168, %select_n3A_3191, %select_n3A_3144 : vector<16xi1>, vector<16xi32>
      %select_n3A_3193 = arith.select %gt3A_3166, %select_n3A_3150, %get3A_3159 : vector<16xi1>, vector<16xf32>
      %select_n3A_3194 = arith.select %gt3A_3167, %select_n3A_3193, %select_n3A_3146 : vector<16xi1>, vector<16xf32>
      %select_n3A_3195 = arith.select %gt3A_3166, %select_n3A_3152, %broadcast_in_dim3A_3164 : vector<16xi1>, vector<16xi32>
      %select_n3A_3196 = arith.select %gt3A_3167, %select_n3A_3195, %select_n3A_3148 : vector<16xi1>, vector<16xi32>
      %select_n3A_3197 = arith.select %gt3A_3165, %select_n3A_3153, %get3A_3159 : vector<16xi1>, vector<16xf32>
      %select_n3A_3198 = arith.select %gt3A_3166, %select_n3A_3197, %select_n3A_3150 : vector<16xi1>, vector<16xf32>
      %select_n3A_3199 = arith.select %gt3A_3165, %select_n3A_3154, %broadcast_in_dim3A_3164 : vector<16xi1>, vector<16xi32>
      %select_n3A_3200 = arith.select %gt3A_3166, %select_n3A_3199, %select_n3A_3152 : vector<16xi1>, vector<16xi32>
      %select_n3A_3201 = arith.select %gt3A_3165, %get3A_3159, %select_n3A_3153 : vector<16xi1>, vector<16xf32>
      %select_n3A_3202 = arith.select %gt3A_3165, %broadcast_in_dim3A_3164, %select_n3A_3154 : vector<16xi1>, vector<16xi32>
      %get3A_3203 = arith.constant 58 : i32
      %get3A_3204 = arith.index_cast %get3A_3203 : i32 to index
      %get3A_3205 = arith.index_cast %multiple_of3A : i32 to index
      %get3A_3206 = tpu.vector_load %arg5[%get3A_3204, %get3A_3205] {strides = array<i32>} : memref<64x512xf32, #tpu.memory_space<vmem>>, vector<1x16xf32>,
      %get3A_3207 = vector.shape_cast %get3A_3206 : vector<1x16xf32> to vector<16xf32>
      %sub3A_3208 = arith.subf %get3A_3207, %max3A_389 : vector<16xf32>
      %exp3A_3209 = math.exp %sub3A_3208 : vector<16xf32>
      %add3A_3210 = arith.addf %add3A_3162, %exp3A_3209 : vector<16xf32>
      %broadcast_in_dim3A_3211 = arith.constant 58 : i32
      %broadcast_in_dim3A_3212 = vector.broadcast %broadcast_in_dim3A_3211 : i32 to vector<16xi32>
      %gt3A_3213 = arith.cmpf ogt, %get3A_3207, %select_n3A_3201 : vector<16xf32>
      %gt3A_3214 = arith.cmpf ogt, %get3A_3207, %select_n3A_3198 : vector<16xf32>
      %gt3A_3215 = arith.cmpf ogt, %get3A_3207, %select_n3A_3194 : vector<16xf32>
      %gt3A_3216 = arith.cmpf ogt, %get3A_3207, %select_n3A_3190 : vector<16xf32>
      %gt3A_3217 = arith.cmpf ogt, %get3A_3207, %select_n3A_3186 : vector<16xf32>
      %gt3A_3218 = arith.cmpf ogt, %get3A_3207, %select_n3A_3182 : vector<16xf32>
      %gt3A_3219 = arith.cmpf ogt, %get3A_3207, %select_n3A_3178 : vector<16xf32>
      %gt3A_3220 = arith.cmpf ogt, %get3A_3207, %select_n3A_3174 : vector<16xf32>
      %select_n3A_3221 = arith.select %gt3A_3219, %select_n3A_3178, %get3A_3207 : vector<16xi1>, vector<16xf32>
      %select_n3A_3222 = arith.select %gt3A_3220, %select_n3A_3221, %select_n3A_3174 : vector<16xi1>, vector<16xf32>
      %select_n3A_3223 = arith.select %gt3A_3219, %select_n3A_3180, %broadcast_in_dim3A_3212 : vector<16xi1>, vector<16xi32>
      %select_n3A_3224 = arith.select %gt3A_3220, %select_n3A_3223, %select_n3A_3176 : vector<16xi1>, vector<16xi32>
      %select_n3A_3225 = arith.select %gt3A_3218, %select_n3A_3182, %get3A_3207 : vector<16xi1>, vector<16xf32>
      %select_n3A_3226 = arith.select %gt3A_3219, %select_n3A_3225, %select_n3A_3178 : vector<16xi1>, vector<16xf32>
      %select_n3A_3227 = arith.select %gt3A_3218, %select_n3A_3184, %broadcast_in_dim3A_3212 : vector<16xi1>, vector<16xi32>
      %select_n3A_3228 = arith.select %gt3A_3219, %select_n3A_3227, %select_n3A_3180 : vector<16xi1>, vector<16xi32>
      %select_n3A_3229 = arith.select %gt3A_3217, %select_n3A_3186, %get3A_3207 : vector<16xi1>, vector<16xf32>
      %select_n3A_3230 = arith.select %gt3A_3218, %select_n3A_3229, %select_n3A_3182 : vector<16xi1>, vector<16xf32>
      %select_n3A_3231 = arith.select %gt3A_3217, %select_n3A_3188, %broadcast_in_dim3A_3212 : vector<16xi1>, vector<16xi32>
      %select_n3A_3232 = arith.select %gt3A_3218, %select_n3A_3231, %select_n3A_3184 : vector<16xi1>, vector<16xi32>
      %select_n3A_3233 = arith.select %gt3A_3216, %select_n3A_3190, %get3A_3207 : vector<16xi1>, vector<16xf32>
      %select_n3A_3234 = arith.select %gt3A_3217, %select_n3A_3233, %select_n3A_3186 : vector<16xi1>, vector<16xf32>
      %select_n3A_3235 = arith.select %gt3A_3216, %select_n3A_3192, %broadcast_in_dim3A_3212 : vector<16xi1>, vector<16xi32>
      %select_n3A_3236 = arith.select %gt3A_3217, %select_n3A_3235, %select_n3A_3188 : vector<16xi1>, vector<16xi32>
      %select_n3A_3237 = arith.select %gt3A_3215, %select_n3A_3194, %get3A_3207 : vector<16xi1>, vector<16xf32>
      %select_n3A_3238 = arith.select %gt3A_3216, %select_n3A_3237, %select_n3A_3190 : vector<16xi1>, vector<16xf32>
      %select_n3A_3239 = arith.select %gt3A_3215, %select_n3A_3196, %broadcast_in_dim3A_3212 : vector<16xi1>, vector<16xi32>
      %select_n3A_3240 = arith.select %gt3A_3216, %select_n3A_3239, %select_n3A_3192 : vector<16xi1>, vector<16xi32>
      %select_n3A_3241 = arith.select %gt3A_3214, %select_n3A_3198, %get3A_3207 : vector<16xi1>, vector<16xf32>
      %select_n3A_3242 = arith.select %gt3A_3215, %select_n3A_3241, %select_n3A_3194 : vector<16xi1>, vector<16xf32>
      %select_n3A_3243 = arith.select %gt3A_3214, %select_n3A_3200, %broadcast_in_dim3A_3212 : vector<16xi1>, vector<16xi32>
      %select_n3A_3244 = arith.select %gt3A_3215, %select_n3A_3243, %select_n3A_3196 : vector<16xi1>, vector<16xi32>
      %select_n3A_3245 = arith.select %gt3A_3213, %select_n3A_3201, %get3A_3207 : vector<16xi1>, vector<16xf32>
      %select_n3A_3246 = arith.select %gt3A_3214, %select_n3A_3245, %select_n3A_3198 : vector<16xi1>, vector<16xf32>
      %select_n3A_3247 = arith.select %gt3A_3213, %select_n3A_3202, %broadcast_in_dim3A_3212 : vector<16xi1>, vector<16xi32>
      %select_n3A_3248 = arith.select %gt3A_3214, %select_n3A_3247, %select_n3A_3200 : vector<16xi1>, vector<16xi32>
      %select_n3A_3249 = arith.select %gt3A_3213, %get3A_3207, %select_n3A_3201 : vector<16xi1>, vector<16xf32>
      %select_n3A_3250 = arith.select %gt3A_3213, %broadcast_in_dim3A_3212, %select_n3A_3202 : vector<16xi1>, vector<16xi32>
      %get3A_3251 = arith.constant 59 : i32
      %get3A_3252 = arith.index_cast %get3A_3251 : i32 to index
      %get3A_3253 = arith.index_cast %multiple_of3A : i32 to index
      %get3A_3254 = tpu.vector_load %arg5[%get3A_3252, %get3A_3253] {strides = array<i32>} : memref<64x512xf32, #tpu.memory_space<vmem>>, vector<1x16xf32>,
      %get3A_3255 = vector.shape_cast %get3A_3254 : vector<1x16xf32> to vector<16xf32>
      %sub3A_3256 = arith.subf %get3A_3255, %max3A_389 : vector<16xf32>
      %exp3A_3257 = math.exp %sub3A_3256 : vector<16xf32>
      %add3A_3258 = arith.addf %add3A_3210, %exp3A_3257 : vector<16xf32>
      %broadcast_in_dim3A_3259 = arith.constant 59 : i32
      %broadcast_in_dim3A_3260 = vector.broadcast %broadcast_in_dim3A_3259 : i32 to vector<16xi32>
      %gt3A_3261 = arith.cmpf ogt, %get3A_3255, %select_n3A_3249 : vector<16xf32>
      %gt3A_3262 = arith.cmpf ogt, %get3A_3255, %select_n3A_3246 : vector<16xf32>
      %gt3A_3263 = arith.cmpf ogt, %get3A_3255, %select_n3A_3242 : vector<16xf32>
      %gt3A_3264 = arith.cmpf ogt, %get3A_3255, %select_n3A_3238 : vector<16xf32>
      %gt3A_3265 = arith.cmpf ogt, %get3A_3255, %select_n3A_3234 : vector<16xf32>
      %gt3A_3266 = arith.cmpf ogt, %get3A_3255, %select_n3A_3230 : vector<16xf32>
      %gt3A_3267 = arith.cmpf ogt, %get3A_3255, %select_n3A_3226 : vector<16xf32>
      %gt3A_3268 = arith.cmpf ogt, %get3A_3255, %select_n3A_3222 : vector<16xf32>
      %select_n3A_3269 = arith.select %gt3A_3267, %select_n3A_3226, %get3A_3255 : vector<16xi1>, vector<16xf32>
      %select_n3A_3270 = arith.select %gt3A_3268, %select_n3A_3269, %select_n3A_3222 : vector<16xi1>, vector<16xf32>
      %select_n3A_3271 = arith.select %gt3A_3267, %select_n3A_3228, %broadcast_in_dim3A_3260 : vector<16xi1>, vector<16xi32>
      %select_n3A_3272 = arith.select %gt3A_3268, %select_n3A_3271, %select_n3A_3224 : vector<16xi1>, vector<16xi32>
      %select_n3A_3273 = arith.select %gt3A_3266, %select_n3A_3230, %get3A_3255 : vector<16xi1>, vector<16xf32>
      %select_n3A_3274 = arith.select %gt3A_3267, %select_n3A_3273, %select_n3A_3226 : vector<16xi1>, vector<16xf32>
      %select_n3A_3275 = arith.select %gt3A_3266, %select_n3A_3232, %broadcast_in_dim3A_3260 : vector<16xi1>, vector<16xi32>
      %select_n3A_3276 = arith.select %gt3A_3267, %select_n3A_3275, %select_n3A_3228 : vector<16xi1>, vector<16xi32>
      %select_n3A_3277 = arith.select %gt3A_3265, %select_n3A_3234, %get3A_3255 : vector<16xi1>, vector<16xf32>
      %select_n3A_3278 = arith.select %gt3A_3266, %select_n3A_3277, %select_n3A_3230 : vector<16xi1>, vector<16xf32>
      %select_n3A_3279 = arith.select %gt3A_3265, %select_n3A_3236, %broadcast_in_dim3A_3260 : vector<16xi1>, vector<16xi32>
      %select_n3A_3280 = arith.select %gt3A_3266, %select_n3A_3279, %select_n3A_3232 : vector<16xi1>, vector<16xi32>
      %select_n3A_3281 = arith.select %gt3A_3264, %select_n3A_3238, %get3A_3255 : vector<16xi1>, vector<16xf32>
      %select_n3A_3282 = arith.select %gt3A_3265, %select_n3A_3281, %select_n3A_3234 : vector<16xi1>, vector<16xf32>
      %select_n3A_3283 = arith.select %gt3A_3264, %select_n3A_3240, %broadcast_in_dim3A_3260 : vector<16xi1>, vector<16xi32>
      %select_n3A_3284 = arith.select %gt3A_3265, %select_n3A_3283, %select_n3A_3236 : vector<16xi1>, vector<16xi32>
      %select_n3A_3285 = arith.select %gt3A_3263, %select_n3A_3242, %get3A_3255 : vector<16xi1>, vector<16xf32>
      %select_n3A_3286 = arith.select %gt3A_3264, %select_n3A_3285, %select_n3A_3238 : vector<16xi1>, vector<16xf32>
      %select_n3A_3287 = arith.select %gt3A_3263, %select_n3A_3244, %broadcast_in_dim3A_3260 : vector<16xi1>, vector<16xi32>
      %select_n3A_3288 = arith.select %gt3A_3264, %select_n3A_3287, %select_n3A_3240 : vector<16xi1>, vector<16xi32>
      %select_n3A_3289 = arith.select %gt3A_3262, %select_n3A_3246, %get3A_3255 : vector<16xi1>, vector<16xf32>
      %select_n3A_3290 = arith.select %gt3A_3263, %select_n3A_3289, %select_n3A_3242 : vector<16xi1>, vector<16xf32>
      %select_n3A_3291 = arith.select %gt3A_3262, %select_n3A_3248, %broadcast_in_dim3A_3260 : vector<16xi1>, vector<16xi32>
      %select_n3A_3292 = arith.select %gt3A_3263, %select_n3A_3291, %select_n3A_3244 : vector<16xi1>, vector<16xi32>
      %select_n3A_3293 = arith.select %gt3A_3261, %select_n3A_3249, %get3A_3255 : vector<16xi1>, vector<16xf32>
      %select_n3A_3294 = arith.select %gt3A_3262, %select_n3A_3293, %select_n3A_3246 : vector<16xi1>, vector<16xf32>
      %select_n3A_3295 = arith.select %gt3A_3261, %select_n3A_3250, %broadcast_in_dim3A_3260 : vector<16xi1>, vector<16xi32>
      %select_n3A_3296 = arith.select %gt3A_3262, %select_n3A_3295, %select_n3A_3248 : vector<16xi1>, vector<16xi32>
      %select_n3A_3297 = arith.select %gt3A_3261, %get3A_3255, %select_n3A_3249 : vector<16xi1>, vector<16xf32>
      %select_n3A_3298 = arith.select %gt3A_3261, %broadcast_in_dim3A_3260, %select_n3A_3250 : vector<16xi1>, vector<16xi32>
      %get3A_3299 = arith.constant 60 : i32
      %get3A_3300 = arith.index_cast %get3A_3299 : i32 to index
      %get3A_3301 = arith.index_cast %multiple_of3A : i32 to index
      %get3A_3302 = tpu.vector_load %arg5[%get3A_3300, %get3A_3301] {strides = array<i32>} : memref<64x512xf32, #tpu.memory_space<vmem>>, vector<1x16xf32>,
      %get3A_3303 = vector.shape_cast %get3A_3302 : vector<1x16xf32> to vector<16xf32>
      %sub3A_3304 = arith.subf %get3A_3303, %max3A_389 : vector<16xf32>
      %exp3A_3305 = math.exp %sub3A_3304 : vector<16xf32>
      %add3A_3306 = arith.addf %add3A_3258, %exp3A_3305 : vector<16xf32>
      %broadcast_in_dim3A_3307 = arith.constant 60 : i32
      %broadcast_in_dim3A_3308 = vector.broadcast %broadcast_in_dim3A_3307 : i32 to vector<16xi32>
      %gt3A_3309 = arith.cmpf ogt, %get3A_3303, %select_n3A_3297 : vector<16xf32>
      %gt3A_3310 = arith.cmpf ogt, %get3A_3303, %select_n3A_3294 : vector<16xf32>
      %gt3A_3311 = arith.cmpf ogt, %get3A_3303, %select_n3A_3290 : vector<16xf32>
      %gt3A_3312 = arith.cmpf ogt, %get3A_3303, %select_n3A_3286 : vector<16xf32>
      %gt3A_3313 = arith.cmpf ogt, %get3A_3303, %select_n3A_3282 : vector<16xf32>
      %gt3A_3314 = arith.cmpf ogt, %get3A_3303, %select_n3A_3278 : vector<16xf32>
      %gt3A_3315 = arith.cmpf ogt, %get3A_3303, %select_n3A_3274 : vector<16xf32>
      %gt3A_3316 = arith.cmpf ogt, %get3A_3303, %select_n3A_3270 : vector<16xf32>
      %select_n3A_3317 = arith.select %gt3A_3315, %select_n3A_3274, %get3A_3303 : vector<16xi1>, vector<16xf32>
      %select_n3A_3318 = arith.select %gt3A_3316, %select_n3A_3317, %select_n3A_3270 : vector<16xi1>, vector<16xf32>
      %select_n3A_3319 = arith.select %gt3A_3315, %select_n3A_3276, %broadcast_in_dim3A_3308 : vector<16xi1>, vector<16xi32>
      %select_n3A_3320 = arith.select %gt3A_3316, %select_n3A_3319, %select_n3A_3272 : vector<16xi1>, vector<16xi32>
      %select_n3A_3321 = arith.select %gt3A_3314, %select_n3A_3278, %get3A_3303 : vector<16xi1>, vector<16xf32>
      %select_n3A_3322 = arith.select %gt3A_3315, %select_n3A_3321, %select_n3A_3274 : vector<16xi1>, vector<16xf32>
      %select_n3A_3323 = arith.select %gt3A_3314, %select_n3A_3280, %broadcast_in_dim3A_3308 : vector<16xi1>, vector<16xi32>
      %select_n3A_3324 = arith.select %gt3A_3315, %select_n3A_3323, %select_n3A_3276 : vector<16xi1>, vector<16xi32>
      %select_n3A_3325 = arith.select %gt3A_3313, %select_n3A_3282, %get3A_3303 : vector<16xi1>, vector<16xf32>
      %select_n3A_3326 = arith.select %gt3A_3314, %select_n3A_3325, %select_n3A_3278 : vector<16xi1>, vector<16xf32>
      %select_n3A_3327 = arith.select %gt3A_3313, %select_n3A_3284, %broadcast_in_dim3A_3308 : vector<16xi1>, vector<16xi32>
      %select_n3A_3328 = arith.select %gt3A_3314, %select_n3A_3327, %select_n3A_3280 : vector<16xi1>, vector<16xi32>
      %select_n3A_3329 = arith.select %gt3A_3312, %select_n3A_3286, %get3A_3303 : vector<16xi1>, vector<16xf32>
      %select_n3A_3330 = arith.select %gt3A_3313, %select_n3A_3329, %select_n3A_3282 : vector<16xi1>, vector<16xf32>
      %select_n3A_3331 = arith.select %gt3A_3312, %select_n3A_3288, %broadcast_in_dim3A_3308 : vector<16xi1>, vector<16xi32>
      %select_n3A_3332 = arith.select %gt3A_3313, %select_n3A_3331, %select_n3A_3284 : vector<16xi1>, vector<16xi32>
      %select_n3A_3333 = arith.select %gt3A_3311, %select_n3A_3290, %get3A_3303 : vector<16xi1>, vector<16xf32>
      %select_n3A_3334 = arith.select %gt3A_3312, %select_n3A_3333, %select_n3A_3286 : vector<16xi1>, vector<16xf32>
      %select_n3A_3335 = arith.select %gt3A_3311, %select_n3A_3292, %broadcast_in_dim3A_3308 : vector<16xi1>, vector<16xi32>
      %select_n3A_3336 = arith.select %gt3A_3312, %select_n3A_3335, %select_n3A_3288 : vector<16xi1>, vector<16xi32>
      %select_n3A_3337 = arith.select %gt3A_3310, %select_n3A_3294, %get3A_3303 : vector<16xi1>, vector<16xf32>
      %select_n3A_3338 = arith.select %gt3A_3311, %select_n3A_3337, %select_n3A_3290 : vector<16xi1>, vector<16xf32>
      %select_n3A_3339 = arith.select %gt3A_3310, %select_n3A_3296, %broadcast_in_dim3A_3308 : vector<16xi1>, vector<16xi32>
      %select_n3A_3340 = arith.select %gt3A_3311, %select_n3A_3339, %select_n3A_3292 : vector<16xi1>, vector<16xi32>
      %select_n3A_3341 = arith.select %gt3A_3309, %select_n3A_3297, %get3A_3303 : vector<16xi1>, vector<16xf32>
      %select_n3A_3342 = arith.select %gt3A_3310, %select_n3A_3341, %select_n3A_3294 : vector<16xi1>, vector<16xf32>
      %select_n3A_3343 = arith.select %gt3A_3309, %select_n3A_3298, %broadcast_in_dim3A_3308 : vector<16xi1>, vector<16xi32>
      %select_n3A_3344 = arith.select %gt3A_3310, %select_n3A_3343, %select_n3A_3296 : vector<16xi1>, vector<16xi32>
      %select_n3A_3345 = arith.select %gt3A_3309, %get3A_3303, %select_n3A_3297 : vector<16xi1>, vector<16xf32>
      %select_n3A_3346 = arith.select %gt3A_3309, %broadcast_in_dim3A_3308, %select_n3A_3298 : vector<16xi1>, vector<16xi32>
      %get3A_3347 = arith.constant 61 : i32
      %get3A_3348 = arith.index_cast %get3A_3347 : i32 to index
      %get3A_3349 = arith.index_cast %multiple_of3A : i32 to index
      %get3A_3350 = tpu.vector_load %arg5[%get3A_3348, %get3A_3349] {strides = array<i32>} : memref<64x512xf32, #tpu.memory_space<vmem>>, vector<1x16xf32>,
      %get3A_3351 = vector.shape_cast %get3A_3350 : vector<1x16xf32> to vector<16xf32>
      %sub3A_3352 = arith.subf %get3A_3351, %max3A_389 : vector<16xf32>
      %exp3A_3353 = math.exp %sub3A_3352 : vector<16xf32>
      %add3A_3354 = arith.addf %add3A_3306, %exp3A_3353 : vector<16xf32>
      %broadcast_in_dim3A_3355 = arith.constant 61 : i32
      %broadcast_in_dim3A_3356 = vector.broadcast %broadcast_in_dim3A_3355 : i32 to vector<16xi32>
      %gt3A_3357 = arith.cmpf ogt, %get3A_3351, %select_n3A_3345 : vector<16xf32>
      %gt3A_3358 = arith.cmpf ogt, %get3A_3351, %select_n3A_3342 : vector<16xf32>
      %gt3A_3359 = arith.cmpf ogt, %get3A_3351, %select_n3A_3338 : vector<16xf32>
      %gt3A_3360 = arith.cmpf ogt, %get3A_3351, %select_n3A_3334 : vector<16xf32>
      %gt3A_3361 = arith.cmpf ogt, %get3A_3351, %select_n3A_3330 : vector<16xf32>
      %gt3A_3362 = arith.cmpf ogt, %get3A_3351, %select_n3A_3326 : vector<16xf32>
      %gt3A_3363 = arith.cmpf ogt, %get3A_3351, %select_n3A_3322 : vector<16xf32>
      %gt3A_3364 = arith.cmpf ogt, %get3A_3351, %select_n3A_3318 : vector<16xf32>
      %select_n3A_3365 = arith.select %gt3A_3363, %select_n3A_3322, %get3A_3351 : vector<16xi1>, vector<16xf32>
      %select_n3A_3366 = arith.select %gt3A_3364, %select_n3A_3365, %select_n3A_3318 : vector<16xi1>, vector<16xf32>
      %select_n3A_3367 = arith.select %gt3A_3363, %select_n3A_3324, %broadcast_in_dim3A_3356 : vector<16xi1>, vector<16xi32>
      %select_n3A_3368 = arith.select %gt3A_3364, %select_n3A_3367, %select_n3A_3320 : vector<16xi1>, vector<16xi32>
      %select_n3A_3369 = arith.select %gt3A_3362, %select_n3A_3326, %get3A_3351 : vector<16xi1>, vector<16xf32>
      %select_n3A_3370 = arith.select %gt3A_3363, %select_n3A_3369, %select_n3A_3322 : vector<16xi1>, vector<16xf32>
      %select_n3A_3371 = arith.select %gt3A_3362, %select_n3A_3328, %broadcast_in_dim3A_3356 : vector<16xi1>, vector<16xi32>
      %select_n3A_3372 = arith.select %gt3A_3363, %select_n3A_3371, %select_n3A_3324 : vector<16xi1>, vector<16xi32>
      %select_n3A_3373 = arith.select %gt3A_3361, %select_n3A_3330, %get3A_3351 : vector<16xi1>, vector<16xf32>
      %select_n3A_3374 = arith.select %gt3A_3362, %select_n3A_3373, %select_n3A_3326 : vector<16xi1>, vector<16xf32>
      %select_n3A_3375 = arith.select %gt3A_3361, %select_n3A_3332, %broadcast_in_dim3A_3356 : vector<16xi1>, vector<16xi32>
      %select_n3A_3376 = arith.select %gt3A_3362, %select_n3A_3375, %select_n3A_3328 : vector<16xi1>, vector<16xi32>
      %select_n3A_3377 = arith.select %gt3A_3360, %select_n3A_3334, %get3A_3351 : vector<16xi1>, vector<16xf32>
      %select_n3A_3378 = arith.select %gt3A_3361, %select_n3A_3377, %select_n3A_3330 : vector<16xi1>, vector<16xf32>
      %select_n3A_3379 = arith.select %gt3A_3360, %select_n3A_3336, %broadcast_in_dim3A_3356 : vector<16xi1>, vector<16xi32>
      %select_n3A_3380 = arith.select %gt3A_3361, %select_n3A_3379, %select_n3A_3332 : vector<16xi1>, vector<16xi32>
      %select_n3A_3381 = arith.select %gt3A_3359, %select_n3A_3338, %get3A_3351 : vector<16xi1>, vector<16xf32>
      %select_n3A_3382 = arith.select %gt3A_3360, %select_n3A_3381, %select_n3A_3334 : vector<16xi1>, vector<16xf32>
      %select_n3A_3383 = arith.select %gt3A_3359, %select_n3A_3340, %broadcast_in_dim3A_3356 : vector<16xi1>, vector<16xi32>
      %select_n3A_3384 = arith.select %gt3A_3360, %select_n3A_3383, %select_n3A_3336 : vector<16xi1>, vector<16xi32>
      %select_n3A_3385 = arith.select %gt3A_3358, %select_n3A_3342, %get3A_3351 : vector<16xi1>, vector<16xf32>
      %select_n3A_3386 = arith.select %gt3A_3359, %select_n3A_3385, %select_n3A_3338 : vector<16xi1>, vector<16xf32>
      %select_n3A_3387 = arith.select %gt3A_3358, %select_n3A_3344, %broadcast_in_dim3A_3356 : vector<16xi1>, vector<16xi32>
      %select_n3A_3388 = arith.select %gt3A_3359, %select_n3A_3387, %select_n3A_3340 : vector<16xi1>, vector<16xi32>
      %select_n3A_3389 = arith.select %gt3A_3357, %select_n3A_3345, %get3A_3351 : vector<16xi1>, vector<16xf32>
      %select_n3A_3390 = arith.select %gt3A_3358, %select_n3A_3389, %select_n3A_3342 : vector<16xi1>, vector<16xf32>
      %select_n3A_3391 = arith.select %gt3A_3357, %select_n3A_3346, %broadcast_in_dim3A_3356 : vector<16xi1>, vector<16xi32>
      %select_n3A_3392 = arith.select %gt3A_3358, %select_n3A_3391, %select_n3A_3344 : vector<16xi1>, vector<16xi32>
      %select_n3A_3393 = arith.select %gt3A_3357, %get3A_3351, %select_n3A_3345 : vector<16xi1>, vector<16xf32>
      %select_n3A_3394 = arith.select %gt3A_3357, %broadcast_in_dim3A_3356, %select_n3A_3346 : vector<16xi1>, vector<16xi32>
      %get3A_3395 = arith.constant 62 : i32
      %get3A_3396 = arith.index_cast %get3A_3395 : i32 to index
      %get3A_3397 = arith.index_cast %multiple_of3A : i32 to index
      %get3A_3398 = tpu.vector_load %arg5[%get3A_3396, %get3A_3397] {strides = array<i32>} : memref<64x512xf32, #tpu.memory_space<vmem>>, vector<1x16xf32>,
      %get3A_3399 = vector.shape_cast %get3A_3398 : vector<1x16xf32> to vector<16xf32>
      %sub3A_3400 = arith.subf %get3A_3399, %max3A_389 : vector<16xf32>
      %exp3A_3401 = math.exp %sub3A_3400 : vector<16xf32>
      %add3A_3402 = arith.addf %add3A_3354, %exp3A_3401 : vector<16xf32>
      %broadcast_in_dim3A_3403 = arith.constant 62 : i32
      %broadcast_in_dim3A_3404 = vector.broadcast %broadcast_in_dim3A_3403 : i32 to vector<16xi32>
      %gt3A_3405 = arith.cmpf ogt, %get3A_3399, %select_n3A_3393 : vector<16xf32>
      %gt3A_3406 = arith.cmpf ogt, %get3A_3399, %select_n3A_3390 : vector<16xf32>
      %gt3A_3407 = arith.cmpf ogt, %get3A_3399, %select_n3A_3386 : vector<16xf32>
      %gt3A_3408 = arith.cmpf ogt, %get3A_3399, %select_n3A_3382 : vector<16xf32>
      %gt3A_3409 = arith.cmpf ogt, %get3A_3399, %select_n3A_3378 : vector<16xf32>
      %gt3A_3410 = arith.cmpf ogt, %get3A_3399, %select_n3A_3374 : vector<16xf32>
      %gt3A_3411 = arith.cmpf ogt, %get3A_3399, %select_n3A_3370 : vector<16xf32>
      %gt3A_3412 = arith.cmpf ogt, %get3A_3399, %select_n3A_3366 : vector<16xf32>
      %select_n3A_3413 = arith.select %gt3A_3411, %select_n3A_3370, %get3A_3399 : vector<16xi1>, vector<16xf32>
      %select_n3A_3414 = arith.select %gt3A_3412, %select_n3A_3413, %select_n3A_3366 : vector<16xi1>, vector<16xf32>
      %select_n3A_3415 = arith.select %gt3A_3411, %select_n3A_3372, %broadcast_in_dim3A_3404 : vector<16xi1>, vector<16xi32>
      %select_n3A_3416 = arith.select %gt3A_3412, %select_n3A_3415, %select_n3A_3368 : vector<16xi1>, vector<16xi32>
      %select_n3A_3417 = arith.select %gt3A_3410, %select_n3A_3374, %get3A_3399 : vector<16xi1>, vector<16xf32>
      %select_n3A_3418 = arith.select %gt3A_3411, %select_n3A_3417, %select_n3A_3370 : vector<16xi1>, vector<16xf32>
      %select_n3A_3419 = arith.select %gt3A_3410, %select_n3A_3376, %broadcast_in_dim3A_3404 : vector<16xi1>, vector<16xi32>
      %select_n3A_3420 = arith.select %gt3A_3411, %select_n3A_3419, %select_n3A_3372 : vector<16xi1>, vector<16xi32>
      %select_n3A_3421 = arith.select %gt3A_3409, %select_n3A_3378, %get3A_3399 : vector<16xi1>, vector<16xf32>
      %select_n3A_3422 = arith.select %gt3A_3410, %select_n3A_3421, %select_n3A_3374 : vector<16xi1>, vector<16xf32>
      %select_n3A_3423 = arith.select %gt3A_3409, %select_n3A_3380, %broadcast_in_dim3A_3404 : vector<16xi1>, vector<16xi32>
      %select_n3A_3424 = arith.select %gt3A_3410, %select_n3A_3423, %select_n3A_3376 : vector<16xi1>, vector<16xi32>
      %select_n3A_3425 = arith.select %gt3A_3408, %select_n3A_3382, %get3A_3399 : vector<16xi1>, vector<16xf32>
      %select_n3A_3426 = arith.select %gt3A_3409, %select_n3A_3425, %select_n3A_3378 : vector<16xi1>, vector<16xf32>
      %select_n3A_3427 = arith.select %gt3A_3408, %select_n3A_3384, %broadcast_in_dim3A_3404 : vector<16xi1>, vector<16xi32>
      %select_n3A_3428 = arith.select %gt3A_3409, %select_n3A_3427, %select_n3A_3380 : vector<16xi1>, vector<16xi32>
      %select_n3A_3429 = arith.select %gt3A_3407, %select_n3A_3386, %get3A_3399 : vector<16xi1>, vector<16xf32>
      %select_n3A_3430 = arith.select %gt3A_3408, %select_n3A_3429, %select_n3A_3382 : vector<16xi1>, vector<16xf32>
      %select_n3A_3431 = arith.select %gt3A_3407, %select_n3A_3388, %broadcast_in_dim3A_3404 : vector<16xi1>, vector<16xi32>
      %select_n3A_3432 = arith.select %gt3A_3408, %select_n3A_3431, %select_n3A_3384 : vector<16xi1>, vector<16xi32>
      %select_n3A_3433 = arith.select %gt3A_3406, %select_n3A_3390, %get3A_3399 : vector<16xi1>, vector<16xf32>
      %select_n3A_3434 = arith.select %gt3A_3407, %select_n3A_3433, %select_n3A_3386 : vector<16xi1>, vector<16xf32>
      %select_n3A_3435 = arith.select %gt3A_3406, %select_n3A_3392, %broadcast_in_dim3A_3404 : vector<16xi1>, vector<16xi32>
      %select_n3A_3436 = arith.select %gt3A_3407, %select_n3A_3435, %select_n3A_3388 : vector<16xi1>, vector<16xi32>
      %select_n3A_3437 = arith.select %gt3A_3405, %select_n3A_3393, %get3A_3399 : vector<16xi1>, vector<16xf32>
      %select_n3A_3438 = arith.select %gt3A_3406, %select_n3A_3437, %select_n3A_3390 : vector<16xi1>, vector<16xf32>
      %select_n3A_3439 = arith.select %gt3A_3405, %select_n3A_3394, %broadcast_in_dim3A_3404 : vector<16xi1>, vector<16xi32>
      %select_n3A_3440 = arith.select %gt3A_3406, %select_n3A_3439, %select_n3A_3392 : vector<16xi1>, vector<16xi32>
      %select_n3A_3441 = arith.select %gt3A_3405, %get3A_3399, %select_n3A_3393 : vector<16xi1>, vector<16xf32>
      %select_n3A_3442 = arith.select %gt3A_3405, %broadcast_in_dim3A_3404, %select_n3A_3394 : vector<16xi1>, vector<16xi32>
      %get3A_3443 = arith.constant 63 : i32
      %get3A_3444 = arith.index_cast %get3A_3443 : i32 to index
      %get3A_3445 = arith.index_cast %multiple_of3A : i32 to index
      %get3A_3446 = tpu.vector_load %arg5[%get3A_3444, %get3A_3445] {strides = array<i32>} : memref<64x512xf32, #tpu.memory_space<vmem>>, vector<1x16xf32>,
      %get3A_3447 = vector.shape_cast %get3A_3446 : vector<1x16xf32> to vector<16xf32>
      %sub3A_3448 = arith.subf %get3A_3447, %max3A_389 : vector<16xf32>
      %exp3A_3449 = math.exp %sub3A_3448 : vector<16xf32>
      %add3A_3450 = arith.addf %add3A_3402, %exp3A_3449 : vector<16xf32>
      %broadcast_in_dim3A_3451 = arith.constant 63 : i32
      %broadcast_in_dim3A_3452 = vector.broadcast %broadcast_in_dim3A_3451 : i32 to vector<16xi32>
      %gt3A_3453 = arith.cmpf ogt, %get3A_3447, %select_n3A_3441 : vector<16xf32>
      %gt3A_3454 = arith.cmpf ogt, %get3A_3447, %select_n3A_3438 : vector<16xf32>
      %gt3A_3455 = arith.cmpf ogt, %get3A_3447, %select_n3A_3434 : vector<16xf32>
      %gt3A_3456 = arith.cmpf ogt, %get3A_3447, %select_n3A_3430 : vector<16xf32>
      %gt3A_3457 = arith.cmpf ogt, %get3A_3447, %select_n3A_3426 : vector<16xf32>
      %gt3A_3458 = arith.cmpf ogt, %get3A_3447, %select_n3A_3422 : vector<16xf32>
      %gt3A_3459 = arith.cmpf ogt, %get3A_3447, %select_n3A_3418 : vector<16xf32>
      %gt3A_3460 = arith.cmpf ogt, %get3A_3447, %select_n3A_3414 : vector<16xf32>
      %select_n3A_3461 = arith.select %gt3A_3459, %select_n3A_3418, %get3A_3447 : vector<16xi1>, vector<16xf32>
      %select_n3A_3462 = arith.select %gt3A_3460, %select_n3A_3461, %select_n3A_3414 : vector<16xi1>, vector<16xf32>
      %select_n3A_3463 = arith.select %gt3A_3459, %select_n3A_3420, %broadcast_in_dim3A_3452 : vector<16xi1>, vector<16xi32>
      %select_n3A_3464 = arith.select %gt3A_3460, %select_n3A_3463, %select_n3A_3416 : vector<16xi1>, vector<16xi32>
      %select_n3A_3465 = arith.select %gt3A_3458, %select_n3A_3422, %get3A_3447 : vector<16xi1>, vector<16xf32>
      %select_n3A_3466 = arith.select %gt3A_3459, %select_n3A_3465, %select_n3A_3418 : vector<16xi1>, vector<16xf32>
      %select_n3A_3467 = arith.select %gt3A_3458, %select_n3A_3424, %broadcast_in_dim3A_3452 : vector<16xi1>, vector<16xi32>
      %select_n3A_3468 = arith.select %gt3A_3459, %select_n3A_3467, %select_n3A_3420 : vector<16xi1>, vector<16xi32>
      %select_n3A_3469 = arith.select %gt3A_3457, %select_n3A_3426, %get3A_3447 : vector<16xi1>, vector<16xf32>
      %select_n3A_3470 = arith.select %gt3A_3458, %select_n3A_3469, %select_n3A_3422 : vector<16xi1>, vector<16xf32>
      %select_n3A_3471 = arith.select %gt3A_3457, %select_n3A_3428, %broadcast_in_dim3A_3452 : vector<16xi1>, vector<16xi32>
      %select_n3A_3472 = arith.select %gt3A_3458, %select_n3A_3471, %select_n3A_3424 : vector<16xi1>, vector<16xi32>
      %select_n3A_3473 = arith.select %gt3A_3456, %select_n3A_3430, %get3A_3447 : vector<16xi1>, vector<16xf32>
      %select_n3A_3474 = arith.select %gt3A_3457, %select_n3A_3473, %select_n3A_3426 : vector<16xi1>, vector<16xf32>
      %select_n3A_3475 = arith.select %gt3A_3456, %select_n3A_3432, %broadcast_in_dim3A_3452 : vector<16xi1>, vector<16xi32>
      %select_n3A_3476 = arith.select %gt3A_3457, %select_n3A_3475, %select_n3A_3428 : vector<16xi1>, vector<16xi32>
      %select_n3A_3477 = arith.select %gt3A_3455, %select_n3A_3434, %get3A_3447 : vector<16xi1>, vector<16xf32>
      %select_n3A_3478 = arith.select %gt3A_3456, %select_n3A_3477, %select_n3A_3430 : vector<16xi1>, vector<16xf32>
      %select_n3A_3479 = arith.select %gt3A_3455, %select_n3A_3436, %broadcast_in_dim3A_3452 : vector<16xi1>, vector<16xi32>
      %select_n3A_3480 = arith.select %gt3A_3456, %select_n3A_3479, %select_n3A_3432 : vector<16xi1>, vector<16xi32>
      %select_n3A_3481 = arith.select %gt3A_3454, %select_n3A_3438, %get3A_3447 : vector<16xi1>, vector<16xf32>
      %select_n3A_3482 = arith.select %gt3A_3455, %select_n3A_3481, %select_n3A_3434 : vector<16xi1>, vector<16xf32>
      %select_n3A_3483 = arith.select %gt3A_3454, %select_n3A_3440, %broadcast_in_dim3A_3452 : vector<16xi1>, vector<16xi32>
      %select_n3A_3484 = arith.select %gt3A_3455, %select_n3A_3483, %select_n3A_3436 : vector<16xi1>, vector<16xi32>
      %select_n3A_3485 = arith.select %gt3A_3453, %select_n3A_3441, %get3A_3447 : vector<16xi1>, vector<16xf32>
      %select_n3A_3486 = arith.select %gt3A_3454, %select_n3A_3485, %select_n3A_3438 : vector<16xi1>, vector<16xf32>
      %select_n3A_3487 = arith.select %gt3A_3453, %select_n3A_3442, %broadcast_in_dim3A_3452 : vector<16xi1>, vector<16xi32>
      %select_n3A_3488 = arith.select %gt3A_3454, %select_n3A_3487, %select_n3A_3440 : vector<16xi1>, vector<16xi32>
      %select_n3A_3489 = arith.select %gt3A_3453, %get3A_3447, %select_n3A_3441 : vector<16xi1>, vector<16xf32>
      %select_n3A_3490 = arith.select %gt3A_3453, %broadcast_in_dim3A_3452, %select_n3A_3442 : vector<16xi1>, vector<16xi32>
      %swap3A = arith.constant 0 : i32
      %swap3A_3491 = arith.index_cast %swap3A : i32 to index
      %swap3A_3492 = arith.index_cast %multiple_of3A : i32 to index
      %swap3A_3493 = tpu.vector_load %arg6[%swap3A_3491, %swap3A_3492] {strides = array<i32>} : memref<8x512xi32, #tpu.memory_space<vmem>>, vector<1x16xi32>,
      %swap3A_3494 = vector.shape_cast %swap3A_3493 : vector<1x16xi32> to vector<16xi32>
      %swap3A_3495 = vector.shape_cast %select_n3A_3490 : vector<16xi32> to vector<1x16xi32>
      tpu.vector_store %arg6[%swap3A_3491, %swap3A_3492], %swap3A_3495 {strides = array<i32>} : memref<8x512xi32, #tpu.memory_space<vmem>>, vector<1x16xi32>,
      %sub3A_3496 = arith.subf %select_n3A_3489, %max3A_389 : vector<16xf32>
      %exp3A_3497 = math.exp %sub3A_3496 : vector<16xf32>
      %div3A = arith.divf %exp3A_3497, %add3A_3450 : vector<16xf32>
      %swap3A_3498 = arith.constant 0 : i32
      %swap3A_3499 = arith.index_cast %swap3A_3498 : i32 to index
      %swap3A_3500 = arith.index_cast %multiple_of3A : i32 to index
      %swap3A_3501 = tpu.vector_load %arg7[%swap3A_3499, %swap3A_3500] {strides = array<i32>} : memref<8x512xf32, #tpu.memory_space<vmem>>, vector<1x16xf32>,
      %swap3A_3502 = vector.shape_cast %swap3A_3501 : vector<1x16xf32> to vector<16xf32>
      %swap3A_3503 = vector.shape_cast %div3A : vector<16xf32> to vector<1x16xf32>
      tpu.vector_store %arg7[%swap3A_3499, %swap3A_3500], %swap3A_3503 {strides = array<i32>} : memref<8x512xf32, #tpu.memory_space<vmem>>, vector<1x16xf32>,
      %swap3A_3504 = arith.constant 1 : i32
      %swap3A_3505 = arith.index_cast %swap3A_3504 : i32 to index
      %swap3A_3506 = arith.index_cast %multiple_of3A : i32 to index
      %swap3A_3507 = tpu.vector_load %arg6[%swap3A_3505, %swap3A_3506] {strides = array<i32>} : memref<8x512xi32, #tpu.memory_space<vmem>>, vector<1x16xi32>,
      %swap3A_3508 = vector.shape_cast %swap3A_3507 : vector<1x16xi32> to vector<16xi32>
      %swap3A_3509 = vector.shape_cast %select_n3A_3488 : vector<16xi32> to vector<1x16xi32>
      tpu.vector_store %arg6[%swap3A_3505, %swap3A_3506], %swap3A_3509 {strides = array<i32>} : memref<8x512xi32, #tpu.memory_space<vmem>>, vector<1x16xi32>,
      %sub3A_3510 = arith.subf %select_n3A_3486, %max3A_389 : vector<16xf32>
      %exp3A_3511 = math.exp %sub3A_3510 : vector<16xf32>
      %div3A_3512 = arith.divf %exp3A_3511, %add3A_3450 : vector<16xf32>
      %swap3A_3513 = arith.constant 1 : i32
      %swap3A_3514 = arith.index_cast %swap3A_3513 : i32 to index
      %swap3A_3515 = arith.index_cast %multiple_of3A : i32 to index
      %swap3A_3516 = tpu.vector_load %arg7[%swap3A_3514, %swap3A_3515] {strides = array<i32>} : memref<8x512xf32, #tpu.memory_space<vmem>>, vector<1x16xf32>,
      %swap3A_3517 = vector.shape_cast %swap3A_3516 : vector<1x16xf32> to vector<16xf32>
      %swap3A_3518 = vector.shape_cast %div3A_3512 : vector<16xf32> to vector<1x16xf32>
      tpu.vector_store %arg7[%swap3A_3514, %swap3A_3515], %swap3A_3518 {strides = array<i32>} : memref<8x512xf32, #tpu.memory_space<vmem>>, vector<1x16xf32>,
      %swap3A_3519 = arith.constant 2 : i32
      %swap3A_3520 = arith.index_cast %swap3A_3519 : i32 to index
      %swap3A_3521 = arith.index_cast %multiple_of3A : i32 to index
      %swap3A_3522 = tpu.vector_load %arg6[%swap3A_3520, %swap3A_3521] {strides = array<i32>} : memref<8x512xi32, #tpu.memory_space<vmem>>, vector<1x16xi32>,
      %swap3A_3523 = vector.shape_cast %swap3A_3522 : vector<1x16xi32> to vector<16xi32>
      %swap3A_3524 = vector.shape_cast %select_n3A_3484 : vector<16xi32> to vector<1x16xi32>
      tpu.vector_store %arg6[%swap3A_3520, %swap3A_3521], %swap3A_3524 {strides = array<i32>} : memref<8x512xi32, #tpu.memory_space<vmem>>, vector<1x16xi32>,
      %sub3A_3525 = arith.subf %select_n3A_3482, %max3A_389 : vector<16xf32>
      %exp3A_3526 = math.exp %sub3A_3525 : vector<16xf32>
      %div3A_3527 = arith.divf %exp3A_3526, %add3A_3450 : vector<16xf32>
      %swap3A_3528 = arith.constant 2 : i32
      %swap3A_3529 = arith.index_cast %swap3A_3528 : i32 to index
      %swap3A_3530 = arith.index_cast %multiple_of3A : i32 to index
      %swap3A_3531 = tpu.vector_load %arg7[%swap3A_3529, %swap3A_3530] {strides = array<i32>} : memref<8x512xf32, #tpu.memory_space<vmem>>, vector<1x16xf32>,
      %swap3A_3532 = vector.shape_cast %swap3A_3531 : vector<1x16xf32> to vector<16xf32>
      %swap3A_3533 = vector.shape_cast %div3A_3527 : vector<16xf32> to vector<1x16xf32>
      tpu.vector_store %arg7[%swap3A_3529, %swap3A_3530], %swap3A_3533 {strides = array<i32>} : memref<8x512xf32, #tpu.memory_space<vmem>>, vector<1x16xf32>,
      %swap3A_3534 = arith.constant 3 : i32
      %swap3A_3535 = arith.index_cast %swap3A_3534 : i32 to index
      %swap3A_3536 = arith.index_cast %multiple_of3A : i32 to index
      %swap3A_3537 = tpu.vector_load %arg6[%swap3A_3535, %swap3A_3536] {strides = array<i32>} : memref<8x512xi32, #tpu.memory_space<vmem>>, vector<1x16xi32>,
      %swap3A_3538 = vector.shape_cast %swap3A_3537 : vector<1x16xi32> to vector<16xi32>
      %swap3A_3539 = vector.shape_cast %select_n3A_3480 : vector<16xi32> to vector<1x16xi32>
      tpu.vector_store %arg6[%swap3A_3535, %swap3A_3536], %swap3A_3539 {strides = array<i32>} : memref<8x512xi32, #tpu.memory_space<vmem>>, vector<1x16xi32>,
      %sub3A_3540 = arith.subf %select_n3A_3478, %max3A_389 : vector<16xf32>
      %exp3A_3541 = math.exp %sub3A_3540 : vector<16xf32>
      %div3A_3542 = arith.divf %exp3A_3541, %add3A_3450 : vector<16xf32>
      %swap3A_3543 = arith.constant 3 : i32
      %swap3A_3544 = arith.index_cast %swap3A_3543 : i32 to index
      %swap3A_3545 = arith.index_cast %multiple_of3A : i32 to index
      %swap3A_3546 = tpu.vector_load %arg7[%swap3A_3544, %swap3A_3545] {strides = array<i32>} : memref<8x512xf32, #tpu.memory_space<vmem>>, vector<1x16xf32>,
      %swap3A_3547 = vector.shape_cast %swap3A_3546 : vector<1x16xf32> to vector<16xf32>
      %swap3A_3548 = vector.shape_cast %div3A_3542 : vector<16xf32> to vector<1x16xf32>
      tpu.vector_store %arg7[%swap3A_3544, %swap3A_3545], %swap3A_3548 {strides = array<i32>} : memref<8x512xf32, #tpu.memory_space<vmem>>, vector<1x16xf32>,
      %swap3A_3549 = arith.constant 4 : i32
      %swap3A_3550 = arith.index_cast %swap3A_3549 : i32 to index
      %swap3A_3551 = arith.index_cast %multiple_of3A : i32 to index
      %swap3A_3552 = tpu.vector_load %arg6[%swap3A_3550, %swap3A_3551] {strides = array<i32>} : memref<8x512xi32, #tpu.memory_space<vmem>>, vector<1x16xi32>,
      %swap3A_3553 = vector.shape_cast %swap3A_3552 : vector<1x16xi32> to vector<16xi32>
      %swap3A_3554 = vector.shape_cast %select_n3A_3476 : vector<16xi32> to vector<1x16xi32>
      tpu.vector_store %arg6[%swap3A_3550, %swap3A_3551], %swap3A_3554 {strides = array<i32>} : memref<8x512xi32, #tpu.memory_space<vmem>>, vector<1x16xi32>,
      %sub3A_3555 = arith.subf %select_n3A_3474, %max3A_389 : vector<16xf32>
      %exp3A_3556 = math.exp %sub3A_3555 : vector<16xf32>
      %div3A_3557 = arith.divf %exp3A_3556, %add3A_3450 : vector<16xf32>
      %swap3A_3558 = arith.constant 4 : i32
      %swap3A_3559 = arith.index_cast %swap3A_3558 : i32 to index
      %swap3A_3560 = arith.index_cast %multiple_of3A : i32 to index
      %swap3A_3561 = tpu.vector_load %arg7[%swap3A_3559, %swap3A_3560] {strides = array<i32>} : memref<8x512xf32, #tpu.memory_space<vmem>>, vector<1x16xf32>,
      %swap3A_3562 = vector.shape_cast %swap3A_3561 : vector<1x16xf32> to vector<16xf32>
      %swap3A_3563 = vector.shape_cast %div3A_3557 : vector<16xf32> to vector<1x16xf32>
      tpu.vector_store %arg7[%swap3A_3559, %swap3A_3560], %swap3A_3563 {strides = array<i32>} : memref<8x512xf32, #tpu.memory_space<vmem>>, vector<1x16xf32>,
      %swap3A_3564 = arith.constant 5 : i32
      %swap3A_3565 = arith.index_cast %swap3A_3564 : i32 to index
      %swap3A_3566 = arith.index_cast %multiple_of3A : i32 to index
      %swap3A_3567 = tpu.vector_load %arg6[%swap3A_3565, %swap3A_3566] {strides = array<i32>} : memref<8x512xi32, #tpu.memory_space<vmem>>, vector<1x16xi32>,
      %swap3A_3568 = vector.shape_cast %swap3A_3567 : vector<1x16xi32> to vector<16xi32>
      %swap3A_3569 = vector.shape_cast %select_n3A_3472 : vector<16xi32> to vector<1x16xi32>
      tpu.vector_store %arg6[%swap3A_3565, %swap3A_3566], %swap3A_3569 {strides = array<i32>} : memref<8x512xi32, #tpu.memory_space<vmem>>, vector<1x16xi32>,
      %sub3A_3570 = arith.subf %select_n3A_3470, %max3A_389 : vector<16xf32>
      %exp3A_3571 = math.exp %sub3A_3570 : vector<16xf32>
      %div3A_3572 = arith.divf %exp3A_3571, %add3A_3450 : vector<16xf32>
      %swap3A_3573 = arith.constant 5 : i32
      %swap3A_3574 = arith.index_cast %swap3A_3573 : i32 to index
      %swap3A_3575 = arith.index_cast %multiple_of3A : i32 to index
      %swap3A_3576 = tpu.vector_load %arg7[%swap3A_3574, %swap3A_3575] {strides = array<i32>} : memref<8x512xf32, #tpu.memory_space<vmem>>, vector<1x16xf32>,
      %swap3A_3577 = vector.shape_cast %swap3A_3576 : vector<1x16xf32> to vector<16xf32>
      %swap3A_3578 = vector.shape_cast %div3A_3572 : vector<16xf32> to vector<1x16xf32>
      tpu.vector_store %arg7[%swap3A_3574, %swap3A_3575], %swap3A_3578 {strides = array<i32>} : memref<8x512xf32, #tpu.memory_space<vmem>>, vector<1x16xf32>,
      %swap3A_3579 = arith.constant 6 : i32
      %swap3A_3580 = arith.index_cast %swap3A_3579 : i32 to index
      %swap3A_3581 = arith.index_cast %multiple_of3A : i32 to index
      %swap3A_3582 = tpu.vector_load %arg6[%swap3A_3580, %swap3A_3581] {strides = array<i32>} : memref<8x512xi32, #tpu.memory_space<vmem>>, vector<1x16xi32>,
      %swap3A_3583 = vector.shape_cast %swap3A_3582 : vector<1x16xi32> to vector<16xi32>
      %swap3A_3584 = vector.shape_cast %select_n3A_3468 : vector<16xi32> to vector<1x16xi32>
      tpu.vector_store %arg6[%swap3A_3580, %swap3A_3581], %swap3A_3584 {strides = array<i32>} : memref<8x512xi32, #tpu.memory_space<vmem>>, vector<1x16xi32>,
      %sub3A_3585 = arith.subf %select_n3A_3466, %max3A_389 : vector<16xf32>
      %exp3A_3586 = math.exp %sub3A_3585 : vector<16xf32>
      %div3A_3587 = arith.divf %exp3A_3586, %add3A_3450 : vector<16xf32>
      %swap3A_3588 = arith.constant 6 : i32
      %swap3A_3589 = arith.index_cast %swap3A_3588 : i32 to index
      %swap3A_3590 = arith.index_cast %multiple_of3A : i32 to index
      %swap3A_3591 = tpu.vector_load %arg7[%swap3A_3589, %swap3A_3590] {strides = array<i32>} : memref<8x512xf32, #tpu.memory_space<vmem>>, vector<1x16xf32>,
      %swap3A_3592 = vector.shape_cast %swap3A_3591 : vector<1x16xf32> to vector<16xf32>
      %swap3A_3593 = vector.shape_cast %div3A_3587 : vector<16xf32> to vector<1x16xf32>
      tpu.vector_store %arg7[%swap3A_3589, %swap3A_3590], %swap3A_3593 {strides = array<i32>} : memref<8x512xf32, #tpu.memory_space<vmem>>, vector<1x16xf32>,
      %swap3A_3594 = arith.constant 7 : i32
      %swap3A_3595 = arith.index_cast %swap3A_3594 : i32 to index
      %swap3A_3596 = arith.index_cast %multiple_of3A : i32 to index
      %swap3A_3597 = tpu.vector_load %arg6[%swap3A_3595, %swap3A_3596] {strides = array<i32>} : memref<8x512xi32, #tpu.memory_space<vmem>>, vector<1x16xi32>,
      %swap3A_3598 = vector.shape_cast %swap3A_3597 : vector<1x16xi32> to vector<16xi32>
      %swap3A_3599 = vector.shape_cast %select_n3A_3464 : vector<16xi32> to vector<1x16xi32>
      tpu.vector_store %arg6[%swap3A_3595, %swap3A_3596], %swap3A_3599 {strides = array<i32>} : memref<8x512xi32, #tpu.memory_space<vmem>>, vector<1x16xi32>,
      %sub3A_3600 = arith.subf %select_n3A_3462, %max3A_389 : vector<16xf32>
      %exp3A_3601 = math.exp %sub3A_3600 : vector<16xf32>
      %div3A_3602 = arith.divf %exp3A_3601, %add3A_3450 : vector<16xf32>
      %swap3A_3603 = arith.constant 7 : i32
      %swap3A_3604 = arith.index_cast %swap3A_3603 : i32 to index
      %swap3A_3605 = arith.index_cast %multiple_of3A : i32 to index
      %swap3A_3606 = tpu.vector_load %arg7[%swap3A_3604, %swap3A_3605] {strides = array<i32>} : memref<8x512xf32, #tpu.memory_space<vmem>>, vector<1x16xf32>,
      %swap3A_3607 = vector.shape_cast %swap3A_3606 : vector<1x16xf32> to vector<16xf32>
      %swap3A_3608 = vector.shape_cast %div3A_3602 : vector<16xf32> to vector<1x16xf32>
      tpu.vector_store %arg7[%swap3A_3604, %swap3A_3605], %swap3A_3608 {strides = array<i32>} : memref<8x512xf32, #tpu.memory_space<vmem>>, vector<1x16xf32>,
    }
    %scan3A_5 = arith.constant 32 : i32
    "tpu.region"() ({
      %run_scoped3A = tpu.sem_alloc : memref<!tpu.dma_semaphore, #tpu.memory_space<semaphore_mem>>
      %dma_start3A = arith.constant 0 : i32
      %dma_start3A_6 = arith.constant 0 : i32
      %dma_start3A_7 = tpu.memref_slice %arg3[%add3A, %dma_start3A, %dma_start3A_6] : memref<32x8x512xi32, #tpu.memory_space<hbm>> -> memref<1x8x512xi32, #tpu.memory_space<hbm>>
      %dma_start3A_8 = tpu.memref_squeeze %dma_start3A_7 : memref<1x8x512xi32, #tpu.memory_space<hbm>> -> memref<8x512xi32, #tpu.memory_space<hbm>>
      %dma_start3A_9 = arith.constant 0 : i32
      %dma_start3A_10 = arith.constant 0 : i32
      %dma_start3A_11 = tpu.memref_slice %arg3[%add3A, %dma_start3A_9, %dma_start3A_10] : memref<32x8x512xi32, #tpu.memory_space<hbm>> -> memref<1x8x512xi32, #tpu.memory_space<hbm>>
      %dma_start3A_12 = tpu.memref_squeeze %dma_start3A_11 : memref<1x8x512xi32, #tpu.memory_space<hbm>> -> memref<8x512xi32, #tpu.memory_space<hbm>>
      tpu.enqueue_dma source(%arg6 : memref<8x512xi32, #tpu.memory_space<vmem>>) target(%dma_start3A_12 : memref<8x512xi32, #tpu.memory_space<hbm>>) target_semaphore(%run_scoped3A : memref<!tpu.dma_semaphore, #tpu.memory_space<semaphore_mem>>)
      %dma_wait3A = arith.constant 0 : i32
      %dma_wait3A_13 = arith.constant 0 : i32
      %dma_wait3A_14 = tpu.memref_slice %arg3[%add3A, %dma_wait3A, %dma_wait3A_13] : memref<32x8x512xi32, #tpu.memory_space<hbm>> -> memref<1x8x512xi32, #tpu.memory_space<hbm>>
      %dma_wait3A_15 = tpu.memref_squeeze %dma_wait3A_14 : memref<1x8x512xi32, #tpu.memory_space<hbm>> -> memref<8x512xi32, #tpu.memory_space<hbm>>
      %dma_wait3A_16 = arith.constant 0 : i32
      %dma_wait3A_17 = arith.constant 0 : i32
      %dma_wait3A_18 = tpu.memref_slice %arg3[%add3A, %dma_wait3A_16, %dma_wait3A_17] : memref<32x8x512xi32, #tpu.memory_space<hbm>> -> memref<1x8x512xi32, #tpu.memory_space<hbm>>
      %dma_wait3A_19 = tpu.memref_squeeze %dma_wait3A_18 : memref<1x8x512xi32, #tpu.memory_space<hbm>> -> memref<8x512xi32, #tpu.memory_space<hbm>>
      tpu.wait_dma2 semaphore(%run_scoped3A : memref<!tpu.dma_semaphore, #tpu.memory_space<semaphore_mem>>) src(%arg6 : memref<8x512xi32, #tpu.memory_space<vmem>>) dst(%dma_wait3A_19 : memref<8x512xi32, #tpu.memory_space<hbm>>)
      tpu.yield
    }) : () -> ()
    "tpu.region"() ({
      %run_scoped3A = tpu.sem_alloc : memref<!tpu.dma_semaphore, #tpu.memory_space<semaphore_mem>>
      %dma_start3A = arith.constant 0 : i32
      %dma_start3A_6 = arith.constant 0 : i32
      %dma_start3A_7 = tpu.memref_slice %arg4[%add3A, %dma_start3A, %dma_start3A_6] : memref<32x8x512xf32, #tpu.memory_space<hbm>> -> memref<1x8x512xf32, #tpu.memory_space<hbm>>
      %dma_start3A_8 = tpu.memref_squeeze %dma_start3A_7 : memref<1x8x512xf32, #tpu.memory_space<hbm>> -> memref<8x512xf32, #tpu.memory_space<hbm>>
      %dma_start3A_9 = arith.constant 0 : i32
      %dma_start3A_10 = arith.constant 0 : i32
      %dma_start3A_11 = tpu.memref_slice %arg4[%add3A, %dma_start3A_9, %dma_start3A_10] : memref<32x8x512xf32, #tpu.memory_space<hbm>> -> memref<1x8x512xf32, #tpu.memory_space<hbm>>
      %dma_start3A_12 = tpu.memref_squeeze %dma_start3A_11 : memref<1x8x512xf32, #tpu.memory_space<hbm>> -> memref<8x512xf32, #tpu.memory_space<hbm>>
      tpu.enqueue_dma source(%arg7 : memref<8x512xf32, #tpu.memory_space<vmem>>) target(%dma_start3A_12 : memref<8x512xf32, #tpu.memory_space<hbm>>) target_semaphore(%run_scoped3A : memref<!tpu.dma_semaphore, #tpu.memory_space<semaphore_mem>>)
      %dma_wait3A = arith.constant 0 : i32
      %dma_wait3A_13 = arith.constant 0 : i32
      %dma_wait3A_14 = tpu.memref_slice %arg4[%add3A, %dma_wait3A, %dma_wait3A_13] : memref<32x8x512xf32, #tpu.memory_space<hbm>> -> memref<1x8x512xf32, #tpu.memory_space<hbm>>
      %dma_wait3A_15 = tpu.memref_squeeze %dma_wait3A_14 : memref<1x8x512xf32, #tpu.memory_space<hbm>> -> memref<8x512xf32, #tpu.memory_space<hbm>>
      %dma_wait3A_16 = arith.constant 0 : i32
      %dma_wait3A_17 = arith.constant 0 : i32
      %dma_wait3A_18 = tpu.memref_slice %arg4[%add3A, %dma_wait3A_16, %dma_wait3A_17] : memref<32x8x512xf32, #tpu.memory_space<hbm>> -> memref<1x8x512xf32, #tpu.memory_space<hbm>>
      %dma_wait3A_19 = tpu.memref_squeeze %dma_wait3A_18 : memref<1x8x512xf32, #tpu.memory_space<hbm>> -> memref<8x512xf32, #tpu.memory_space<hbm>>
      tpu.wait_dma2 semaphore(%run_scoped3A : memref<!tpu.dma_semaphore, #tpu.memory_space<semaphore_mem>>) src(%arg7 : memref<8x512xf32, #tpu.memory_space<vmem>>) dst(%dma_wait3A_19 : memref<8x512xf32, #tpu.memory_space<hbm>>)
      tpu.yield
    }) : () -> ()
    return
  }
}

module attributes {stable_mosaic.version = 14 : i64} {
  func.func @_logits_block(%arg0: i32, %arg1: memref<2048x2048xf32, #tpu.memory_space<vmem>>, %arg2: memref<64x2048xf32, #tpu.memory_space<vmem>>, %arg3: memref<4x64x512xf32, #tpu.memory_space<vmem>>) attributes {dimension_semantics = [#tpu.dimension_semantics<arbitrary>], iteration_bounds = array<i64: 8>, scalar_prefetch = 0 : i64, scratch_operands = 0 : i64, tpu.core_type = #tpu.core_type<tc>, window_params = [{transform_indices = @transform_0, window_bounds = array<i64: 2048, 2048>}, {pipeline_mode = #tpu.pipeline_mode<synchronous>, transform_indices = @transform_1, window_bounds = array<i64: 64, 2048>}, {transform_indices = @transform_2, window_bounds = array<i64: 4, 64, 512>}]} {
    %get3A = arith.constant 0 : index
    %get3A_0 = arith.constant 0 : index
    %get3A_1 = vector.load %arg1[%get3A, %get3A_0] : memref<2048x2048xf32, #tpu.memory_space<vmem>>, vector<2048x2048xf32>
    %get3A_2 = arith.constant 0 : index
    %get3A_3 = arith.constant 0 : index
    %get3A_4 = vector.load %arg2[%get3A_2, %get3A_3] : memref<64x2048xf32, #tpu.memory_space<vmem>>, vector<64x2048xf32>
    %dot_general3A = arith.constant dense<0.000000e+00> : vector<64x2048xf32>
    %dot_general3A_5 = tpu.matmul %get3A_4, %get3A_1, %dot_general3A {dimension_numbers = #tpu.dot_dimension_numbers<[1], [1], [0], [0], [0, 0, 1, 0], [], []>, transpose_lhs_hint = false} : vector<64x2048xf32>, vector<2048x2048xf32>, vector<64x2048xf32> -> vector<64x2048xf32>
    %slice3A = vector.extract_strided_slice %dot_general3A_5 {offsets = [0, 0], sizes = [64, 512], strides = [1, 1]} : vector<64x2048xf32> to vector<64x512xf32>
    %swap3A = arith.constant 0 : index
    %swap3A_6 = arith.constant 0 : index
    %swap3A_7 = arith.constant 0 : index
    %swap3A_8 = vector.load %arg3[%swap3A, %swap3A_6, %swap3A_7] : memref<4x64x512xf32, #tpu.memory_space<vmem>>, vector<1x64x512xf32>
    %swap3A_9 = vector.shape_cast %swap3A_8 : vector<1x64x512xf32> to vector<64x512xf32>
    %swap3A_10 = vector.shape_cast %slice3A : vector<64x512xf32> to vector<1x64x512xf32>
    tpu.vector_store %arg3[%swap3A, %swap3A_6, %swap3A_7], %swap3A_10 {strides = array<i32>} : memref<4x64x512xf32, #tpu.memory_space<vmem>>, vector<1x64x512xf32>,
    %slice3A_11 = vector.extract_strided_slice %dot_general3A_5 {offsets = [0, 512], sizes = [64, 512], strides = [1, 1]} : vector<64x2048xf32> to vector<64x512xf32>
    %swap3A_12 = arith.constant 1 : index
    %swap3A_13 = arith.constant 0 : index
    %swap3A_14 = arith.constant 0 : index
    %swap3A_15 = vector.load %arg3[%swap3A_12, %swap3A_13, %swap3A_14] : memref<4x64x512xf32, #tpu.memory_space<vmem>>, vector<1x64x512xf32>
    %swap3A_16 = vector.shape_cast %swap3A_15 : vector<1x64x512xf32> to vector<64x512xf32>
    %swap3A_17 = vector.shape_cast %slice3A_11 : vector<64x512xf32> to vector<1x64x512xf32>
    tpu.vector_store %arg3[%swap3A_12, %swap3A_13, %swap3A_14], %swap3A_17 {strides = array<i32>} : memref<4x64x512xf32, #tpu.memory_space<vmem>>, vector<1x64x512xf32>,
    %slice3A_18 = vector.extract_strided_slice %dot_general3A_5 {offsets = [0, 1024], sizes = [64, 512], strides = [1, 1]} : vector<64x2048xf32> to vector<64x512xf32>
    %swap3A_19 = arith.constant 2 : index
    %swap3A_20 = arith.constant 0 : index
    %swap3A_21 = arith.constant 0 : index
    %swap3A_22 = vector.load %arg3[%swap3A_19, %swap3A_20, %swap3A_21] : memref<4x64x512xf32, #tpu.memory_space<vmem>>, vector<1x64x512xf32>
    %swap3A_23 = vector.shape_cast %swap3A_22 : vector<1x64x512xf32> to vector<64x512xf32>
    %swap3A_24 = vector.shape_cast %slice3A_18 : vector<64x512xf32> to vector<1x64x512xf32>
    tpu.vector_store %arg3[%swap3A_19, %swap3A_20, %swap3A_21], %swap3A_24 {strides = array<i32>} : memref<4x64x512xf32, #tpu.memory_space<vmem>>, vector<1x64x512xf32>,
    %slice3A_25 = vector.extract_strided_slice %dot_general3A_5 {offsets = [0, 1536], sizes = [64, 512], strides = [1, 1]} : vector<64x2048xf32> to vector<64x512xf32>
    %swap3A_26 = arith.constant 3 : index
    %swap3A_27 = arith.constant 0 : index
    %swap3A_28 = arith.constant 0 : index
    %swap3A_29 = vector.load %arg3[%swap3A_26, %swap3A_27, %swap3A_28] : memref<4x64x512xf32, #tpu.memory_space<vmem>>, vector<1x64x512xf32>
    %swap3A_30 = vector.shape_cast %swap3A_29 : vector<1x64x512xf32> to vector<64x512xf32>
    %swap3A_31 = vector.shape_cast %slice3A_25 : vector<64x512xf32> to vector<1x64x512xf32>
    tpu.vector_store %arg3[%swap3A_26, %swap3A_27, %swap3A_28], %swap3A_31 {strides = array<i32>} : memref<4x64x512xf32, #tpu.memory_space<vmem>>, vector<1x64x512xf32>,
    return
  }
  func.func @transform_0(%arg0: i32) -> (i32, i32) {
    %c0_i32 = arith.constant 0 : i32
    %c0_i32_0 = arith.constant 0 : i32
    return %arg0, %c0_i32 : i32, i32
  }
  func.func @transform_1(%arg0: i32) -> (i32, i32) {
    %c0_i32 = arith.constant 0 : i32
    %c0_i32_0 = arith.constant 0 : i32
    %c0_i32_1 = arith.constant 0 : i32
    return %c0_i32, %c0_i32_0 : i32, i32
  }
  func.func @transform_2(%arg0: i32) -> (i32, i32, i32) {
    %c0_i32 = arith.constant 0 : i32
    %c0_i32_0 = arith.constant 0 : i32
    %c0_i32_1 = arith.constant 0 : i32
    return %arg0, %c0_i32, %c0_i32_0 : i32, i32, i32
  }
}

</mosaic_0001>

<sc_bundles>
// kernel: kernel.4.cloned.1.call-start
scs
__scs_entry_jumppad:
0x0: {  	(pc) =	sbr.rel $0x88, $3  }
0x1: {  	(tag) =	ssettag $0x0;
	lr =	simm.s32 $0x1  }
0x2: {  	[smem:$0x3F9F] =	sst lr;
	_ =	strace $0xD0000000  }
0x3: {  	_ = 	snop  }
0x4: {  	_ = 	snop  }
0x5: {  	_ = 	snop  }
0x6: {  	_ = 	snop  }
0x7: {  	_ = 	snop  }
__scs_overlays_trampoline_lowered:
0x8: {  	[smem:$0x3FAE] =	sst s0  }
0x9: {  	[smem:$0x3FAF] =	sst s1  }
0xa: {  	[smem:$0x3FB0] =	sst s2  }
0xb: {  	[smem:$0x3FB1] =	sst s3  }
0xc: {  	[smem:$0x3FB2] =	sst s4  }
0xd: {  	[smem:$0x3FB3] =	sst s5  }
0xe: {  	[smem:$0x3FB4] =	sst s6  }
0xf: {  	[smem:$0x3FB5] =	sst s7  }
0x10: {  	[smem:$0x3FB6] =	sst s8  }
0x11: {  	[smem:$0x3FB7] =	sst s9;
	s0 =	simm.s32 @!p0 $0x0  }
0x12: {  	s1 =	sld [smem:$0x3F9D];
	s0 =	simm.s32 @p0 $0x1  }
0x13: {  	[smem:$0x3FB8] =	sst s0;
	s0 =	simm.s32 @!p1 $0x0  }
0x14: {  	s2 =	sld [smem:$0x3F9C];
	s0 =	simm.s32 @p1 $0x1  }
0x15: {  	[smem:$0x3FB9] =	sst s0;
	s0 =	simm.s32 @!p2 $0x0  }
0x16: {  	s3 =	sld [smem:$0x3FDB];
	s0 =	simm.s32 @p2 $0x1  }
0x17: {  	s4 =	simm.s32 $0x1BF5;
	[smem:$0x3FBB] =	sst s0  }
0x18: {  	s0 =	sld [smem:$0x3F9E];
	_ =	swait.ge [sflag:s4], $0x0  }
0x19: {  	s7 =	sld [smem:$0x3F9F]  }
0x1a: {  	s8 =	sadd.s32 $0xFFFFE003, lr  }
0x1b: {  	s9 =	sadd.s32 $0xFFFFFEF7, lr;
	s5 =	simm.s32 $0xFFFFFFFF;
	p2 =	slt.u32 s8, $0xFFFFF086  }
0x1c: {  	p1 =	slt.u32 s9, $0xF7A;
	s5 =	simm.s32 @!p2 $0x0  }
0x1d: {  	s5 =	simm.s32 @p1 $0x1;
	p0 =	seq.s32 s7, s2  }
0x1e: {  	s7 =	smul.u32 @!p0 $0xF7A, s2;
	p2 =	seq.s32 @!p0 s5, $0x0  }
0x1f: {  	s9 =	smul.u32 $0xF7A, s1;
	s8 =	simm.s32 @!p0 $0x1BF5;
	p2 =	por !p2, p0  }
0x20: {  	[sflag:s8] =	ssyncset.s32 @!p0 $0xFFFFF086;
	s6 =	sadd.s32 @!p0 s3, s7;
	s7 =	simm.s32 @!p0 $0x108  }
0x21: {  	s3 =	sadd.s32 s3, s9;
	s6 =	sadd.s32 @!p0 $0x88, s6;
	s7 =	simm.s32 @p2 $0x1082  }
0x22: {  	[simem:s7], [sflag:s8] =	dma.local @!p0 [hbm:s6], $0xF7A  }
0x23: {  	s9 =	sor.u32 $0xD0000000, s2;
	s6 =	simm.s32 $0x108;
	_ =	swait.ge @!p0 [sflag:s8], $0x0  }
0x24: {  	s3 =	sadd.s32 $0x88, s3;
	s6 =	simm.s32 @!p1 $0x1082;
	[sflag:s4] =	ssyncset.s32 $0xFFFFF086  }
0x25: {  	[simem:s6], [sflag:s4] =	dma.local [hbm:s3], $0xF7A  }
0x26: {  	[smem:$0x3F9F] =	sst s1;
	(tag) =	ssettag s2;
	_ =	strace s9  }
0x27: {  	s1 =	sld [smem:$0x3FAF]  }
0x28: {  	s2 =	sld [smem:$0x3FB0]  }
0x29: {  	s4 =	sld [smem:$0x3FB2]  }
0x2a: {  	p0 =	seq.s32 s5, $0x0;
	s5 =	sld [smem:$0x3FB3]  }
0x2b: {  	s6 =	sld [smem:$0x3FB4]  }
0x2c: {  	s7 =	sld [smem:$0x3FB5]  }
0x2d: {  	s3 =	simm.s32 $0x108;
	s8 =	sld [smem:$0x3FB6]  }
0x2e: {  	s3 =	simm.s32 @!p0 $0x1082;
	s9 =	sld [smem:$0x3FB7]  }
0x2f: {  	lr =	sadd.s32 s0, s3;
	s0 =	sld [smem:$0x3FAE]  }
0x30: {  	s3 =	sld [smem:$0x3FB1]  }
0x31: {  	[smem:$0x3FBA] =	sst s10  }
0x32: {  	s10 =	sld [smem:$0x3FB8];
	_ =	sdelay $0x3  }
0x33: {  	p0 =	seq.s32 s10, $0x1;
	s10 =	sld [smem:$0x3FBA];
	_ =	sdelay $0x3  }
0x34: {  	[smem:$0x3FBA] =	sst s10  }
0x35: {  	s10 =	sld [smem:$0x3FB9];
	_ =	sdelay $0x3  }
0x36: {  	p1 =	seq.s32 s10, $0x1;
	s10 =	sld [smem:$0x3FBA];
	_ =	sdelay $0x3  }
0x37: {  	[smem:$0x3FBA] =	sst s10  }
0x38: {  	s10 =	sld [smem:$0x3FBB]  }
0x39: {  	_ = 	snop;
	(pc) =	sbr.ind lr, $3  }
0x3a: {  	_ = 	snop  }
0x3b: {  	_ = 	snop  }
0x3c: {  	p2 =	seq.s32 s10, $0x1;
	s10 =	sld [smem:$0x3FBA]  }
0x3d: {  	_ =	shalt  }
0x3e: {  	_ =	shalt  }
0x3f: {  	_ =	shalt  }
0x40: {  	_ =	shalt  }
0x41: {  	_ =	shalt  }
0x42: {  	_ =	shalt  }
0x43: {  	_ =	shalt  }
0x44: {  	_ =	shalt  }
0x45: {  	_ =	shalt  }
0x46: {  	_ =	shalt  }
0x47: {  	_ =	shalt  }
0x48: {  	_ =	shalt  }
0x49: {  	_ =	shalt  }
0x4a: {  	_ =	shalt  }
0x4b: {  	_ =	shalt  }
0x4c: {  	_ =	shalt  }
0x4d: {  	_ =	shalt  }
0x4e: {  	_ =	shalt  }
0x4f: {  	_ =	shalt  }
0x50: {  	_ =	shalt  }
0x51: {  	_ =	shalt  }
0x52: {  	_ =	shalt  }
0x53: {  	_ =	shalt  }
0x54: {  	_ =	shalt  }
0x55: {  	_ =	shalt  }
0x56: {  	_ =	shalt  }
0x57: {  	_ =	shalt  }
0x58: {  	_ =	shalt  }
0x59: {  	_ =	shalt  }
0x5a: {  	_ =	shalt  }
0x5b: {  	_ =	shalt  }
0x5c: {  	_ =	shalt  }
0x5d: {  	_ =	shalt  }
0x5e: {  	_ =	shalt  }
0x5f: {  	_ =	shalt  }
0x60: {  	_ =	shalt  }
0x61: {  	_ =	shalt  }
0x62: {  	_ =	shalt  }
0x63: {  	_ =	shalt  }
0x64: {  	_ =	shalt  }
0x65: {  	_ =	shalt  }
0x66: {  	_ =	shalt  }
0x67: {  	_ =	shalt  }
0x68: {  	_ =	shalt  }
0x69: {  	_ =	shalt  }
0x6a: {  	_ =	shalt  }
0x6b: {  	_ =	shalt  }
0x6c: {  	_ =	shalt  }
0x6d: {  	_ =	shalt  }
0x6e: {  	_ =	shalt  }
0x6f: {  	_ =	shalt  }
0x70: {  	_ =	shalt  }
0x71: {  	_ =	shalt  }
0x72: {  	_ =	shalt  }
0x73: {  	_ =	shalt  }
0x74: {  	_ =	shalt  }
0x75: {  	_ =	shalt  }
0x76: {  	_ =	shalt  }
0x77: {  	_ =	shalt  }
0x78: {  	_ =	shalt  }
0x79: {  	_ =	shalt  }
0x7a: {  	_ =	shalt  }
0x7b: {  	_ =	shalt  }
0x7c: {  	_ =	shalt  }
0x7d: {  	_ =	shalt  }
0x7e: {  	_ =	shalt  }
0x7f: {  	_ =	shalt  }
0x80: {  	_ =	shalt  }
0x81: {  	_ =	shalt  }
0x82: {  	_ =	shalt  }
0x83: {  	_ =	shalt  }
0x84: {  	_ =	shalt  }
0x85: {  	_ =	shalt  }
0x86: {  	_ =	shalt  }
0x87: {  	_ =	shalt  }
.Lfunc_end0:
.L_simem_size_0:
called_computation_lowered:
.L_overlay_start_0:
0x88: {  	s2 =	sld [smem:$0x3FD9]  }
0x89: {  	s3 =	sld [smem:$0x3FFE];
	_ =	sdelay $0x1  }
0x8a: {  	s1 =	srdreg.scid  }
0x8b: {  	s0 =	sand.u32 $0x1, s1  }
0x8c: {  	s14 =	sshll.u32 s0, $0xA;
	s2 =	sadd.s32 s3, s2  }
0x8d: {  	s2 =	sadd.s32 s2, s14  }
0x8e: {  	[smem:$0x3FC6] =	sst s2  }
0x8f: {  	_ = 	snop  }
0x90: {  	s2 =	sld [smem:$0x3FD0];
	_ =	sdelay $0x2  }
0x91: {  	s15 =	simm.s32 $0xA;
	s4 =	simm.s32 $0x10  }
0x92: {  	[smem:s4], [sflag:s15] =	dma.local [hbm:s2], $0x1  }
0x93: {  	_ =	swait.eq [sflag:s15], $0x1  }
0x94: {  	[sflag:s15] =	ssyncset.done $0x0  }
0x95: {  	s16 =	sld [smem:$0x10];
	[sflag:s15] =	ssyncadd.s32 $0xFFFFFFFF  }
0x96: {  	s17 =	sld [smem:$0x11];
	(tm) =	ssettm $0x1  }
0x97: {  	s18 =	sld [smem:$0x3FFB];
	_ =	sdelay $0x3  }
0x98: {  	_ =	strace s18  }
0x99: {  	s4 =	sld [smem:$0x3FFC];
	_ =	sdelay $0x3  }
0x9a: {  	_ =	strace s4  }
0x9b: {  	s4 =	sld [smem:$0x3FFD];
	_ =	sdelay $0x3  }
0x9c: {  	_ =	strace s4  }
0x9d: {  	_ =	strace $0x8FFFFFFF  }
0x9e: {  	s19 =	sld [smem:$0x3FDB];
	_ =	sdelay $0x1  }
0x9f: {  	s5 =	simm.s32 $_scs_section_size  }
0xa0: {  	s6 =	simm.s32 $_size__tile_overlayer_lowered;
	s7 =	simm.s32 $_tile_overlayer_lowered  }
0xa1: {  	s22 =	simm.s32 $0x1BFF;
	s21 =	sshll.u32 s7, $0x1;
	s4 =	sadd.s32 s5, s19  }
0xa2: {  	s8 =	simm.s32 $0x0;
	s20 =	sshll.u32 s6, $0x1;
	s6 =	sadd.s32 s21, s4  }
0xa3: {  	[timem:s8], [sflag:s22] =	dma.local [hbm:s6], s20  }
0xa4: {  	_ =	swait.ge [sflag:s22], s20  }
0xa5: {  	s5 =	ssub.s32 $0x0, s20;
	[sflag:s22] =	ssyncset.done $0x0  }
0xa6: {  	[sflag:s22] =	ssyncadd.s32 s5;
	_ =	sdelay $0x1  }
0xa7: {  	s23 =	simm.s32 $0x1B8B  }
0xa8: {  	_ =	swait.ge [sflag:s23], $0x1  }
0xa9: {  	[sflag:s23] =	ssyncset.done $0x0  }
0xaa: {  	s25 =	simm.s32 $0x1B8E;
	s24 =	sld [smem:$0x3FFE];
	[sflag:s23] =	ssyncadd.s32 $0xFFFFFFFF  }
0xab: {  	s26 =	simm.s32 $execute0_lowered;
	[smem:$0x3FD2] =	sst s25  }
0xac: {  	s6 =	sshll.u32 s26, $0x1;
	_ =	strace $0x80000046;
	[dreg:$0x1] =	wrdreg $0xFFFFFFFF  }
0xad: {  	s28 =	simm.s32 $_size_execute0_lowered;
	s4 =	sadd.s32 s4, s6;
	[dreg:$0x0] =	wrdreg $0x0  }
0xae: {  	s6 =	sshll.u32 s28, $0x1;
	[dreg:$0x2] =	wrdreg s4  }
0xaf: {  	[dreg:$0x3] =	wrdreg s6  }
0xb0: {  	[dreg:$0x4] =	wrdreg $0xC0  }
0xb1: {  	_ =	task [dreg:s8], $0x5FFFF  }
0xb2: {  	[dreg:$0x1] =	wrdreg $0xFFFFFFFF  }
0xb3: {  	[dreg:$0x0] =	wrdreg $0x60  }
0xb4: {  	[dreg:$0x2] =	wrdreg s24  }
0xb5: {  	[dreg:$0x3] =	wrdreg s16  }
0xb6: {  	[dreg:$0x4] =	wrdreg s17  }
0xb7: {  	[dreg:$0x5] =	wrdreg $0x9  }
0xb8: {  	_ =	task.clear_ibuf [dreg:s8], $0x6FFFF;
	_ =	strace $0x90000046  }
0xb9: {  	s29 =	simm.s32 $0x9;
	_ =	strace $0x80000048  }
0xba: {  	_ =	swait.ge [sflag:s29], $0x1  }
0xbb: {  	[sflag:s29] =	ssyncadd.s32 $0xFFFFFFFF  }
0xbc: {  	_ =	strace $0x90000048  }
0xbd: {  	_ =	sfence  }
0xbe: {  	s30 =	sld [smem:$0x0];
	_ =	sdelay $0x2  }
0xbf: {  	s31 =	sshll.u32 s1, $0xD;
	s1 =	sshrl.u32 s1, $0x2  }
0xc0: {  	s3 =	sand.u32 $0x4000, s31;
	s1 =	sadd.s32 s1, s30  }
0xc1: {  	s0 =	sor.u32 s3, s0;
	s1 =	sshll.u32 s1, $0x11  }
0xc2: {  	s0 =	sor.u32 s1, s0  }
0xc3: {  	s0 =	sadd.s32 $0x8F2B, s0  }
0xc4: {  	[sflag:s0] =	ssyncadd.remote.s32 $0x1  }
0xc5: {  	_ =	sfence.sel $0xFFFF  }
0xc6: {  	[dreg:$0x0] =	wrdreg $0xFFFFFFFF;
	(pc) =	sbr.abs _section_cstart, $3  }
0xc7: {  	[dreg:$0x1] =	wrdreg $0xFFFFFFFF  }
0xc8: {  	_ =	task.clear_ibuf [dreg:s8], $0x2FFFF;
	_ =	strace $0x9FFFFFFF  }
0xc9: {  	(tm) =	ssettm $0x7FFFFFFF  }
tec
execute0_lowered:
.L_overlay_start_1:
0x0: {  	(tag) =	ssettag $0x1  }
0x1: {  	s3 =	rddreg [dreg:$0x0]  }
0x2: {  	s4 =	rddreg [dreg:$0x1]  }
0x3: {  	s5 =	rddreg [dreg:$0x2]  }
0x4: {  	s0 =	rddreg [dreg:$0x3];
	s6 =	srdreg.scid  }
0x5: {  	s1 =	stileid.u32;
	s2 =	simm.s32 $0x0;
	s9 =	simm.s32 $0x9000  }
0x6: {  	s10 =	simm.s32 $0x0;
	s6 =	sand.u32 $0x1, s6;
	s7 =	sshll.u32 s1, $0x1  }
0x7: {  	[smem:$0x7FF] =	sst s2;
	s7 =	sor.u32 s6, s7;
	s6 =	ssub.s32 $0x2, s6  }
0x8: {  	_ =	strace $0x80000047;
	s8 =	sshll.u32 s7, $0xC;
	s31 =	sshrl.u32 s6, $0x1  }
0x9: {  	s7 =	sshll.u32 s7, $0x9;
	s3 =	sadd.s32 s8, s3;
	s6 =	ssub.s32 s6, s31  }
0xa: {  	s4 =	sadd.s32 s4, s7;
	s5 =	sadd.s32 s5, s7;
	s7 =	simm.s32 $0x1  }
0xb: {  	v6 =	vimm.s32 $0x0;
	s8 =	simm.s32 $0x8000;
	s3 =	sadd.s32 $0xC00, s3;
	s6 =	smax.u32 s6, $0x1  }
.LBB2_1:
0xc: {  	[tilespmem:s2], [sflag:$0x1] =	stream.linear.gather [hbm4b:s3+s2], $0x8000, $0x38;
	[tilespmem:$0xA000] =	vst v63  }
0xd: {  	_ =	swait.ge [sflag:s7], $0x8000  }
0xe: {  	[sflag:s7] =	ssyncset.done $0x0  }
0xf: {  	s11 =	simm.s32 $0x0;
	s12 =	simm.s32 $0x0;
	[sflag:s7] =	ssyncadd.s32 $0xFFFF8000  }
.LBB2_2:
0x10: {  	s13 =	sand.u32 $0x70, s12;
	s14 =	sand.u32 $0xC00, s11  }
0x11: {  	s13 =	sor.u32 s13, s14  }
0x12: {  	v4 =	vld [tilespmem:s13+$0x0]  }
0x13: {  	s14 =	sor.u32 s14, s12;
	v5 =	vld [tilespmem:s13+$0x80]  }
0x14: {  	v63 =	vld [tilespmem:s13+$0x100];
	s15 =	sor.u32 $0x180, s14  }
0x15: {  	v62 =	vld [tilespmem:s15+$0x0]  }
0x16: {  	v61 =	vld [tilespmem:s13+$0x200]  }
0x17: {  	s31 =	sor.u32 s11, s12;
	v60 =	vld [tilespmem:s13+$0x280]  }
0x18: {  	v59 =	vld [tilespmem:s13+$0x300];
	s14 =	sor.u32 $0x380, s31;
	v2 =	vmax.f32 v4, v5  }
0x19: {  	v58 =	vld [tilespmem:s14+$0x0];
	v2 =	vmax.f32 v2, v63  }
0x1a: {  	v57 =	vld [tilespmem:s13+$0x1000];
	v2 =	vmax.f32 v2, v62  }
0x1b: {  	v56 =	vld [tilespmem:s13+$0x1080];
	v2 =	vmax.f32 v2, v61  }
0x1c: {  	v55 =	vld [tilespmem:s13+$0x1100];
	v2 =	vmax.f32 v2, v60  }
0x1d: {  	v54 =	vld [tilespmem:s13+$0x1180];
	v2 =	vmax.f32 v2, v59  }
0x1e: {  	v53 =	vld [tilespmem:s13+$0x1200];
	v2 =	vmax.f32 v2, v58  }
0x1f: {  	v52 =	vld [tilespmem:s13+$0x1280];
	v2 =	vmax.f32 v2, v57  }
0x20: {  	v51 =	vld [tilespmem:s13+$0x1300];
	v2 =	vmax.f32 v2, v56  }
0x21: {  	v50 =	vld [tilespmem:s13+$0x1380];
	v2 =	vmax.f32 v2, v55  }
0x22: {  	v49 =	vld [tilespmem:s13+$0x2000];
	v2 =	vmax.f32 v2, v54  }
0x23: {  	v48 =	vld [tilespmem:s13+$0x2080];
	v2 =	vmax.f32 v2, v53  }
0x24: {  	v47 =	vld [tilespmem:s13+$0x2100];
	v2 =	vmax.f32 v2, v52  }
0x25: {  	v46 =	vld [tilespmem:s13+$0x2180];
	v2 =	vmax.f32 v2, v51  }
0x26: {  	v45 =	vld [tilespmem:s13+$0x2200];
	v2 =	vmax.f32 v2, v50  }
0x27: {  	v44 =	vld [tilespmem:s13+$0x2280];
	v2 =	vmax.f32 v2, v49  }
0x28: {  	v43 =	vld [tilespmem:s13+$0x2300];
	v2 =	vmax.f32 v2, v48  }
0x29: {  	v42 =	vld [tilespmem:s13+$0x2380];
	v2 =	vmax.f32 v2, v47  }
0x2a: {  	v41 =	vld [tilespmem:s13+$0x3000];
	v2 =	vmax.f32 v2, v46  }
0x2b: {  	v40 =	vld [tilespmem:s13+$0x3080];
	v2 =	vmax.f32 v2, v45  }
0x2c: {  	v39 =	vld [tilespmem:s13+$0x3100];
	v2 =	vmax.f32 v2, v44  }
0x2d: {  	v38 =	vld [tilespmem:s13+$0x3180];
	v2 =	vmax.f32 v2, v43  }
0x2e: {  	v37 =	vld [tilespmem:s13+$0x3200];
	v2 =	vmax.f32 v2, v42  }
0x2f: {  	v36 =	vld [tilespmem:s13+$0x3280];
	v2 =	vmax.f32 v2, v41  }
0x30: {  	v35 =	vld [tilespmem:s13+$0x3300];
	v2 =	vmax.f32 v2, v40  }
0x31: {  	v34 =	vld [tilespmem:s13+$0x3380];
	v2 =	vmax.f32 v2, v39  }
0x32: {  	v33 =	vld [tilespmem:s13+$0x4000];
	v2 =	vmax.f32 v2, v38  }
0x33: {  	v32 =	vld [tilespmem:s13+$0x4080];
	v2 =	vmax.f32 v2, v37  }
0x34: {  	v31 =	vld [tilespmem:s13+$0x4100];
	v2 =	vmax.f32 v2, v36  }
0x35: {  	v30 =	vld [tilespmem:s13+$0x4180];
	v2 =	vmax.f32 v2, v35  }
0x36: {  	v29 =	vld [tilespmem:s13+$0x4200];
	v2 =	vmax.f32 v2, v34  }
0x37: {  	v28 =	vld [tilespmem:s13+$0x4280];
	v2 =	vmax.f32 v2, v33  }
0x38: {  	v27 =	vld [tilespmem:s13+$0x4300];
	v2 =	vmax.f32 v2, v32  }
0x39: {  	v26 =	vld [tilespmem:s13+$0x4380];
	v2 =	vmax.f32 v2, v31  }
0x3a: {  	v25 =	vld [tilespmem:s13+$0x5000];
	v2 =	vmax.f32 v2, v30  }
0x3b: {  	v24 =	vld [tilespmem:s13+$0x5080];
	v2 =	vmax.f32 v2, v29  }
0x3c: {  	v23 =	vld [tilespmem:s13+$0x5100];
	v2 =	vmax.f32 v2, v28  }
0x3d: {  	v22 =	vld [tilespmem:s13+$0x5180];
	v2 =	vmax.f32 v2, v27  }
0x3e: {  	v21 =	vld [tilespmem:s13+$0x5200];
	v2 =	vmax.f32 v2, v26  }
0x3f: {  	v20 =	vld [tilespmem:s13+$0x5280];
	v2 =	vmax.f32 v2, v25  }
0x40: {  	v19 =	vld [tilespmem:s13+$0x5300];
	v2 =	vmax.f32 v2, v24  }
0x41: {  	v18 =	vld [tilespmem:s13+$0x5380];
	v2 =	vmax.f32 v2, v23  }
0x42: {  	v17 =	vld [tilespmem:s13+$0x6000];
	v2 =	vmax.f32 v2, v22  }
0x43: {  	v16 =	vld [tilespmem:s13+$0x6080];
	v2 =	vmax.f32 v2, v21  }
0x44: {  	v7 =	vld [tilespmem:s13+$0x6100];
	v2 =	vmax.f32 v2, v20  }
0x45: {  	v3 =	vld [tilespmem:s13+$0x6180];
	v2 =	vmax.f32 v2, v19  }
0x46: {  	v1 =	vld [tilespmem:s13+$0x6200];
	v2 =	vmax.f32 v2, v18  }
0x47: {  	v0 =	vld [tilespmem:s13+$0x6280];
	v2 =	vmax.f32 v2, v17  }
0x48: {  	v8 =	vld [tilespmem:s13+$0x6300];
	v2 =	vmax.f32 v2, v16  }
0x49: {  	[tilespmem:$0x1FF00] =	vst v7;
	v2 =	vmax.f32 v2, v7;
	v7 =	vld [tilespmem:s13+$0x6380]  }
0x4a: {  	v13 =	vld [tilespmem:s13+$0x7000];
	v2 =	vmax.f32 v2, v3  }
0x4b: {  	v14 =	vld [tilespmem:s13+$0x7080];
	v2 =	vmax.f32 v2, v1  }
0x4c: {  	v15 =	vld [tilespmem:s13+$0x7100];
	v2 =	vmax.f32 v2, v0  }
0x4d: {  	[tilespmem:$0x1FF40] =	vst v8;
	v2 =	vmax.f32 v2, v8;
	v8 =	vld [tilespmem:s13+$0x7180]  }
0x4e: {  	[tilespmem:$0x1FF50] =	vst v7;
	v2 =	vmax.f32 v2, v7;
	v7 =	vld [tilespmem:s13+$0x7200]  }
0x4f: {  	v9 =	vld [tilespmem:s13+$0x7280];
	v2 =	vmax.f32 v2, v13  }
0x50: {  	v10 =	vld [tilespmem:s13+$0x7300];
	v2 =	vmax.f32 v2, v14  }
0x51: {  	v11 =	vld [tilespmem:s13+$0x7380];
	v2 =	vmax.f32 v2, v15  }
0x52: {  	v2 =	vmax.f32 v2, v8  }
0x53: {  	v2 =	vmax.f32 v2, v7  }
0x54: {  	v2 =	vmax.f32 v2, v9  }
0x55: {  	v2 =	vmax.f32 v2, v10  }
0x56: {  	[tilespmem:$0x1FF70] =	vst v14;
	v14 =	vmax.f32 v2, v11  }
0x57: {  	v12 =	vsub.f32 v4, v14  }
0x58: {  	[tilespmem:$0x1FF10] =	vst v3  }
0x59: {  	[tilespmem:$0x1FF30] =	vst v0;
	v0 =	vsub.f32 v5, v14;
	v3 =	vmul.f32 $1.442695020e+00, v12;
	_ =	sdelay $0x1  }
0x5a: {  	[tilespmem:$0x1FF60] =	vst v13;
	v13 =	vsub.f32 v63, v14;
	v0 =	vmul.f32 $1.442695020e+00, v0;
	(erf) = vpow2.f32 v3  }
0x5b: {  	[tilespmem:$0x1FF80] =	vst v15  }
0x5c: {  	[tilespmem:$0x1FFB0] =	vst v9;
	v9 =	vsub.f32 v62, v14;
	v15 =	vmul.f32 $1.442695020e+00, v13;
	(erf) = vpow2.f32 v0;
	_ =	sdelay $0x1  }
0x5d: {  	[tilespmem:$0x1FFC0] =	vst v10;
	v10 =	vmul.f32 $1.442695020e+00, v9;
	(erf) = vpow2.f32 v15  }
0x5e: {  	[tilespmem:$0x1FFD0] =	vst v11;
	vm0 =	vgt.f32 v4, $-Inf;
	vm1 =	vlt.f32 v5, $-Inf;
	v11 =	vsub.f32 v61, v14  }
0x5f: {  	vm3 =	vgt.f32 v5, $-Inf;
	vm11 =	vlt.f32 v63, $-Inf;
	(erf) = vpow2.f32 v10  }
0x60: {  	vm12 =	vgt.f32 v63, $-Inf;
	vm14 =	vgt.f32 v61, $-Inf;
	v0 =	vmul.f32 $1.442695020e+00, v11  }
0x61: {  	vm8 =	vmor vm3, vm1;
	vm7 =	vmor vm12, vm11;
	vm9 =	vlt.f32 v62, $-Inf  }
0x62: {  	v9 =	vsub.f32 v60, v14;
	v15 =	vnsel vm0, $0xFF800000, v4;
	(erf) = vpow2.f32 v0;
	v12 =	vpop (erf)  }
0x63: {  	vm10 =	vgt.f32 v62, $-Inf;
	vm2 =	vgt.f32 v5, v15;
	v3 =	vadd.f32 $0.0e+00, v12  }
0x64: {  	[tilespmem:$0x1FF20] =	vst v1;
	vm12 =	vlt.f32 v61, $-Inf;
	v1 =	vmul.f32 $1.442695020e+00, v9;
	vm15 =	vmneg vm2;
	v13 =	vpop (erf)  }
0x65: {  	vm10 =	vmor vm10, vm9;
	vm9 =	vmand vm8, vm15;
	v0 =	vadd.f32 v3, v13  }
0x66: {  	v4 =	vpop (erf);
	(erf) = vpow2.f32 v1;
	v3 =	vsel vm15, v15, v5;
	v13 =	vsub.f32 v58, v14  }
0x67: {  	vm5 =	vgt.f32 v63, v3;
	v0 =	vadd.f32 v0, v4;
	v4 =	vsel vm15, v5, v15  }
0x68: {  	v5 =	vpop (erf);
	v2 =	vmul.f32 $1.442695020e+00, v13;
	v11 =	vnsel vm8, $0xFF800000, v4;
	v4 =	vsub.f32 v59, v14  }
0x69: {  	v10 =	vadd.f32 v0, v5;
	vm4 =	vgt.f32 v63, v11;
	v5 =	vsel vm5, v3, v63  }
0x6a: {  	vm15 =	vgt.f32 v60, $-Inf;
	v3 =	vsel vm5, v63, v3;
	v5 =	vsel vm4, v5, v11  }
0x6b: {  	v12 =	vpop (erf);
	v1 =	vsel vm4, v11, v63;
	v4 =	vmul.f32 $1.442695020e+00, v4;
	vm1 =	vgt.f32 v62, v3  }
0x6c: {  	v11 =	vsel vm9, $0x1, v6;
	v0 =	vadd.f32 v10, v12;
	v1 =	vnsel vm7, $0xFF800000, v1  }
0x6d: {  	vm6 =	vgt.f32 v62, v5;
	v10 =	vsel vm2, $0x1, v6;
	v13 =	vnsel vm4, $0x2, v11  }
0x6e: {  	(erf) = vpow2.f32 v4;
	vm3 =	vgt.f32 v62, v1;
	v4 =	vsel vm1, v3, v62  }
0x6f: {  	v3 =	vsel vm1, v62, v3;
	v12 =	vnsel vm5, $0x2, v10;
	v4 =	vsel vm6, v4, v5  }
0x70: {  	v5 =	vsel vm6, v5, v62;
	(erf) = vpow2.f32 v2;
	vm8 =	vgt.f32 v61, v3  }
0x71: {  	v15 =	vpop (erf);
	v6 =	vsel vm4, v12, v11;
	vm4 =	vmor vm14, vm12;
	vm14 =	vlt.f32 v60, $-Inf  }
0x72: {  	[tilespmem:$0x1FFA0] =	vst v7;
	v5 =	vsel vm3, v5, v1;
	v1 =	vsel vm3, v1, v62;
	v7 =	vadd.f32 v0, v15  }
0x73: {  	vm13 =	vgt.f32 v61, v4;
	v9 =	vsel vm8, v3, v61;
	v3 =	vsel vm8, v61, v3  }
0x74: {  	v62 =	vsel vm5, $0x2, v10;
	v1 =	vnsel vm10, $0xFF800000, v1;
	vm11 =	vgt.f32 v61, v5  }
0x75: {  	v2 =	vsel vm13, v9, v4;
	v4 =	vsel vm13, v4, v61;
	vm2 =	vgt.f32 v60, v3  }
0x76: {  	v9 =	vsub.f32 v57, v14;
	v11 =	vnsel vm1, $0x3, v62;
	v12 =	vsel vm1, $0x3, v62  }
0x77: {  	vm1 =	vmor vm15, vm14;
	vm14 =	vlt.f32 v59, $-Inf;
	vm15 =	vgt.f32 v59, $-Inf  }
0x78: {  	vm0 =	vgt.f32 v61, v1;
	v4 =	vsel vm11, v4, v5;
	v5 =	vsel vm11, v5, v61  }
0x79: {  	vm12 =	vgt.f32 v60, v2;
	v0 =	vsel vm2, v3, v60;
	v3 =	vsel vm2, v60, v3  }
0x7a: {  	v62 =	vnsel vm8, $0x4, v12;
	v5 =	vsel vm0, v5, v1;
	v1 =	vsel vm0, v1, v61  }
0x7b: {  	v61 =	vnsel vm7, $0x0, v13;
	vm9 =	vgt.f32 v60, v4;
	v63 =	vsel vm12, v0, v2  }
0x7c: {  	v2 =	vsel vm12, v2, v60;
	v0 =	vmul.f32 $1.442695020e+00, v9;
	v1 =	vnsel vm4, $0xFF800000, v1  }
0x7d: {  	vm7 =	vgt.f32 v60, v5;
	v2 =	vsel vm9, v2, v4;
	v4 =	vsel vm9, v4, v60  }
0x7e: {  	vm5 =	vgt.f32 v60, v1;
	v4 =	vsel vm7, v4, v5;
	v5 =	vsel vm7, v5, v60  }
0x7f: {  	(erf) = vpow2.f32 v0;
	v0 =	vsel vm6, v11, v6;
	v6 =	vnsel vm6, $0x3, v6  }
0x80: {  	v5 =	vsel vm5, v5, v1;
	v1 =	vsel vm5, v1, v60;
	v6 =	vsel vm3, v6, v61  }
0x81: {  	v61 =	vnsel vm3, $0x3, v61;
	v62 =	vsel vm13, v62, v0;
	v0 =	vnsel vm13, $0x4, v0  }
0x82: {  	v60 =	vsel vm8, $0x4, v12;
	vm3 =	vgt.f32 v59, v3;
	vm13 =	vgt.f32 v59, v63  }
0x83: {  	[tilespmem:$0x1FF90] =	vst v8;
	v61 =	vnsel vm10, $0x0, v61;
	v8 =	vnsel vm11, $0x4, v6;
	v1 =	vnsel vm1, $0xFF800000, v1  }
0x84: {  	v15 =	vpop (erf);
	vm10 =	vgt.f32 v59, v2;
	v13 =	vsel vm3, v3, v59;
	vm8 =	vgt.f32 v59, v5  }
0x85: {  	v3 =	vsel vm3, v59, v3;
	v11 =	vnsel vm12, $0x5, v62;
	v7 =	vadd.f32 v7, v15  }
0x86: {  	v10 =	vpop (erf);
	vm6 =	vgt.f32 v59, v1;
	v8 =	vsel vm0, v8, v61;
	v61 =	vnsel vm0, $0x4, v61  }
0x87: {  	vm0 =	vgt.f32 v58, v3;
	v61 =	vnsel vm4, $0x0, v61;
	v9 =	vadd.f32 v7, v10  }
0x88: {  	v7 =	vsel vm11, v0, v6;
	vm11 =	vgt.f32 v59, v4;
	v6 =	vsel vm13, v13, v63  }
0x89: {  	v63 =	vsel vm13, v63, v59;
	v0 =	vnsel vm2, $0x5, v60;
	v60 =	vsel vm2, $0x5, v60  }
0x8a: {  	vm2 =	vmor vm15, vm14;
	v13 =	vsel vm0, v3, v58;
	vm14 =	vlt.f32 v58, $-Inf  }
0x8b: {  	vm15 =	vgt.f32 v58, $-Inf;
	v63 =	vsel vm10, v63, v2;
	v2 =	vsel vm10, v2, v59  }
0x8c: {  	v12 =	vnsel vm3, $0x6, v60;
	v2 =	vsel vm11, v2, v4;
	v4 =	vsel vm11, v4, v59  }
0x8d: {  	v4 =	vsel vm8, v4, v5;
	v5 =	vsel vm8, v5, v59;
	vm4 =	vgt.f32 v58, v2  }
0x8e: {  	v5 =	vsel vm6, v5, v1;
	v1 =	vsel vm6, v1, v59;
	v15 =	vpop (erf);
	v59 =	vsel vm9, v11, v7  }
0x8f: {  	v7 =	vnsel vm9, $0x5, v7;
	v11 =	vsel vm0, v58, v3;
	v15 =	vadd.f32 v9, v15  }
0x90: {  	v9 =	vsel vm12, v0, v62;
	v7 =	vsel vm7, v7, v8;
	v8 =	vnsel vm7, $0x5, v8  }
0x91: {  	v1 =	vnsel vm2, $0xFF800000, v1;
	vm12 =	vgt.f32 v58, v63;
	vm7 =	vgt.f32 v58, v5  }
0x92: {  	v0 =	vnsel vm10, $0x6, v59;
	v8 =	vsel vm5, v8, v61;
	v61 =	vnsel vm5, $0x5, v61  }
0x93: {  	v62 =	vsel vm13, v12, v9;
	v9 =	vnsel vm13, $0x6, v9;
	vm13 =	vgt.f32 v58, v6  }
0x94: {  	vm5 =	vgt.f32 v58, v4;
	vm9 =	vgt.f32 v58, v1;
	v13 =	vsel vm13, v13, v6  }
0x95: {  	v6 =	vsel vm13, v6, v58;
	v9 =	vsel vm10, v9, v59;
	v59 =	vsel vm3, $0x6, v60  }
0x96: {  	v12 =	vsel vm12, v6, v63;
	v63 =	vsel vm12, v63, v58;
	v3 =	vnsel vm0, $0x7, v59  }
0x97: {  	v63 =	vsel vm4, v63, v2;
	v2 =	vsel vm4, v2, v58;
	vm10 =	vgt.f32 v57, v12  }
0x98: {  	v10 =	vsel vm5, v2, v4;
	v4 =	vsel vm5, v4, v58;
	v2 =	vnsel vm1, $0x0, v61  }
0x99: {  	v61 =	vsel vm13, v3, v62;
	v62 =	vnsel vm13, $0x7, v62;
	vm13 =	vmor vm15, vm14  }
0x9a: {  	v6 =	vsel vm7, v4, v5;
	v5 =	vsel vm7, v5, v58;
	v62 =	vsel vm12, v62, v9  }
0x9b: {  	v9 =	vnsel vm12, $0x7, v9;
	v60 =	vnsel vm6, $0x6, v2;
	v5 =	vsel vm9, v5, v1  }
0x9c: {  	v1 =	vsel vm9, v1, v58;
	v58 =	vsel vm11, v0, v7;
	v7 =	vnsel vm11, $0x6, v7  }
0x9d: {  	v60 =	vnsel vm2, $0x0, v60;
	v0 =	vsub.f32 v56, v14;
	vm14 =	vgt.f32 v57, v6  }
0x9e: {  	vm11 =	vgt.f32 v57, v11;
	v7 =	vsel vm8, v7, v8;
	v8 =	vnsel vm8, $0x6, v8  }
0x9f: {  	v9 =	vsel vm4, v9, v58;
	v58 =	vnsel vm4, $0x7, v58;
	v1 =	vnsel vm13, $0xFF800000, v1  }
0xa0: {  	vm15 =	vgt.f32 v57, v5;
	v3 =	vsel vm14, v6, v57;
	vm8 =	vgt.f32 v57, v63  }
0xa1: {  	v8 =	vsel vm6, v8, v2;
	v58 =	vsel vm5, v58, v7;
	v7 =	vnsel vm5, $0x7, v7  }
0xa2: {  	vm6 =	vgt.f32 v57, v1;
	v4 =	vmul.f32 $1.442695020e+00, v0;
	v0 =	vsel vm15, v5, v57  }
0xa3: {  	v7 =	vsel vm7, v7, v8;
	v8 =	vnsel vm7, $0x7, v8;
	v0 =	vsel vm6, v0, v1  }
0xa4: {  	vm7 =	vgt.f32 v57, v10;
	v8 =	vsel vm9, v8, v60;
	v60 =	vnsel vm9, $0x7, v60  }
0xa5: {  	(erf) = vpow2.f32 v4;
	v4 =	vsel vm7, v10, v57;
	vm9 =	vgt.f32 v57, v13  }
0xa6: {  	v60 =	vnsel vm13, $0x0, v60;
	v2 =	vnsel vm15, $0x8, v8;
	v4 =	vsel vm14, v4, v6  }
0xa7: {  	v6 =	vsel vm8, v63, v57;
	v1 =	vsel vm6, v2, v60;
	v2 =	vsel vm15, v3, v5  }
0xa8: {  	v60 =	vnsel vm14, $0x8, v7;
	v5 =	vnsel vm7, $0x8, v58;
	v6 =	vsel vm7, v6, v10  }
0xa9: {  	v10 =	vnsel vm10, $0x8, v62;
	vm12 =	vgt.f32 v56, v4;
	v3 =	vsel vm15, v60, v8  }
0xaa: {  	v5 =	vsel vm14, v5, v7;
	v7 =	vnsel vm8, $0x8, v9;
	v8 =	vsel vm10, v12, v57  }
0xab: {  	v60 =	vsel vm9, v13, v57;
	v9 =	vsel vm8, v10, v9;
	vm13 =	vgt.f32 v56, v2  }
0xac: {  	vm14 =	vgt.f32 v56, v0;
	vm15 =	vgt.f32 v56, v6;
	v7 =	vsel vm7, v7, v58  }
0xad: {  	v8 =	vsel vm8, v8, v63;
	v10 =	vsel vm10, v60, v12;
	v12 =	vsel vm0, $0x7, v59  }
0xae: {  	v60 =	vnsel vm9, $0x8, v61;
	v59 =	vsel vm11, v11, v57;
	v11 =	vsel vm11, v57, v11  }
0xaf: {  	v63 =	vsel vm15, v6, v56;
	v58 =	vsel vm10, v60, v62;
	v60 =	vnsel vm11, $0x8, v12  }
0xb0: {  	v13 =	vsel vm9, v59, v13;
	v62 =	vsel vm12, v4, v56;
	vm6 =	vgt.f32 v56, v8  }
0xb1: {  	v4 =	vsel vm12, v63, v4;
	v59 =	vsel vm9, v60, v61;
	v61 =	vsub.f32 v55, v14  }
0xb2: {  	vm8 =	vgt.f32 v56, v10;
	v12 =	vsel vm11, $0x8, v12;
	vm7 =	vgt.f32 v56, v13  }
0xb3: {  	vm9 =	vgt.f32 v56, v11;
	v57 =	vmul.f32 $1.442695020e+00, v61;
	v61 =	vnsel vm13, $0x9, v3  }
0xb4: {  	vm10 =	vgt.f32 v55, v4;
	v60 =	vpop (erf);
	v1 =	vsel vm14, v61, v1;
	v61 =	vsel vm7, v13, v56  }
0xb5: {  	v15 =	vadd.f32 v15, v60;
	v60 =	vsel vm13, v2, v56;
	v2 =	vsel vm13, v62, v2  }
0xb6: {  	(erf) = vpow2.f32 v57;
	v62 =	vnsel vm12, $0x9, v5;
	v57 =	vnsel vm15, $0x9, v7  }
0xb7: {  	v0 =	vsel vm14, v60, v0;
	v3 =	vsel vm13, v62, v3;
	v60 =	vsel vm6, v8, v56  }
0xb8: {  	v5 =	vsel vm12, v57, v5;
	v57 =	vsel vm8, v10, v56;
	v10 =	vsel vm8, v61, v10  }
0xb9: {  	v61 =	vnsel vm7, $0x9, v59;
	vm11 =	vgt.f32 v55, v2;
	v6 =	vsel vm15, v60, v6  }
0xba: {  	v60 =	vnsel vm6, $0x9, v9;
	v8 =	vsel vm6, v57, v8;
	v57 =	vsel vm8, v61, v58  }
0xbb: {  	vm12 =	vgt.f32 v55, v0;
	v61 =	vsel vm10, v4, v55;
	v62 =	vnsel vm10, $0xA, v5  }
0xbc: {  	v7 =	vsel vm15, v60, v7;
	v60 =	vnsel vm8, $0x9, v58;
	v58 =	vsel vm9, v11, v56  }
0xbd: {  	v11 =	vsel vm9, v56, v11;
	vm13 =	vgt.f32 v55, v6;
	vm14 =	vgt.f32 v55, v8  }
0xbe: {  	v9 =	vsel vm6, v60, v9;
	v60 =	vnsel vm9, $0x9, v12;
	v13 =	vsel vm7, v58, v13  }
0xbf: {  	v63 =	vsel vm13, v6, v55;
	vm6 =	vgt.f32 v55, v10;
	v12 =	vsel vm9, $0x9, v12  }
0xc0: {  	v58 =	vsel vm7, v60, v59;
	v60 =	vsub.f32 v54, v14;
	vm15 =	vgt.f32 v55, v13  }
0xc1: {  	v4 =	vsel vm10, v63, v4;
	vm7 =	vgt.f32 v55, v11;
	v63 =	vnsel vm15, $0xA, v58  }
0xc2: {  	vm8 =	vgt.f32 v54, v4;
	v56 =	vmul.f32 $1.442695020e+00, v60;
	v60 =	vnsel vm11, $0xA, v3  }
0xc3: {  	v3 =	vsel vm11, v62, v3;
	v62 =	vnsel vm14, $0xA, v9;
	v1 =	vsel vm12, v60, v1  }
0xc4: {  	v60 =	vnsel vm13, $0xA, v7;
	v7 =	vsel vm13, v62, v7;
	(erf) = vpow2.f32 v56  }
0xc5: {  	v59 =	vpop (erf);
	v5 =	vsel vm10, v60, v5;
	v56 =	vsel vm6, v10, v55;
	v60 =	vsel vm15, v13, v55  }
0xc6: {  	v15 =	vadd.f32 v15, v59;
	v59 =	vsel vm11, v2, v55;
	v2 =	vsel vm11, v61, v2  }
0xc7: {  	v61 =	vsel vm14, v8, v55;
	v8 =	vsel vm14, v56, v8;
	v10 =	vsel vm6, v60, v10  }
0xc8: {  	v56 =	vsel vm6, v63, v57;
	v60 =	vsel vm7, v11, v55;
	v63 =	vsub.f32 v53, v14  }
0xc9: {  	v11 =	vsel vm7, v55, v11;
	v0 =	vsel vm12, v59, v0;
	v6 =	vsel vm13, v61, v6  }
0xca: {  	v59 =	vnsel vm6, $0xA, v57;
	v61 =	vnsel vm7, $0xA, v12;
	v13 =	vsel vm15, v60, v13  }
0xcb: {  	vm9 =	vgt.f32 v54, v2;
	v60 =	vsel vm8, v4, v54;
	vm12 =	vgt.f32 v54, v8  }
0xcc: {  	v12 =	vsel vm7, $0xA, v12;
	v9 =	vsel vm14, v59, v9;
	v57 =	vsel vm15, v61, v58  }
0xcd: {  	vm10 =	vgt.f32 v54, v0;
	v55 =	vmul.f32 $1.442695020e+00, v63;
	v58 =	vsel vm9, v2, v54  }
0xce: {  	v59 =	vnsel vm9, $0xB, v3;
	v2 =	vsel vm9, v60, v2;
	vm11 =	vgt.f32 v54, v6  }
0xcf: {  	v60 =	vnsel vm8, $0xB, v5;
	v63 =	vsel vm12, v8, v54;
	vm13 =	vgt.f32 v54, v13  }
0xd0: {  	vm14 =	vgt.f32 v54, v10;
	vm15 =	vgt.f32 v54, v11;
	v0 =	vsel vm10, v58, v0  }
0xd1: {  	v1 =	vsel vm10, v59, v1;
	v3 =	vsel vm9, v60, v3;
	v61 =	vsel vm11, v6, v54  }
0xd2: {  	v6 =	vsel vm11, v63, v6;
	v60 =	vnsel vm12, $0xB, v9;
	v63 =	vsel vm13, v13, v54  }
0xd3: {  	v59 =	vnsel vm13, $0xB, v57;
	vm7 =	vgt.f32 v53, v2;
	(erf) = vpow2.f32 v55  }
0xd4: {  	v4 =	vsel vm8, v61, v4;
	v61 =	vsel vm14, v10, v54;
	v10 =	vsel vm14, v63, v10  }
0xd5: {  	v55 =	vsel vm14, v59, v56;
	v63 =	vsub.f32 v52, v14;
	vm9 =	vgt.f32 v53, v6  }
0xd6: {  	v8 =	vsel vm12, v61, v8;
	v61 =	vnsel vm15, $0xB, v12;
	vm6 =	vgt.f32 v53, v4;
	v62 =	vpop (erf)  }
0xd7: {  	v12 =	vsel vm15, $0xB, v12;
	vm10 =	vgt.f32 v53, v8;
	v15 =	vadd.f32 v15, v62  }
0xd8: {  	v62 =	vnsel vm11, $0xB, v7;
	v7 =	vsel vm11, v60, v7;
	v60 =	vsel vm15, v11, v54  }
0xd9: {  	v11 =	vsel vm15, v54, v11;
	v5 =	vsel vm8, v62, v5;
	v62 =	vnsel vm14, $0xB, v56  }
0xda: {  	v13 =	vsel vm13, v60, v13;
	v56 =	vsel vm13, v61, v57;
	vm8 =	vgt.f32 v53, v0  }
0xdb: {  	v60 =	vmul.f32 $1.442695020e+00, v63;
	v61 =	vsel vm7, v2, v53;
	v63 =	vsel vm6, v4, v53  }
0xdc: {  	vm13 =	vgt.f32 v53, v11;
	v9 =	vsel vm12, v62, v9;
	v0 =	vsel vm8, v61, v0  }
0xdd: {  	v2 =	vsel vm7, v63, v2;
	v61 =	vsel vm9, v6, v53;
	v63 =	vsel vm10, v8, v53  }
0xde: {  	vm11 =	vgt.f32 v53, v13;
	vm12 =	vgt.f32 v53, v10;
	(erf) = vpow2.f32 v60  }
0xdf: {  	v60 =	vnsel vm6, $0xC, v5;
	v4 =	vsel vm6, v61, v4;
	v6 =	vsel vm9, v63, v6  }
0xe0: {  	v61 =	vsel vm12, v10, v53;
	v63 =	vsel vm11, v13, v53;
	v59 =	vnsel vm11, $0xC, v56  }
0xe1: {  	vm15 =	vgt.f32 v52, v2;
	v8 =	vsel vm10, v61, v8;
	v10 =	vsel vm12, v63, v10  }
0xe2: {  	v62 =	vpop (erf);
	v54 =	vsel vm12, v59, v55;
	v61 =	vnsel vm13, $0xC, v12;
	v63 =	vsub.f32 v51, v14  }
0xe3: {  	vm14 =	vgt.f32 v52, v4;
	v12 =	vsel vm13, $0xC, v12;
	v15 =	vadd.f32 v15, v62  }
0xe4: {  	v62 =	vnsel vm7, $0xC, v3;
	v3 =	vsel vm7, v60, v3;
	v60 =	vnsel vm10, $0xC, v9  }
0xe5: {  	vm7 =	vgt.f32 v52, v6;
	v1 =	vsel vm8, v62, v1;
	v62 =	vnsel vm9, $0xC, v7  }
0xe6: {  	v7 =	vsel vm9, v60, v7;
	v60 =	vsel vm13, v11, v53;
	v11 =	vsel vm13, v53, v11  }
0xe7: {  	vm8 =	vgt.f32 v52, v8;
	v5 =	vsel vm6, v62, v5;
	v62 =	vnsel vm12, $0xC, v55  }
0xe8: {  	v13 =	vsel vm11, v60, v13;
	v55 =	vsel vm11, v61, v56;
	vm6 =	vgt.f32 v52, v0  }
0xe9: {  	v60 =	vmul.f32 $1.442695020e+00, v63;
	v61 =	vsel vm15, v2, v52;
	v63 =	vsel vm14, v4, v52  }
0xea: {  	vm11 =	vgt.f32 v52, v11;
	v9 =	vsel vm10, v62, v9;
	v0 =	vsel vm6, v61, v0  }
0xeb: {  	v2 =	vsel vm15, v63, v2;
	v61 =	vsel vm7, v6, v52;
	v63 =	vsel vm8, v8, v52  }
0xec: {  	vm9 =	vgt.f32 v52, v13;
	vm10 =	vgt.f32 v52, v10;
	(erf) = vpow2.f32 v60  }
0xed: {  	v60 =	vnsel vm14, $0xD, v5;
	v4 =	vsel vm14, v61, v4;
	v6 =	vsel vm7, v63, v6  }
0xee: {  	v61 =	vsel vm10, v10, v52;
	v63 =	vsel vm9, v13, v52;
	v59 =	vnsel vm9, $0xD, v55  }
0xef: {  	vm13 =	vgt.f32 v51, v2;
	v8 =	vsel vm8, v61, v8;
	v10 =	vsel vm10, v63, v10  }
0xf0: {  	v53 =	vsel vm10, v59, v54;
	v61 =	vnsel vm11, $0xD, v12;
	v63 =	vsub.f32 v50, v14;
	v62 =	vpop (erf)  }
0xf1: {  	vm12 =	vgt.f32 v51, v4;
	v12 =	vsel vm11, $0xD, v12;
	v15 =	vadd.f32 v15, v62  }
0xf2: {  	v62 =	vnsel vm15, $0xD, v3;
	v3 =	vsel vm15, v60, v3;
	v60 =	vnsel vm8, $0xD, v9  }
0xf3: {  	vm15 =	vgt.f32 v51, v6;
	v1 =	vsel vm6, v62, v1;
	v62 =	vnsel vm7, $0xD, v7  }
0xf4: {  	v7 =	vsel vm7, v60, v7;
	v60 =	vsel vm11, v11, v52;
	v11 =	vsel vm11, v52, v11  }
0xf5: {  	vm6 =	vgt.f32 v51, v8;
	v57 =	vsel vm15, v6, v51;
	v5 =	vsel vm14, v62, v5  }
0xf6: {  	v62 =	vnsel vm10, $0xD, v54;
	v13 =	vsel vm9, v60, v13;
	v54 =	vsel vm9, v61, v55  }
0xf7: {  	vm14 =	vgt.f32 v51, v0;
	v60 =	vmul.f32 $1.442695020e+00, v63;
	v61 =	vsel vm13, v2, v51  }
0xf8: {  	v63 =	vsel vm12, v4, v51;
	v4 =	vsel vm12, v57, v4;
	v58 =	vnsel vm15, $0xE, v7  }
0xf9: {  	v59 =	vsel vm6, v8, v51;
	vm9 =	vgt.f32 v51, v11;
	v9 =	vsel vm8, v62, v9  }
0xfa: {  	v0 =	vsel vm14, v61, v0;
	v2 =	vsel vm13, v63, v2;
	v56 =	vnsel vm12, $0xE, v5  }
0xfb: {  	v5 =	vsel vm12, v58, v5;
	v6 =	vsel vm15, v59, v6;
	vm7 =	vgt.f32 v51, v13  }
0xfc: {  	vm8 =	vgt.f32 v51, v10;
	v57 =	vsel vm9, v11, v51;
	v58 =	vnsel vm9, $0xE, v12  }
0xfd: {  	v11 =	vsel vm9, v51, v11;
	vm10 =	vgt.f32 v50, v4;
	v12 =	vsel vm9, $0xE, v12  }
0xfe: {  	(erf) = vpow2.f32 v60;
	v60 =	vnsel vm6, $0xE, v9;
	v61 =	vsel vm8, v10, v51  }
0xff: {  	v63 =	vsel vm7, v13, v51;
	v13 =	vsel vm7, v57, v13;
	vm11 =	vgt.f32 v50, v2  }
0x100: {  	vm12 =	vgt.f32 v50, v0;
	v7 =	vsel vm15, v60, v7;
	v8 =	vsel vm6, v61, v8  }
0x101: {  	v62 =	vpop (erf);
	v10 =	vsel vm8, v63, v10;
	v60 =	vsub.f32 v49, v14;
	vm15 =	vgt.f32 v50, v13  }
0x102: {  	v15 =	vadd.f32 v15, v62;
	v62 =	vnsel vm13, $0xE, v3;
	v3 =	vsel vm13, v56, v3  }
0x103: {  	v56 =	vnsel vm7, $0xE, v54;
	vm13 =	vgt.f32 v50, v6;
	v1 =	vsel vm14, v62, v1  }
0x104: {  	v62 =	vnsel vm8, $0xE, v53;
	v52 =	vsel vm8, v56, v53;
	v53 =	vsel vm7, v58, v54  }
0x105: {  	v61 =	vmul.f32 $1.442695020e+00, v60;
	v63 =	vnsel vm11, $0xF, v3;
	v60 =	vsel vm10, v4, v50  }
0x106: {  	vm14 =	vgt.f32 v50, v8;
	vm7 =	vgt.f32 v50, v11;
	v9 =	vsel vm6, v62, v9  }
0x107: {  	v62 =	vsel vm11, v2, v50;
	v1 =	vsel vm12, v63, v1;
	v2 =	vsel vm11, v60, v2  }
0x108: {  	v63 =	vnsel vm13, $0xF, v7;
	v57 =	vsel vm14, v8, v50;
	vm6 =	vgt.f32 v50, v10  }
0x109: {  	v0 =	vsel vm12, v62, v0;
	(erf) = vpow2.f32 v61;
	v61 =	vnsel vm10, $0xF, v5  }
0x10a: {  	v62 =	vsel vm13, v6, v50;
	v5 =	vsel vm10, v63, v5;
	v6 =	vsel vm13, v57, v6  }
0x10b: {  	v58 =	vnsel vm14, $0xF, v9;
	v60 =	vnsel vm6, $0xF, v52;
	v63 =	vsel vm7, v11, v50  }
0x10c: {  	v57 =	vnsel vm7, $0xF, v12;
	v11 =	vsel vm7, v50, v11;
	vm9 =	vgt.f32 v49, v2  }
0x10d: {  	v12 =	vsel vm7, $0xF, v12;
	v3 =	vsel vm11, v61, v3;
	v4 =	vsel vm10, v62, v4  }
0x10e: {  	v7 =	vsel vm13, v58, v7;
	v61 =	vsel vm15, v13, v50;
	v9 =	vsel vm14, v60, v9  }
0x10f: {  	v62 =	vnsel vm15, $0xF, v53;
	v13 =	vsel vm15, v63, v13;
	vm10 =	vgt.f32 v49, v0  }
0x110: {  	vm11 =	vgt.f32 v49, v6;
	v51 =	vsel vm6, v62, v52;
	v52 =	vsel vm15, v57, v53  }
0x111: {  	vm8 =	vgt.f32 v49, v4;
	v62 =	vnsel vm9, $0x10, v3;
	v57 =	vsel vm11, v6, v49  }
0x112: {  	vm13 =	vgt.f32 v49, v13;
	vm15 =	vgt.f32 v49, v11;
	v63 =	vsel vm8, v4, v49  }
0x113: {  	v1 =	vsel vm10, v62, v1;
	v56 =	vnsel vm8, $0x10, v5;
	v4 =	vsel vm8, v57, v4  }
0x114: {  	v55 =	vnsel vm13, $0x10, v52;
	v57 =	vnsel vm15, $0x10, v12;
	v12 =	vsel vm15, $0x10, v12  }
0x115: {  	v59 =	vpop (erf);
	v3 =	vsel vm9, v56, v3;
	v56 =	vsel vm15, v11, v49;
	v11 =	vsel vm15, v49, v11  }
0x116: {  	v15 =	vadd.f32 v15, v59;
	v59 =	vsel vm6, v10, v50;
	v10 =	vsel vm6, v61, v10  }
0x117: {  	v61 =	vsel vm9, v2, v49;
	v2 =	vsel vm9, v63, v2;
	v63 =	vsel vm13, v13, v49  }
0x118: {  	v13 =	vsel vm13, v56, v13;
	vm6 =	vgt.f32 v48, v4;
	v8 =	vsel vm14, v59, v8  }
0x119: {  	v59 =	vsub.f32 v48, v14;
	v0 =	vsel vm10, v61, v0;
	vm14 =	vgt.f32 v49, v10  }
0x11a: {  	vm7 =	vgt.f32 v48, v2;
	vm12 =	vgt.f32 v49, v8;
	v61 =	vsel vm14, v10, v49  }
0x11b: {  	v62 =	vnsel vm14, $0x10, v51;
	v10 =	vsel vm14, v63, v10;
	v50 =	vsel vm14, v55, v51  }
0x11c: {  	v51 =	vsel vm13, v57, v52;
	v63 =	vsel vm6, v4, v48;
	vm13 =	vgt.f32 v48, v11  }
0x11d: {  	v60 =	vmul.f32 $1.442695020e+00, v59;
	v59 =	vsel vm12, v8, v49;
	v8 =	vsel vm12, v61, v8  }
0x11e: {  	v61 =	vsel vm7, v2, v48;
	v2 =	vsel vm7, v63, v2;
	v6 =	vsel vm11, v59, v6  }
0x11f: {  	v58 =	vpop (erf);
	v59 =	vsub.f32 v47, v14;
	vm10 =	vgt.f32 v48, v8;
	vm15 =	vgt.f32 v47, v2  }
0x120: {  	v15 =	vadd.f32 v15, v58;
	(erf) = vpow2.f32 v60;
	v58 =	vnsel vm11, $0x10, v7  }
0x121: {  	v60 =	vnsel vm12, $0x10, v9;
	v9 =	vsel vm12, v62, v9;
	v62 =	vnsel vm7, $0x11, v3  }
0x122: {  	vm9 =	vgt.f32 v48, v6;
	vm12 =	vgt.f32 v48, v10;
	v5 =	vsel vm8, v58, v5  }
0x123: {  	v7 =	vsel vm11, v60, v7;
	vm8 =	vgt.f32 v48, v0;
	v60 =	vmul.f32 $1.442695020e+00, v59  }
0x124: {  	v57 =	vsel vm9, v6, v48;
	v59 =	vsel vm10, v8, v48;
	vm11 =	vgt.f32 v48, v13  }
0x125: {  	v0 =	vsel vm8, v61, v0;
	v1 =	vsel vm8, v62, v1;
	v56 =	vnsel vm6, $0x11, v5  }
0x126: {  	v4 =	vsel vm6, v57, v4;
	v6 =	vsel vm9, v59, v6;
	v61 =	vsel vm12, v10, v48  }
0x127: {  	v62 =	vnsel vm12, $0x11, v50;
	v63 =	vsel vm11, v13, v48;
	v55 =	vnsel vm11, $0x11, v51  }
0x128: {  	v57 =	vnsel vm13, $0x11, v12;
	v59 =	vsub.f32 v46, v14;
	v12 =	vsel vm13, $0x11, v12  }
0x129: {  	(erf) = vpow2.f32 v60;
	v3 =	vsel vm7, v56, v3;
	v60 =	vnsel vm10, $0x11, v9  }
0x12a: {  	v8 =	vsel vm10, v61, v8;
	v9 =	vsel vm10, v62, v9;
	v10 =	vsel vm12, v63, v10  }
0x12b: {  	v49 =	vsel vm12, v55, v50;
	v56 =	vsel vm13, v11, v48;
	v50 =	vsel vm11, v57, v51  }
0x12c: {  	v11 =	vsel vm13, v48, v11;
	vm14 =	vgt.f32 v47, v4;
	v61 =	vsel vm15, v2, v47  }
0x12d: {  	vm7 =	vgt.f32 v47, v6;
	v55 =	vsub.f32 v44, v14;
	v13 =	vsel vm11, v56, v13  }
0x12e: {  	v62 =	vnsel vm15, $0x12, v3;
	v63 =	vsel vm14, v4, v47;
	vm8 =	vgt.f32 v47, v8  }
0x12f: {  	v57 =	vsel vm7, v6, v47;
	vm10 =	vgt.f32 v47, v10;
	vm11 =	vgt.f32 v47, v11  }
0x130: {  	v2 =	vsel vm15, v63, v2;
	v4 =	vsel vm14, v57, v4;
	v57 =	vsel vm11, v11, v47  }
0x131: {  	v11 =	vsel vm11, v47, v11;
	vm12 =	vgt.f32 v46, v4;
	vm13 =	vgt.f32 v46, v2;
	v58 =	vpop (erf)  }
0x132: {  	v15 =	vadd.f32 v15, v58;
	v58 =	vnsel vm9, $0x11, v7;
	v7 =	vsel vm9, v60, v7  }
0x133: {  	v60 =	vmul.f32 $1.442695020e+00, v59;
	v59 =	vsel vm8, v8, v47;
	vm9 =	vgt.f32 v47, v13  }
0x134: {  	v5 =	vsel vm6, v58, v5;
	vm6 =	vgt.f32 v47, v0;
	v6 =	vsel vm7, v59, v6  }
0x135: {  	v63 =	vsel vm9, v13, v47;
	v13 =	vsel vm9, v57, v13;
	v0 =	vsel vm6, v61, v0  }
0x136: {  	v1 =	vsel vm6, v62, v1;
	(erf) = vpow2.f32 v60;
	v56 =	vnsel vm14, $0x12, v5  }
0x137: {  	v60 =	vnsel vm8, $0x12, v9;
	v61 =	vsel vm10, v10, v47;
	v62 =	vnsel vm10, $0x12, v49  }
0x138: {  	v10 =	vsel vm10, v63, v10;
	v3 =	vsel vm15, v56, v3;
	v8 =	vsel vm8, v61, v8  }
0x139: {  	v58 =	vpop (erf);
	v9 =	vsel vm8, v62, v9;
	v56 =	vnsel vm9, $0x12, v50;
	v62 =	vsel vm13, v2, v46  }
0x13a: {  	vm15 =	vgt.f32 v46, v6;
	vm8 =	vgt.f32 v46, v10;
	v15 =	vadd.f32 v15, v58  }
0x13b: {  	v58 =	vnsel vm7, $0x12, v7;
	v7 =	vsel vm7, v60, v7;
	v48 =	vsel vm10, v56, v49  }
0x13c: {  	v60 =	vsub.f32 v45, v14;
	v63 =	vnsel vm13, $0x13, v3;
	v56 =	vsel vm12, v4, v46  }
0x13d: {  	vm10 =	vgt.f32 v46, v13;
	v5 =	vsel vm14, v58, v5;
	v58 =	vnsel vm11, $0x12, v12  }
0x13e: {  	vm14 =	vgt.f32 v46, v0;
	v2 =	vsel vm13, v56, v2;
	v12 =	vsel vm11, $0x12, v12  }
0x13f: {  	vm11 =	vgt.f32 v46, v11;
	v49 =	vsel vm9, v58, v50;
	v61 =	vmul.f32 $1.442695020e+00, v60  }
0x140: {  	v0 =	vsel vm14, v62, v0;
	v1 =	vsel vm14, v63, v1;
	v57 =	vnsel vm12, $0x13, v5  }
0x141: {  	v58 =	vsel vm15, v6, v46;
	vm9 =	vgt.f32 v46, v8;
	v62 =	vsel vm8, v10, v46  }
0x142: {  	v63 =	vnsel vm8, $0x13, v48;
	v50 =	vsel vm10, v13, v46;
	v52 =	vsel vm11, v11, v46  }
0x143: {  	v53 =	vnsel vm11, $0x13, v12;
	v11 =	vsel vm11, v46, v11;
	v12 =	vsel vm11, $0x13, v12  }
0x144: {  	v3 =	vsel vm13, v57, v3;
	v4 =	vsel vm12, v58, v4;
	v60 =	vsel vm9, v8, v46  }
0x145: {  	v8 =	vsel vm9, v62, v8;
	v10 =	vsel vm8, v50, v10;
	v51 =	vnsel vm10, $0x13, v49  }
0x146: {  	v13 =	vsel vm10, v52, v13;
	vm0 =	vgt.f32 v45, v11;
	v46 =	vmul.f32 $1.442695020e+00, v55  }
0x147: {  	vm11 =	vgt.f32 v45, v0;
	(erf) = vpow2.f32 v61;
	v61 =	vnsel vm9, $0x13, v9  }
0x148: {  	v6 =	vsel vm15, v60, v6;
	v9 =	vsel vm9, v63, v9;
	v47 =	vsel vm8, v51, v48  }
0x149: {  	v48 =	vsel vm10, v53, v49;
	vm13 =	vgt.f32 v45, v10;
	vm14 =	vgt.f32 v45, v8  }
0x14a: {  	vm9 =	vgt.f32 v45, v4;
	vm10 =	vgt.f32 v45, v2;
	v55 =	vsel vm0, v11, v45  }
0x14b: {  	v11 =	vsel vm0, v45, v11;
	v56 =	vsel vm10, v2, v45;
	(erf) = vpow2.f32 v46  }
0x14c: {  	v57 =	vnsel vm10, $0x14, v3;
	v58 =	vsel vm9, v4, v45;
	v62 =	vsel vm14, v8, v45  }
0x14d: {  	v63 =	vnsel vm14, $0x14, v9;
	v51 =	vsel vm13, v10, v45;
	v52 =	vnsel vm13, $0x14, v47  }
0x14e: {  	v0 =	vsel vm11, v56, v0;
	v1 =	vsel vm11, v57, v1;
	v2 =	vsel vm10, v58, v2  }
0x14f: {  	v8 =	vsel vm14, v51, v8;
	v9 =	vsel vm14, v52, v9;
	v56 =	vnsel vm0, $0x14, v12  }
0x150: {  	v12 =	vsel vm0, $0x14, v12;
	v58 =	vsub.f32 v43, v14;
	vm0 =	vgt.f32 v44, v11;
	v59 =	vpop (erf)  }
0x151: {  	vm14 =	vgt.f32 v44, v8;
	vm11 =	vgt.f32 v44, v0;
	v15 =	vadd.f32 v15, v59  }
0x152: {  	v59 =	vnsel vm15, $0x13, v7;
	v7 =	vsel vm15, v61, v7;
	vm15 =	vgt.f32 v45, v6  }
0x153: {  	v52 =	vsel vm14, v8, v44;
	v5 =	vsel vm12, v59, v5;
	vm12 =	vgt.f32 v45, v13  }
0x154: {  	v60 =	vsel vm15, v6, v45;
	v61 =	vnsel vm15, $0x14, v7;
	v6 =	vsel vm15, v62, v6  }
0x155: {  	v7 =	vsel vm15, v63, v7;
	v59 =	vnsel vm9, $0x14, v5;
	v4 =	vsel vm9, v60, v4  }
0x156: {  	v5 =	vsel vm9, v61, v5;
	v53 =	vsel vm12, v13, v45;
	v13 =	vsel vm12, v55, v13  }
0x157: {  	vm15 =	vgt.f32 v44, v6;
	v45 =	vmul.f32 $1.442695020e+00, v58;
	v58 =	vsel vm0, v11, v44  }
0x158: {  	v11 =	vsel vm0, v44, v11;
	v3 =	vsel vm10, v59, v3;
	v10 =	vsel vm13, v53, v10  }
0x159: {  	vm9 =	vgt.f32 v44, v4;
	vm10 =	vgt.f32 v44, v2;
	v63 =	vsel vm15, v6, v44  }
0x15a: {  	v51 =	vnsel vm15, $0x15, v7;
	v53 =	vnsel vm14, $0x15, v9;
	v6 =	vsel vm15, v52, v6  }
0x15b: {  	v59 =	vsel vm10, v2, v44;
	(erf) = vpow2.f32 v45;
	v60 =	vnsel vm10, $0x15, v3  }
0x15c: {  	v61 =	vsel vm9, v4, v44;
	v62 =	vnsel vm9, $0x15, v5;
	v4 =	vsel vm9, v63, v4  }
0x15d: {  	v5 =	vsel vm9, v51, v5;
	v7 =	vsel vm15, v53, v7;
	vm15 =	vgt.f32 v43, v6  }
0x15e: {  	v0 =	vsel vm11, v59, v0;
	v1 =	vsel vm11, v60, v1;
	v2 =	vsel vm10, v61, v2  }
0x15f: {  	v3 =	vsel vm10, v62, v3;
	v59 =	vnsel vm0, $0x15, v12;
	v12 =	vsel vm0, $0x15, v12  }
0x160: {  	v54 =	vpop (erf);
	v61 =	vsub.f32 v42, v14;
	vm0 =	vgt.f32 v43, v11;
	vm9 =	vgt.f32 v43, v4  }
0x161: {  	v50 =	vsel vm15, v6, v43;
	v51 =	vnsel vm15, $0x16, v7;
	v15 =	vadd.f32 v15, v54  }
0x162: {  	v54 =	vnsel vm12, $0x14, v48;
	vm10 =	vgt.f32 v43, v2;
	vm11 =	vgt.f32 v43, v0  }
0x163: {  	v49 =	vnsel vm9, $0x16, v5;
	v5 =	vsel vm9, v51, v5;
	v46 =	vsel vm13, v54, v47  }
0x164: {  	v47 =	vsel vm12, v56, v48;
	vm12 =	vgt.f32 v44, v13;
	vm13 =	vgt.f32 v44, v10  }
0x165: {  	v57 =	vpop (erf);
	v62 =	vsel vm10, v2, v43;
	v63 =	vnsel vm10, $0x16, v3;
	v48 =	vsel vm9, v4, v43  }
0x166: {  	v3 =	vsel vm10, v49, v3;
	v4 =	vsel vm9, v50, v4;
	v15 =	vadd.f32 v15, v57  }
0x167: {  	v54 =	vsel vm13, v10, v44;
	v55 =	vnsel vm13, $0x15, v46;
	v56 =	vsel vm12, v13, v44  }
0x168: {  	v57 =	vnsel vm12, $0x15, v47;
	v13 =	vsel vm12, v58, v13;
	v44 =	vmul.f32 $1.442695020e+00, v61  }
0x169: {  	v0 =	vsel vm11, v62, v0;
	v1 =	vsel vm11, v63, v1;
	v2 =	vsel vm10, v48, v2  }
0x16a: {  	v58 =	vsel vm0, v11, v43;
	v11 =	vsel vm0, v43, v11;
	v62 =	vsub.f32 v41, v14  }
0x16b: {  	vm9 =	vgt.f32 v42, v4;
	v8 =	vsel vm14, v54, v8;
	v9 =	vsel vm14, v55, v9  }
0x16c: {  	v10 =	vsel vm13, v56, v10;
	v45 =	vsel vm13, v57, v46;
	v46 =	vsel vm12, v59, v47  }
0x16d: {  	vm12 =	vgt.f32 v43, v13;
	v59 =	vnsel vm0, $0x16, v12;
	v12 =	vsel vm0, $0x16, v12  }
0x16e: {  	vm0 =	vgt.f32 v42, v11;
	vm10 =	vgt.f32 v42, v2;
	vm11 =	vgt.f32 v42, v0  }
0x16f: {  	v48 =	vsel vm9, v4, v42;
	v49 =	vnsel vm9, $0x17, v5;
	vm13 =	vgt.f32 v43, v10  }
0x170: {  	vm14 =	vgt.f32 v43, v8;
	(erf) = vpow2.f32 v44;
	v56 =	vsel vm12, v13, v43  }
0x171: {  	v57 =	vnsel vm12, $0x16, v46;
	v13 =	vsel vm12, v58, v13;
	v63 =	vsel vm10, v2, v42  }
0x172: {  	v47 =	vnsel vm10, $0x17, v3;
	v2 =	vsel vm10, v48, v2;
	v3 =	vsel vm10, v49, v3  }
0x173: {  	v58 =	vsel vm0, v11, v42;
	v11 =	vsel vm0, v42, v11;
	v52 =	vsel vm14, v8, v43  }
0x174: {  	v53 =	vnsel vm14, $0x16, v9;
	v54 =	vsel vm13, v10, v43;
	v55 =	vnsel vm13, $0x16, v45  }
0x175: {  	v10 =	vsel vm13, v56, v10;
	v44 =	vsel vm13, v57, v45;
	v43 =	vmul.f32 $1.442695020e+00, v62  }
0x176: {  	v0 =	vsel vm11, v63, v0;
	v1 =	vsel vm11, v47, v1;
	v62 =	vsub.f32 v40, v14  }
0x177: {  	vm10 =	vgt.f32 v41, v2;
	v6 =	vsel vm15, v52, v6;
	v7 =	vsel vm15, v53, v7  }
0x178: {  	v8 =	vsel vm14, v54, v8;
	v9 =	vsel vm14, v55, v9;
	vm13 =	vgt.f32 v42, v10  }
0x179: {  	vm11 =	vgt.f32 v41, v0;
	v63 =	vsel vm10, v2, v41;
	v47 =	vnsel vm10, $0x18, v3  }
0x17a: {  	vm14 =	vgt.f32 v42, v8;
	vm15 =	vgt.f32 v42, v6;
	(erf) = vpow2.f32 v43  }
0x17b: {  	v60 =	vpop (erf);
	v54 =	vsel vm13, v10, v42;
	v55 =	vnsel vm13, $0x17, v44;
	v0 =	vsel vm11, v63, v0  }
0x17c: {  	v1 =	vsel vm11, v47, v1;
	v15 =	vadd.f32 v15, v60;
	v60 =	vsel vm12, v59, v46  }
0x17d: {  	vm12 =	vgt.f32 v42, v13;
	v50 =	vsel vm15, v6, v42;
	v51 =	vnsel vm15, $0x17, v7  }
0x17e: {  	v52 =	vsel vm14, v8, v42;
	v53 =	vnsel vm14, $0x17, v9;
	v8 =	vsel vm14, v54, v8  }
0x17f: {  	v9 =	vsel vm14, v55, v9;
	v59 =	vnsel vm0, $0x17, v12;
	v12 =	vsel vm0, $0x17, v12  }
0x180: {  	vm0 =	vgt.f32 v41, v11;
	vm11 =	vgt.f32 v40, v0;
	v4 =	vsel vm9, v50, v4  }
0x181: {  	v5 =	vsel vm9, v51, v5;
	v6 =	vsel vm15, v52, v6;
	v7 =	vsel vm15, v53, v7  }
0x182: {  	v56 =	vsel vm12, v13, v42;
	v57 =	vnsel vm12, $0x17, v60;
	v13 =	vsel vm12, v58, v13  }
0x183: {  	v60 =	vsel vm12, v59, v60;
	vm14 =	vgt.f32 v41, v8;
	v42 =	vmul.f32 $1.442695020e+00, v62  }
0x184: {  	v58 =	vsel vm0, v11, v41;
	v59 =	vnsel vm0, $0x18, v12;
	v11 =	vsel vm0, v41, v11  }
0x185: {  	v12 =	vsel vm0, $0x18, v12;
	v62 =	vsub.f32 v39, v14;
	v10 =	vsel vm13, v56, v10  }
0x186: {  	v43 =	vsel vm13, v57, v44;
	vm12 =	vgt.f32 v41, v13;
	vm15 =	vgt.f32 v41, v6  }
0x187: {  	vm9 =	vgt.f32 v41, v4;
	v52 =	vsel vm14, v8, v41;
	v53 =	vnsel vm14, $0x18, v9  }
0x188: {  	vm0 =	vgt.f32 v40, v11;
	vm13 =	vgt.f32 v41, v10;
	(erf) = vpow2.f32 v42  }
0x189: {  	v48 =	vsel vm9, v4, v41;
	v49 =	vnsel vm9, $0x18, v5;
	v50 =	vsel vm15, v6, v41  }
0x18a: {  	v51 =	vnsel vm15, $0x18, v7;
	v6 =	vsel vm15, v52, v6;
	v7 =	vsel vm15, v53, v7  }
0x18b: {  	v56 =	vsel vm12, v13, v41;
	v57 =	vnsel vm12, $0x18, v60;
	v13 =	vsel vm12, v58, v13  }
0x18c: {  	v60 =	vsel vm12, v59, v60;
	v58 =	vnsel vm0, $0x19, v12;
	v12 =	vsel vm0, $0x19, v12  }
0x18d: {  	v2 =	vsel vm10, v48, v2;
	v3 =	vsel vm10, v49, v3;
	v4 =	vsel vm9, v50, v4  }
0x18e: {  	v5 =	vsel vm9, v51, v5;
	v54 =	vsel vm13, v10, v41;
	v55 =	vnsel vm13, $0x18, v43  }
0x18f: {  	v10 =	vsel vm13, v56, v10;
	v42 =	vsel vm13, v57, v43;
	vm12 =	vgt.f32 v40, v13  }
0x190: {  	vm15 =	vgt.f32 v40, v6;
	v41 =	vmul.f32 $1.442695020e+00, v62;
	v57 =	vsel vm0, v11, v40  }
0x191: {  	v11 =	vsel vm0, v40, v11;
	v8 =	vsel vm14, v54, v8;
	v9 =	vsel vm14, v55, v9  }
0x192: {  	vm13 =	vgt.f32 v40, v10;
	vm9 =	vgt.f32 v40, v4;
	vm10 =	vgt.f32 v40, v2  }
0x193: {  	v49 =	vsel vm15, v6, v40;
	v50 =	vnsel vm15, $0x19, v7;
	v55 =	vsel vm12, v13, v40  }
0x194: {  	v61 =	vpop (erf);
	v56 =	vnsel vm12, $0x19, v60;
	v13 =	vsel vm12, v57, v13;
	v59 =	vsel vm12, v58, v60  }
0x195: {  	vm0 =	vgt.f32 v39, v11;
	v58 =	vsub.f32 v37, v14;
	v15 =	vadd.f32 v15, v61  }
0x196: {  	vm14 =	vgt.f32 v40, v8;
	v63 =	vsel vm10, v2, v40;
	(erf) = vpow2.f32 v41  }
0x197: {  	v46 =	vnsel vm10, $0x19, v3;
	v47 =	vsel vm9, v4, v40;
	v48 =	vnsel vm9, $0x19, v5  }
0x198: {  	v4 =	vsel vm9, v49, v4;
	v5 =	vsel vm9, v50, v5;
	v53 =	vsel vm13, v10, v40  }
0x199: {  	v54 =	vnsel vm13, $0x19, v42;
	v10 =	vsel vm13, v55, v10;
	v41 =	vsel vm13, v56, v42  }
0x19a: {  	vm12 =	vgt.f32 v39, v13;
	v55 =	vnsel vm0, $0x1A, v12;
	v12 =	vsel vm0, $0x1A, v12  }
0x19b: {  	v0 =	vsel vm11, v63, v0;
	v1 =	vsel vm11, v46, v1;
	v2 =	vsel vm10, v47, v2  }
0x19c: {  	v3 =	vsel vm10, v48, v3;
	v51 =	vsel vm14, v8, v40;
	v52 =	vnsel vm14, $0x19, v9  }
0x19d: {  	v8 =	vsel vm14, v53, v8;
	v9 =	vsel vm14, v54, v9;
	vm13 =	vgt.f32 v39, v10  }
0x19e: {  	vm9 =	vgt.f32 v39, v4;
	v53 =	vnsel vm12, $0x1A, v59;
	v54 =	vsel vm0, v11, v39  }
0x19f: {  	v56 =	vsel vm12, v55, v59;
	v11 =	vsel vm0, v39, v11;
	v55 =	vsub.f32 v36, v14  }
0x1a0: {  	v6 =	vsel vm15, v51, v6;
	v7 =	vsel vm15, v52, v7;
	vm14 =	vgt.f32 v39, v8  }
0x1a1: {  	vm10 =	vgt.f32 v39, v2;
	vm11 =	vgt.f32 v39, v0;
	v44 =	vsel vm9, v4, v39  }
0x1a2: {  	v45 =	vnsel vm9, $0x1A, v5;
	v50 =	vsel vm13, v10, v39;
	v51 =	vnsel vm13, $0x1A, v41  }
0x1a3: {  	v61 =	vpop (erf);
	v52 =	vsel vm12, v13, v39;
	v13 =	vsel vm12, v54, v13;
	vm0 =	vgt.f32 v38, v11  }
0x1a4: {  	v15 =	vadd.f32 v15, v61;
	vm15 =	vgt.f32 v39, v6;
	v62 =	vsel vm10, v2, v39  }
0x1a5: {  	v63 =	vnsel vm10, $0x1A, v3;
	v2 =	vsel vm10, v44, v2;
	v3 =	vsel vm10, v45, v3  }
0x1a6: {  	v48 =	vsel vm14, v8, v39;
	v49 =	vnsel vm14, $0x1A, v9;
	v8 =	vsel vm14, v50, v8  }
0x1a7: {  	v9 =	vsel vm14, v51, v9;
	v10 =	vsel vm13, v52, v10;
	vm12 =	vgt.f32 v38, v13  }
0x1a8: {  	v51 =	vsel vm0, v11, v38;
	v52 =	vnsel vm0, $0x1B, v12;
	v11 =	vsel vm0, v38, v11  }
0x1a9: {  	v12 =	vsel vm0, $0x1B, v12;
	v0 =	vsel vm11, v62, v0;
	v1 =	vsel vm11, v63, v1  }
0x1aa: {  	v46 =	vsel vm15, v6, v39;
	v47 =	vnsel vm15, $0x1A, v7;
	v6 =	vsel vm15, v48, v6  }
0x1ab: {  	v7 =	vsel vm15, v49, v7;
	vm14 =	vgt.f32 v38, v8;
	v39 =	vmul.f32 $1.442695020e+00, v58  }
0x1ac: {  	vm10 =	vgt.f32 v38, v2;
	v49 =	vsel vm12, v13, v38;
	v50 =	vnsel vm12, $0x1B, v56  }
0x1ad: {  	v13 =	vsel vm12, v51, v13;
	vm0 =	vgt.f32 v37, v11;
	v4 =	vsel vm9, v46, v4  }
0x1ae: {  	v5 =	vsel vm9, v47, v5;
	vm15 =	vgt.f32 v38, v6;
	vm11 =	vgt.f32 v38, v0  }
0x1af: {  	v59 =	vsel vm10, v2, v38;
	v45 =	vsel vm14, v8, v38;
	v46 =	vnsel vm14, $0x1B, v9  }
0x1b0: {  	v61 =	vpop (erf);
	vm9 =	vgt.f32 v38, v4;
	v0 =	vsel vm11, v59, v0;
	v63 =	vsel vm15, v6, v38  }
0x1b1: {  	v44 =	vnsel vm15, $0x1B, v7;
	v15 =	vadd.f32 v15, v61;
	v61 =	vsub.f32 v38, v14  }
0x1b2: {  	v6 =	vsel vm15, v45, v6;
	v7 =	vsel vm15, v46, v7;
	v62 =	vnsel vm9, $0x1B, v5  }
0x1b3: {  	v5 =	vsel vm9, v44, v5;
	vm15 =	vgt.f32 v37, v6;
	v60 =	vpop (erf);
	v40 =	vmul.f32 $1.442695020e+00, v61  }
0x1b4: {  	v61 =	vsel vm9, v4, v38;
	v4 =	vsel vm9, v63, v4;
	v15 =	vadd.f32 v15, v60  }
0x1b5: {  	v60 =	vnsel vm10, $0x1B, v3;
	v2 =	vsel vm10, v61, v2;
	v3 =	vsel vm10, v62, v3  }
0x1b6: {  	vm9 =	vgt.f32 v37, v4;
	v61 =	vnsel vm15, $0x1C, v7;
	(erf) = vpow2.f32 v40  }
0x1b7: {  	v40 =	vsel vm13, v53, v41;
	vm13 =	vgt.f32 v38, v10;
	v1 =	vsel vm11, v60, v1  }
0x1b8: {  	v53 =	vsel vm12, v52, v56;
	vm12 =	vgt.f32 v37, v13;
	vm10 =	vgt.f32 v37, v2  }
0x1b9: {  	vm11 =	vgt.f32 v37, v0;
	v58 =	vsel vm9, v4, v37;
	v59 =	vnsel vm9, $0x1C, v5  }
0x1ba: {  	v60 =	vsel vm15, v6, v37;
	v5 =	vsel vm9, v61, v5;
	v52 =	vsub.f32 v35, v14  }
0x1bb: {  	(erf) = vpow2.f32 v39;
	v47 =	vsel vm13, v10, v38;
	v48 =	vnsel vm13, $0x1B, v40  }
0x1bc: {  	v10 =	vsel vm13, v49, v10;
	v39 =	vsel vm13, v50, v40;
	v38 =	vmul.f32 $1.442695020e+00, v55  }
0x1bd: {  	v56 =	vsel vm10, v2, v37;
	v2 =	vsel vm10, v58, v2;
	v4 =	vsel vm9, v60, v4  }
0x1be: {  	v46 =	vsel vm12, v13, v37;
	v49 =	vnsel vm0, $0x1C, v12;
	v12 =	vsel vm0, $0x1C, v12  }
0x1bf: {  	v8 =	vsel vm14, v47, v8;
	v9 =	vsel vm14, v48, v9;
	vm13 =	vgt.f32 v37, v10  }
0x1c0: {  	v0 =	vsel vm11, v56, v0;
	v47 =	vnsel vm12, $0x1C, v53;
	v48 =	vsel vm0, v11, v37  }
0x1c1: {  	v50 =	vsel vm12, v49, v53;
	v11 =	vsel vm0, v37, v11;
	vm9 =	vgt.f32 v36, v4  }
0x1c2: {  	vm14 =	vgt.f32 v37, v8;
	(erf) = vpow2.f32 v38;
	v44 =	vsel vm13, v10, v37  }
0x1c3: {  	v45 =	vnsel vm13, $0x1C, v39;
	v10 =	vsel vm13, v46, v10;
	v38 =	vsel vm13, v47, v39  }
0x1c4: {  	v13 =	vsel vm12, v48, v13;
	vm0 =	vgt.f32 v36, v11;
	v55 =	vsel vm9, v4, v36  }
0x1c5: {  	v56 =	vnsel vm9, $0x1D, v5;
	v48 =	vsub.f32 v34, v14;
	v39 =	vsub.f32 v33, v14  }
0x1c6: {  	v62 =	vsel vm14, v8, v37;
	v63 =	vnsel vm14, $0x1C, v9;
	v8 =	vsel vm14, v44, v8  }
0x1c7: {  	v9 =	vsel vm14, v45, v9;
	vm12 =	vgt.f32 v36, v13;
	vm13 =	vgt.f32 v36, v10  }
0x1c8: {  	v37 =	vmul.f32 $1.442695020e+00, v52;
	v44 =	vsel vm0, v11, v36;
	v45 =	vnsel vm0, $0x1D, v12  }
0x1c9: {  	v11 =	vsel vm0, v36, v11;
	v12 =	vsel vm0, $0x1D, v12;
	v6 =	vsel vm15, v62, v6  }
0x1ca: {  	v7 =	vsel vm15, v63, v7;
	vm14 =	vgt.f32 v36, v8;
	v61 =	vsel vm13, v10, v36  }
0x1cb: {  	v62 =	vnsel vm13, $0x1D, v38;
	v63 =	vsel vm12, v13, v36;
	v43 =	vnsel vm12, $0x1D, v50  }
0x1cc: {  	v13 =	vsel vm12, v44, v13;
	v46 =	vsel vm12, v45, v50;
	vm0 =	vgt.f32 v35, v11  }
0x1cd: {  	vm15 =	vgt.f32 v36, v6;
	(erf) = vpow2.f32 v37;
	v60 =	vnsel vm14, $0x1D, v9  }
0x1ce: {  	v9 =	vsel vm14, v62, v9;
	v10 =	vsel vm13, v63, v10;
	v37 =	vsel vm13, v43, v38  }
0x1cf: {  	vm12 =	vgt.f32 v35, v13;
	v62 =	vnsel vm0, $0x1E, v12;
	v12 =	vsel vm0, $0x1E, v12  }
0x1d0: {  	v58 =	vnsel vm15, $0x1D, v7;
	v7 =	vsel vm15, v60, v7;
	vm13 =	vgt.f32 v35, v10  }
0x1d1: {  	v60 =	vnsel vm12, $0x1E, v46;
	v63 =	vsel vm12, v62, v46;
	v5 =	vsel vm9, v58, v5;
	v57 =	vpop (erf)  }
0x1d2: {  	v58 =	vnsel vm13, $0x1E, v37;
	v15 =	vadd.f32 v15, v57;
	v57 =	vnsel vm10, $0x1C, v3  }
0x1d3: {  	v3 =	vsel vm10, v59, v3;
	vm10 =	vgt.f32 v36, v2;
	v59 =	vsel vm14, v8, v36  }
0x1d4: {  	v8 =	vsel vm14, v61, v8;
	v61 =	vsel vm0, v11, v35;
	v11 =	vsel vm0, v35, v11  }
0x1d5: {  	v1 =	vsel vm11, v57, v1;
	vm11 =	vgt.f32 v36, v0;
	v53 =	vsel vm10, v2, v36  }
0x1d6: {  	v2 =	vsel vm10, v55, v2;
	v57 =	vsel vm15, v6, v36;
	v6 =	vsel vm15, v59, v6  }
0x1d7: {  	v54 =	vpop (erf);
	vm14 =	vgt.f32 v35, v8;
	v36 =	vmul.f32 $1.442695020e+00, v48;
	v59 =	vsel vm12, v13, v35  }
0x1d8: {  	v13 =	vsel vm12, v61, v13;
	vm0 =	vgt.f32 v34, v11;
	v15 =	vadd.f32 v15, v54  }
0x1d9: {  	v54 =	vnsel vm10, $0x1D, v3;
	v0 =	vsel vm11, v53, v0;
	v3 =	vsel vm10, v56, v3  }
0x1da: {  	v4 =	vsel vm9, v57, v4;
	vm15 =	vgt.f32 v35, v6;
	vm10 =	vgt.f32 v35, v2  }
0x1db: {  	v55 =	vsel vm14, v8, v35;
	v56 =	vnsel vm14, $0x1E, v9;
	v57 =	vsel vm13, v10, v35  }
0x1dc: {  	v9 =	vsel vm14, v58, v9;
	v10 =	vsel vm13, v59, v10;
	vm12 =	vgt.f32 v34, v13  }
0x1dd: {  	v1 =	vsel vm11, v54, v1;
	vm9 =	vgt.f32 v35, v4;
	vm11 =	vgt.f32 v35, v0  }
0x1de: {  	v49 =	vsel vm10, v2, v35;
	(erf) = vpow2.f32 v36;
	v50 =	vnsel vm10, $0x1E, v3  }
0x1df: {  	v53 =	vsel vm15, v6, v35;
	v54 =	vnsel vm15, $0x1E, v7;
	v6 =	vsel vm15, v55, v6  }
0x1e0: {  	v51 =	vpop (erf);
	v7 =	vsel vm15, v56, v7;
	v8 =	vsel vm14, v57, v8;
	v36 =	vsel vm13, v60, v37  }
0x1e1: {  	vm13 =	vgt.f32 v34, v10;
	v56 =	vsub.f32 v32, v14;
	v15 =	vadd.f32 v15, v51  }
0x1e2: {  	v0 =	vsel vm11, v49, v0;
	v1 =	vsel vm11, v50, v1;
	v51 =	vsel vm9, v4, v35  }
0x1e3: {  	v52 =	vnsel vm9, $0x1E, v5;
	v4 =	vsel vm9, v53, v4;
	v5 =	vsel vm9, v54, v5  }
0x1e4: {  	vm14 =	vgt.f32 v34, v8;
	vm15 =	vgt.f32 v34, v6;
	v35 =	vmul.f32 $1.442695020e+00, v39  }
0x1e5: {  	v48 =	vsel vm13, v10, v34;
	v49 =	vnsel vm13, $0x1F, v36;
	v50 =	vsel vm12, v13, v34  }
0x1e6: {  	v53 =	vnsel vm0, $0x1F, v12;
	v12 =	vsel vm0, $0x1F, v12;
	v2 =	vsel vm10, v51, v2  }
0x1e7: {  	v3 =	vsel vm10, v52, v3;
	vm9 =	vgt.f32 v34, v4;
	vm11 =	vgt.f32 v34, v0  }
0x1e8: {  	v44 =	vsel vm15, v6, v34;
	v45 =	vnsel vm15, $0x1F, v7;
	v46 =	vsel vm14, v8, v34  }
0x1e9: {  	v8 =	vsel vm14, v48, v8;
	v10 =	vsel vm13, v50, v10;
	v51 =	vnsel vm12, $0x1F, v63  }
0x1ea: {  	v47 =	vpop (erf);
	v52 =	vsel vm0, v11, v34;
	v54 =	vsel vm12, v53, v63;
	v11 =	vsel vm0, v34, v11  }
0x1eb: {  	v15 =	vadd.f32 v15, v47;
	vm10 =	vgt.f32 v34, v2;
	(erf) = vpow2.f32 v35  }
0x1ec: {  	v42 =	vsel vm9, v4, v34;
	v43 =	vnsel vm9, $0x1F, v5;
	v4 =	vsel vm9, v44, v4  }
0x1ed: {  	v5 =	vsel vm9, v45, v5;
	v47 =	vnsel vm14, $0x1F, v9;
	v6 =	vsel vm15, v46, v6  }
0x1ee: {  	v9 =	vsel vm14, v49, v9;
	v35 =	vsel vm13, v51, v36;
	v13 =	vsel vm12, v52, v13  }
0x1ef: {  	vm0 =	vgt.f32 v33, v11;
	vm13 =	vgt.f32 v33, v10;
	vm14 =	vgt.f32 v33, v8  }
0x1f0: {  	v49 =	vsub.f32 v31, v14;
	v40 =	vsel vm10, v2, v34;
	v41 =	vnsel vm10, $0x1F, v3  }
0x1f1: {  	v2 =	vsel vm10, v42, v2;
	v3 =	vsel vm10, v43, v3;
	v7 =	vsel vm15, v47, v7  }
0x1f2: {  	vm12 =	vgt.f32 v33, v13;
	vm15 =	vgt.f32 v33, v6;
	v34 =	vmul.f32 $1.442695020e+00, v56  }
0x1f3: {  	vm9 =	vgt.f32 v33, v4;
	v63 =	vsel vm14, v8, v33;
	v42 =	vnsel vm13, $0x20, v35  }
0x1f4: {  	v45 =	vsel vm0, v11, v33;
	v46 =	vnsel vm0, $0x20, v12;
	v11 =	vsel vm0, v33, v11  }
0x1f5: {  	v12 =	vsel vm0, $0x20, v12;
	v0 =	vsel vm11, v40, v0;
	v1 =	vsel vm11, v41, v1  }
0x1f6: {  	vm10 =	vgt.f32 v33, v2;
	v59 =	vsel vm9, v4, v33;
	v60 =	vnsel vm9, $0x20, v5  }
0x1f7: {  	v61 =	vsel vm15, v6, v33;
	v62 =	vnsel vm15, $0x20, v7;
	v40 =	vnsel vm14, $0x20, v9  }
0x1f8: {  	v6 =	vsel vm15, v63, v6;
	v41 =	vsel vm13, v10, v33;
	v43 =	vsel vm12, v13, v33  }
0x1f9: {  	v9 =	vsel vm14, v42, v9;
	v44 =	vnsel vm12, $0x20, v54;
	v13 =	vsel vm12, v45, v13  }
0x1fa: {  	v47 =	vsel vm12, v46, v54;
	vm0 =	vgt.f32 v32, v11;
	v42 =	vsub.f32 v30, v14  }
0x1fb: {  	vm11 =	vgt.f32 v33, v0;
	v57 =	vsel vm10, v2, v33;
	(erf) = vpow2.f32 v34  }
0x1fc: {  	v58 =	vnsel vm10, $0x20, v3;
	v2 =	vsel vm10, v59, v2;
	v3 =	vsel vm10, v60, v3  }
0x1fd: {  	v4 =	vsel vm9, v61, v4;
	v5 =	vsel vm9, v62, v5;
	v7 =	vsel vm15, v40, v7  }
0x1fe: {  	v8 =	vsel vm14, v41, v8;
	v10 =	vsel vm13, v43, v10;
	v34 =	vsel vm13, v44, v35  }
0x1ff: {  	vm12 =	vgt.f32 v32, v13;
	vm15 =	vgt.f32 v32, v6;
	v33 =	vmul.f32 $1.442695020e+00, v49  }
0x200: {  	v62 =	vsel vm0, v11, v32;
	v63 =	vnsel vm0, $0x21, v12;
	v11 =	vsel vm0, v32, v11  }
0x201: {  	v12 =	vsel vm0, $0x21, v12;
	v0 =	vsel vm11, v57, v0;
	v1 =	vsel vm11, v58, v1  }
0x202: {  	vm13 =	vgt.f32 v32, v10;
	vm14 =	vgt.f32 v32, v8;
	vm9 =	vgt.f32 v32, v4  }
0x203: {  	vm10 =	vgt.f32 v32, v2;
	v54 =	vsel vm15, v6, v32;
	v60 =	vsel vm12, v13, v32  }
0x204: {  	v61 =	vnsel vm12, $0x21, v47;
	v13 =	vsel vm12, v62, v13;
	v40 =	vsel vm12, v63, v47  }
0x205: {  	vm0 =	vgt.f32 v31, v11;
	vm11 =	vgt.f32 v32, v0;
	v50 =	vsel vm10, v2, v32  }
0x206: {  	(erf) = vpow2.f32 v33;
	v51 =	vnsel vm10, $0x21, v3;
	v52 =	vsel vm9, v4, v32  }
0x207: {  	v53 =	vnsel vm9, $0x21, v5;
	v4 =	vsel vm9, v54, v4;
	v56 =	vsel vm14, v8, v32  }
0x208: {  	v57 =	vnsel vm14, $0x21, v9;
	v58 =	vsel vm13, v10, v32;
	v59 =	vnsel vm13, $0x21, v34  }
0x209: {  	v10 =	vsel vm13, v60, v10;
	v33 =	vsel vm13, v61, v34;
	vm12 =	vgt.f32 v31, v13  }
0x20a: {  	v32 =	vmul.f32 $1.442695020e+00, v42;
	v0 =	vsel vm11, v50, v0;
	v1 =	vsel vm11, v51, v1  }
0x20b: {  	v2 =	vsel vm10, v52, v2;
	v3 =	vsel vm10, v53, v3;
	v6 =	vsel vm15, v56, v6  }
0x20c: {  	v8 =	vsel vm14, v58, v8;
	v9 =	vsel vm14, v59, v9;
	vm13 =	vgt.f32 v31, v10  }
0x20d: {  	v38 =	vpop (erf);
	v53 =	vsel vm12, v13, v31;
	v54 =	vnsel vm12, $0x22, v40;
	v56 =	vnsel vm0, $0x22, v12  }
0x20e: {  	v12 =	vsel vm0, $0x22, v12;
	v59 =	vsub.f32 v29, v14;
	v15 =	vadd.f32 v15, v38  }
0x20f: {  	vm14 =	vgt.f32 v31, v8;
	vm10 =	vgt.f32 v31, v2;
	vm11 =	vgt.f32 v31, v0  }
0x210: {  	(erf) = vpow2.f32 v32;
	v51 =	vsel vm13, v10, v31;
	v52 =	vnsel vm13, $0x22, v33  }
0x211: {  	v10 =	vsel vm13, v53, v10;
	v32 =	vsel vm13, v54, v33;
	v43 =	vsel vm10, v2, v31  }
0x212: {  	v44 =	vnsel vm10, $0x22, v3;
	v49 =	vsel vm14, v8, v31;
	v50 =	vnsel vm14, $0x22, v9  }
0x213: {  	v8 =	vsel vm14, v51, v8;
	v9 =	vsel vm14, v52, v9;
	vm13 =	vgt.f32 v30, v10  }
0x214: {  	v55 =	vpop (erf);
	v0 =	vsel vm11, v43, v0;
	v1 =	vsel vm11, v44, v1;
	vm14 =	vgt.f32 v30, v8  }
0x215: {  	v15 =	vadd.f32 v15, v55;
	v55 =	vnsel vm15, $0x21, v7;
	v7 =	vsel vm15, v57, v7  }
0x216: {  	vm15 =	vgt.f32 v31, v6;
	v57 =	vsel vm12, v56, v40;
	vm11 =	vgt.f32 v30, v0  }
0x217: {  	v38 =	vsel vm14, v8, v30;
	v39 =	vnsel vm14, $0x23, v9;
	v40 =	vsel vm13, v10, v30  }
0x218: {  	v5 =	vsel vm9, v55, v5;
	vm9 =	vgt.f32 v31, v4;
	v47 =	vsel vm15, v6, v31  }
0x219: {  	v6 =	vsel vm15, v49, v6;
	v55 =	vsel vm0, v11, v31;
	v11 =	vsel vm0, v31, v11  }
0x21a: {  	v8 =	vsel vm14, v40, v8;
	v45 =	vsel vm9, v4, v31;
	v46 =	vnsel vm9, $0x22, v5  }
0x21b: {  	v48 =	vpop (erf);
	v4 =	vsel vm9, v47, v4;
	v13 =	vsel vm12, v55, v13;
	vm0 =	vgt.f32 v30, v11  }
0x21c: {  	v31 =	vmul.f32 $1.442695020e+00, v59;
	v15 =	vadd.f32 v15, v48;
	v2 =	vsel vm10, v45, v2  }
0x21d: {  	v3 =	vsel vm10, v46, v3;
	v48 =	vnsel vm15, $0x22, v7;
	v7 =	vsel vm15, v50, v7  }
0x21e: {  	vm12 =	vgt.f32 v30, v13;
	vm15 =	vgt.f32 v30, v6;
	v44 =	vsel vm0, v11, v30  }
0x21f: {  	v45 =	vnsel vm0, $0x23, v12;
	v11 =	vsel vm0, v30, v11;
	v12 =	vsel vm0, $0x23, v12  }
0x220: {  	v5 =	vsel vm9, v48, v5;
	vm9 =	vgt.f32 v30, v4;
	vm10 =	vgt.f32 v30, v2  }
0x221: {  	(erf) = vpow2.f32 v31;
	v36 =	vsel vm15, v6, v30;
	v37 =	vnsel vm15, $0x23, v7  }
0x222: {  	v6 =	vsel vm15, v38, v6;
	v7 =	vsel vm15, v39, v7;
	v42 =	vsel vm12, v13, v30  }
0x223: {  	v41 =	vpop (erf);
	v43 =	vnsel vm12, $0x23, v57;
	v13 =	vsel vm12, v44, v13;
	v46 =	vsel vm12, v45, v57  }
0x224: {  	v48 =	vsub.f32 v28, v14;
	vm0 =	vgt.f32 v29, v11;
	v15 =	vadd.f32 v15, v41  }
0x225: {  	v60 =	vsel vm10, v2, v30;
	v61 =	vnsel vm10, $0x23, v3;
	v62 =	vsel vm9, v4, v30  }
0x226: {  	v63 =	vnsel vm9, $0x23, v5;
	v4 =	vsel vm9, v36, v4;
	v5 =	vsel vm9, v37, v5  }
0x227: {  	v41 =	vnsel vm13, $0x23, v32;
	v10 =	vsel vm13, v42, v10;
	v31 =	vsel vm13, v43, v32  }
0x228: {  	vm12 =	vgt.f32 v29, v13;
	vm15 =	vgt.f32 v29, v6;
	v36 =	vsub.f32 v27, v14  }
0x229: {  	v0 =	vsel vm11, v60, v0;
	v1 =	vsel vm11, v61, v1;
	v2 =	vsel vm10, v62, v2  }
0x22a: {  	v3 =	vsel vm10, v63, v3;
	v9 =	vsel vm14, v41, v9;
	vm13 =	vgt.f32 v29, v10  }
0x22b: {  	vm14 =	vgt.f32 v29, v8;
	v30 =	vmul.f32 $1.442695020e+00, v48;
	vm9 =	vgt.f32 v29, v4  }
0x22c: {  	v53 =	vsel vm15, v6, v29;
	v54 =	vnsel vm15, $0x24, v7;
	v59 =	vsel vm12, v13, v29  }
0x22d: {  	v58 =	vpop (erf);
	v60 =	vnsel vm12, $0x24, v46;
	v61 =	vsel vm0, v11, v29;
	v62 =	vnsel vm0, $0x24, v12  }
0x22e: {  	v11 =	vsel vm0, v29, v11;
	v12 =	vsel vm0, $0x24, v12;
	v15 =	vadd.f32 v15, v58  }
0x22f: {  	vm10 =	vgt.f32 v29, v2;
	vm11 =	vgt.f32 v29, v0;
	v51 =	vsel vm9, v4, v29  }
0x230: {  	v52 =	vnsel vm9, $0x24, v5;
	v4 =	vsel vm9, v53, v4;
	v5 =	vsel vm9, v54, v5  }
0x231: {  	v55 =	vsel vm14, v8, v29;
	v56 =	vnsel vm14, $0x24, v9;
	v57 =	vsel vm13, v10, v29  }
0x232: {  	v58 =	vnsel vm13, $0x24, v31;
	v10 =	vsel vm13, v59, v10;
	v13 =	vsel vm12, v61, v13  }
0x233: {  	v63 =	vsel vm12, v62, v46;
	vm0 =	vgt.f32 v28, v11;
	v53 =	vsub.f32 v26, v14  }
0x234: {  	v49 =	vsel vm10, v2, v29;
	(erf) = vpow2.f32 v30;
	v50 =	vnsel vm10, $0x24, v3  }
0x235: {  	v2 =	vsel vm10, v51, v2;
	v3 =	vsel vm10, v52, v3;
	v6 =	vsel vm15, v55, v6  }
0x236: {  	v7 =	vsel vm15, v56, v7;
	v8 =	vsel vm14, v57, v8;
	v9 =	vsel vm14, v58, v9  }
0x237: {  	v30 =	vsel vm13, v60, v31;
	vm12 =	vgt.f32 v28, v13;
	vm13 =	vgt.f32 v28, v10  }
0x238: {  	v29 =	vmul.f32 $1.442695020e+00, v36;
	vm9 =	vgt.f32 v28, v4;
	v0 =	vsel vm11, v49, v0  }
0x239: {  	v1 =	vsel vm11, v50, v1;
	vm14 =	vgt.f32 v28, v8;
	vm15 =	vgt.f32 v28, v6  }
0x23a: {  	vm10 =	vgt.f32 v28, v2;
	v39 =	vsel vm9, v4, v28;
	v40 =	vnsel vm9, $0x25, v5  }
0x23b: {  	v45 =	vsel vm13, v10, v28;
	v46 =	vnsel vm13, $0x25, v30;
	v48 =	vnsel vm12, $0x25, v63  }
0x23c: {  	v49 =	vsel vm0, v11, v28;
	v50 =	vnsel vm0, $0x25, v12;
	v11 =	vsel vm0, v28, v11  }
0x23d: {  	v12 =	vsel vm0, $0x25, v12;
	vm11 =	vgt.f32 v28, v0;
	v37 =	vsel vm10, v2, v28  }
0x23e: {  	(erf) = vpow2.f32 v29;
	v38 =	vnsel vm10, $0x25, v3;
	v2 =	vsel vm10, v39, v2  }
0x23f: {  	v41 =	vsel vm15, v6, v28;
	v3 =	vsel vm10, v40, v3;
	v42 =	vnsel vm15, $0x25, v7  }
0x240: {  	v43 =	vsel vm14, v8, v28;
	v44 =	vnsel vm14, $0x25, v9;
	v8 =	vsel vm14, v45, v8  }
0x241: {  	v9 =	vsel vm14, v46, v9;
	v29 =	vsel vm13, v48, v30;
	v51 =	vsel vm12, v50, v63  }
0x242: {  	vm0 =	vgt.f32 v27, v11;
	v39 =	vsub.f32 v25, v14;
	v0 =	vsel vm11, v37, v0  }
0x243: {  	v1 =	vsel vm11, v38, v1;
	v4 =	vsel vm9, v41, v4;
	v5 =	vsel vm9, v42, v5  }
0x244: {  	v6 =	vsel vm15, v43, v6;
	v7 =	vsel vm15, v44, v7;
	vm14 =	vgt.f32 v27, v8  }
0x245: {  	vm10 =	vgt.f32 v27, v2;
	v36 =	vnsel vm0, $0x26, v12;
	v12 =	vsel vm0, $0x26, v12  }
0x246: {  	vm15 =	vgt.f32 v27, v6;
	vm9 =	vgt.f32 v27, v4;
	vm11 =	vgt.f32 v27, v0  }
0x247: {  	v54 =	vsel vm10, v2, v27;
	v55 =	vnsel vm10, $0x26, v3;
	v60 =	vsel vm14, v8, v27  }
0x248: {  	v61 =	vnsel vm14, $0x26, v9;
	v0 =	vsel vm11, v54, v0;
	v1 =	vsel vm11, v55, v1  }
0x249: {  	v56 =	vsel vm9, v4, v27;
	v57 =	vnsel vm9, $0x26, v5;
	v58 =	vsel vm15, v6, v27  }
0x24a: {  	v47 =	vpop (erf);
	v59 =	vnsel vm15, $0x26, v7;
	v6 =	vsel vm15, v60, v6;
	v7 =	vsel vm15, v61, v7  }
0x24b: {  	v15 =	vadd.f32 v15, v47;
	v47 =	vsel vm12, v13, v28;
	v13 =	vsel vm12, v49, v13  }
0x24c: {  	v28 =	vmul.f32 $1.442695020e+00, v53;
	v2 =	vsel vm10, v56, v2;
	v3 =	vsel vm10, v57, v3  }
0x24d: {  	v4 =	vsel vm9, v58, v4;
	v5 =	vsel vm9, v59, v5;
	vm15 =	vgt.f32 v26, v6  }
0x24e: {  	vm11 =	vgt.f32 v26, v0;
	v56 =	vsub.f32 v24, v14;
	v10 =	vsel vm13, v47, v10  }
0x24f: {  	vm12 =	vgt.f32 v27, v13;
	vm9 =	vgt.f32 v26, v4;
	vm10 =	vgt.f32 v26, v2  }
0x250: {  	v44 =	vsel vm15, v6, v26;
	v45 =	vnsel vm15, $0x27, v7;
	vm13 =	vgt.f32 v27, v10  }
0x251: {  	(erf) = vpow2.f32 v28;
	v33 =	vsel vm12, v13, v27;
	v34 =	vnsel vm12, $0x26, v51  }
0x252: {  	v37 =	vsel vm12, v36, v51;
	v40 =	vsel vm10, v2, v26;
	v41 =	vnsel vm10, $0x27, v3  }
0x253: {  	v42 =	vsel vm9, v4, v26;
	v43 =	vnsel vm9, $0x27, v5;
	v4 =	vsel vm9, v44, v4  }
0x254: {  	v5 =	vsel vm9, v45, v5;
	v62 =	vsel vm13, v10, v27;
	v63 =	vnsel vm13, $0x26, v29  }
0x255: {  	v10 =	vsel vm13, v33, v10;
	v28 =	vsel vm13, v34, v29;
	v0 =	vsel vm11, v40, v0  }
0x256: {  	v35 =	vpop (erf);
	v1 =	vsel vm11, v41, v1;
	v2 =	vsel vm10, v42, v2;
	v3 =	vsel vm10, v43, v3  }
0x257: {  	vm9 =	vgt.f32 v25, v4;
	v41 =	vsub.f32 v23, v14;
	v15 =	vadd.f32 v15, v35  }
0x258: {  	v8 =	vsel vm14, v62, v8;
	v9 =	vsel vm14, v63, v9;
	v35 =	vsel vm0, v11, v27  }
0x259: {  	v11 =	vsel vm0, v27, v11;
	vm13 =	vgt.f32 v26, v10;
	v27 =	vmul.f32 $1.442695020e+00, v39  }
0x25a: {  	vm10 =	vgt.f32 v25, v2;
	vm11 =	vgt.f32 v25, v0;
	v59 =	vsel vm9, v4, v25  }
0x25b: {  	v60 =	vnsel vm9, $0x28, v5;
	v13 =	vsel vm12, v35, v13;
	vm0 =	vgt.f32 v26, v11  }
0x25c: {  	vm14 =	vgt.f32 v26, v8;
	v48 =	vsel vm13, v10, v26;
	v49 =	vnsel vm13, $0x27, v28  }
0x25d: {  	v52 =	vpop (erf);
	v57 =	vsel vm10, v2, v25;
	v58 =	vnsel vm10, $0x28, v3;
	v2 =	vsel vm10, v59, v2  }
0x25e: {  	v3 =	vsel vm10, v60, v3;
	v15 =	vadd.f32 v15, v52;
	vm12 =	vgt.f32 v26, v13  }
0x25f: {  	(erf) = vpow2.f32 v27;
	v46 =	vsel vm14, v8, v26;
	v47 =	vnsel vm14, $0x27, v9  }
0x260: {  	v8 =	vsel vm14, v48, v8;
	v9 =	vsel vm14, v49, v9;
	v52 =	vsel vm0, v11, v26  }
0x261: {  	v53 =	vnsel vm0, $0x27, v12;
	v11 =	vsel vm0, v26, v11;
	v12 =	vsel vm0, $0x27, v12  }
0x262: {  	v0 =	vsel vm11, v57, v0;
	v1 =	vsel vm11, v58, v1;
	vm10 =	vgt.f32 v24, v2  }
0x263: {  	v58 =	vsub.f32 v22, v14;
	v6 =	vsel vm15, v46, v6;
	v7 =	vsel vm15, v47, v7  }
0x264: {  	v50 =	vsel vm12, v13, v26;
	v51 =	vnsel vm12, $0x27, v37;
	v13 =	vsel vm12, v52, v13  }
0x265: {  	v54 =	vsel vm12, v53, v37;
	vm0 =	vgt.f32 v25, v11;
	vm14 =	vgt.f32 v25, v8  }
0x266: {  	v26 =	vmul.f32 $1.442695020e+00, v56;
	vm11 =	vgt.f32 v24, v0;
	v42 =	vsel vm10, v2, v24  }
0x267: {  	v43 =	vnsel vm10, $0x29, v3;
	v10 =	vsel vm13, v50, v10;
	v27 =	vsel vm13, v51, v28  }
0x268: {  	vm12 =	vgt.f32 v25, v13;
	vm15 =	vgt.f32 v25, v6;
	v63 =	vsel vm14, v8, v25  }
0x269: {  	v32 =	vnsel vm14, $0x28, v9;
	v37 =	vsel vm0, v11, v25;
	v11 =	vsel vm0, v25, v11  }
0x26a: {  	v0 =	vsel vm11, v42, v0;
	v1 =	vsel vm11, v43, v1;
	vm13 =	vgt.f32 v25, v10  }
0x26b: {  	(erf) = vpow2.f32 v26;
	v61 =	vsel vm15, v6, v25;
	v62 =	vnsel vm15, $0x28, v7  }
0x26c: {  	v6 =	vsel vm15, v63, v6;
	v7 =	vsel vm15, v32, v7;
	v35 =	vsel vm12, v13, v25  }
0x26d: {  	v36 =	vnsel vm12, $0x28, v54;
	v13 =	vsel vm12, v37, v13;
	vm11 =	vgt.f32 v23, v0  }
0x26e: {  	v4 =	vsel vm9, v61, v4;
	v5 =	vsel vm9, v62, v5;
	v33 =	vsel vm13, v10, v25  }
0x26f: {  	v34 =	vnsel vm13, $0x28, v27;
	v10 =	vsel vm13, v35, v10;
	v26 =	vsel vm13, v36, v27  }
0x270: {  	vm15 =	vgt.f32 v24, v6;
	v25 =	vmul.f32 $1.442695020e+00, v41;
	v41 =	vsub.f32 v21, v14  }
0x271: {  	v8 =	vsel vm14, v33, v8;
	v9 =	vsel vm14, v34, v9;
	vm13 =	vgt.f32 v24, v10  }
0x272: {  	v38 =	vpop (erf);
	vm9 =	vgt.f32 v24, v4;
	v46 =	vsel vm15, v6, v24;
	v47 =	vnsel vm15, $0x29, v7  }
0x273: {  	v15 =	vadd.f32 v15, v38;
	v38 =	vnsel vm0, $0x28, v12;
	v12 =	vsel vm0, $0x28, v12  }
0x274: {  	vm0 =	vgt.f32 v24, v11;
	vm14 =	vgt.f32 v24, v8;
	(erf) = vpow2.f32 v25  }
0x275: {  	v44 =	vsel vm9, v4, v24;
	v45 =	vnsel vm9, $0x29, v5;
	v4 =	vsel vm9, v46, v4  }
0x276: {  	v5 =	vsel vm9, v47, v5;
	v50 =	vsel vm13, v10, v24;
	v51 =	vnsel vm13, $0x29, v26  }
0x277: {  	v39 =	vsel vm12, v38, v54;
	vm12 =	vgt.f32 v24, v13;
	v2 =	vsel vm10, v44, v2  }
0x278: {  	v3 =	vsel vm10, v45, v3;
	v48 =	vsel vm14, v8, v24;
	v49 =	vnsel vm14, $0x29, v9  }
0x279: {  	v8 =	vsel vm14, v50, v8;
	v9 =	vsel vm14, v51, v9;
	v54 =	vsel vm0, v11, v24  }
0x27a: {  	v11 =	vsel vm0, v24, v11;
	vm9 =	vgt.f32 v23, v4;
	v6 =	vsel vm15, v48, v6  }
0x27b: {  	v7 =	vsel vm15, v49, v7;
	v52 =	vsel vm12, v13, v24;
	v53 =	vnsel vm12, $0x29, v39  }
0x27c: {  	v13 =	vsel vm12, v54, v13;
	vm14 =	vgt.f32 v23, v8;
	v24 =	vmul.f32 $1.442695020e+00, v58  }
0x27d: {  	vm10 =	vgt.f32 v23, v2;
	v61 =	vsel vm9, v4, v23;
	v62 =	vnsel vm9, $0x2A, v5  }
0x27e: {  	v58 =	vsub.f32 v20, v14;
	v10 =	vsel vm13, v52, v10;
	v25 =	vsel vm13, v53, v26  }
0x27f: {  	vm15 =	vgt.f32 v23, v6;
	v59 =	vsel vm10, v2, v23;
	v60 =	vnsel vm10, $0x2A, v3  }
0x280: {  	v55 =	vpop (erf);
	v2 =	vsel vm10, v61, v2;
	v3 =	vsel vm10, v62, v3;
	v31 =	vsel vm14, v8, v23  }
0x281: {  	v32 =	vnsel vm14, $0x2A, v9;
	v15 =	vadd.f32 v15, v55;
	v55 =	vnsel vm0, $0x29, v12  }
0x282: {  	v12 =	vsel vm0, $0x29, v12;
	vm0 =	vgt.f32 v23, v11;
	vm13 =	vgt.f32 v23, v10  }
0x283: {  	(erf) = vpow2.f32 v24;
	v0 =	vsel vm11, v59, v0;
	v1 =	vsel vm11, v60, v1  }
0x284: {  	v63 =	vsel vm15, v6, v23;
	v30 =	vnsel vm15, $0x2A, v7;
	v6 =	vsel vm15, v31, v6  }
0x285: {  	v7 =	vsel vm15, v32, v7;
	vm10 =	vgt.f32 v22, v2;
	v56 =	vsel vm12, v55, v39  }
0x286: {  	vm12 =	vgt.f32 v23, v13;
	v4 =	vsel vm9, v63, v4;
	v5 =	vsel vm9, v30, v5  }
0x287: {  	v33 =	vsel vm13, v10, v23;
	v34 =	vnsel vm13, $0x2A, v25;
	v37 =	vsel vm0, v11, v23  }
0x288: {  	v38 =	vnsel vm0, $0x2A, v12;
	v11 =	vsel vm0, v23, v11;
	v12 =	vsel vm0, $0x2A, v12  }
0x289: {  	vm15 =	vgt.f32 v22, v6;
	vm11 =	vgt.f32 v22, v0;
	v42 =	vsel vm10, v2, v22  }
0x28a: {  	v43 =	vnsel vm10, $0x2B, v3;
	v8 =	vsel vm14, v33, v8;
	v35 =	vsel vm12, v13, v23  }
0x28b: {  	v9 =	vsel vm14, v34, v9;
	v36 =	vnsel vm12, $0x2A, v56;
	v13 =	vsel vm12, v37, v13  }
0x28c: {  	v39 =	vsel vm12, v38, v56;
	vm0 =	vgt.f32 v22, v11;
	v23 =	vmul.f32 $1.442695020e+00, v41  }
0x28d: {  	vm9 =	vgt.f32 v22, v4;
	v0 =	vsel vm11, v42, v0;
	v1 =	vsel vm11, v43, v1  }
0x28e: {  	v40 =	vpop (erf);
	v46 =	vsel vm15, v6, v22;
	v47 =	vnsel vm15, $0x2B, v7;
	v38 =	vsub.f32 v19, v14  }
0x28f: {  	v15 =	vadd.f32 v15, v40;
	v10 =	vsel vm13, v35, v10;
	v24 =	vsel vm13, v36, v25  }
0x290: {  	vm12 =	vgt.f32 v22, v13;
	vm14 =	vgt.f32 v22, v8;
	v44 =	vsel vm9, v4, v22  }
0x291: {  	v45 =	vnsel vm9, $0x2B, v5;
	v4 =	vsel vm9, v46, v4;
	v5 =	vsel vm9, v47, v5  }
0x292: {  	v54 =	vsel vm0, v11, v22;
	v55 =	vnsel vm0, $0x2B, v12;
	v11 =	vsel vm0, v22, v11  }
0x293: {  	v12 =	vsel vm0, $0x2B, v12;
	vm11 =	vgt.f32 v21, v0;
	vm13 =	vgt.f32 v22, v10  }
0x294: {  	(erf) = vpow2.f32 v23;
	v2 =	vsel vm10, v44, v2;
	v3 =	vsel vm10, v45, v3  }
0x295: {  	v48 =	vsel vm14, v8, v22;
	v49 =	vnsel vm14, $0x2B, v9;
	v52 =	vsel vm12, v13, v22  }
0x296: {  	v53 =	vnsel vm12, $0x2B, v39;
	v13 =	vsel vm12, v54, v13;
	v56 =	vsel vm12, v55, v39  }
0x297: {  	vm0 =	vgt.f32 v21, v11;
	vm9 =	vgt.f32 v21, v4;
	v55 =	vsub.f32 v18, v14  }
0x298: {  	v6 =	vsel vm15, v48, v6;
	v7 =	vsel vm15, v49, v7;
	v50 =	vsel vm13, v10, v22  }
0x299: {  	v51 =	vnsel vm13, $0x2B, v24;
	v10 =	vsel vm13, v52, v10;
	v23 =	vsel vm13, v53, v24  }
0x29a: {  	vm12 =	vgt.f32 v21, v13;
	v22 =	vmul.f32 $1.442695020e+00, v58;
	vm10 =	vgt.f32 v21, v2  }
0x29b: {  	v61 =	vsel vm9, v4, v21;
	v62 =	vnsel vm9, $0x2C, v5;
	v34 =	vsel vm0, v11, v21  }
0x29c: {  	v57 =	vpop (erf);
	v35 =	vnsel vm0, $0x2C, v12;
	v11 =	vsel vm0, v21, v11;
	v12 =	vsel vm0, $0x2C, v12  }
0x29d: {  	v15 =	vadd.f32 v15, v57;
	v8 =	vsel vm14, v50, v8;
	v9 =	vsel vm14, v51, v9  }
0x29e: {  	vm13 =	vgt.f32 v21, v10;
	vm15 =	vgt.f32 v21, v6;
	v59 =	vsel vm10, v2, v21  }
0x29f: {  	v60 =	vnsel vm10, $0x2C, v3;
	v2 =	vsel vm10, v61, v2;
	v3 =	vsel vm10, v62, v3  }
0x2a0: {  	v32 =	vsel vm12, v13, v21;
	v33 =	vnsel vm12, $0x2C, v56;
	v13 =	vsel vm12, v34, v13  }
0x2a1: {  	v36 =	vsel vm12, v35, v56;
	vm0 =	vgt.f32 v20, v11;
	vm14 =	vgt.f32 v21, v8  }
0x2a2: {  	(erf) = vpow2.f32 v22;
	v0 =	vsel vm11, v59, v0;
	v1 =	vsel vm11, v60, v1  }
0x2a3: {  	v63 =	vsel vm15, v6, v21;
	v27 =	vnsel vm15, $0x2C, v7;
	v30 =	vsel vm13, v10, v21  }
0x2a4: {  	v31 =	vnsel vm13, $0x2C, v23;
	v10 =	vsel vm13, v32, v10;
	v22 =	vsel vm13, v33, v23  }
0x2a5: {  	vm12 =	vgt.f32 v20, v13;
	vm10 =	vgt.f32 v20, v2;
	v51 =	vsel vm0, v11, v20  }
0x2a6: {  	v52 =	vnsel vm0, $0x2D, v12;
	v11 =	vsel vm0, v20, v11;
	v12 =	vsel vm0, $0x2D, v12  }
0x2a7: {  	v32 =	vsub.f32 v17, v14;
	v4 =	vsel vm9, v63, v4;
	v5 =	vsel vm9, v27, v5  }
0x2a8: {  	v28 =	vsel vm14, v8, v21;
	v29 =	vnsel vm14, $0x2C, v9;
	v8 =	vsel vm14, v30, v8  }
0x2a9: {  	v9 =	vsel vm14, v31, v9;
	vm13 =	vgt.f32 v20, v10;
	v21 =	vmul.f32 $1.442695020e+00, v38  }
0x2aa: {  	vm11 =	vgt.f32 v20, v0;
	v39 =	vsel vm10, v2, v20;
	v49 =	vsel vm12, v13, v20  }
0x2ab: {  	v50 =	vnsel vm12, $0x2D, v36;
	v13 =	vsel vm12, v51, v13;
	v53 =	vsel vm12, v52, v36  }
0x2ac: {  	vm0 =	vgt.f32 v19, v11;
	v6 =	vsel vm15, v28, v6;
	v7 =	vsel vm15, v29, v7  }
0x2ad: {  	vm14 =	vgt.f32 v20, v8;
	vm9 =	vgt.f32 v20, v4;
	v0 =	vsel vm11, v39, v0  }
0x2ae: {  	v47 =	vsel vm13, v10, v20;
	v48 =	vnsel vm13, $0x2D, v22;
	v10 =	vsel vm13, v49, v10  }
0x2af: {  	vm12 =	vgt.f32 v19, v13;
	v28 =	vsel vm0, v11, v19;
	v29 =	vnsel vm0, $0x2E, v12  }
0x2b0: {  	v40 =	vpop (erf);
	v11 =	vsel vm0, v19, v11;
	v12 =	vsel vm0, $0x2E, v12;
	v49 =	vsub.f32 v16, v14  }
0x2b1: {  	v15 =	vadd.f32 v15, v40;
	vm15 =	vgt.f32 v20, v6;
	(erf) = vpow2.f32 v21  }
0x2b2: {  	v40 =	vnsel vm10, $0x2D, v3;
	v41 =	vsel vm9, v4, v20;
	v42 =	vnsel vm9, $0x2D, v5  }
0x2b3: {  	v45 =	vsel vm14, v8, v20;
	v46 =	vnsel vm14, $0x2D, v9;
	v8 =	vsel vm14, v47, v8  }
0x2b4: {  	v9 =	vsel vm14, v48, v9;
	v21 =	vsel vm13, v50, v22;
	vm13 =	vgt.f32 v19, v10  }
0x2b5: {  	v26 =	vsel vm12, v13, v19;
	v27 =	vnsel vm12, $0x2E, v53;
	v13 =	vsel vm12, v28, v13  }
0x2b6: {  	v30 =	vsel vm12, v29, v53;
	vm0 =	vgt.f32 v18, v11;
	v1 =	vsel vm11, v40, v1  }
0x2b7: {  	v2 =	vsel vm10, v41, v2;
	v43 =	vsel vm15, v6, v20;
	v3 =	vsel vm10, v42, v3  }
0x2b8: {  	v44 =	vnsel vm15, $0x2D, v7;
	v6 =	vsel vm15, v45, v6;
	v7 =	vsel vm15, v46, v7  }
0x2b9: {  	vm14 =	vgt.f32 v19, v8;
	v20 =	vmul.f32 $1.442695020e+00, v55;
	vm11 =	vgt.f32 v19, v0  }
0x2ba: {  	v24 =	vsel vm13, v10, v19;
	v25 =	vnsel vm13, $0x2E, v21;
	v10 =	vsel vm13, v26, v10  }
0x2bb: {  	vm12 =	vgt.f32 v18, v13;
	v45 =	vsel vm0, v11, v18;
	v46 =	vnsel vm0, $0x2F, v12  }
0x2bc: {  	v11 =	vsel vm0, v18, v11;
	v12 =	vsel vm0, $0x2F, v12;
	v4 =	vsel vm9, v43, v4  }
0x2bd: {  	v5 =	vsel vm9, v44, v5;
	vm15 =	vgt.f32 v19, v6;
	vm10 =	vgt.f32 v19, v2  }
0x2be: {  	v62 =	vsel vm14, v8, v19;
	v63 =	vnsel vm14, $0x2E, v9;
	v8 =	vsel vm14, v24, v8  }
0x2bf: {  	v9 =	vsel vm14, v25, v9;
	v43 =	vsel vm12, v13, v18;
	v44 =	vnsel vm12, $0x2F, v30  }
0x2c0: {  	v13 =	vsel vm12, v45, v13;
	v47 =	vsel vm12, v46, v30;
	vm0 =	vgt.f32 v17, v11  }
0x2c1: {  	vm9 =	vgt.f32 v19, v4;
	v56 =	vsel vm10, v2, v19;
	(erf) = vpow2.f32 v20  }
0x2c2: {  	v60 =	vsel vm15, v6, v19;
	v61 =	vnsel vm15, $0x2E, v7;
	v6 =	vsel vm15, v62, v6  }
0x2c3: {  	v7 =	vsel vm15, v63, v7;
	v20 =	vsel vm13, v27, v21;
	vm13 =	vgt.f32 v18, v10  }
0x2c4: {  	vm14 =	vgt.f32 v18, v8;
	vm12 =	vgt.f32 v17, v13;
	v62 =	vsel vm0, v11, v17  }
0x2c5: {  	v57 =	vpop (erf);
	v63 =	vnsel vm0, $0x30, v12;
	v11 =	vsel vm0, v17, v11;
	v12 =	vsel vm0, $0x30, v12  }
0x2c6: {  	v15 =	vadd.f32 v15, v57;
	v57 =	vnsel vm10, $0x2E, v3;
	v0 =	vsel vm11, v56, v0  }
0x2c7: {  	v58 =	vsel vm9, v4, v19;
	v59 =	vnsel vm9, $0x2E, v5;
	v4 =	vsel vm9, v60, v4  }
0x2c8: {  	v5 =	vsel vm9, v61, v5;
	vm15 =	vgt.f32 v18, v6;
	v19 =	vmul.f32 $1.442695020e+00, v32  }
0x2c9: {  	v39 =	vsel vm14, v8, v18;
	v40 =	vnsel vm14, $0x2F, v9;
	v41 =	vsel vm13, v10, v18  }
0x2ca: {  	v42 =	vnsel vm13, $0x2F, v20;
	v10 =	vsel vm13, v43, v10;
	v60 =	vsel vm12, v13, v17  }
0x2cb: {  	v61 =	vnsel vm12, $0x30, v47;
	v13 =	vsel vm12, v62, v13;
	v24 =	vsel vm12, v63, v47  }
0x2cc: {  	vm0 =	vgt.f32 v16, v11;
	v1 =	vsel vm11, v57, v1;
	v2 =	vsel vm10, v58, v2  }
0x2cd: {  	v3 =	vsel vm10, v59, v3;
	vm9 =	vgt.f32 v18, v4;
	vm11 =	vgt.f32 v18, v0  }
0x2ce: {  	v26 =	vld [tilespmem:$0x1FF00];
	v38 =	vnsel vm15, $0x2F, v7;
	v7 =	vsel vm15, v40, v7;
	v8 =	vsel vm14, v41, v8  }
0x2cf: {  	v9 =	vsel vm14, v42, v9;
	vm12 =	vgt.f32 v16, v13;
	v40 =	vsel vm0, v11, v16  }
0x2d0: {  	v41 =	vnsel vm0, $0x31, v12;
	v11 =	vsel vm0, v16, v11;
	v12 =	vsel vm0, $0x31, v12  }
0x2d1: {  	vm10 =	vgt.f32 v18, v2;
	(erf) = vpow2.f32 v19;
	v35 =	vsel vm9, v4, v18  }
0x2d2: {  	v36 =	vnsel vm9, $0x2F, v5;
	v5 =	vsel vm9, v38, v5;
	v19 =	vsel vm13, v44, v20  }
0x2d3: {  	vm13 =	vgt.f32 v17, v10;
	vm14 =	vgt.f32 v17, v8;
	v27 =	vsub.f32 v26, v14  }
0x2d4: {  	v37 =	vpop (erf);
	v38 =	vsel vm12, v13, v16;
	v13 =	vsel vm12, v40, v13;
	v42 =	vsel vm12, v41, v24  }
0x2d5: {  	vm0 =	vgt.f32 v26, v11;
	v15 =	vadd.f32 v15, v37;
	v33 =	vsel vm10, v2, v18  }
0x2d6: {  	v34 =	vnsel vm10, $0x2F, v3;
	v2 =	vsel vm10, v35, v2;
	v37 =	vsel vm15, v6, v18  }
0x2d7: {  	v3 =	vsel vm10, v36, v3;
	v6 =	vsel vm15, v39, v6;
	v18 =	vmul.f32 $1.442695020e+00, v49  }
0x2d8: {  	v56 =	vsel vm14, v8, v17;
	v57 =	vnsel vm14, $0x30, v9;
	v58 =	vsel vm13, v10, v17  }
0x2d9: {  	v59 =	vnsel vm13, $0x30, v19;
	v10 =	vsel vm13, v60, v10;
	v39 =	vnsel vm12, $0x31, v24  }
0x2da: {  	vm12 =	vgt.f32 v26, v13;
	v0 =	vsel vm11, v33, v0;
	v1 =	vsel vm11, v34, v1  }
0x2db: {  	v4 =	vsel vm9, v37, v4;
	vm15 =	vgt.f32 v17, v6;
	vm10 =	vgt.f32 v17, v2  }
0x2dc: {  	v8 =	vsel vm14, v58, v8;
	v9 =	vsel vm14, v59, v9;
	v58 =	vsel vm0, v11, v26  }
0x2dd: {  	v62 =	vld [tilespmem:$0x1FF20];
	v59 =	vnsel vm0, $0x32, v12;
	v11 =	vsel vm0, v26, v11;
	v12 =	vsel vm0, $0x32, v12  }
0x2de: {  	vm9 =	vgt.f32 v17, v4;
	vm11 =	vgt.f32 v17, v0;
	v50 =	vsel vm10, v2, v17  }
0x2df: {  	(erf) = vpow2.f32 v18;
	v51 =	vnsel vm10, $0x30, v3;
	v55 =	vnsel vm15, $0x30, v7  }
0x2e0: {  	v7 =	vsel vm15, v57, v7;
	v18 =	vsel vm13, v61, v19;
	vm13 =	vgt.f32 v16, v10  }
0x2e1: {  	v54 =	vpop (erf);
	vm14 =	vgt.f32 v16, v8;
	v57 =	vnsel vm12, $0x32, v42;
	v60 =	vsel vm12, v59, v42  }
0x2e2: {  	v63 =	vsub.f32 v62, v14;
	v15 =	vadd.f32 v15, v54;
	v0 =	vsel vm11, v50, v0  }
0x2e3: {  	v1 =	vsel vm11, v51, v1;
	v52 =	vsel vm9, v4, v17;
	v53 =	vnsel vm9, $0x30, v5  }
0x2e4: {  	v54 =	vsel vm15, v6, v17;
	v5 =	vsel vm9, v55, v5;
	v6 =	vsel vm15, v56, v6  }
0x2e5: {  	v44 =	vld [tilespmem:$0x1FF10];
	v17 =	vmul.f32 $1.442695020e+00, v27;
	v34 =	vsel vm14, v8, v16;
	v35 =	vnsel vm14, $0x31, v9  }
0x2e6: {  	v36 =	vsel vm13, v10, v16;
	v37 =	vnsel vm13, $0x31, v18;
	v10 =	vsel vm13, v38, v10  }
0x2e7: {  	v56 =	vsel vm12, v13, v26;
	v13 =	vsel vm12, v58, v13;
	v2 =	vsel vm10, v52, v2  }
0x2e8: {  	v3 =	vsel vm10, v53, v3;
	v4 =	vsel vm9, v54, v4;
	vm15 =	vgt.f32 v16, v6  }
0x2e9: {  	vm11 =	vgt.f32 v16, v0;
	v8 =	vsel vm14, v36, v8;
	v9 =	vsel vm14, v37, v9  }
0x2ea: {  	v45 =	vsub.f32 v44, v14;
	vm0 =	vgt.f32 v44, v11;
	vm12 =	vgt.f32 v44, v13  }
0x2eb: {  	vm9 =	vgt.f32 v16, v4;
	vm10 =	vgt.f32 v16, v2;
	(erf) = vpow2.f32 v17  }
0x2ec: {  	v32 =	vsel vm15, v6, v16;
	v33 =	vnsel vm15, $0x31, v7;
	v6 =	vsel vm15, v34, v6  }
0x2ed: {  	v7 =	vsel vm15, v35, v7;
	v17 =	vsel vm13, v39, v18;
	vm13 =	vgt.f32 v26, v10  }
0x2ee: {  	vm14 =	vgt.f32 v26, v8;
	v18 =	vmul.f32 $1.442695020e+00, v63;
	v34 =	vnsel vm12, $0x33, v60  }
0x2ef: {  	v31 =	vpop (erf);
	v35 =	vsel vm0, v11, v44;
	v36 =	vnsel vm0, $0x33, v12;
	v11 =	vsel vm0, v44, v11  }
0x2f0: {  	v12 =	vsel vm0, $0x33, v12;
	v15 =	vadd.f32 v15, v31;
	v28 =	vsel vm10, v2, v16  }
0x2f1: {  	v29 =	vnsel vm10, $0x31, v3;
	v30 =	vsel vm9, v4, v16;
	v31 =	vnsel vm9, $0x31, v5  }
0x2f2: {  	v4 =	vsel vm9, v32, v4;
	v5 =	vsel vm9, v33, v5;
	vm15 =	vgt.f32 v26, v6  }
0x2f3: {  	v16 =	vmul.f32 $1.442695020e+00, v45;
	v52 =	vsel vm14, v8, v26;
	v53 =	vnsel vm14, $0x32, v9  }
0x2f4: {  	v54 =	vsel vm13, v10, v26;
	v55 =	vnsel vm13, $0x32, v17;
	v10 =	vsel vm13, v56, v10  }
0x2f5: {  	v33 =	vsel vm12, v13, v44;
	v13 =	vsel vm12, v35, v13;
	vm0 =	vgt.f32 v62, v11  }
0x2f6: {  	v0 =	vsel vm11, v28, v0;
	v1 =	vsel vm11, v29, v1;
	v2 =	vsel vm10, v30, v2  }
0x2f7: {  	v3 =	vsel vm10, v31, v3;
	vm9 =	vgt.f32 v26, v4;
	v50 =	vsel vm15, v6, v26  }
0x2f8: {  	v51 =	vnsel vm15, $0x32, v7;
	v6 =	vsel vm15, v52, v6;
	v7 =	vsel vm15, v53, v7  }
0x2f9: {  	v38 =	vld [tilespmem:$0x1FF30];
	v8 =	vsel vm14, v54, v8;
	v9 =	vsel vm14, v55, v9;
	v52 =	vsel vm0, v11, v62  }
0x2fa: {  	v53 =	vnsel vm0, $0x34, v12;
	v11 =	vsel vm0, v62, v11;
	v12 =	vsel vm0, $0x34, v12  }
0x2fb: {  	vm10 =	vgt.f32 v26, v2;
	vm11 =	vgt.f32 v26, v0;
	(erf) = vpow2.f32 v16  }
0x2fc: {  	v49 =	vnsel vm9, $0x32, v5;
	v5 =	vsel vm9, v51, v5;
	v16 =	vsel vm13, v57, v17  }
0x2fd: {  	vm13 =	vgt.f32 v44, v10;
	vm14 =	vgt.f32 v44, v8;
	vm15 =	vgt.f32 v44, v6  }
0x2fe: {  	v48 =	vpop (erf);
	v17 =	vsel vm12, v36, v60;
	v39 =	vsub.f32 v38, v14;
	vm12 =	vgt.f32 v62, v13  }
0x2ff: {  	vm0 =	vgt.f32 v38, v11;
	v15 =	vadd.f32 v15, v48;
	v46 =	vsel vm10, v2, v26  }
0x300: {  	v47 =	vnsel vm10, $0x32, v3;
	v48 =	vsel vm9, v4, v26;
	v3 =	vsel vm10, v49, v3  }
0x301: {  	v4 =	vsel vm9, v50, v4;
	(erf) = vpow2.f32 v18;
	v27 =	vsel vm15, v6, v44  }
0x302: {  	v28 =	vnsel vm15, $0x33, v7;
	v29 =	vsel vm14, v8, v44;
	v30 =	vnsel vm14, $0x33, v9  }
0x303: {  	v31 =	vsel vm13, v10, v44;
	v32 =	vnsel vm13, $0x33, v16;
	v10 =	vsel vm13, v33, v10  }
0x304: {  	v16 =	vsel vm13, v34, v16;
	v50 =	vsel vm12, v13, v62;
	v51 =	vnsel vm12, $0x34, v17  }
0x305: {  	v13 =	vsel vm12, v52, v13;
	v17 =	vsel vm12, v53, v17;
	v0 =	vsel vm11, v46, v0  }
0x306: {  	v1 =	vsel vm11, v47, v1;
	v2 =	vsel vm10, v48, v2;
	vm9 =	vgt.f32 v44, v4  }
0x307: {  	v6 =	vsel vm15, v29, v6;
	v7 =	vsel vm15, v30, v7;
	v8 =	vsel vm14, v31, v8  }
0x308: {  	v9 =	vsel vm14, v32, v9;
	vm13 =	vgt.f32 v62, v10;
	v18 =	vmul.f32 $1.442695020e+00, v39  }
0x309: {  	vm12 =	vgt.f32 v38, v13;
	v29 =	vnsel vm0, $0x35, v12;
	v12 =	vsel vm0, $0x35, v12  }
0x30a: {  	vm10 =	vgt.f32 v44, v2;
	vm11 =	vgt.f32 v44, v0;
	v26 =	vnsel vm9, $0x33, v5  }
0x30b: {  	v5 =	vsel vm9, v28, v5;
	vm14 =	vgt.f32 v62, v8;
	vm15 =	vgt.f32 v62, v6  }
0x30c: {  	v48 =	vsel vm13, v10, v62;
	v49 =	vnsel vm13, $0x34, v16;
	v10 =	vsel vm13, v50, v10  }
0x30d: {  	v55 =	vld [tilespmem:$0x1FF40];
	v25 =	vpop (erf);
	v16 =	vsel vm13, v51, v16;
	v28 =	vsel vm0, v11, v38;
	v11 =	vsel vm0, v38, v11  }
0x30e: {  	v15 =	vadd.f32 v15, v25;
	v23 =	vsel vm10, v2, v44;
	v24 =	vnsel vm10, $0x33, v3  }
0x30f: {  	v25 =	vsel vm9, v4, v44;
	v3 =	vsel vm10, v26, v3;
	v4 =	vsel vm9, v27, v4  }
0x310: {  	(erf) = vpow2.f32 v18;
	v44 =	vsel vm15, v6, v62;
	v45 =	vnsel vm15, $0x34, v7  }
0x311: {  	v46 =	vsel vm14, v8, v62;
	v47 =	vnsel vm14, $0x34, v9;
	v8 =	vsel vm14, v48, v8  }
0x312: {  	v9 =	vsel vm14, v49, v9;
	v56 =	vsub.f32 v55, v14;
	vm13 =	vgt.f32 v38, v10  }
0x313: {  	v26 =	vsel vm12, v13, v38;
	v27 =	vnsel vm12, $0x35, v17;
	v13 =	vsel vm12, v28, v13  }
0x314: {  	v17 =	vsel vm12, v29, v17;
	vm0 =	vgt.f32 v55, v11;
	v0 =	vsel vm11, v23, v0  }
0x315: {  	v1 =	vsel vm11, v24, v1;
	v2 =	vsel vm10, v25, v2;
	vm9 =	vgt.f32 v62, v4  }
0x316: {  	v6 =	vsel vm15, v46, v6;
	v7 =	vsel vm15, v47, v7;
	vm14 =	vgt.f32 v38, v8  }
0x317: {  	v24 =	vsel vm13, v10, v38;
	v25 =	vnsel vm13, $0x35, v16;
	v10 =	vsel vm13, v26, v10  }
0x318: {  	v16 =	vsel vm13, v27, v16;
	vm12 =	vgt.f32 v55, v13;
	v46 =	vnsel vm0, $0x36, v12  }
0x319: {  	v12 =	vsel vm0, $0x36, v12;
	vm10 =	vgt.f32 v62, v2;
	vm11 =	vgt.f32 v62, v0  }
0x31a: {  	v42 =	vsel vm9, v4, v62;
	v4 =	vsel vm9, v44, v4;
	vm15 =	vgt.f32 v38, v6  }
0x31b: {  	v31 =	vld [tilespmem:$0x1FF50];
	v18 =	vmul.f32 $1.442695020e+00, v56;
	v63 =	vsel vm14, v8, v38;
	v23 =	vnsel vm14, $0x35, v9  }
0x31c: {  	v43 =	vpop (erf);
	v8 =	vsel vm14, v24, v8;
	v9 =	vsel vm14, v25, v9;
	vm13 =	vgt.f32 v55, v10  }
0x31d: {  	v44 =	vnsel vm12, $0x36, v17;
	v17 =	vsel vm12, v46, v17;
	v15 =	vadd.f32 v15, v43  }
0x31e: {  	v40 =	vsel vm10, v2, v62;
	v41 =	vnsel vm10, $0x34, v3;
	v2 =	vsel vm10, v42, v2  }
0x31f: {  	v43 =	vnsel vm9, $0x34, v5;
	v5 =	vsel vm9, v45, v5;
	vm9 =	vgt.f32 v38, v4  }
0x320: {  	v62 =	vnsel vm15, $0x35, v7;
	v7 =	vsel vm15, v23, v7;
	v32 =	vsub.f32 v31, v14  }
0x321: {  	vm14 =	vgt.f32 v55, v8;
	v42 =	vnsel vm13, $0x36, v16;
	v16 =	vsel vm13, v44, v16  }
0x322: {  	v45 =	vsel vm0, v11, v55;
	v11 =	vsel vm0, v55, v11;
	v0 =	vsel vm11, v40, v0  }
0x323: {  	v1 =	vsel vm11, v41, v1;
	v3 =	vsel vm10, v43, v3;
	vm10 =	vgt.f32 v38, v2  }
0x324: {  	(erf) = vpow2.f32 v18;
	v59 =	vsel vm9, v4, v38;
	v60 =	vnsel vm9, $0x35, v5  }
0x325: {  	v48 =	vld [tilespmem:$0x1FF60];
	v5 =	vsel vm9, v62, v5;
	v39 =	vsel vm14, v8, v55;
	v40 =	vnsel vm14, $0x36, v9  }
0x326: {  	v41 =	vsel vm13, v10, v55;
	v43 =	vsel vm12, v13, v55;
	v9 =	vsel vm14, v42, v9  }
0x327: {  	v13 =	vsel vm12, v45, v13;
	vm0 =	vgt.f32 v31, v11;
	vm11 =	vgt.f32 v38, v0  }
0x328: {  	v57 =	vsel vm10, v2, v38;
	v58 =	vnsel vm10, $0x35, v3;
	v2 =	vsel vm10, v59, v2  }
0x329: {  	v3 =	vsel vm10, v60, v3;
	v18 =	vmul.f32 $1.442695020e+00, v32;
	v8 =	vsel vm14, v41, v8  }
0x32a: {  	v61 =	vpop (erf);
	v10 =	vsel vm13, v43, v10;
	v49 =	vsub.f32 v48, v14;
	vm12 =	vgt.f32 v31, v13  }
0x32b: {  	v62 =	vsel vm0, v11, v31;
	v11 =	vsel vm0, v31, v11;
	v15 =	vadd.f32 v15, v61  }
0x32c: {  	v0 =	vsel vm11, v57, v0;
	v1 =	vsel vm11, v58, v1;
	v61 =	vsel vm15, v6, v38  }
0x32d: {  	v6 =	vsel vm15, v63, v6;
	vm10 =	vgt.f32 v55, v2;
	vm13 =	vgt.f32 v31, v10  }
0x32e: {  	vm14 =	vgt.f32 v31, v8;
	v60 =	vsel vm12, v13, v31;
	v63 =	vnsel vm0, $0x37, v12  }
0x32f: {  	v24 =	vld [tilespmem:$0x1FF70];
	v13 =	vsel vm12, v62, v13;
	v12 =	vsel vm0, $0x37, v12;
	vm0 =	vgt.f32 v48, v11  }
0x330: {  	v4 =	vsel vm9, v61, v4;
	vm15 =	vgt.f32 v55, v6;
	vm11 =	vgt.f32 v55, v0  }
0x331: {  	v33 =	vsel vm10, v2, v55;
	(erf) = vpow2.f32 v18;
	v34 =	vnsel vm10, $0x36, v3  }
0x332: {  	v18 =	vmul.f32 $1.442695020e+00, v49;
	v56 =	vsel vm14, v8, v31;
	v57 =	vnsel vm14, $0x37, v9  }
0x333: {  	v58 =	vsel vm13, v10, v31;
	v59 =	vnsel vm13, $0x37, v16;
	v10 =	vsel vm13, v60, v10  }
0x334: {  	v37 =	vpop (erf);
	v61 =	vnsel vm12, $0x37, v17;
	v17 =	vsel vm12, v63, v17;
	v25 =	vsub.f32 v24, v14  }
0x335: {  	vm12 =	vgt.f32 v48, v13;
	v15 =	vadd.f32 v15, v37;
	vm9 =	vgt.f32 v55, v4  }
0x336: {  	v0 =	vsel vm11, v33, v0;
	v1 =	vsel vm11, v34, v1;
	v37 =	vsel vm15, v6, v55  }
0x337: {  	v38 =	vnsel vm15, $0x36, v7;
	v6 =	vsel vm15, v39, v6;
	v7 =	vsel vm15, v40, v7  }
0x338: {  	v8 =	vsel vm14, v58, v8;
	v9 =	vsel vm14, v59, v9;
	v16 =	vsel vm13, v61, v16  }
0x339: {  	vm13 =	vgt.f32 v48, v10;
	v39 =	vnsel vm0, $0x38, v12;
	v12 =	vsel vm0, $0x38, v12  }
0x33a: {  	v35 =	vsel vm9, v4, v55;
	v36 =	vnsel vm9, $0x36, v5;
	v4 =	vsel vm9, v37, v4  }
0x33b: {  	v5 =	vsel vm9, v38, v5;
	vm15 =	vgt.f32 v31, v6;
	vm11 =	vgt.f32 v31, v0  }
0x33c: {  	(erf) = vpow2.f32 v18;
	vm14 =	vgt.f32 v48, v8;
	v18 =	vmul.f32 $1.442695020e+00, v25  }
0x33d: {  	v54 =	vpop (erf);
	v34 =	vsel vm13, v10, v48;
	v37 =	vnsel vm12, $0x38, v17;
	v38 =	vsel vm0, v11, v48  }
0x33e: {  	v41 =	vld [tilespmem:$0x1FF80];
	v17 =	vsel vm12, v39, v17;
	v11 =	vsel vm0, v48, v11;
	v15 =	vadd.f32 v15, v54  }
0x33f: {  	v2 =	vsel vm10, v35, v2;
	v3 =	vsel vm10, v36, v3;
	vm9 =	vgt.f32 v31, v4  }
0x340: {  	v54 =	vsel vm15, v6, v31;
	v55 =	vnsel vm15, $0x37, v7;
	v6 =	vsel vm15, v56, v6  }
0x341: {  	v7 =	vsel vm15, v57, v7;
	v32 =	vsel vm14, v8, v48;
	v33 =	vnsel vm14, $0x38, v9  }
0x342: {  	v8 =	vsel vm14, v34, v8;
	v35 =	vnsel vm13, $0x38, v16;
	v36 =	vsel vm12, v13, v48  }
0x343: {  	v16 =	vsel vm13, v37, v16;
	v13 =	vsel vm12, v38, v13;
	v42 =	vsub.f32 v41, v14  }
0x344: {  	vm0 =	vgt.f32 v24, v11;
	vm10 =	vgt.f32 v31, v2;
	v52 =	vsel vm9, v4, v31  }
0x345: {  	v53 =	vnsel vm9, $0x37, v5;
	v4 =	vsel vm9, v54, v4;
	v5 =	vsel vm9, v55, v5  }
0x346: {  	vm15 =	vgt.f32 v48, v6;
	(erf) = vpow2.f32 v18;
	v9 =	vsel vm14, v35, v9  }
0x347: {  	v10 =	vsel vm13, v36, v10;
	vm12 =	vgt.f32 v24, v13;
	vm14 =	vgt.f32 v24, v8  }
0x348: {  	v55 =	vsel vm0, v11, v24;
	v56 =	vnsel vm0, $0x39, v12;
	v11 =	vsel vm0, v24, v11  }
0x349: {  	v12 =	vsel vm0, $0x39, v12;
	v50 =	vsel vm10, v2, v31;
	v51 =	vnsel vm10, $0x37, v3  }
0x34a: {  	v2 =	vsel vm10, v52, v2;
	v3 =	vsel vm10, v53, v3;
	vm9 =	vgt.f32 v48, v4  }
0x34b: {  	v31 =	vnsel vm15, $0x38, v7;
	v7 =	vsel vm15, v33, v7;
	vm13 =	vgt.f32 v24, v10  }
0x34c: {  	v18 =	vmul.f32 $1.442695020e+00, v42;
	v49 =	vsel vm14, v8, v24;
	v53 =	vsel vm12, v13, v24  }
0x34d: {  	v58 =	vld [tilespmem:$0x1FF90];
	v54 =	vnsel vm12, $0x39, v17;
	v13 =	vsel vm12, v55, v13;
	v17 =	vsel vm12, v56, v17  }
0x34e: {  	vm0 =	vgt.f32 v41, v11;
	v0 =	vsel vm11, v50, v0;
	v1 =	vsel vm11, v51, v1  }
0x34f: {  	vm10 =	vgt.f32 v48, v2;
	v28 =	vsel vm9, v4, v48;
	v29 =	vnsel vm9, $0x38, v5  }
0x350: {  	v5 =	vsel vm9, v31, v5;
	v50 =	vnsel vm14, $0x39, v9;
	v51 =	vsel vm13, v10, v24  }
0x351: {  	v52 =	vnsel vm13, $0x39, v16;
	v10 =	vsel vm13, v53, v10;
	v16 =	vsel vm13, v54, v16  }
0x352: {  	v30 =	vpop (erf);
	v59 =	vsub.f32 v58, v14;
	vm12 =	vgt.f32 v41, v13;
	v31 =	vsel vm0, v11, v41  }
0x353: {  	v11 =	vsel vm0, v41, v11;
	v15 =	vadd.f32 v15, v30;
	vm11 =	vgt.f32 v48, v0  }
0x354: {  	v26 =	vsel vm10, v2, v48;
	v27 =	vnsel vm10, $0x38, v3;
	v2 =	vsel vm10, v28, v2  }
0x355: {  	v30 =	vsel vm15, v6, v48;
	v3 =	vsel vm10, v29, v3;
	v6 =	vsel vm15, v32, v6  }
0x356: {  	(erf) = vpow2.f32 v18;
	v8 =	vsel vm14, v51, v8;
	v9 =	vsel vm14, v52, v9  }
0x357: {  	vm13 =	vgt.f32 v41, v10;
	v29 =	vsel vm12, v13, v41;
	v32 =	vnsel vm0, $0x3A, v12  }
0x358: {  	v34 =	vld [tilespmem:$0x1FFA0];
	v13 =	vsel vm12, v31, v13;
	v12 =	vsel vm0, $0x3A, v12;
	vm0 =	vgt.f32 v58, v11  }
0x359: {  	v0 =	vsel vm11, v26, v0;
	v1 =	vsel vm11, v27, v1;
	v4 =	vsel vm9, v30, v4  }
0x35a: {  	vm15 =	vgt.f32 v24, v6;
	vm10 =	vgt.f32 v24, v2;
	vm14 =	vgt.f32 v41, v8  }
0x35b: {  	v18 =	vmul.f32 $1.442695020e+00, v59;
	v27 =	vsel vm13, v10, v41;
	v28 =	vnsel vm13, $0x3A, v16  }
0x35c: {  	v10 =	vsel vm13, v29, v10;
	v30 =	vnsel vm12, $0x3A, v17;
	v17 =	vsel vm12, v32, v17  }
0x35d: {  	v35 =	vsub.f32 v34, v14;
	vm12 =	vgt.f32 v58, v13;
	vm9 =	vgt.f32 v24, v4  }
0x35e: {  	vm11 =	vgt.f32 v24, v0;
	v43 =	vsel vm10, v2, v24;
	v44 =	vnsel vm10, $0x39, v3  }
0x35f: {  	v48 =	vnsel vm15, $0x39, v7;
	v7 =	vsel vm15, v50, v7;
	v25 =	vsel vm14, v8, v41  }
0x360: {  	v47 =	vpop (erf);
	v26 =	vnsel vm14, $0x3A, v9;
	v8 =	vsel vm14, v27, v8;
	v9 =	vsel vm14, v28, v9  }
0x361: {  	v16 =	vsel vm13, v30, v16;
	vm13 =	vgt.f32 v58, v10;
	v15 =	vadd.f32 v15, v47  }
0x362: {  	v0 =	vsel vm11, v43, v0;
	v1 =	vsel vm11, v44, v1;
	v45 =	vsel vm9, v4, v24  }
0x363: {  	v46 =	vnsel vm9, $0x39, v5;
	v47 =	vsel vm15, v6, v24;
	v5 =	vsel vm9, v48, v5  }
0x364: {  	v6 =	vsel vm15, v49, v6;
	(erf) = vpow2.f32 v18;
	vm14 =	vgt.f32 v58, v8  }
0x365: {  	v18 =	vmul.f32 $1.442695020e+00, v35;
	v44 =	vsel vm13, v10, v58;
	v48 =	vsel vm0, v11, v58  }
0x366: {  	v49 =	vnsel vm0, $0x3B, v12;
	v11 =	vsel vm0, v58, v11;
	v12 =	vsel vm0, $0x3B, v12  }
0x367: {  	v2 =	vsel vm10, v45, v2;
	v3 =	vsel vm10, v46, v3;
	v4 =	vsel vm9, v47, v4  }
0x368: {  	vm15 =	vgt.f32 v41, v6;
	vm11 =	vgt.f32 v41, v0;
	v42 =	vsel vm14, v8, v58  }
0x369: {  	v43 =	vnsel vm14, $0x3B, v9;
	v8 =	vsel vm14, v44, v8;
	v45 =	vnsel vm13, $0x3B, v16  }
0x36a: {  	v51 =	vld [tilespmem:$0x1FFB0];
	v23 =	vpop (erf);
	v46 =	vsel vm12, v13, v58;
	v47 =	vnsel vm12, $0x3B, v17;
	v13 =	vsel vm12, v48, v13  }
0x36b: {  	v17 =	vsel vm12, v49, v17;
	vm0 =	vgt.f32 v34, v11;
	v15 =	vadd.f32 v15, v23  }
0x36c: {  	v31 =	vld [tilespmem:$0x1FFD0];
	vm9 =	vgt.f32 v41, v4;
	vm10 =	vgt.f32 v41, v2;
	v23 =	vsel vm15, v6, v41  }
0x36d: {  	v24 =	vnsel vm15, $0x3A, v7;
	v6 =	vsel vm15, v25, v6;
	v7 =	vsel vm15, v26, v7  }
0x36e: {  	(erf) = vpow2.f32 v18;
	v9 =	vsel vm14, v45, v9;
	v10 =	vsel vm13, v46, v10  }
0x36f: {  	v16 =	vsel vm13, v47, v16;
	vm12 =	vgt.f32 v34, v13;
	v52 =	vsub.f32 v51, v14  }
0x370: {  	vm14 =	vgt.f32 v34, v8;
	v25 =	vnsel vm0, $0x3C, v12;
	v12 =	vsel vm0, $0x3C, v12  }
0x371: {  	v32 =	vsub.f32 v31, v14;
	v46 =	vimm.s32 $0x0;
	v60 =	vsel vm10, v2, v41  }
0x372: {  	v61 =	vnsel vm10, $0x3A, v3;
	v62 =	vsel vm9, v4, v41;
	v63 =	vnsel vm9, $0x3A, v5  }
0x373: {  	v40 =	vpop (erf);
	v4 =	vsel vm9, v23, v4;
	v5 =	vsel vm9, v24, v5;
	vm15 =	vgt.f32 v58, v6  }
0x374: {  	vm13 =	vgt.f32 v34, v10;
	v28 =	vsel vm12, v25, v17;
	v15 =	vadd.f32 v15, v40  }
0x375: {  	v0 =	vsel vm11, v60, v0;
	v1 =	vsel vm11, v61, v1;
	v2 =	vsel vm10, v62, v2  }
0x376: {  	v3 =	vsel vm10, v63, v3;
	vm9 =	vgt.f32 v58, v4;
	v40 =	vsel vm15, v6, v58  }
0x377: {  	v41 =	vnsel vm15, $0x3B, v7;
	v6 =	vsel vm15, v42, v6;
	v7 =	vsel vm15, v43, v7  }
0x378: {  	v56 =	vmovc v34;
	v18 =	vmul.f32 $1.442695020e+00, v52;
	v62 =	vnsel vm12, $0x3C, v17;
	v63 =	vsel vm0, v11, v34  }
0x379: {  	v11 =	vsel vm0, v56, v11;
	vm10 =	vgt.f32 v58, v2;
	vm11 =	vgt.f32 v58, v0  }
0x37a: {  	v38 =	vsel vm9, v4, v58;
	v39 =	vnsel vm9, $0x3B, v5;
	v4 =	vsel vm9, v40, v4  }
0x37b: {  	v5 =	vsel vm9, v41, v5;
	vm15 =	vgt.f32 v34, v6;
	vm8 =	vgt.f32 v51, v11  }
0x37c: {  	v26 =	vld [tilespmem:$0x1FFC0];
	v36 =	vsel vm10, v2, v58;
	v37 =	vnsel vm10, $0x3B, v3;
	v2 =	vsel vm10, v38, v2  }
0x37d: {  	v3 =	vsel vm10, v39, v3;
	(erf) = vpow2.f32 v18;
	v59 =	vsel vm15, v6, v34  }
0x37e: {  	v57 =	vpop (erf);
	v61 =	vnsel vm15, $0x3C, v7;
	v38 =	vsel vm8, v51, v11;
	v11 =	vsel vm8, v11, v51  }
0x37f: {  	v42 =	vnsel vm8, $0x3D, v12;
	v15 =	vadd.f32 v15, v57;
	v0 =	vsel vm11, v36, v0  }
0x380: {  	v1 =	vsel vm11, v37, v1;
	vm9 =	vgt.f32 v34, v2;
	vm11 =	vgt.f32 v34, v4  }
0x381: {  	v27 =	vsub.f32 v26, v14;
	vm7 =	vgt.f32 v26, v38;
	vm10 =	vgt.f32 v34, v0  }
0x382: {  	v53 =	vsel vm9, v2, v34;
	v54 =	vnsel vm9, $0x3C, v3;
	v55 =	vsel vm11, v4, v34  }
0x383: {  	v58 =	vnsel vm11, $0x3C, v5;
	v60 =	vsel vm11, v59, v4;
	v4 =	vsel vm14, v8, v34  }
0x384: {  	v41 =	vsel vm7, v26, v38;
	v19 =	vsel vm10, v53, v0;
	v1 =	vsel vm10, v54, v1  }
0x385: {  	v57 =	vsel vm9, v55, v2;
	v2 =	vsel vm9, v58, v3;
	v0 =	vsel vm11, v61, v5  }
0x386: {  	v5 =	vnsel vm14, $0x3C, v9;
	v4 =	vsel vm15, v4, v6;
	v6 =	vsel vm13, v10, v34  }
0x387: {  	v33 =	vpop (erf);
	v30 =	vmul.f32 $1.442695020e+00, v27;
	vm4 =	vgt.f32 v51, v60;
	vm6 =	vgt.f32 v31, v41  }
0x388: {  	v15 =	vadd.f32 v15, v33;
	v5 =	vsel vm15, v5, v7;
	v6 =	vsel vm14, v6, v8  }
0x389: {  	v7 =	vnsel vm13, $0x3C, v16;
	v8 =	vsel vm12, v13, v34;
	vm3 =	vgt.f32 v51, v57  }
0x38a: {  	v33 =	vimm.s32 $0x0;
	vm1 =	vgt.f32 v51, v4;
	v35 =	vsel vm4, v60, v51  }
0x38b: {  	v44 =	vsel vm6, v31, v41;
	v7 =	vsel vm14, v7, v9;
	v8 =	vsel vm13, v8, v10  }
0x38c: {  	v9 =	vsel vm13, v62, v16;
	v10 =	vsel vm12, v63, v13;
	(erf) = vpow2.f32 v30  }
0x38d: {  	vm0 =	vgt.f32 v51, v6;
	vm14 =	vgt.f32 v51, v19;
	v34 =	vsel vm3, v57, v51  }
0x38e: {  	v50 =	vpop (erf);
	v16 =	vmul.f32 $1.442695020e+00, v32;
	v18 =	vsel vm3, v35, v57;
	v36 =	vsel vm1, v4, v51  }
0x38f: {  	v45 =	vsub.f32 v44, v14;
	v15 =	vadd.f32 v15, v50;
	vm12 =	vgt.f32 v51, v10  }
0x390: {  	vm13 =	vgt.f32 v51, v8;
	v17 =	vsel vm14, $0xFFFFFFFF, v33;
	v3 =	vsel vm4, v36, v60  }
0x391: {  	v37 =	vsel vm0, v6, v51;
	vm2 =	vgt.f32 v26, v18;
	v50 =	vsel vm7, v38, v26  }
0x392: {  	[tilespmem:$0x1FFE0] =	vst v17;
	v17 =	vsel vm14, v34, v19;
	(erf) = vpow2.f32 v16;
	v4 =	vsel vm1, v37, v4  }
0x393: {  	v39 =	vsel vm13, v8, v51;
	v40 =	vsel vm12, v10, v51;
	v10 =	vsel vm12, v11, v10  }
0x394: {  	vm5 =	vgt.f32 v26, v3;
	v47 =	vsel vm2, v18, v26;
	v16 =	vmul.f32 $1.442695020e+00, v45  }
0x395: {  	v11 =	vsel vm12, v42, v28;
	v13 =	vnsel vm12, $0x3D, v28;
	v51 =	vsel vm6, v41, v31  }
0x396: {  	v6 =	vsel vm0, v39, v6;
	v8 =	vsel vm13, v40, v8;
	vm15 =	vgt.f32 v26, v17  }
0x397: {  	v48 =	vsel vm5, v3, v26;
	v13 =	vsel vm13, v13, v9;
	v9 =	vnsel vm13, $0x3D, v9  }
0x398: {  	vm13 =	vgt.f32 v26, v10;
	v21 =	vsel vm15, $0xFFFFFFFF, v46;
	v17 =	vsel vm15, v47, v17  }
0x399: {  	(erf) = vpow2.f32 v16;
	vm11 =	vgt.f32 v26, v8;
	v16 =	vsel vm13, v50, v10  }
0x39a: {  	v29 =	vpop (erf);
	v10 =	vsel vm13, v10, v26;
	vm9 =	vgt.f32 v26, v6;
	v9 =	vsel vm0, v9, v7  }
0x39b: {  	v7 =	vnsel vm0, $0x3D, v7;
	vm15 =	vgt.f32 v26, v4;
	v15 =	vadd.f32 v15, v29  }
0x39c: {  	v10 =	vsel vm11, v10, v8;
	v8 =	vsel vm11, v8, v26;
	vm0 =	vgt.f32 v31, v16  }
0x39d: {  	v7 =	vsel vm1, v7, v5;
	v5 =	vnsel vm1, $0x3D, v5;
	v54 =	vsel vm15, v4, v26  }
0x39e: {  	v8 =	vsel vm9, v8, v6;
	vm12 =	vgt.f32 v31, v10;
	v19 =	vsel vm0, v51, v16  }
0x39f: {  	v16 =	vsel vm0, v16, v31;
	v3 =	vsel vm5, v54, v3;
	v6 =	vsel vm9, v6, v26;
	v43 =	vpop (erf)  }
0x3a0: {  	vm10 =	vgt.f32 v31, v8;
	v16 =	vsel vm12, v16, v10;
	v15 =	vadd.f32 v15, v43  }
0x3a1: {  	v10 =	vsel vm12, v10, v31;
	v19 =	vsub.f32 v19, v14;
	v4 =	vsel vm15, v6, v4;
	v49 =	vpop (erf)  }
0x3a2: {  	v10 =	vsel vm10, v10, v8;
	v52 =	vsub.f32 v16, v14;
	v15 =	vadd.f32 v15, v49  }
0x3a3: {  	v6 =	vsel vm8, $0x3D, v12;
	v53 =	vmul.f32 $1.442695020e+00, v19;
	v10 =	vsub.f32 v10, v14  }
0x3a4: {  	vm1 =	vgt.f32 v31, v4;
	(erf) = vrcp.f32 v15;
	v15 =	vmul.f32 $1.442695020e+00, v52  }
0x3a5: {  	v8 =	vsel vm10, v8, v31;
	v10 =	vmul.f32 $1.442695020e+00, v10;
	(erf) = vpow2.f32 v53  }
0x3a6: {  	v55 =	vnsel vm7, $0x3E, v6;
	v8 =	vsel vm1, v8, v4;
	(erf) = vpow2.f32 v15  }
0x3a7: {  	v4 =	vsel vm1, v4, v31;
	v8 =	vsub.f32 v8, v14;
	(erf) = vpow2.f32 v10  }
0x3a8: {  	v10 =	vsel vm13, v55, v11;
	v11 =	vnsel vm13, $0x3E, v11;
	vm13 =	vgt.f32 v31, v3  }
0x3a9: {  	v18 =	vsel vm2, v48, v18;
	v8 =	vmul.f32 $1.442695020e+00, v8;
	v4 =	vsel vm13, v4, v3  }
0x3aa: {  	vm8 =	vgt.f32 v31, v18;
	v4 =	vsub.f32 v4, v14  }
0x3ab: {  	vm14 =	vgt.f32 v31, v17;
	v56 =	vsel vm8, v18, v31;
	v6 =	vsel vm7, $0x3E, v6  }
0x3ac: {  	v12 =	vsel vm14, v56, v17;
	v3 =	vsel vm13, v3, v31;
	v4 =	vmul.f32 $1.442695020e+00, v4  }
0x3ad: {  	v12 =	vsub.f32 v12, v14;
	(erf) = vpow2.f32 v8;
	v8 =	vpop (erf);
	v3 =	vsel vm8, v3, v18  }
0x3ae: {  	v3 =	vsub.f32 v3, v14;
	v57 =	vpop (erf);
	(erf) = vpow2.f32 v4;
	v4 =	vsel vm6, $0x3F, v6  }
0x3af: {  	v8 =	vmul.f32 v57, v8;
	[tilespmem:s13+$0x8000] =	vst v4;
	v4 =	vmul.f32 $1.442695020e+00, v12  }
0x3b0: {  	v3 =	vmul.f32 $1.442695020e+00, v3;
	v6 =	vnsel vm6, $0x3F, v6  }
0x3b1: {  	v6 =	vsel vm0, v6, v10;
	v10 =	vnsel vm0, $0x3F, v10;
	[tilespmem:s13+$0x9000] =	vst v8;
	v8 =	vsel vm11, v11, v13  }
0x3b2: {  	v59 =	vsel vm4, v5, v0;
	(erf) = vpow2.f32 v3;
	v58 =	vpop (erf);
	v5 =	vsel vm12, v10, v8  }
0x3b3: {  	(erf) = vpow2.f32 v4;
	v4 =	vpop (erf)  }
0x3b4: {  	[tilespmem:s13+$0x8080] =	vst v6;
	v6 =	vnsel vm11, $0x3E, v13;
	v4 =	vmul.f32 v4, v57  }
0x3b5: {  	v3 =	vmul.f32 v57, v58;
	v6 =	vsel vm9, v6, v9;
	[tilespmem:s13+$0x8100] =	vst v5;
	v5 =	vpop (erf)  }
0x3b6: {  	v8 =	vnsel vm12, $0x3F, v8;
	[tilespmem:s13+$0x9100] =	vst v4;
	v4 =	vnsel vm9, $0x3E, v9;
	v5 =	vmul.f32 v5, v57  }
0x3b7: {  	[tilespmem:s13+$0x9080] =	vst v3;
	v8 =	vsel vm10, v8, v6;
	v6 =	vnsel vm10, $0x3F, v6;
	v4 =	vsel vm15, v4, v7  }
0x3b8: {  	[tilespmem:s15+$0x9000] =	vst v5;
	v5 =	vsel vm1, v6, v4;
	_ =	sdelay $0x1  }
0x3b9: {  	[tilespmem:s15+$0x8000] =	vst v8;
	v8 =	vpop (erf)  }
0x3ba: {  	[tilespmem:s13+$0x8200] =	vst v5;
	v5 =	vpop (erf)  }
0x3bb: {  	v6 =	vmul.f32 v8, v57;
	v8 =	vld [tilespmem:$0x1FFE0];
	v5 =	vmul.f32 v5, v57  }
0x3bc: {  	[tilespmem:$0x1FFF0] =	vst v21  }
0x3bd: {  	v0 =	vnsel vm4, $0x3D, v0;
	v7 =	vnsel vm15, $0x3E, v7;
	[tilespmem:s13+$0x9280] =	vst v5;
	v5 =	vld [tilespmem:$0x1FFF0]  }
0x3be: {  	v0 =	vsel vm3, v0, v2;
	v7 =	vsel vm5, v7, v59;
	v4 =	vnsel vm1, $0x3F, v4  }
0x3bf: {  	v2 =	vnsel vm3, $0x3D, v2;
	v3 =	vnsel vm5, $0x3E, v59;
	v4 =	vsel vm13, v4, v7  }
0x3c0: {  	p0 =	sne.s32 s12, $0x1F0;
	v3 =	vsel vm2, v3, v0;
	[tilespmem:s13+$0x8280] =	vst v4;
	v4 =	vnsel vm13, $0x3F, v7;
	v60 =	vpop (erf);
	vm12 =	vnez.u8 v8  }
.Ltmp0:
0x3c1: {  	[tilespmem:s13+$0x9200] =	vst v6;
	v4 =	vsel vm8, v4, v3;
	v62 =	vpop (erf);
	v1 =	vsel vm12, v2, v1;
	v2 =	vmul.f32 v60, v57;
	(pc) =	sbr.rel @p0 .LBB2_2-.Ltmp0, $4  }
0x3c2: {  	v0 =	vnsel vm2, $0x3E, v0;
	[tilespmem:s13+$0x8300] =	vst v4;
	v63 =	vmul.f32 v62, v57;
	vm15 =	vnez.u8 v5  }
0x3c3: {  	v61 =	vnsel vm8, $0x3F, v3;
	[tilespmem:s13+$0x9300] =	vst v2;
	v0 =	vsel vm15, v0, v1  }
0x3c4: {  	[tilespmem:s14+$0x9000] =	vst v63;
	v0 =	vsel vm14, v61, v0  }
0x3c5: {  	s11 =	sadd.s32 $0x80, s11;
	s12 =	sadd.s32 $0x10, s12;
	v6 =	vimm.s32 $0x0;
	[tilespmem:s14+$0x8000] =	vst v0  }
0x3c6: {  	[hbm4b:s4+s2] =	stream.linear.scatter [tilespmem:s8], [sflag:$0x1], $0x1000, $0x38;
	[tilespmem:$0xA000] =	vst v63  }
0x3c7: {  	s10 =	sadd.s32 $0x1, s10;
	_ =	swait.ge [sflag:s7], $0x1000  }
0x3c8: {  	p0 =	sne.s32 s10, s6;
	[sflag:s7] =	ssyncset.done $0x0  }
.Ltmp1:
0x3c9: {  	[sflag:s7] =	ssyncadd.s32 $0xFFFFF000;
	(pc) =	sbr.rel @p0 .LBB2_1-.Ltmp1, $4  }
0x3ca: {  	[hbm4b:s5+s2] =	stream.linear.scatter [tilespmem:s9], [sflag:$0x1], $0x1000, $0x38;
	[tilespmem:$0xA000] =	vst v63  }
0x3cb: {  	_ =	swait.ge [sflag:s7], $0x1000  }
0x3cc: {  	[sflag:s7] =	ssyncset.done $0x0  }
0x3cd: {  	[sflag:s7] =	ssyncadd.s32 $0xFFFFF000  }
0x3ce: {  	_ =	sfence.sel $0x180000  }
0x3cf: {  	[bflag:$0x0] =	sbarrier.arrive $0xFFFF  }
0x3d0: {  	p0 =	sne.s32 s1, $0x0;
	_ =	strace $0x90000047  }
0x3d1: {  	s0 =	sadd.s32 @!p0 $0x100000, s0;
	[bflag:$0x2] =	sbarrier.arrive $0xFFFF  }
0x3d2: {  	[sflag:s0] =	ssyncadd.tile.s32 @!p0 $0x1;
	_ =	shalt  }
.Lfunc_end2:
_tile_overlayer_lowered:
.L_overlay_start_2:
0x3d3: {  	(tag) =	ssettag $0x2  }
0x3d4: {  	s0 =	rddreg [dreg:$0x0];
	s2 =	stileid.u32  }
0x3d5: {  	s1 =	rddreg [dreg:$0x1];
	p0 =	sne.s32 s2, $0x0  }
0x3d6: {  	s3 =	rddreg [dreg:$0x2];
	[bflag:$0x3] =	sbarrier.arrive $0xFFFF;
	s2 =	simm.s32 @!p0 $0x1C01  }
0x3d7: {  	[timem:s3], [sflag:s2] =	dma.local @!p0 [hbm:s0], s1  }
0x3d8: {  	s0 =	simm.s32 @!p0 $0x1  }
0x3d9: {  	_ =	swait.ge @!p0 [sflag:s0], s1  }
0x3da: {  	s1 =	ssub.s32 @!p0 $0x0, s1;
	[sflag:s0] =	ssyncset.done @!p0 $0x0  }
0x3db: {  	[sflag:s0] =	ssyncadd.s32 @!p0 s1  }
0x3dc: {  	[bflag:$0x3] =	sbarrier.arrive $0xFFFF  }
0x3dd: {  	_ =	shalt  }

</sc_bundles>
